<compile_context>
chip_gen: v7x
topology: tpu7x:2x2x1
jax: 0.10.2.dev20260603
libtpu: 0.0.44.dev20260713+nightly
codegen_flags: <defaults>
</compile_context>

<pallas_src>
import functools
import math

import jax
import jax.numpy as jnp
from jax import lax
from jax.experimental import pallas as pl
from jax.experimental.pallas import tpu as pltpu
from jax.experimental.pallas import tpu_sc as plsc

D_MODEL = 768
SCALE = math.sqrt(float(D_MODEL))

_NG = 2
_NS = 2
_CHUNK = 32
_LCM = 2


@functools.cache
def _build(BATCH: int, SEQ: int, V: int, D: int):
    info = plsc.get_sparse_core_info()
    NC, NS_sub, L = info.num_cores, info.num_subcores, info.num_lanes
    NW = NC * NS_sub
    B = BATCH * SEQ
    assert B % NW == 0 and SEQ % (B // NW) == 0
    b_per_w = B // NW
    w_per_s = SEQ // b_per_w
    C = _CHUNK
    assert b_per_w % C == 0 and D % L == 0
    n_chunks = b_per_w // C
    n_slices = D // L

    mesh = plsc.VectorSubcoreMesh(core_axis_name="c", subcore_axis_name="s")

    @functools.partial(
        pl.kernel,
        mesh=mesh,
        out_type=jax.ShapeDtypeStruct((BATCH, SEQ, D), jnp.float32),
        scratch_types=[
            pltpu.VMEM((b_per_w,), jnp.int32),
            [pltpu.VMEM((C, D), jnp.float32) for _ in range(_NG)],
            [pltpu.VMEM((C, D), jnp.float32) for _ in range(_NS)],
            [pltpu.SemaphoreType.DMA for _ in range(_NG)],
            [pltpu.SemaphoreType.DMA for _ in range(_NS)],
        ],
    )
    def emb_kernel(x_hbm, table_hbm, out_hbm, idx_v, ibufs, obufs, gsems, ssems):
        wid = lax.axis_index("s") * NC + lax.axis_index("c")
        bi = wid // w_per_s
        r0 = (wid % w_per_s) * b_per_w

        pltpu.sync_copy(x_hbm.at[bi, pl.ds(r0, b_per_w)], idx_v)

        def gather(g, bg):
            return pltpu.make_async_copy(
                table_hbm.at[idx_v.at[pl.ds(g * C, C)]], ibufs[bg], gsems[bg]
            )

        def scatter(g, bo):
            return pltpu.make_async_copy(
                obufs[bo], out_hbm.at[bi, pl.ds(r0 + g * C, C)], ssems[bo]
            )

        def scale_chunk(bg, bo):
            def row(r, carry):
                for j in range(n_slices):
                    sl = (r, pl.ds(j * L, L))
                    obufs[bo][sl] = ibufs[bg][sl] * SCALE
                return carry

            lax.fori_loop(0, C, row, 0, unroll=False)

        def process(g, bg, bo, wait_s, next_g):
            gather(g, bg).wait()
            if wait_s:
                scatter(g - _NS, bo).wait()
            scale_chunk(bg, bo)
            scatter(g, bo).start()
            if next_g:
                gather(g + _NG, bg).start()

        for g in range(_NG):
            gather(g, g % _NG).start()

        for g in range(_NG):
            process(g, g % _NG, g % _NS, wait_s=(g >= _NS), next_g=True)

        n_steady = (n_chunks - _NG - (_LCM - 1)) // _LCM
        steady_end = _NG + n_steady * _LCM

        def outer(k, carry):
            g0 = _NG + k * _LCM
            for j in range(_LCM):
                g = g0 + j
                process(g, (_NG + j) % _NG, (_NG + j) % _NS, wait_s=True,
                        next_g=True)
            return carry

        lax.fori_loop(0, n_steady, outer, 0, unroll=False)

        for g in range(steady_end, n_chunks):
            process(g, g % _NG, g % _NS, wait_s=True,
                    next_g=(g + _NG < n_chunks))

        for g in range(n_chunks - _NS, n_chunks):
            scatter(g, g % _NS).wait()

    return emb_kernel


def kernel(x, table):
    BATCH, SEQ = x.shape
    V, D = table.shape
    return _build(BATCH, SEQ, V, D)(x.astype(jnp.int32), table)

# --- scband reference (transcript-rebuilt; emitter-appended) ---
"""Pipeline reference for scband-input-embedding-8632884264960 (READ-ONLY COPY).

The authoritative reference and input builder live on the scoring server;
editing this copy changes nothing except your own understanding.
"""

import jax, jax.numpy as jnp
import numpy as np
import math

D_MODEL = 768
VOCAB = 100000

def setup_inputs(seed: int = 0) -> dict:
    key = jax.random.key(seed)
    k1, k2 = jax.random.split(key)
    x = jax.random.randint(k1, (4, 8192), 0, VOCAB, dtype=jnp.int64)
    table = jax.random.normal(k2, (VOCAB, D_MODEL), dtype=jnp.float32)
    return {"x": x, "table": table}

def reference(x, table):
    # embedding lookup (gather) followed by sqrt(d_model) scale
    emb = jnp.take(table, x, axis=0)
    return emb * math.sqrt(D_MODEL)

if __name__ == "__main__":
    import jax
    _d = setup_inputs()
    print(jax.jit(kernel)(*tuple(_d.values())))

</pallas_src>

<mosaic_0001>
#map = affine_map<(d0, d1) -> (0, 0)>
#map1 = affine_map<(d0, d1) -> (0, 0, 0)>
module attributes {stable_mosaic.version = 14 : i64} {
  func.func @emb_kernel(%arg0: i32, %arg1: i32, %arg2: memref<4x8192xi32, #tpu.memory_space<hbm>>, %arg3: memref<100000x768xf32, #tpu.memory_space<hbm>>, %arg4: memref<4x8192x768xf32, #tpu.memory_space<hbm>>, %arg5: memref<1024xi32, #tpu.memory_space<vmem>>, %arg6: memref<32x768xf32, #tpu.memory_space<vmem>>, %arg7: memref<32x768xf32, #tpu.memory_space<vmem>>, %arg8: memref<32x768xf32, #tpu.memory_space<vmem>>, %arg9: memref<32x768xf32, #tpu.memory_space<vmem>>, %arg10: memref<!tpu.dma_semaphore, #tpu.memory_space<semaphore_mem>>, %arg11: memref<!tpu.dma_semaphore, #tpu.memory_space<semaphore_mem>>, %arg12: memref<!tpu.dma_semaphore, #tpu.memory_space<semaphore_mem>>, %arg13: memref<!tpu.dma_semaphore, #tpu.memory_space<semaphore_mem>>) attributes {dimension_semantics = [#tpu.dimension_semantics<core_parallel>, #tpu.dimension_semantics<subcore_parallel>], iteration_bounds = array<i64: 2, 16>, scalar_prefetch = 0 : i64, scratch_operands = 9 : i64, tpu.core_type = #tpu.core_type<sc_vector_subcore>, window_params = [{transform_indices = #map}, {transform_indices = #map}, {transform_indices = #map1}]} {
    %mul3A = arith.constant 2 : i32
    %mul3A_0 = arith.muli %arg1, %mul3A : i32
    %add3A = arith.addi %mul3A_0, %arg0 : i32
    %jit3A = arith.constant 8 : i32
    %div3A = arith.divsi %add3A, %jit3A : i32
    %sign3A = arith.constant 0 : i32
    %sign3A_1 = arith.cmpi sgt, %add3A, %sign3A : i32
    %sign3A_2 = arith.extui %sign3A_1 : i1 to i32
    %sign3A_3 = arith.constant 0 : i32
    %sign3A_4 = arith.cmpi slt, %add3A, %sign3A_3 : i32
    %sign3A_5 = arith.extui %sign3A_4 : i1 to i32
    %sign3A_6 = arith.subi %sign3A_2, %sign3A_5 : i32
    %sign3A_7 = arith.constant 0 : i32
    %sign3A_8 = arith.cmpi sgt, %jit3A, %sign3A_7 : i32
    %sign3A_9 = arith.extui %sign3A_8 : i1 to i32
    %sign3A_10 = arith.constant 0 : i32
    %sign3A_11 = arith.cmpi slt, %jit3A, %sign3A_10 : i32
    %sign3A_12 = arith.extui %sign3A_11 : i1 to i32
    %sign3A_13 = arith.subi %sign3A_9, %sign3A_12 : i32
    %ne3A = arith.cmpi ne, %sign3A_6, %sign3A_13 : i32
    %rem3A = arith.remsi %add3A, %jit3A : i32
    %ne3A_14 = arith.constant 0 : i32
    %ne3A_15 = arith.cmpi ne, %rem3A, %ne3A_14 : i32
    %and3A = arith.andi %ne3A, %ne3A_15 : i1
    %sub3A = arith.constant 1 : i32
    %sub3A_16 = arith.subi %div3A, %sub3A : i32
    %select_n3A = arith.select %and3A, %sub3A_16, %div3A : i32
    %jit3A_17 = arith.constant 8 : i32
    %eq3A = arith.constant 0 : i32
    %eq3A_18 = arith.cmpi eq, %jit3A_17, %eq3A : i32
    %jit3A_19 = arith.constant 1 : i32
    %select_n3A_20 = arith.select %eq3A_18, %jit3A_19, %jit3A_17 : i32
    %rem3A_21 = arith.remsi %add3A, %select_n3A_20 : i32
    %ne3A_22 = arith.constant 0 : i32
    %ne3A_23 = arith.cmpi ne, %rem3A_21, %ne3A_22 : i32
    %lt3A = arith.constant 0 : i32
    %lt3A_24 = arith.cmpi slt, %rem3A_21, %lt3A : i32
    %lt3A_25 = arith.constant 0 : i32
    %lt3A_26 = arith.cmpi slt, %select_n3A_20, %lt3A_25 : i32
    %ne3A_27 = arith.xori %lt3A_24, %lt3A_26 : i1
    %and3A_28 = arith.andi %ne3A_27, %ne3A_23 : i1
    %add3A_29 = arith.addi %rem3A_21, %select_n3A_20 : i32
    %select_n3A_30 = arith.select %and3A_28, %add3A_29, %rem3A_21 : i32
    %mul3A_31 = arith.constant 1024 : i32
    %mul3A_32 = arith.muli %select_n3A_30, %mul3A_31 : i32
    "tpu.region"() ({
      %run_scoped3A = tpu.sem_alloc : memref<!tpu.dma_semaphore, #tpu.memory_space<semaphore_mem>>
      %dma_start3A_164 = tpu.memref_slice %arg2[%select_n3A, %mul3A_32] : memref<4x8192xi32, #tpu.memory_space<hbm>> -> memref<1x1024xi32, #tpu.memory_space<hbm>>
      %dma_start3A_165 = tpu.memref_squeeze %dma_start3A_164 : memref<1x1024xi32, #tpu.memory_space<hbm>> -> memref<1024xi32, #tpu.memory_space<hbm>>
      %dma_start3A_166 = tpu.memref_slice %arg2[%select_n3A, %mul3A_32] : memref<4x8192xi32, #tpu.memory_space<hbm>> -> memref<1x1024xi32, #tpu.memory_space<hbm>>
      %dma_start3A_167 = tpu.memref_squeeze %dma_start3A_166 : memref<1x1024xi32, #tpu.memory_space<hbm>> -> memref<1024xi32, #tpu.memory_space<hbm>>
      tpu.enqueue_dma source(%dma_start3A_167 : memref<1024xi32, #tpu.memory_space<hbm>>) target(%arg5 : memref<1024xi32, #tpu.memory_space<vmem>>) target_semaphore(%run_scoped3A : memref<!tpu.dma_semaphore, #tpu.memory_space<semaphore_mem>>)
      %dma_wait3A_168 = tpu.memref_slice %arg2[%select_n3A, %mul3A_32] : memref<4x8192xi32, #tpu.memory_space<hbm>> -> memref<1x1024xi32, #tpu.memory_space<hbm>>
      %dma_wait3A_169 = tpu.memref_squeeze %dma_wait3A_168 : memref<1x1024xi32, #tpu.memory_space<hbm>> -> memref<1024xi32, #tpu.memory_space<hbm>>
      %dma_wait3A_170 = tpu.memref_slice %arg2[%select_n3A, %mul3A_32] : memref<4x8192xi32, #tpu.memory_space<hbm>> -> memref<1x1024xi32, #tpu.memory_space<hbm>>
      %dma_wait3A_171 = tpu.memref_squeeze %dma_wait3A_170 : memref<1x1024xi32, #tpu.memory_space<hbm>> -> memref<1024xi32, #tpu.memory_space<hbm>>
      tpu.wait_dma2 semaphore(%run_scoped3A : memref<!tpu.dma_semaphore, #tpu.memory_space<semaphore_mem>>) src(%dma_wait3A_171 : memref<1024xi32, #tpu.memory_space<hbm>>) dst(%arg5 : memref<1024xi32, #tpu.memory_space<vmem>>)
      tpu.yield
    }) : () -> ()
    %dma_start3A = arith.constant 0 : i32
    %dma_start3A_33 = tpu.memref_slice %arg5[%dma_start3A] : memref<1024xi32, #tpu.memory_space<vmem>> -> memref<32xi32, #tpu.memory_space<vmem>>
    %dma_start3A_34 = arith.constant 0 : i32
    %dma_start3A_35 = arith.constant 0 : i32
    %dma_start3A_36 = tpu.memref_slice %arg3[%dma_start3A_34, %dma_start3A_35] : memref<100000x768xf32, #tpu.memory_space<hbm>> -> memref<100000x768xf32, #tpu.memory_space<hbm>>
    tpu.enqueue_indirect_dma source(%dma_start3A_36 : memref<100000x768xf32, #tpu.memory_space<hbm>>) target(%arg6 : memref<32x768xf32, #tpu.memory_space<vmem>>) offsets(%dma_start3A_33 : memref<32xi32, #tpu.memory_space<vmem>>) semaphore(%arg10 : memref<!tpu.dma_semaphore, #tpu.memory_space<semaphore_mem>>)
    %dma_start3A_37 = arith.constant 32 : i32
    %dma_start3A_38 = tpu.memref_slice %arg5[%dma_start3A_37] : memref<1024xi32, #tpu.memory_space<vmem>> -> memref<32xi32, #tpu.memory_space<vmem>>
    %dma_start3A_39 = arith.constant 0 : i32
    %dma_start3A_40 = arith.constant 0 : i32
    %dma_start3A_41 = tpu.memref_slice %arg3[%dma_start3A_39, %dma_start3A_40] : memref<100000x768xf32, #tpu.memory_space<hbm>> -> memref<100000x768xf32, #tpu.memory_space<hbm>>
    tpu.enqueue_indirect_dma source(%dma_start3A_41 : memref<100000x768xf32, #tpu.memory_space<hbm>>) target(%arg7 : memref<32x768xf32, #tpu.memory_space<vmem>>) offsets(%dma_start3A_38 : memref<32xi32, #tpu.memory_space<vmem>>) semaphore(%arg11 : memref<!tpu.dma_semaphore, #tpu.memory_space<semaphore_mem>>)
    %dma_wait3A = arith.constant 0 : i32
    %dma_wait3A_42 = tpu.memref_slice %arg5[%dma_wait3A] : memref<1024xi32, #tpu.memory_space<vmem>> -> memref<32xi32, #tpu.memory_space<vmem>>
    %dma_wait3A_43 = arith.constant 0 : i32
    %dma_wait3A_44 = arith.constant 0 : i32
    %dma_wait3A_45 = tpu.memref_slice %arg3[%dma_wait3A_43, %dma_wait3A_44] : memref<100000x768xf32, #tpu.memory_space<hbm>> -> memref<100000x768xf32, #tpu.memory_space<hbm>>
    tpu.wait_indirect_dma semaphore(%arg10 : memref<!tpu.dma_semaphore, #tpu.memory_space<semaphore_mem>>) src(%dma_wait3A_45 : memref<100000x768xf32, #tpu.memory_space<hbm>>) dst(%arg6 : memref<32x768xf32, #tpu.memory_space<vmem>>)
    %scan3A = arith.constant 0 : i32
    %scan3A_46 = arith.constant 0 : i32
    %scan3A_47 = arith.constant 32 : i32
    %scan3A_48 = arith.addi %scan3A_46, %scan3A_47 : i32
    %scan3A_49 = arith.constant 1 : i32
    scf.for %scan3A_164 = %scan3A_46 to %scan3A_48 step %scan3A_49  : i32 {
      %get3A = arith.index_cast %scan3A_164 : i32 to index
      %get3A_165 = arith.constant 0 : index
      %get3A_166 = tpu.vector_load %arg6[%get3A, %get3A_165] {strides = array<i32>} : memref<32x768xf32, #tpu.memory_space<vmem>>, vector<1x16xf32>,
      %get3A_167 = vector.shape_cast %get3A_166 : vector<1x16xf32> to vector<16xf32>
      %mul3A_168 = arith.constant 27.7128124 : f32
      %mul3A_169 = vector.broadcast %mul3A_168 : f32 to vector<16xf32>
      %mul3A_170 = arith.mulf %get3A_167, %mul3A_169 : vector<16xf32>
      %swap3A = arith.index_cast %scan3A_164 : i32 to index
      %swap3A_171 = arith.constant 0 : index
      %swap3A_172 = tpu.vector_load %arg8[%swap3A, %swap3A_171] {strides = array<i32>} : memref<32x768xf32, #tpu.memory_space<vmem>>, vector<1x16xf32>,
      %swap3A_173 = vector.shape_cast %swap3A_172 : vector<1x16xf32> to vector<16xf32>
      %swap3A_174 = vector.shape_cast %mul3A_170 : vector<16xf32> to vector<1x16xf32>
      tpu.vector_store %arg8[%swap3A, %swap3A_171], %swap3A_174 {strides = array<i32>} : memref<32x768xf32, #tpu.memory_space<vmem>>, vector<1x16xf32>,
      %get3A_175 = arith.index_cast %scan3A_164 : i32 to index
      %get3A_176 = arith.constant 16 : index
      %get3A_177 = tpu.vector_load %arg6[%get3A_175, %get3A_176] {strides = array<i32>} : memref<32x768xf32, #tpu.memory_space<vmem>>, vector<1x16xf32>,
      %get3A_178 = vector.shape_cast %get3A_177 : vector<1x16xf32> to vector<16xf32>
      %mul3A_179 = arith.constant 27.7128124 : f32
      %mul3A_180 = vector.broadcast %mul3A_179 : f32 to vector<16xf32>
      %mul3A_181 = arith.mulf %get3A_178, %mul3A_180 : vector<16xf32>
      %swap3A_182 = arith.index_cast %scan3A_164 : i32 to index
      %swap3A_183 = arith.constant 16 : index
      %swap3A_184 = tpu.vector_load %arg8[%swap3A_182, %swap3A_183] {strides = array<i32>} : memref<32x768xf32, #tpu.memory_space<vmem>>, vector<1x16xf32>,
      %swap3A_185 = vector.shape_cast %swap3A_184 : vector<1x16xf32> to vector<16xf32>
      %swap3A_186 = vector.shape_cast %mul3A_181 : vector<16xf32> to vector<1x16xf32>
      tpu.vector_store %arg8[%swap3A_182, %swap3A_183], %swap3A_186 {strides = array<i32>} : memref<32x768xf32, #tpu.memory_space<vmem>>, vector<1x16xf32>,
      %get3A_187 = arith.index_cast %scan3A_164 : i32 to index
      %get3A_188 = arith.constant 32 : index
      %get3A_189 = tpu.vector_load %arg6[%get3A_187, %get3A_188] {strides = array<i32>} : memref<32x768xf32, #tpu.memory_space<vmem>>, vector<1x16xf32>,
      %get3A_190 = vector.shape_cast %get3A_189 : vector<1x16xf32> to vector<16xf32>
      %mul3A_191 = arith.constant 27.7128124 : f32
      %mul3A_192 = vector.broadcast %mul3A_191 : f32 to vector<16xf32>
      %mul3A_193 = arith.mulf %get3A_190, %mul3A_192 : vector<16xf32>
      %swap3A_194 = arith.index_cast %scan3A_164 : i32 to index
      %swap3A_195 = arith.constant 32 : index
      %swap3A_196 = tpu.vector_load %arg8[%swap3A_194, %swap3A_195] {strides = array<i32>} : memref<32x768xf32, #tpu.memory_space<vmem>>, vector<1x16xf32>,
      %swap3A_197 = vector.shape_cast %swap3A_196 : vector<1x16xf32> to vector<16xf32>
      %swap3A_198 = vector.shape_cast %mul3A_193 : vector<16xf32> to vector<1x16xf32>
      tpu.vector_store %arg8[%swap3A_194, %swap3A_195], %swap3A_198 {strides = array<i32>} : memref<32x768xf32, #tpu.memory_space<vmem>>, vector<1x16xf32>,
      %get3A_199 = arith.index_cast %scan3A_164 : i32 to index
      %get3A_200 = arith.constant 48 : index
      %get3A_201 = tpu.vector_load %arg6[%get3A_199, %get3A_200] {strides = array<i32>} : memref<32x768xf32, #tpu.memory_space<vmem>>, vector<1x16xf32>,
      %get3A_202 = vector.shape_cast %get3A_201 : vector<1x16xf32> to vector<16xf32>
      %mul3A_203 = arith.constant 27.7128124 : f32
      %mul3A_204 = vector.broadcast %mul3A_203 : f32 to vector<16xf32>
      %mul3A_205 = arith.mulf %get3A_202, %mul3A_204 : vector<16xf32>
      %swap3A_206 = arith.index_cast %scan3A_164 : i32 to index
      %swap3A_207 = arith.constant 48 : index
      %swap3A_208 = tpu.vector_load %arg8[%swap3A_206, %swap3A_207] {strides = array<i32>} : memref<32x768xf32, #tpu.memory_space<vmem>>, vector<1x16xf32>,
      %swap3A_209 = vector.shape_cast %swap3A_208 : vector<1x16xf32> to vector<16xf32>
      %swap3A_210 = vector.shape_cast %mul3A_205 : vector<16xf32> to vector<1x16xf32>
      tpu.vector_store %arg8[%swap3A_206, %swap3A_207], %swap3A_210 {strides = array<i32>} : memref<32x768xf32, #tpu.memory_space<vmem>>, vector<1x16xf32>,
      %get3A_211 = arith.index_cast %scan3A_164 : i32 to index
      %get3A_212 = arith.constant 64 : index
      %get3A_213 = tpu.vector_load %arg6[%get3A_211, %get3A_212] {strides = array<i32>} : memref<32x768xf32, #tpu.memory_space<vmem>>, vector<1x16xf32>,
      %get3A_214 = vector.shape_cast %get3A_213 : vector<1x16xf32> to vector<16xf32>
      %mul3A_215 = arith.constant 27.7128124 : f32
      %mul3A_216 = vector.broadcast %mul3A_215 : f32 to vector<16xf32>
      %mul3A_217 = arith.mulf %get3A_214, %mul3A_216 : vector<16xf32>
      %swap3A_218 = arith.index_cast %scan3A_164 : i32 to index
      %swap3A_219 = arith.constant 64 : index
      %swap3A_220 = tpu.vector_load %arg8[%swap3A_218, %swap3A_219] {strides = array<i32>} : memref<32x768xf32, #tpu.memory_space<vmem>>, vector<1x16xf32>,
      %swap3A_221 = vector.shape_cast %swap3A_220 : vector<1x16xf32> to vector<16xf32>
      %swap3A_222 = vector.shape_cast %mul3A_217 : vector<16xf32> to vector<1x16xf32>
      tpu.vector_store %arg8[%swap3A_218, %swap3A_219], %swap3A_222 {strides = array<i32>} : memref<32x768xf32, #tpu.memory_space<vmem>>, vector<1x16xf32>,
      %get3A_223 = arith.index_cast %scan3A_164 : i32 to index
      %get3A_224 = arith.constant 80 : index
      %get3A_225 = tpu.vector_load %arg6[%get3A_223, %get3A_224] {strides = array<i32>} : memref<32x768xf32, #tpu.memory_space<vmem>>, vector<1x16xf32>,
      %get3A_226 = vector.shape_cast %get3A_225 : vector<1x16xf32> to vector<16xf32>
      %mul3A_227 = arith.constant 27.7128124 : f32
      %mul3A_228 = vector.broadcast %mul3A_227 : f32 to vector<16xf32>
      %mul3A_229 = arith.mulf %get3A_226, %mul3A_228 : vector<16xf32>
      %swap3A_230 = arith.index_cast %scan3A_164 : i32 to index
      %swap3A_231 = arith.constant 80 : index
      %swap3A_232 = tpu.vector_load %arg8[%swap3A_230, %swap3A_231] {strides = array<i32>} : memref<32x768xf32, #tpu.memory_space<vmem>>, vector<1x16xf32>,
      %swap3A_233 = vector.shape_cast %swap3A_232 : vector<1x16xf32> to vector<16xf32>
      %swap3A_234 = vector.shape_cast %mul3A_229 : vector<16xf32> to vector<1x16xf32>
      tpu.vector_store %arg8[%swap3A_230, %swap3A_231], %swap3A_234 {strides = array<i32>} : memref<32x768xf32, #tpu.memory_space<vmem>>, vector<1x16xf32>,
      %get3A_235 = arith.index_cast %scan3A_164 : i32 to index
      %get3A_236 = arith.constant 96 : index
      %get3A_237 = tpu.vector_load %arg6[%get3A_235, %get3A_236] {strides = array<i32>} : memref<32x768xf32, #tpu.memory_space<vmem>>, vector<1x16xf32>,
      %get3A_238 = vector.shape_cast %get3A_237 : vector<1x16xf32> to vector<16xf32>
      %mul3A_239 = arith.constant 27.7128124 : f32
      %mul3A_240 = vector.broadcast %mul3A_239 : f32 to vector<16xf32>
      %mul3A_241 = arith.mulf %get3A_238, %mul3A_240 : vector<16xf32>
      %swap3A_242 = arith.index_cast %scan3A_164 : i32 to index
      %swap3A_243 = arith.constant 96 : index
      %swap3A_244 = tpu.vector_load %arg8[%swap3A_242, %swap3A_243] {strides = array<i32>} : memref<32x768xf32, #tpu.memory_space<vmem>>, vector<1x16xf32>,
      %swap3A_245 = vector.shape_cast %swap3A_244 : vector<1x16xf32> to vector<16xf32>
      %swap3A_246 = vector.shape_cast %mul3A_241 : vector<16xf32> to vector<1x16xf32>
      tpu.vector_store %arg8[%swap3A_242, %swap3A_243], %swap3A_246 {strides = array<i32>} : memref<32x768xf32, #tpu.memory_space<vmem>>, vector<1x16xf32>,
      %get3A_247 = arith.index_cast %scan3A_164 : i32 to index
      %get3A_248 = arith.constant 112 : index
      %get3A_249 = tpu.vector_load %arg6[%get3A_247, %get3A_248] {strides = array<i32>} : memref<32x768xf32, #tpu.memory_space<vmem>>, vector<1x16xf32>,
      %get3A_250 = vector.shape_cast %get3A_249 : vector<1x16xf32> to vector<16xf32>
      %mul3A_251 = arith.constant 27.7128124 : f32
      %mul3A_252 = vector.broadcast %mul3A_251 : f32 to vector<16xf32>
      %mul3A_253 = arith.mulf %get3A_250, %mul3A_252 : vector<16xf32>
      %swap3A_254 = arith.index_cast %scan3A_164 : i32 to index
      %swap3A_255 = arith.constant 112 : index
      %swap3A_256 = tpu.vector_load %arg8[%swap3A_254, %swap3A_255] {strides = array<i32>} : memref<32x768xf32, #tpu.memory_space<vmem>>, vector<1x16xf32>,
      %swap3A_257 = vector.shape_cast %swap3A_256 : vector<1x16xf32> to vector<16xf32>
      %swap3A_258 = vector.shape_cast %mul3A_253 : vector<16xf32> to vector<1x16xf32>
      tpu.vector_store %arg8[%swap3A_254, %swap3A_255], %swap3A_258 {strides = array<i32>} : memref<32x768xf32, #tpu.memory_space<vmem>>, vector<1x16xf32>,
      %get3A_259 = arith.index_cast %scan3A_164 : i32 to index
      %get3A_260 = arith.constant 128 : index
      %get3A_261 = tpu.vector_load %arg6[%get3A_259, %get3A_260] {strides = array<i32>} : memref<32x768xf32, #tpu.memory_space<vmem>>, vector<1x16xf32>,
      %get3A_262 = vector.shape_cast %get3A_261 : vector<1x16xf32> to vector<16xf32>
      %mul3A_263 = arith.constant 27.7128124 : f32
      %mul3A_264 = vector.broadcast %mul3A_263 : f32 to vector<16xf32>
      %mul3A_265 = arith.mulf %get3A_262, %mul3A_264 : vector<16xf32>
      %swap3A_266 = arith.index_cast %scan3A_164 : i32 to index
      %swap3A_267 = arith.constant 128 : index
      %swap3A_268 = tpu.vector_load %arg8[%swap3A_266, %swap3A_267] {strides = array<i32>} : memref<32x768xf32, #tpu.memory_space<vmem>>, vector<1x16xf32>,
      %swap3A_269 = vector.shape_cast %swap3A_268 : vector<1x16xf32> to vector<16xf32>
      %swap3A_270 = vector.shape_cast %mul3A_265 : vector<16xf32> to vector<1x16xf32>
      tpu.vector_store %arg8[%swap3A_266, %swap3A_267], %swap3A_270 {strides = array<i32>} : memref<32x768xf32, #tpu.memory_space<vmem>>, vector<1x16xf32>,
      %get3A_271 = arith.index_cast %scan3A_164 : i32 to index
      %get3A_272 = arith.constant 144 : index
      %get3A_273 = tpu.vector_load %arg6[%get3A_271, %get3A_272] {strides = array<i32>} : memref<32x768xf32, #tpu.memory_space<vmem>>, vector<1x16xf32>,
      %get3A_274 = vector.shape_cast %get3A_273 : vector<1x16xf32> to vector<16xf32>
      %mul3A_275 = arith.constant 27.7128124 : f32
      %mul3A_276 = vector.broadcast %mul3A_275 : f32 to vector<16xf32>
      %mul3A_277 = arith.mulf %get3A_274, %mul3A_276 : vector<16xf32>
      %swap3A_278 = arith.index_cast %scan3A_164 : i32 to index
      %swap3A_279 = arith.constant 144 : index
      %swap3A_280 = tpu.vector_load %arg8[%swap3A_278, %swap3A_279] {strides = array<i32>} : memref<32x768xf32, #tpu.memory_space<vmem>>, vector<1x16xf32>,
      %swap3A_281 = vector.shape_cast %swap3A_280 : vector<1x16xf32> to vector<16xf32>
      %swap3A_282 = vector.shape_cast %mul3A_277 : vector<16xf32> to vector<1x16xf32>
      tpu.vector_store %arg8[%swap3A_278, %swap3A_279], %swap3A_282 {strides = array<i32>} : memref<32x768xf32, #tpu.memory_space<vmem>>, vector<1x16xf32>,
      %get3A_283 = arith.index_cast %scan3A_164 : i32 to index
      %get3A_284 = arith.constant 160 : index
      %get3A_285 = tpu.vector_load %arg6[%get3A_283, %get3A_284] {strides = array<i32>} : memref<32x768xf32, #tpu.memory_space<vmem>>, vector<1x16xf32>,
      %get3A_286 = vector.shape_cast %get3A_285 : vector<1x16xf32> to vector<16xf32>
      %mul3A_287 = arith.constant 27.7128124 : f32
      %mul3A_288 = vector.broadcast %mul3A_287 : f32 to vector<16xf32>
      %mul3A_289 = arith.mulf %get3A_286, %mul3A_288 : vector<16xf32>
      %swap3A_290 = arith.index_cast %scan3A_164 : i32 to index
      %swap3A_291 = arith.constant 160 : index
      %swap3A_292 = tpu.vector_load %arg8[%swap3A_290, %swap3A_291] {strides = array<i32>} : memref<32x768xf32, #tpu.memory_space<vmem>>, vector<1x16xf32>,
      %swap3A_293 = vector.shape_cast %swap3A_292 : vector<1x16xf32> to vector<16xf32>
      %swap3A_294 = vector.shape_cast %mul3A_289 : vector<16xf32> to vector<1x16xf32>
      tpu.vector_store %arg8[%swap3A_290, %swap3A_291], %swap3A_294 {strides = array<i32>} : memref<32x768xf32, #tpu.memory_space<vmem>>, vector<1x16xf32>,
      %get3A_295 = arith.index_cast %scan3A_164 : i32 to index
      %get3A_296 = arith.constant 176 : index
      %get3A_297 = tpu.vector_load %arg6[%get3A_295, %get3A_296] {strides = array<i32>} : memref<32x768xf32, #tpu.memory_space<vmem>>, vector<1x16xf32>,
      %get3A_298 = vector.shape_cast %get3A_297 : vector<1x16xf32> to vector<16xf32>
      %mul3A_299 = arith.constant 27.7128124 : f32
      %mul3A_300 = vector.broadcast %mul3A_299 : f32 to vector<16xf32>
      %mul3A_301 = arith.mulf %get3A_298, %mul3A_300 : vector<16xf32>
      %swap3A_302 = arith.index_cast %scan3A_164 : i32 to index
      %swap3A_303 = arith.constant 176 : index
      %swap3A_304 = tpu.vector_load %arg8[%swap3A_302, %swap3A_303] {strides = array<i32>} : memref<32x768xf32, #tpu.memory_space<vmem>>, vector<1x16xf32>,
      %swap3A_305 = vector.shape_cast %swap3A_304 : vector<1x16xf32> to vector<16xf32>
      %swap3A_306 = vector.shape_cast %mul3A_301 : vector<16xf32> to vector<1x16xf32>
      tpu.vector_store %arg8[%swap3A_302, %swap3A_303], %swap3A_306 {strides = array<i32>} : memref<32x768xf32, #tpu.memory_space<vmem>>, vector<1x16xf32>,
      %get3A_307 = arith.index_cast %scan3A_164 : i32 to index
      %get3A_308 = arith.constant 192 : index
      %get3A_309 = tpu.vector_load %arg6[%get3A_307, %get3A_308] {strides = array<i32>} : memref<32x768xf32, #tpu.memory_space<vmem>>, vector<1x16xf32>,
      %get3A_310 = vector.shape_cast %get3A_309 : vector<1x16xf32> to vector<16xf32>
      %mul3A_311 = arith.constant 27.7128124 : f32
      %mul3A_312 = vector.broadcast %mul3A_311 : f32 to vector<16xf32>
      %mul3A_313 = arith.mulf %get3A_310, %mul3A_312 : vector<16xf32>
      %swap3A_314 = arith.index_cast %scan3A_164 : i32 to index
      %swap3A_315 = arith.constant 192 : index
      %swap3A_316 = tpu.vector_load %arg8[%swap3A_314, %swap3A_315] {strides = array<i32>} : memref<32x768xf32, #tpu.memory_space<vmem>>, vector<1x16xf32>,
      %swap3A_317 = vector.shape_cast %swap3A_316 : vector<1x16xf32> to vector<16xf32>
      %swap3A_318 = vector.shape_cast %mul3A_313 : vector<16xf32> to vector<1x16xf32>
      tpu.vector_store %arg8[%swap3A_314, %swap3A_315], %swap3A_318 {strides = array<i32>} : memref<32x768xf32, #tpu.memory_space<vmem>>, vector<1x16xf32>,
      %get3A_319 = arith.index_cast %scan3A_164 : i32 to index
      %get3A_320 = arith.constant 208 : index
      %get3A_321 = tpu.vector_load %arg6[%get3A_319, %get3A_320] {strides = array<i32>} : memref<32x768xf32, #tpu.memory_space<vmem>>, vector<1x16xf32>,
      %get3A_322 = vector.shape_cast %get3A_321 : vector<1x16xf32> to vector<16xf32>
      %mul3A_323 = arith.constant 27.7128124 : f32
      %mul3A_324 = vector.broadcast %mul3A_323 : f32 to vector<16xf32>
      %mul3A_325 = arith.mulf %get3A_322, %mul3A_324 : vector<16xf32>
      %swap3A_326 = arith.index_cast %scan3A_164 : i32 to index
      %swap3A_327 = arith.constant 208 : index
      %swap3A_328 = tpu.vector_load %arg8[%swap3A_326, %swap3A_327] {strides = array<i32>} : memref<32x768xf32, #tpu.memory_space<vmem>>, vector<1x16xf32>,
      %swap3A_329 = vector.shape_cast %swap3A_328 : vector<1x16xf32> to vector<16xf32>
      %swap3A_330 = vector.shape_cast %mul3A_325 : vector<16xf32> to vector<1x16xf32>
      tpu.vector_store %arg8[%swap3A_326, %swap3A_327], %swap3A_330 {strides = array<i32>} : memref<32x768xf32, #tpu.memory_space<vmem>>, vector<1x16xf32>,
      %get3A_331 = arith.index_cast %scan3A_164 : i32 to index
      %get3A_332 = arith.constant 224 : index
      %get3A_333 = tpu.vector_load %arg6[%get3A_331, %get3A_332] {strides = array<i32>} : memref<32x768xf32, #tpu.memory_space<vmem>>, vector<1x16xf32>,
      %get3A_334 = vector.shape_cast %get3A_333 : vector<1x16xf32> to vector<16xf32>
      %mul3A_335 = arith.constant 27.7128124 : f32
      %mul3A_336 = vector.broadcast %mul3A_335 : f32 to vector<16xf32>
      %mul3A_337 = arith.mulf %get3A_334, %mul3A_336 : vector<16xf32>
      %swap3A_338 = arith.index_cast %scan3A_164 : i32 to index
      %swap3A_339 = arith.constant 224 : index
      %swap3A_340 = tpu.vector_load %arg8[%swap3A_338, %swap3A_339] {strides = array<i32>} : memref<32x768xf32, #tpu.memory_space<vmem>>, vector<1x16xf32>,
      %swap3A_341 = vector.shape_cast %swap3A_340 : vector<1x16xf32> to vector<16xf32>
      %swap3A_342 = vector.shape_cast %mul3A_337 : vector<16xf32> to vector<1x16xf32>
      tpu.vector_store %arg8[%swap3A_338, %swap3A_339], %swap3A_342 {strides = array<i32>} : memref<32x768xf32, #tpu.memory_space<vmem>>, vector<1x16xf32>,
      %get3A_343 = arith.index_cast %scan3A_164 : i32 to index
      %get3A_344 = arith.constant 240 : index
      %get3A_345 = tpu.vector_load %arg6[%get3A_343, %get3A_344] {strides = array<i32>} : memref<32x768xf32, #tpu.memory_space<vmem>>, vector<1x16xf32>,
      %get3A_346 = vector.shape_cast %get3A_345 : vector<1x16xf32> to vector<16xf32>
      %mul3A_347 = arith.constant 27.7128124 : f32
      %mul3A_348 = vector.broadcast %mul3A_347 : f32 to vector<16xf32>
      %mul3A_349 = arith.mulf %get3A_346, %mul3A_348 : vector<16xf32>
      %swap3A_350 = arith.index_cast %scan3A_164 : i32 to index
      %swap3A_351 = arith.constant 240 : index
      %swap3A_352 = tpu.vector_load %arg8[%swap3A_350, %swap3A_351] {strides = array<i32>} : memref<32x768xf32, #tpu.memory_space<vmem>>, vector<1x16xf32>,
      %swap3A_353 = vector.shape_cast %swap3A_352 : vector<1x16xf32> to vector<16xf32>
      %swap3A_354 = vector.shape_cast %mul3A_349 : vector<16xf32> to vector<1x16xf32>
      tpu.vector_store %arg8[%swap3A_350, %swap3A_351], %swap3A_354 {strides = array<i32>} : memref<32x768xf32, #tpu.memory_space<vmem>>, vector<1x16xf32>,
      %get3A_355 = arith.index_cast %scan3A_164 : i32 to index
      %get3A_356 = arith.constant 256 : index
      %get3A_357 = tpu.vector_load %arg6[%get3A_355, %get3A_356] {strides = array<i32>} : memref<32x768xf32, #tpu.memory_space<vmem>>, vector<1x16xf32>,
      %get3A_358 = vector.shape_cast %get3A_357 : vector<1x16xf32> to vector<16xf32>
      %mul3A_359 = arith.constant 27.7128124 : f32
      %mul3A_360 = vector.broadcast %mul3A_359 : f32 to vector<16xf32>
      %mul3A_361 = arith.mulf %get3A_358, %mul3A_360 : vector<16xf32>
      %swap3A_362 = arith.index_cast %scan3A_164 : i32 to index
      %swap3A_363 = arith.constant 256 : index
      %swap3A_364 = tpu.vector_load %arg8[%swap3A_362, %swap3A_363] {strides = array<i32>} : memref<32x768xf32, #tpu.memory_space<vmem>>, vector<1x16xf32>,
      %swap3A_365 = vector.shape_cast %swap3A_364 : vector<1x16xf32> to vector<16xf32>
      %swap3A_366 = vector.shape_cast %mul3A_361 : vector<16xf32> to vector<1x16xf32>
      tpu.vector_store %arg8[%swap3A_362, %swap3A_363], %swap3A_366 {strides = array<i32>} : memref<32x768xf32, #tpu.memory_space<vmem>>, vector<1x16xf32>,
      %get3A_367 = arith.index_cast %scan3A_164 : i32 to index
      %get3A_368 = arith.constant 272 : index
      %get3A_369 = tpu.vector_load %arg6[%get3A_367, %get3A_368] {strides = array<i32>} : memref<32x768xf32, #tpu.memory_space<vmem>>, vector<1x16xf32>,
      %get3A_370 = vector.shape_cast %get3A_369 : vector<1x16xf32> to vector<16xf32>
      %mul3A_371 = arith.constant 27.7128124 : f32
      %mul3A_372 = vector.broadcast %mul3A_371 : f32 to vector<16xf32>
      %mul3A_373 = arith.mulf %get3A_370, %mul3A_372 : vector<16xf32>
      %swap3A_374 = arith.index_cast %scan3A_164 : i32 to index
      %swap3A_375 = arith.constant 272 : index
      %swap3A_376 = tpu.vector_load %arg8[%swap3A_374, %swap3A_375] {strides = array<i32>} : memref<32x768xf32, #tpu.memory_space<vmem>>, vector<1x16xf32>,
      %swap3A_377 = vector.shape_cast %swap3A_376 : vector<1x16xf32> to vector<16xf32>
      %swap3A_378 = vector.shape_cast %mul3A_373 : vector<16xf32> to vector<1x16xf32>
      tpu.vector_store %arg8[%swap3A_374, %swap3A_375], %swap3A_378 {strides = array<i32>} : memref<32x768xf32, #tpu.memory_space<vmem>>, vector<1x16xf32>,
      %get3A_379 = arith.index_cast %scan3A_164 : i32 to index
      %get3A_380 = arith.constant 288 : index
      %get3A_381 = tpu.vector_load %arg6[%get3A_379, %get3A_380] {strides = array<i32>} : memref<32x768xf32, #tpu.memory_space<vmem>>, vector<1x16xf32>,
      %get3A_382 = vector.shape_cast %get3A_381 : vector<1x16xf32> to vector<16xf32>
      %mul3A_383 = arith.constant 27.7128124 : f32
      %mul3A_384 = vector.broadcast %mul3A_383 : f32 to vector<16xf32>
      %mul3A_385 = arith.mulf %get3A_382, %mul3A_384 : vector<16xf32>
      %swap3A_386 = arith.index_cast %scan3A_164 : i32 to index
      %swap3A_387 = arith.constant 288 : index
      %swap3A_388 = tpu.vector_load %arg8[%swap3A_386, %swap3A_387] {strides = array<i32>} : memref<32x768xf32, #tpu.memory_space<vmem>>, vector<1x16xf32>,
      %swap3A_389 = vector.shape_cast %swap3A_388 : vector<1x16xf32> to vector<16xf32>
      %swap3A_390 = vector.shape_cast %mul3A_385 : vector<16xf32> to vector<1x16xf32>
      tpu.vector_store %arg8[%swap3A_386, %swap3A_387], %swap3A_390 {strides = array<i32>} : memref<32x768xf32, #tpu.memory_space<vmem>>, vector<1x16xf32>,
      %get3A_391 = arith.index_cast %scan3A_164 : i32 to index
      %get3A_392 = arith.constant 304 : index
      %get3A_393 = tpu.vector_load %arg6[%get3A_391, %get3A_392] {strides = array<i32>} : memref<32x768xf32, #tpu.memory_space<vmem>>, vector<1x16xf32>,
      %get3A_394 = vector.shape_cast %get3A_393 : vector<1x16xf32> to vector<16xf32>
      %mul3A_395 = arith.constant 27.7128124 : f32
      %mul3A_396 = vector.broadcast %mul3A_395 : f32 to vector<16xf32>
      %mul3A_397 = arith.mulf %get3A_394, %mul3A_396 : vector<16xf32>
      %swap3A_398 = arith.index_cast %scan3A_164 : i32 to index
      %swap3A_399 = arith.constant 304 : index
      %swap3A_400 = tpu.vector_load %arg8[%swap3A_398, %swap3A_399] {strides = array<i32>} : memref<32x768xf32, #tpu.memory_space<vmem>>, vector<1x16xf32>,
      %swap3A_401 = vector.shape_cast %swap3A_400 : vector<1x16xf32> to vector<16xf32>
      %swap3A_402 = vector.shape_cast %mul3A_397 : vector<16xf32> to vector<1x16xf32>
      tpu.vector_store %arg8[%swap3A_398, %swap3A_399], %swap3A_402 {strides = array<i32>} : memref<32x768xf32, #tpu.memory_space<vmem>>, vector<1x16xf32>,
      %get3A_403 = arith.index_cast %scan3A_164 : i32 to index
      %get3A_404 = arith.constant 320 : index
      %get3A_405 = tpu.vector_load %arg6[%get3A_403, %get3A_404] {strides = array<i32>} : memref<32x768xf32, #tpu.memory_space<vmem>>, vector<1x16xf32>,
      %get3A_406 = vector.shape_cast %get3A_405 : vector<1x16xf32> to vector<16xf32>
      %mul3A_407 = arith.constant 27.7128124 : f32
      %mul3A_408 = vector.broadcast %mul3A_407 : f32 to vector<16xf32>
      %mul3A_409 = arith.mulf %get3A_406, %mul3A_408 : vector<16xf32>
      %swap3A_410 = arith.index_cast %scan3A_164 : i32 to index
      %swap3A_411 = arith.constant 320 : index
      %swap3A_412 = tpu.vector_load %arg8[%swap3A_410, %swap3A_411] {strides = array<i32>} : memref<32x768xf32, #tpu.memory_space<vmem>>, vector<1x16xf32>,
      %swap3A_413 = vector.shape_cast %swap3A_412 : vector<1x16xf32> to vector<16xf32>
      %swap3A_414 = vector.shape_cast %mul3A_409 : vector<16xf32> to vector<1x16xf32>
      tpu.vector_store %arg8[%swap3A_410, %swap3A_411], %swap3A_414 {strides = array<i32>} : memref<32x768xf32, #tpu.memory_space<vmem>>, vector<1x16xf32>,
      %get3A_415 = arith.index_cast %scan3A_164 : i32 to index
      %get3A_416 = arith.constant 336 : index
      %get3A_417 = tpu.vector_load %arg6[%get3A_415, %get3A_416] {strides = array<i32>} : memref<32x768xf32, #tpu.memory_space<vmem>>, vector<1x16xf32>,
      %get3A_418 = vector.shape_cast %get3A_417 : vector<1x16xf32> to vector<16xf32>
      %mul3A_419 = arith.constant 27.7128124 : f32
      %mul3A_420 = vector.broadcast %mul3A_419 : f32 to vector<16xf32>
      %mul3A_421 = arith.mulf %get3A_418, %mul3A_420 : vector<16xf32>
      %swap3A_422 = arith.index_cast %scan3A_164 : i32 to index
      %swap3A_423 = arith.constant 336 : index
      %swap3A_424 = tpu.vector_load %arg8[%swap3A_422, %swap3A_423] {strides = array<i32>} : memref<32x768xf32, #tpu.memory_space<vmem>>, vector<1x16xf32>,
      %swap3A_425 = vector.shape_cast %swap3A_424 : vector<1x16xf32> to vector<16xf32>
      %swap3A_426 = vector.shape_cast %mul3A_421 : vector<16xf32> to vector<1x16xf32>
      tpu.vector_store %arg8[%swap3A_422, %swap3A_423], %swap3A_426 {strides = array<i32>} : memref<32x768xf32, #tpu.memory_space<vmem>>, vector<1x16xf32>,
      %get3A_427 = arith.index_cast %scan3A_164 : i32 to index
      %get3A_428 = arith.constant 352 : index
      %get3A_429 = tpu.vector_load %arg6[%get3A_427, %get3A_428] {strides = array<i32>} : memref<32x768xf32, #tpu.memory_space<vmem>>, vector<1x16xf32>,
      %get3A_430 = vector.shape_cast %get3A_429 : vector<1x16xf32> to vector<16xf32>
      %mul3A_431 = arith.constant 27.7128124 : f32
      %mul3A_432 = vector.broadcast %mul3A_431 : f32 to vector<16xf32>
      %mul3A_433 = arith.mulf %get3A_430, %mul3A_432 : vector<16xf32>
      %swap3A_434 = arith.index_cast %scan3A_164 : i32 to index
      %swap3A_435 = arith.constant 352 : index
      %swap3A_436 = tpu.vector_load %arg8[%swap3A_434, %swap3A_435] {strides = array<i32>} : memref<32x768xf32, #tpu.memory_space<vmem>>, vector<1x16xf32>,
      %swap3A_437 = vector.shape_cast %swap3A_436 : vector<1x16xf32> to vector<16xf32>
      %swap3A_438 = vector.shape_cast %mul3A_433 : vector<16xf32> to vector<1x16xf32>
      tpu.vector_store %arg8[%swap3A_434, %swap3A_435], %swap3A_438 {strides = array<i32>} : memref<32x768xf32, #tpu.memory_space<vmem>>, vector<1x16xf32>,
      %get3A_439 = arith.index_cast %scan3A_164 : i32 to index
      %get3A_440 = arith.constant 368 : index
      %get3A_441 = tpu.vector_load %arg6[%get3A_439, %get3A_440] {strides = array<i32>} : memref<32x768xf32, #tpu.memory_space<vmem>>, vector<1x16xf32>,
      %get3A_442 = vector.shape_cast %get3A_441 : vector<1x16xf32> to vector<16xf32>
      %mul3A_443 = arith.constant 27.7128124 : f32
      %mul3A_444 = vector.broadcast %mul3A_443 : f32 to vector<16xf32>
      %mul3A_445 = arith.mulf %get3A_442, %mul3A_444 : vector<16xf32>
      %swap3A_446 = arith.index_cast %scan3A_164 : i32 to index
      %swap3A_447 = arith.constant 368 : index
      %swap3A_448 = tpu.vector_load %arg8[%swap3A_446, %swap3A_447] {strides = array<i32>} : memref<32x768xf32, #tpu.memory_space<vmem>>, vector<1x16xf32>,
      %swap3A_449 = vector.shape_cast %swap3A_448 : vector<1x16xf32> to vector<16xf32>
      %swap3A_450 = vector.shape_cast %mul3A_445 : vector<16xf32> to vector<1x16xf32>
      tpu.vector_store %arg8[%swap3A_446, %swap3A_447], %swap3A_450 {strides = array<i32>} : memref<32x768xf32, #tpu.memory_space<vmem>>, vector<1x16xf32>,
      %get3A_451 = arith.index_cast %scan3A_164 : i32 to index
      %get3A_452 = arith.constant 384 : index
      %get3A_453 = tpu.vector_load %arg6[%get3A_451, %get3A_452] {strides = array<i32>} : memref<32x768xf32, #tpu.memory_space<vmem>>, vector<1x16xf32>,
      %get3A_454 = vector.shape_cast %get3A_453 : vector<1x16xf32> to vector<16xf32>
      %mul3A_455 = arith.constant 27.7128124 : f32
      %mul3A_456 = vector.broadcast %mul3A_455 : f32 to vector<16xf32>
      %mul3A_457 = arith.mulf %get3A_454, %mul3A_456 : vector<16xf32>
      %swap3A_458 = arith.index_cast %scan3A_164 : i32 to index
      %swap3A_459 = arith.constant 384 : index
      %swap3A_460 = tpu.vector_load %arg8[%swap3A_458, %swap3A_459] {strides = array<i32>} : memref<32x768xf32, #tpu.memory_space<vmem>>, vector<1x16xf32>,
      %swap3A_461 = vector.shape_cast %swap3A_460 : vector<1x16xf32> to vector<16xf32>
      %swap3A_462 = vector.shape_cast %mul3A_457 : vector<16xf32> to vector<1x16xf32>
      tpu.vector_store %arg8[%swap3A_458, %swap3A_459], %swap3A_462 {strides = array<i32>} : memref<32x768xf32, #tpu.memory_space<vmem>>, vector<1x16xf32>,
      %get3A_463 = arith.index_cast %scan3A_164 : i32 to index
      %get3A_464 = arith.constant 400 : index
      %get3A_465 = tpu.vector_load %arg6[%get3A_463, %get3A_464] {strides = array<i32>} : memref<32x768xf32, #tpu.memory_space<vmem>>, vector<1x16xf32>,
      %get3A_466 = vector.shape_cast %get3A_465 : vector<1x16xf32> to vector<16xf32>
      %mul3A_467 = arith.constant 27.7128124 : f32
      %mul3A_468 = vector.broadcast %mul3A_467 : f32 to vector<16xf32>
      %mul3A_469 = arith.mulf %get3A_466, %mul3A_468 : vector<16xf32>
      %swap3A_470 = arith.index_cast %scan3A_164 : i32 to index
      %swap3A_471 = arith.constant 400 : index
      %swap3A_472 = tpu.vector_load %arg8[%swap3A_470, %swap3A_471] {strides = array<i32>} : memref<32x768xf32, #tpu.memory_space<vmem>>, vector<1x16xf32>,
      %swap3A_473 = vector.shape_cast %swap3A_472 : vector<1x16xf32> to vector<16xf32>
      %swap3A_474 = vector.shape_cast %mul3A_469 : vector<16xf32> to vector<1x16xf32>
      tpu.vector_store %arg8[%swap3A_470, %swap3A_471], %swap3A_474 {strides = array<i32>} : memref<32x768xf32, #tpu.memory_space<vmem>>, vector<1x16xf32>,
      %get3A_475 = arith.index_cast %scan3A_164 : i32 to index
      %get3A_476 = arith.constant 416 : index
      %get3A_477 = tpu.vector_load %arg6[%get3A_475, %get3A_476] {strides = array<i32>} : memref<32x768xf32, #tpu.memory_space<vmem>>, vector<1x16xf32>,
      %get3A_478 = vector.shape_cast %get3A_477 : vector<1x16xf32> to vector<16xf32>
      %mul3A_479 = arith.constant 27.7128124 : f32
      %mul3A_480 = vector.broadcast %mul3A_479 : f32 to vector<16xf32>
      %mul3A_481 = arith.mulf %get3A_478, %mul3A_480 : vector<16xf32>
      %swap3A_482 = arith.index_cast %scan3A_164 : i32 to index
      %swap3A_483 = arith.constant 416 : index
      %swap3A_484 = tpu.vector_load %arg8[%swap3A_482, %swap3A_483] {strides = array<i32>} : memref<32x768xf32, #tpu.memory_space<vmem>>, vector<1x16xf32>,
      %swap3A_485 = vector.shape_cast %swap3A_484 : vector<1x16xf32> to vector<16xf32>
      %swap3A_486 = vector.shape_cast %mul3A_481 : vector<16xf32> to vector<1x16xf32>
      tpu.vector_store %arg8[%swap3A_482, %swap3A_483], %swap3A_486 {strides = array<i32>} : memref<32x768xf32, #tpu.memory_space<vmem>>, vector<1x16xf32>,
      %get3A_487 = arith.index_cast %scan3A_164 : i32 to index
      %get3A_488 = arith.constant 432 : index
      %get3A_489 = tpu.vector_load %arg6[%get3A_487, %get3A_488] {strides = array<i32>} : memref<32x768xf32, #tpu.memory_space<vmem>>, vector<1x16xf32>,
      %get3A_490 = vector.shape_cast %get3A_489 : vector<1x16xf32> to vector<16xf32>
      %mul3A_491 = arith.constant 27.7128124 : f32
      %mul3A_492 = vector.broadcast %mul3A_491 : f32 to vector<16xf32>
      %mul3A_493 = arith.mulf %get3A_490, %mul3A_492 : vector<16xf32>
      %swap3A_494 = arith.index_cast %scan3A_164 : i32 to index
      %swap3A_495 = arith.constant 432 : index
      %swap3A_496 = tpu.vector_load %arg8[%swap3A_494, %swap3A_495] {strides = array<i32>} : memref<32x768xf32, #tpu.memory_space<vmem>>, vector<1x16xf32>,
      %swap3A_497 = vector.shape_cast %swap3A_496 : vector<1x16xf32> to vector<16xf32>
      %swap3A_498 = vector.shape_cast %mul3A_493 : vector<16xf32> to vector<1x16xf32>
      tpu.vector_store %arg8[%swap3A_494, %swap3A_495], %swap3A_498 {strides = array<i32>} : memref<32x768xf32, #tpu.memory_space<vmem>>, vector<1x16xf32>,
      %get3A_499 = arith.index_cast %scan3A_164 : i32 to index
      %get3A_500 = arith.constant 448 : index
      %get3A_501 = tpu.vector_load %arg6[%get3A_499, %get3A_500] {strides = array<i32>} : memref<32x768xf32, #tpu.memory_space<vmem>>, vector<1x16xf32>,
      %get3A_502 = vector.shape_cast %get3A_501 : vector<1x16xf32> to vector<16xf32>
      %mul3A_503 = arith.constant 27.7128124 : f32
      %mul3A_504 = vector.broadcast %mul3A_503 : f32 to vector<16xf32>
      %mul3A_505 = arith.mulf %get3A_502, %mul3A_504 : vector<16xf32>
      %swap3A_506 = arith.index_cast %scan3A_164 : i32 to index
      %swap3A_507 = arith.constant 448 : index
      %swap3A_508 = tpu.vector_load %arg8[%swap3A_506, %swap3A_507] {strides = array<i32>} : memref<32x768xf32, #tpu.memory_space<vmem>>, vector<1x16xf32>,
      %swap3A_509 = vector.shape_cast %swap3A_508 : vector<1x16xf32> to vector<16xf32>
      %swap3A_510 = vector.shape_cast %mul3A_505 : vector<16xf32> to vector<1x16xf32>
      tpu.vector_store %arg8[%swap3A_506, %swap3A_507], %swap3A_510 {strides = array<i32>} : memref<32x768xf32, #tpu.memory_space<vmem>>, vector<1x16xf32>,
      %get3A_511 = arith.index_cast %scan3A_164 : i32 to index
      %get3A_512 = arith.constant 464 : index
      %get3A_513 = tpu.vector_load %arg6[%get3A_511, %get3A_512] {strides = array<i32>} : memref<32x768xf32, #tpu.memory_space<vmem>>, vector<1x16xf32>,
      %get3A_514 = vector.shape_cast %get3A_513 : vector<1x16xf32> to vector<16xf32>
      %mul3A_515 = arith.constant 27.7128124 : f32
      %mul3A_516 = vector.broadcast %mul3A_515 : f32 to vector<16xf32>
      %mul3A_517 = arith.mulf %get3A_514, %mul3A_516 : vector<16xf32>
      %swap3A_518 = arith.index_cast %scan3A_164 : i32 to index
      %swap3A_519 = arith.constant 464 : index
      %swap3A_520 = tpu.vector_load %arg8[%swap3A_518, %swap3A_519] {strides = array<i32>} : memref<32x768xf32, #tpu.memory_space<vmem>>, vector<1x16xf32>,
      %swap3A_521 = vector.shape_cast %swap3A_520 : vector<1x16xf32> to vector<16xf32>
      %swap3A_522 = vector.shape_cast %mul3A_517 : vector<16xf32> to vector<1x16xf32>
      tpu.vector_store %arg8[%swap3A_518, %swap3A_519], %swap3A_522 {strides = array<i32>} : memref<32x768xf32, #tpu.memory_space<vmem>>, vector<1x16xf32>,
      %get3A_523 = arith.index_cast %scan3A_164 : i32 to index
      %get3A_524 = arith.constant 480 : index
      %get3A_525 = tpu.vector_load %arg6[%get3A_523, %get3A_524] {strides = array<i32>} : memref<32x768xf32, #tpu.memory_space<vmem>>, vector<1x16xf32>,
      %get3A_526 = vector.shape_cast %get3A_525 : vector<1x16xf32> to vector<16xf32>
      %mul3A_527 = arith.constant 27.7128124 : f32
      %mul3A_528 = vector.broadcast %mul3A_527 : f32 to vector<16xf32>
      %mul3A_529 = arith.mulf %get3A_526, %mul3A_528 : vector<16xf32>
      %swap3A_530 = arith.index_cast %scan3A_164 : i32 to index
      %swap3A_531 = arith.constant 480 : index
      %swap3A_532 = tpu.vector_load %arg8[%swap3A_530, %swap3A_531] {strides = array<i32>} : memref<32x768xf32, #tpu.memory_space<vmem>>, vector<1x16xf32>,
      %swap3A_533 = vector.shape_cast %swap3A_532 : vector<1x16xf32> to vector<16xf32>
      %swap3A_534 = vector.shape_cast %mul3A_529 : vector<16xf32> to vector<1x16xf32>
      tpu.vector_store %arg8[%swap3A_530, %swap3A_531], %swap3A_534 {strides = array<i32>} : memref<32x768xf32, #tpu.memory_space<vmem>>, vector<1x16xf32>,
      %get3A_535 = arith.index_cast %scan3A_164 : i32 to index
      %get3A_536 = arith.constant 496 : index
      %get3A_537 = tpu.vector_load %arg6[%get3A_535, %get3A_536] {strides = array<i32>} : memref<32x768xf32, #tpu.memory_space<vmem>>, vector<1x16xf32>,
      %get3A_538 = vector.shape_cast %get3A_537 : vector<1x16xf32> to vector<16xf32>
      %mul3A_539 = arith.constant 27.7128124 : f32
      %mul3A_540 = vector.broadcast %mul3A_539 : f32 to vector<16xf32>
      %mul3A_541 = arith.mulf %get3A_538, %mul3A_540 : vector<16xf32>
      %swap3A_542 = arith.index_cast %scan3A_164 : i32 to index
      %swap3A_543 = arith.constant 496 : index
      %swap3A_544 = tpu.vector_load %arg8[%swap3A_542, %swap3A_543] {strides = array<i32>} : memref<32x768xf32, #tpu.memory_space<vmem>>, vector<1x16xf32>,
      %swap3A_545 = vector.shape_cast %swap3A_544 : vector<1x16xf32> to vector<16xf32>
      %swap3A_546 = vector.shape_cast %mul3A_541 : vector<16xf32> to vector<1x16xf32>
      tpu.vector_store %arg8[%swap3A_542, %swap3A_543], %swap3A_546 {strides = array<i32>} : memref<32x768xf32, #tpu.memory_space<vmem>>, vector<1x16xf32>,
      %get3A_547 = arith.index_cast %scan3A_164 : i32 to index
      %get3A_548 = arith.constant 512 : index
      %get3A_549 = tpu.vector_load %arg6[%get3A_547, %get3A_548] {strides = array<i32>} : memref<32x768xf32, #tpu.memory_space<vmem>>, vector<1x16xf32>,
      %get3A_550 = vector.shape_cast %get3A_549 : vector<1x16xf32> to vector<16xf32>
      %mul3A_551 = arith.constant 27.7128124 : f32
      %mul3A_552 = vector.broadcast %mul3A_551 : f32 to vector<16xf32>
      %mul3A_553 = arith.mulf %get3A_550, %mul3A_552 : vector<16xf32>
      %swap3A_554 = arith.index_cast %scan3A_164 : i32 to index
      %swap3A_555 = arith.constant 512 : index
      %swap3A_556 = tpu.vector_load %arg8[%swap3A_554, %swap3A_555] {strides = array<i32>} : memref<32x768xf32, #tpu.memory_space<vmem>>, vector<1x16xf32>,
      %swap3A_557 = vector.shape_cast %swap3A_556 : vector<1x16xf32> to vector<16xf32>
      %swap3A_558 = vector.shape_cast %mul3A_553 : vector<16xf32> to vector<1x16xf32>
      tpu.vector_store %arg8[%swap3A_554, %swap3A_555], %swap3A_558 {strides = array<i32>} : memref<32x768xf32, #tpu.memory_space<vmem>>, vector<1x16xf32>,
      %get3A_559 = arith.index_cast %scan3A_164 : i32 to index
      %get3A_560 = arith.constant 528 : index
      %get3A_561 = tpu.vector_load %arg6[%get3A_559, %get3A_560] {strides = array<i32>} : memref<32x768xf32, #tpu.memory_space<vmem>>, vector<1x16xf32>,
      %get3A_562 = vector.shape_cast %get3A_561 : vector<1x16xf32> to vector<16xf32>
      %mul3A_563 = arith.constant 27.7128124 : f32
      %mul3A_564 = vector.broadcast %mul3A_563 : f32 to vector<16xf32>
      %mul3A_565 = arith.mulf %get3A_562, %mul3A_564 : vector<16xf32>
      %swap3A_566 = arith.index_cast %scan3A_164 : i32 to index
      %swap3A_567 = arith.constant 528 : index
      %swap3A_568 = tpu.vector_load %arg8[%swap3A_566, %swap3A_567] {strides = array<i32>} : memref<32x768xf32, #tpu.memory_space<vmem>>, vector<1x16xf32>,
      %swap3A_569 = vector.shape_cast %swap3A_568 : vector<1x16xf32> to vector<16xf32>
      %swap3A_570 = vector.shape_cast %mul3A_565 : vector<16xf32> to vector<1x16xf32>
      tpu.vector_store %arg8[%swap3A_566, %swap3A_567], %swap3A_570 {strides = array<i32>} : memref<32x768xf32, #tpu.memory_space<vmem>>, vector<1x16xf32>,
      %get3A_571 = arith.index_cast %scan3A_164 : i32 to index
      %get3A_572 = arith.constant 544 : index
      %get3A_573 = tpu.vector_load %arg6[%get3A_571, %get3A_572] {strides = array<i32>} : memref<32x768xf32, #tpu.memory_space<vmem>>, vector<1x16xf32>,
      %get3A_574 = vector.shape_cast %get3A_573 : vector<1x16xf32> to vector<16xf32>
      %mul3A_575 = arith.constant 27.7128124 : f32
      %mul3A_576 = vector.broadcast %mul3A_575 : f32 to vector<16xf32>
      %mul3A_577 = arith.mulf %get3A_574, %mul3A_576 : vector<16xf32>
      %swap3A_578 = arith.index_cast %scan3A_164 : i32 to index
      %swap3A_579 = arith.constant 544 : index
      %swap3A_580 = tpu.vector_load %arg8[%swap3A_578, %swap3A_579] {strides = array<i32>} : memref<32x768xf32, #tpu.memory_space<vmem>>, vector<1x16xf32>,
      %swap3A_581 = vector.shape_cast %swap3A_580 : vector<1x16xf32> to vector<16xf32>
      %swap3A_582 = vector.shape_cast %mul3A_577 : vector<16xf32> to vector<1x16xf32>
      tpu.vector_store %arg8[%swap3A_578, %swap3A_579], %swap3A_582 {strides = array<i32>} : memref<32x768xf32, #tpu.memory_space<vmem>>, vector<1x16xf32>,
      %get3A_583 = arith.index_cast %scan3A_164 : i32 to index
      %get3A_584 = arith.constant 560 : index
      %get3A_585 = tpu.vector_load %arg6[%get3A_583, %get3A_584] {strides = array<i32>} : memref<32x768xf32, #tpu.memory_space<vmem>>, vector<1x16xf32>,
      %get3A_586 = vector.shape_cast %get3A_585 : vector<1x16xf32> to vector<16xf32>
      %mul3A_587 = arith.constant 27.7128124 : f32
      %mul3A_588 = vector.broadcast %mul3A_587 : f32 to vector<16xf32>
      %mul3A_589 = arith.mulf %get3A_586, %mul3A_588 : vector<16xf32>
      %swap3A_590 = arith.index_cast %scan3A_164 : i32 to index
      %swap3A_591 = arith.constant 560 : index
      %swap3A_592 = tpu.vector_load %arg8[%swap3A_590, %swap3A_591] {strides = array<i32>} : memref<32x768xf32, #tpu.memory_space<vmem>>, vector<1x16xf32>,
      %swap3A_593 = vector.shape_cast %swap3A_592 : vector<1x16xf32> to vector<16xf32>
      %swap3A_594 = vector.shape_cast %mul3A_589 : vector<16xf32> to vector<1x16xf32>
      tpu.vector_store %arg8[%swap3A_590, %swap3A_591], %swap3A_594 {strides = array<i32>} : memref<32x768xf32, #tpu.memory_space<vmem>>, vector<1x16xf32>,
      %get3A_595 = arith.index_cast %scan3A_164 : i32 to index
      %get3A_596 = arith.constant 576 : index
      %get3A_597 = tpu.vector_load %arg6[%get3A_595, %get3A_596] {strides = array<i32>} : memref<32x768xf32, #tpu.memory_space<vmem>>, vector<1x16xf32>,
      %get3A_598 = vector.shape_cast %get3A_597 : vector<1x16xf32> to vector<16xf32>
      %mul3A_599 = arith.constant 27.7128124 : f32
      %mul3A_600 = vector.broadcast %mul3A_599 : f32 to vector<16xf32>
      %mul3A_601 = arith.mulf %get3A_598, %mul3A_600 : vector<16xf32>
      %swap3A_602 = arith.index_cast %scan3A_164 : i32 to index
      %swap3A_603 = arith.constant 576 : index
      %swap3A_604 = tpu.vector_load %arg8[%swap3A_602, %swap3A_603] {strides = array<i32>} : memref<32x768xf32, #tpu.memory_space<vmem>>, vector<1x16xf32>,
      %swap3A_605 = vector.shape_cast %swap3A_604 : vector<1x16xf32> to vector<16xf32>
      %swap3A_606 = vector.shape_cast %mul3A_601 : vector<16xf32> to vector<1x16xf32>
      tpu.vector_store %arg8[%swap3A_602, %swap3A_603], %swap3A_606 {strides = array<i32>} : memref<32x768xf32, #tpu.memory_space<vmem>>, vector<1x16xf32>,
      %get3A_607 = arith.index_cast %scan3A_164 : i32 to index
      %get3A_608 = arith.constant 592 : index
      %get3A_609 = tpu.vector_load %arg6[%get3A_607, %get3A_608] {strides = array<i32>} : memref<32x768xf32, #tpu.memory_space<vmem>>, vector<1x16xf32>,
      %get3A_610 = vector.shape_cast %get3A_609 : vector<1x16xf32> to vector<16xf32>
      %mul3A_611 = arith.constant 27.7128124 : f32
      %mul3A_612 = vector.broadcast %mul3A_611 : f32 to vector<16xf32>
      %mul3A_613 = arith.mulf %get3A_610, %mul3A_612 : vector<16xf32>
      %swap3A_614 = arith.index_cast %scan3A_164 : i32 to index
      %swap3A_615 = arith.constant 592 : index
      %swap3A_616 = tpu.vector_load %arg8[%swap3A_614, %swap3A_615] {strides = array<i32>} : memref<32x768xf32, #tpu.memory_space<vmem>>, vector<1x16xf32>,
      %swap3A_617 = vector.shape_cast %swap3A_616 : vector<1x16xf32> to vector<16xf32>
      %swap3A_618 = vector.shape_cast %mul3A_613 : vector<16xf32> to vector<1x16xf32>
      tpu.vector_store %arg8[%swap3A_614, %swap3A_615], %swap3A_618 {strides = array<i32>} : memref<32x768xf32, #tpu.memory_space<vmem>>, vector<1x16xf32>,
      %get3A_619 = arith.index_cast %scan3A_164 : i32 to index
      %get3A_620 = arith.constant 608 : index
      %get3A_621 = tpu.vector_load %arg6[%get3A_619, %get3A_620] {strides = array<i32>} : memref<32x768xf32, #tpu.memory_space<vmem>>, vector<1x16xf32>,
      %get3A_622 = vector.shape_cast %get3A_621 : vector<1x16xf32> to vector<16xf32>
      %mul3A_623 = arith.constant 27.7128124 : f32
      %mul3A_624 = vector.broadcast %mul3A_623 : f32 to vector<16xf32>
      %mul3A_625 = arith.mulf %get3A_622, %mul3A_624 : vector<16xf32>
      %swap3A_626 = arith.index_cast %scan3A_164 : i32 to index
      %swap3A_627 = arith.constant 608 : index
      %swap3A_628 = tpu.vector_load %arg8[%swap3A_626, %swap3A_627] {strides = array<i32>} : memref<32x768xf32, #tpu.memory_space<vmem>>, vector<1x16xf32>,
      %swap3A_629 = vector.shape_cast %swap3A_628 : vector<1x16xf32> to vector<16xf32>
      %swap3A_630 = vector.shape_cast %mul3A_625 : vector<16xf32> to vector<1x16xf32>
      tpu.vector_store %arg8[%swap3A_626, %swap3A_627], %swap3A_630 {strides = array<i32>} : memref<32x768xf32, #tpu.memory_space<vmem>>, vector<1x16xf32>,
      %get3A_631 = arith.index_cast %scan3A_164 : i32 to index
      %get3A_632 = arith.constant 624 : index
      %get3A_633 = tpu.vector_load %arg6[%get3A_631, %get3A_632] {strides = array<i32>} : memref<32x768xf32, #tpu.memory_space<vmem>>, vector<1x16xf32>,
      %get3A_634 = vector.shape_cast %get3A_633 : vector<1x16xf32> to vector<16xf32>
      %mul3A_635 = arith.constant 27.7128124 : f32
      %mul3A_636 = vector.broadcast %mul3A_635 : f32 to vector<16xf32>
      %mul3A_637 = arith.mulf %get3A_634, %mul3A_636 : vector<16xf32>
      %swap3A_638 = arith.index_cast %scan3A_164 : i32 to index
      %swap3A_639 = arith.constant 624 : index
      %swap3A_640 = tpu.vector_load %arg8[%swap3A_638, %swap3A_639] {strides = array<i32>} : memref<32x768xf32, #tpu.memory_space<vmem>>, vector<1x16xf32>,
      %swap3A_641 = vector.shape_cast %swap3A_640 : vector<1x16xf32> to vector<16xf32>
      %swap3A_642 = vector.shape_cast %mul3A_637 : vector<16xf32> to vector<1x16xf32>
      tpu.vector_store %arg8[%swap3A_638, %swap3A_639], %swap3A_642 {strides = array<i32>} : memref<32x768xf32, #tpu.memory_space<vmem>>, vector<1x16xf32>,
      %get3A_643 = arith.index_cast %scan3A_164 : i32 to index
      %get3A_644 = arith.constant 640 : index
      %get3A_645 = tpu.vector_load %arg6[%get3A_643, %get3A_644] {strides = array<i32>} : memref<32x768xf32, #tpu.memory_space<vmem>>, vector<1x16xf32>,
      %get3A_646 = vector.shape_cast %get3A_645 : vector<1x16xf32> to vector<16xf32>
      %mul3A_647 = arith.constant 27.7128124 : f32
      %mul3A_648 = vector.broadcast %mul3A_647 : f32 to vector<16xf32>
      %mul3A_649 = arith.mulf %get3A_646, %mul3A_648 : vector<16xf32>
      %swap3A_650 = arith.index_cast %scan3A_164 : i32 to index
      %swap3A_651 = arith.constant 640 : index
      %swap3A_652 = tpu.vector_load %arg8[%swap3A_650, %swap3A_651] {strides = array<i32>} : memref<32x768xf32, #tpu.memory_space<vmem>>, vector<1x16xf32>,
      %swap3A_653 = vector.shape_cast %swap3A_652 : vector<1x16xf32> to vector<16xf32>
      %swap3A_654 = vector.shape_cast %mul3A_649 : vector<16xf32> to vector<1x16xf32>
      tpu.vector_store %arg8[%swap3A_650, %swap3A_651], %swap3A_654 {strides = array<i32>} : memref<32x768xf32, #tpu.memory_space<vmem>>, vector<1x16xf32>,
      %get3A_655 = arith.index_cast %scan3A_164 : i32 to index
      %get3A_656 = arith.constant 656 : index
      %get3A_657 = tpu.vector_load %arg6[%get3A_655, %get3A_656] {strides = array<i32>} : memref<32x768xf32, #tpu.memory_space<vmem>>, vector<1x16xf32>,
      %get3A_658 = vector.shape_cast %get3A_657 : vector<1x16xf32> to vector<16xf32>
      %mul3A_659 = arith.constant 27.7128124 : f32
      %mul3A_660 = vector.broadcast %mul3A_659 : f32 to vector<16xf32>
      %mul3A_661 = arith.mulf %get3A_658, %mul3A_660 : vector<16xf32>
      %swap3A_662 = arith.index_cast %scan3A_164 : i32 to index
      %swap3A_663 = arith.constant 656 : index
      %swap3A_664 = tpu.vector_load %arg8[%swap3A_662, %swap3A_663] {strides = array<i32>} : memref<32x768xf32, #tpu.memory_space<vmem>>, vector<1x16xf32>,
      %swap3A_665 = vector.shape_cast %swap3A_664 : vector<1x16xf32> to vector<16xf32>
      %swap3A_666 = vector.shape_cast %mul3A_661 : vector<16xf32> to vector<1x16xf32>
      tpu.vector_store %arg8[%swap3A_662, %swap3A_663], %swap3A_666 {strides = array<i32>} : memref<32x768xf32, #tpu.memory_space<vmem>>, vector<1x16xf32>,
      %get3A_667 = arith.index_cast %scan3A_164 : i32 to index
      %get3A_668 = arith.constant 672 : index
      %get3A_669 = tpu.vector_load %arg6[%get3A_667, %get3A_668] {strides = array<i32>} : memref<32x768xf32, #tpu.memory_space<vmem>>, vector<1x16xf32>,
      %get3A_670 = vector.shape_cast %get3A_669 : vector<1x16xf32> to vector<16xf32>
      %mul3A_671 = arith.constant 27.7128124 : f32
      %mul3A_672 = vector.broadcast %mul3A_671 : f32 to vector<16xf32>
      %mul3A_673 = arith.mulf %get3A_670, %mul3A_672 : vector<16xf32>
      %swap3A_674 = arith.index_cast %scan3A_164 : i32 to index
      %swap3A_675 = arith.constant 672 : index
      %swap3A_676 = tpu.vector_load %arg8[%swap3A_674, %swap3A_675] {strides = array<i32>} : memref<32x768xf32, #tpu.memory_space<vmem>>, vector<1x16xf32>,
      %swap3A_677 = vector.shape_cast %swap3A_676 : vector<1x16xf32> to vector<16xf32>
      %swap3A_678 = vector.shape_cast %mul3A_673 : vector<16xf32> to vector<1x16xf32>
      tpu.vector_store %arg8[%swap3A_674, %swap3A_675], %swap3A_678 {strides = array<i32>} : memref<32x768xf32, #tpu.memory_space<vmem>>, vector<1x16xf32>,
      %get3A_679 = arith.index_cast %scan3A_164 : i32 to index
      %get3A_680 = arith.constant 688 : index
      %get3A_681 = tpu.vector_load %arg6[%get3A_679, %get3A_680] {strides = array<i32>} : memref<32x768xf32, #tpu.memory_space<vmem>>, vector<1x16xf32>,
      %get3A_682 = vector.shape_cast %get3A_681 : vector<1x16xf32> to vector<16xf32>
      %mul3A_683 = arith.constant 27.7128124 : f32
      %mul3A_684 = vector.broadcast %mul3A_683 : f32 to vector<16xf32>
      %mul3A_685 = arith.mulf %get3A_682, %mul3A_684 : vector<16xf32>
      %swap3A_686 = arith.index_cast %scan3A_164 : i32 to index
      %swap3A_687 = arith.constant 688 : index
      %swap3A_688 = tpu.vector_load %arg8[%swap3A_686, %swap3A_687] {strides = array<i32>} : memref<32x768xf32, #tpu.memory_space<vmem>>, vector<1x16xf32>,
      %swap3A_689 = vector.shape_cast %swap3A_688 : vector<1x16xf32> to vector<16xf32>
      %swap3A_690 = vector.shape_cast %mul3A_685 : vector<16xf32> to vector<1x16xf32>
      tpu.vector_store %arg8[%swap3A_686, %swap3A_687], %swap3A_690 {strides = array<i32>} : memref<32x768xf32, #tpu.memory_space<vmem>>, vector<1x16xf32>,
      %get3A_691 = arith.index_cast %scan3A_164 : i32 to index
      %get3A_692 = arith.constant 704 : index
      %get3A_693 = tpu.vector_load %arg6[%get3A_691, %get3A_692] {strides = array<i32>} : memref<32x768xf32, #tpu.memory_space<vmem>>, vector<1x16xf32>,
      %get3A_694 = vector.shape_cast %get3A_693 : vector<1x16xf32> to vector<16xf32>
      %mul3A_695 = arith.constant 27.7128124 : f32
      %mul3A_696 = vector.broadcast %mul3A_695 : f32 to vector<16xf32>
      %mul3A_697 = arith.mulf %get3A_694, %mul3A_696 : vector<16xf32>
      %swap3A_698 = arith.index_cast %scan3A_164 : i32 to index
      %swap3A_699 = arith.constant 704 : index
      %swap3A_700 = tpu.vector_load %arg8[%swap3A_698, %swap3A_699] {strides = array<i32>} : memref<32x768xf32, #tpu.memory_space<vmem>>, vector<1x16xf32>,
      %swap3A_701 = vector.shape_cast %swap3A_700 : vector<1x16xf32> to vector<16xf32>
      %swap3A_702 = vector.shape_cast %mul3A_697 : vector<16xf32> to vector<1x16xf32>
      tpu.vector_store %arg8[%swap3A_698, %swap3A_699], %swap3A_702 {strides = array<i32>} : memref<32x768xf32, #tpu.memory_space<vmem>>, vector<1x16xf32>,
      %get3A_703 = arith.index_cast %scan3A_164 : i32 to index
      %get3A_704 = arith.constant 720 : index
      %get3A_705 = tpu.vector_load %arg6[%get3A_703, %get3A_704] {strides = array<i32>} : memref<32x768xf32, #tpu.memory_space<vmem>>, vector<1x16xf32>,
      %get3A_706 = vector.shape_cast %get3A_705 : vector<1x16xf32> to vector<16xf32>
      %mul3A_707 = arith.constant 27.7128124 : f32
      %mul3A_708 = vector.broadcast %mul3A_707 : f32 to vector<16xf32>
      %mul3A_709 = arith.mulf %get3A_706, %mul3A_708 : vector<16xf32>
      %swap3A_710 = arith.index_cast %scan3A_164 : i32 to index
      %swap3A_711 = arith.constant 720 : index
      %swap3A_712 = tpu.vector_load %arg8[%swap3A_710, %swap3A_711] {strides = array<i32>} : memref<32x768xf32, #tpu.memory_space<vmem>>, vector<1x16xf32>,
      %swap3A_713 = vector.shape_cast %swap3A_712 : vector<1x16xf32> to vector<16xf32>
      %swap3A_714 = vector.shape_cast %mul3A_709 : vector<16xf32> to vector<1x16xf32>
      tpu.vector_store %arg8[%swap3A_710, %swap3A_711], %swap3A_714 {strides = array<i32>} : memref<32x768xf32, #tpu.memory_space<vmem>>, vector<1x16xf32>,
      %get3A_715 = arith.index_cast %scan3A_164 : i32 to index
      %get3A_716 = arith.constant 736 : index
      %get3A_717 = tpu.vector_load %arg6[%get3A_715, %get3A_716] {strides = array<i32>} : memref<32x768xf32, #tpu.memory_space<vmem>>, vector<1x16xf32>,
      %get3A_718 = vector.shape_cast %get3A_717 : vector<1x16xf32> to vector<16xf32>
      %mul3A_719 = arith.constant 27.7128124 : f32
      %mul3A_720 = vector.broadcast %mul3A_719 : f32 to vector<16xf32>
      %mul3A_721 = arith.mulf %get3A_718, %mul3A_720 : vector<16xf32>
      %swap3A_722 = arith.index_cast %scan3A_164 : i32 to index
      %swap3A_723 = arith.constant 736 : index
      %swap3A_724 = tpu.vector_load %arg8[%swap3A_722, %swap3A_723] {strides = array<i32>} : memref<32x768xf32, #tpu.memory_space<vmem>>, vector<1x16xf32>,
      %swap3A_725 = vector.shape_cast %swap3A_724 : vector<1x16xf32> to vector<16xf32>
      %swap3A_726 = vector.shape_cast %mul3A_721 : vector<16xf32> to vector<1x16xf32>
      tpu.vector_store %arg8[%swap3A_722, %swap3A_723], %swap3A_726 {strides = array<i32>} : memref<32x768xf32, #tpu.memory_space<vmem>>, vector<1x16xf32>,
      %get3A_727 = arith.index_cast %scan3A_164 : i32 to index
      %get3A_728 = arith.constant 752 : index
      %get3A_729 = tpu.vector_load %arg6[%get3A_727, %get3A_728] {strides = array<i32>} : memref<32x768xf32, #tpu.memory_space<vmem>>, vector<1x16xf32>,
      %get3A_730 = vector.shape_cast %get3A_729 : vector<1x16xf32> to vector<16xf32>
      %mul3A_731 = arith.constant 27.7128124 : f32
      %mul3A_732 = vector.broadcast %mul3A_731 : f32 to vector<16xf32>
      %mul3A_733 = arith.mulf %get3A_730, %mul3A_732 : vector<16xf32>
      %swap3A_734 = arith.index_cast %scan3A_164 : i32 to index
      %swap3A_735 = arith.constant 752 : index
      %swap3A_736 = tpu.vector_load %arg8[%swap3A_734, %swap3A_735] {strides = array<i32>} : memref<32x768xf32, #tpu.memory_space<vmem>>, vector<1x16xf32>,
      %swap3A_737 = vector.shape_cast %swap3A_736 : vector<1x16xf32> to vector<16xf32>
      %swap3A_738 = vector.shape_cast %mul3A_733 : vector<16xf32> to vector<1x16xf32>
      tpu.vector_store %arg8[%swap3A_734, %swap3A_735], %swap3A_738 {strides = array<i32>} : memref<32x768xf32, #tpu.memory_space<vmem>>, vector<1x16xf32>,
    }
    %scan3A_50 = arith.constant 32 : i32
    %add3A_51 = arith.constant 0 : i32
    %add3A_52 = arith.addi %mul3A_32, %add3A_51 : i32
    %dma_start3A_53 = arith.constant 0 : i32
    %dma_start3A_54 = tpu.memref_slice %arg4[%select_n3A, %add3A_52, %dma_start3A_53] : memref<4x8192x768xf32, #tpu.memory_space<hbm>> -> memref<1x32x768xf32, #tpu.memory_space<hbm>>
    %dma_start3A_55 = tpu.memref_squeeze %dma_start3A_54 : memref<1x32x768xf32, #tpu.memory_space<hbm>> -> memref<32x768xf32, #tpu.memory_space<hbm>>
    %dma_start3A_56 = arith.constant 0 : i32
    %dma_start3A_57 = tpu.memref_slice %arg4[%select_n3A, %add3A_52, %dma_start3A_56] : memref<4x8192x768xf32, #tpu.memory_space<hbm>> -> memref<1x32x768xf32, #tpu.memory_space<hbm>>
    %dma_start3A_58 = tpu.memref_squeeze %dma_start3A_57 : memref<1x32x768xf32, #tpu.memory_space<hbm>> -> memref<32x768xf32, #tpu.memory_space<hbm>>
    tpu.enqueue_dma source(%arg8 : memref<32x768xf32, #tpu.memory_space<vmem>>) target(%dma_start3A_58 : memref<32x768xf32, #tpu.memory_space<hbm>>) target_semaphore(%arg12 : memref<!tpu.dma_semaphore, #tpu.memory_space<semaphore_mem>>)
    %dma_start3A_59 = arith.constant 64 : i32
    %dma_start3A_60 = tpu.memref_slice %arg5[%dma_start3A_59] : memref<1024xi32, #tpu.memory_space<vmem>> -> memref<32xi32, #tpu.memory_space<vmem>>
    %dma_start3A_61 = arith.constant 0 : i32
    %dma_start3A_62 = arith.constant 0 : i32
    %dma_start3A_63 = tpu.memref_slice %arg3[%dma_start3A_61, %dma_start3A_62] : memref<100000x768xf32, #tpu.memory_space<hbm>> -> memref<100000x768xf32, #tpu.memory_space<hbm>>
    tpu.enqueue_indirect_dma source(%dma_start3A_63 : memref<100000x768xf32, #tpu.memory_space<hbm>>) target(%arg6 : memref<32x768xf32, #tpu.memory_space<vmem>>) offsets(%dma_start3A_60 : memref<32xi32, #tpu.memory_space<vmem>>) semaphore(%arg10 : memref<!tpu.dma_semaphore, #tpu.memory_space<semaphore_mem>>)
    %dma_wait3A_64 = arith.constant 32 : i32
    %dma_wait3A_65 = tpu.memref_slice %arg5[%dma_wait3A_64] : memref<1024xi32, #tpu.memory_space<vmem>> -> memref<32xi32, #tpu.memory_space<vmem>>
    %dma_wait3A_66 = arith.constant 0 : i32
    %dma_wait3A_67 = arith.constant 0 : i32
    %dma_wait3A_68 = tpu.memref_slice %arg3[%dma_wait3A_66, %dma_wait3A_67] : memref<100000x768xf32, #tpu.memory_space<hbm>> -> memref<100000x768xf32, #tpu.memory_space<hbm>>
    tpu.wait_indirect_dma semaphore(%arg11 : memref<!tpu.dma_semaphore, #tpu.memory_space<semaphore_mem>>) src(%dma_wait3A_68 : memref<100000x768xf32, #tpu.memory_space<hbm>>) dst(%arg7 : memref<32x768xf32, #tpu.memory_space<vmem>>)
    %scan3A_69 = arith.constant 0 : i32
    %scan3A_70 = arith.constant 0 : i32
    %scan3A_71 = arith.constant 32 : i32
    %scan3A_72 = arith.addi %scan3A_70, %scan3A_71 : i32
    %scan3A_73 = arith.constant 1 : i32
    scf.for %scan3A_164 = %scan3A_70 to %scan3A_72 step %scan3A_73  : i32 {
      %get3A = arith.index_cast %scan3A_164 : i32 to index
      %get3A_165 = arith.constant 0 : index
      %get3A_166 = tpu.vector_load %arg7[%get3A, %get3A_165] {strides = array<i32>} : memref<32x768xf32, #tpu.memory_space<vmem>>, vector<1x16xf32>,
      %get3A_167 = vector.shape_cast %get3A_166 : vector<1x16xf32> to vector<16xf32>
      %mul3A_168 = arith.constant 27.7128124 : f32
      %mul3A_169 = vector.broadcast %mul3A_168 : f32 to vector<16xf32>
      %mul3A_170 = arith.mulf %get3A_167, %mul3A_169 : vector<16xf32>
      %swap3A = arith.index_cast %scan3A_164 : i32 to index
      %swap3A_171 = arith.constant 0 : index
      %swap3A_172 = tpu.vector_load %arg9[%swap3A, %swap3A_171] {strides = array<i32>} : memref<32x768xf32, #tpu.memory_space<vmem>>, vector<1x16xf32>,
      %swap3A_173 = vector.shape_cast %swap3A_172 : vector<1x16xf32> to vector<16xf32>
      %swap3A_174 = vector.shape_cast %mul3A_170 : vector<16xf32> to vector<1x16xf32>
      tpu.vector_store %arg9[%swap3A, %swap3A_171], %swap3A_174 {strides = array<i32>} : memref<32x768xf32, #tpu.memory_space<vmem>>, vector<1x16xf32>,
      %get3A_175 = arith.index_cast %scan3A_164 : i32 to index
      %get3A_176 = arith.constant 16 : index
      %get3A_177 = tpu.vector_load %arg7[%get3A_175, %get3A_176] {strides = array<i32>} : memref<32x768xf32, #tpu.memory_space<vmem>>, vector<1x16xf32>,
      %get3A_178 = vector.shape_cast %get3A_177 : vector<1x16xf32> to vector<16xf32>
      %mul3A_179 = arith.constant 27.7128124 : f32
      %mul3A_180 = vector.broadcast %mul3A_179 : f32 to vector<16xf32>
      %mul3A_181 = arith.mulf %get3A_178, %mul3A_180 : vector<16xf32>
      %swap3A_182 = arith.index_cast %scan3A_164 : i32 to index
      %swap3A_183 = arith.constant 16 : index
      %swap3A_184 = tpu.vector_load %arg9[%swap3A_182, %swap3A_183] {strides = array<i32>} : memref<32x768xf32, #tpu.memory_space<vmem>>, vector<1x16xf32>,
      %swap3A_185 = vector.shape_cast %swap3A_184 : vector<1x16xf32> to vector<16xf32>
      %swap3A_186 = vector.shape_cast %mul3A_181 : vector<16xf32> to vector<1x16xf32>
      tpu.vector_store %arg9[%swap3A_182, %swap3A_183], %swap3A_186 {strides = array<i32>} : memref<32x768xf32, #tpu.memory_space<vmem>>, vector<1x16xf32>,
      %get3A_187 = arith.index_cast %scan3A_164 : i32 to index
      %get3A_188 = arith.constant 32 : index
      %get3A_189 = tpu.vector_load %arg7[%get3A_187, %get3A_188] {strides = array<i32>} : memref<32x768xf32, #tpu.memory_space<vmem>>, vector<1x16xf32>,
      %get3A_190 = vector.shape_cast %get3A_189 : vector<1x16xf32> to vector<16xf32>
      %mul3A_191 = arith.constant 27.7128124 : f32
      %mul3A_192 = vector.broadcast %mul3A_191 : f32 to vector<16xf32>
      %mul3A_193 = arith.mulf %get3A_190, %mul3A_192 : vector<16xf32>
      %swap3A_194 = arith.index_cast %scan3A_164 : i32 to index
      %swap3A_195 = arith.constant 32 : index
      %swap3A_196 = tpu.vector_load %arg9[%swap3A_194, %swap3A_195] {strides = array<i32>} : memref<32x768xf32, #tpu.memory_space<vmem>>, vector<1x16xf32>,
      %swap3A_197 = vector.shape_cast %swap3A_196 : vector<1x16xf32> to vector<16xf32>
      %swap3A_198 = vector.shape_cast %mul3A_193 : vector<16xf32> to vector<1x16xf32>
      tpu.vector_store %arg9[%swap3A_194, %swap3A_195], %swap3A_198 {strides = array<i32>} : memref<32x768xf32, #tpu.memory_space<vmem>>, vector<1x16xf32>,
      %get3A_199 = arith.index_cast %scan3A_164 : i32 to index
      %get3A_200 = arith.constant 48 : index
      %get3A_201 = tpu.vector_load %arg7[%get3A_199, %get3A_200] {strides = array<i32>} : memref<32x768xf32, #tpu.memory_space<vmem>>, vector<1x16xf32>,
      %get3A_202 = vector.shape_cast %get3A_201 : vector<1x16xf32> to vector<16xf32>
      %mul3A_203 = arith.constant 27.7128124 : f32
      %mul3A_204 = vector.broadcast %mul3A_203 : f32 to vector<16xf32>
      %mul3A_205 = arith.mulf %get3A_202, %mul3A_204 : vector<16xf32>
      %swap3A_206 = arith.index_cast %scan3A_164 : i32 to index
      %swap3A_207 = arith.constant 48 : index
      %swap3A_208 = tpu.vector_load %arg9[%swap3A_206, %swap3A_207] {strides = array<i32>} : memref<32x768xf32, #tpu.memory_space<vmem>>, vector<1x16xf32>,
      %swap3A_209 = vector.shape_cast %swap3A_208 : vector<1x16xf32> to vector<16xf32>
      %swap3A_210 = vector.shape_cast %mul3A_205 : vector<16xf32> to vector<1x16xf32>
      tpu.vector_store %arg9[%swap3A_206, %swap3A_207], %swap3A_210 {strides = array<i32>} : memref<32x768xf32, #tpu.memory_space<vmem>>, vector<1x16xf32>,
      %get3A_211 = arith.index_cast %scan3A_164 : i32 to index
      %get3A_212 = arith.constant 64 : index
      %get3A_213 = tpu.vector_load %arg7[%get3A_211, %get3A_212] {strides = array<i32>} : memref<32x768xf32, #tpu.memory_space<vmem>>, vector<1x16xf32>,
      %get3A_214 = vector.shape_cast %get3A_213 : vector<1x16xf32> to vector<16xf32>
      %mul3A_215 = arith.constant 27.7128124 : f32
      %mul3A_216 = vector.broadcast %mul3A_215 : f32 to vector<16xf32>
      %mul3A_217 = arith.mulf %get3A_214, %mul3A_216 : vector<16xf32>
      %swap3A_218 = arith.index_cast %scan3A_164 : i32 to index
      %swap3A_219 = arith.constant 64 : index
      %swap3A_220 = tpu.vector_load %arg9[%swap3A_218, %swap3A_219] {strides = array<i32>} : memref<32x768xf32, #tpu.memory_space<vmem>>, vector<1x16xf32>,
      %swap3A_221 = vector.shape_cast %swap3A_220 : vector<1x16xf32> to vector<16xf32>
      %swap3A_222 = vector.shape_cast %mul3A_217 : vector<16xf32> to vector<1x16xf32>
      tpu.vector_store %arg9[%swap3A_218, %swap3A_219], %swap3A_222 {strides = array<i32>} : memref<32x768xf32, #tpu.memory_space<vmem>>, vector<1x16xf32>,
      %get3A_223 = arith.index_cast %scan3A_164 : i32 to index
      %get3A_224 = arith.constant 80 : index
      %get3A_225 = tpu.vector_load %arg7[%get3A_223, %get3A_224] {strides = array<i32>} : memref<32x768xf32, #tpu.memory_space<vmem>>, vector<1x16xf32>,
      %get3A_226 = vector.shape_cast %get3A_225 : vector<1x16xf32> to vector<16xf32>
      %mul3A_227 = arith.constant 27.7128124 : f32
      %mul3A_228 = vector.broadcast %mul3A_227 : f32 to vector<16xf32>
      %mul3A_229 = arith.mulf %get3A_226, %mul3A_228 : vector<16xf32>
      %swap3A_230 = arith.index_cast %scan3A_164 : i32 to index
      %swap3A_231 = arith.constant 80 : index
      %swap3A_232 = tpu.vector_load %arg9[%swap3A_230, %swap3A_231] {strides = array<i32>} : memref<32x768xf32, #tpu.memory_space<vmem>>, vector<1x16xf32>,
      %swap3A_233 = vector.shape_cast %swap3A_232 : vector<1x16xf32> to vector<16xf32>
      %swap3A_234 = vector.shape_cast %mul3A_229 : vector<16xf32> to vector<1x16xf32>
      tpu.vector_store %arg9[%swap3A_230, %swap3A_231], %swap3A_234 {strides = array<i32>} : memref<32x768xf32, #tpu.memory_space<vmem>>, vector<1x16xf32>,
      %get3A_235 = arith.index_cast %scan3A_164 : i32 to index
      %get3A_236 = arith.constant 96 : index
      %get3A_237 = tpu.vector_load %arg7[%get3A_235, %get3A_236] {strides = array<i32>} : memref<32x768xf32, #tpu.memory_space<vmem>>, vector<1x16xf32>,
      %get3A_238 = vector.shape_cast %get3A_237 : vector<1x16xf32> to vector<16xf32>
      %mul3A_239 = arith.constant 27.7128124 : f32
      %mul3A_240 = vector.broadcast %mul3A_239 : f32 to vector<16xf32>
      %mul3A_241 = arith.mulf %get3A_238, %mul3A_240 : vector<16xf32>
      %swap3A_242 = arith.index_cast %scan3A_164 : i32 to index
      %swap3A_243 = arith.constant 96 : index
      %swap3A_244 = tpu.vector_load %arg9[%swap3A_242, %swap3A_243] {strides = array<i32>} : memref<32x768xf32, #tpu.memory_space<vmem>>, vector<1x16xf32>,
      %swap3A_245 = vector.shape_cast %swap3A_244 : vector<1x16xf32> to vector<16xf32>
      %swap3A_246 = vector.shape_cast %mul3A_241 : vector<16xf32> to vector<1x16xf32>
      tpu.vector_store %arg9[%swap3A_242, %swap3A_243], %swap3A_246 {strides = array<i32>} : memref<32x768xf32, #tpu.memory_space<vmem>>, vector<1x16xf32>,
      %get3A_247 = arith.index_cast %scan3A_164 : i32 to index
      %get3A_248 = arith.constant 112 : index
      %get3A_249 = tpu.vector_load %arg7[%get3A_247, %get3A_248] {strides = array<i32>} : memref<32x768xf32, #tpu.memory_space<vmem>>, vector<1x16xf32>,
      %get3A_250 = vector.shape_cast %get3A_249 : vector<1x16xf32> to vector<16xf32>
      %mul3A_251 = arith.constant 27.7128124 : f32
      %mul3A_252 = vector.broadcast %mul3A_251 : f32 to vector<16xf32>
      %mul3A_253 = arith.mulf %get3A_250, %mul3A_252 : vector<16xf32>
      %swap3A_254 = arith.index_cast %scan3A_164 : i32 to index
      %swap3A_255 = arith.constant 112 : index
      %swap3A_256 = tpu.vector_load %arg9[%swap3A_254, %swap3A_255] {strides = array<i32>} : memref<32x768xf32, #tpu.memory_space<vmem>>, vector<1x16xf32>,
      %swap3A_257 = vector.shape_cast %swap3A_256 : vector<1x16xf32> to vector<16xf32>
      %swap3A_258 = vector.shape_cast %mul3A_253 : vector<16xf32> to vector<1x16xf32>
      tpu.vector_store %arg9[%swap3A_254, %swap3A_255], %swap3A_258 {strides = array<i32>} : memref<32x768xf32, #tpu.memory_space<vmem>>, vector<1x16xf32>,
      %get3A_259 = arith.index_cast %scan3A_164 : i32 to index
      %get3A_260 = arith.constant 128 : index
      %get3A_261 = tpu.vector_load %arg7[%get3A_259, %get3A_260] {strides = array<i32>} : memref<32x768xf32, #tpu.memory_space<vmem>>, vector<1x16xf32>,
      %get3A_262 = vector.shape_cast %get3A_261 : vector<1x16xf32> to vector<16xf32>
      %mul3A_263 = arith.constant 27.7128124 : f32
      %mul3A_264 = vector.broadcast %mul3A_263 : f32 to vector<16xf32>
      %mul3A_265 = arith.mulf %get3A_262, %mul3A_264 : vector<16xf32>
      %swap3A_266 = arith.index_cast %scan3A_164 : i32 to index
      %swap3A_267 = arith.constant 128 : index
      %swap3A_268 = tpu.vector_load %arg9[%swap3A_266, %swap3A_267] {strides = array<i32>} : memref<32x768xf32, #tpu.memory_space<vmem>>, vector<1x16xf32>,
      %swap3A_269 = vector.shape_cast %swap3A_268 : vector<1x16xf32> to vector<16xf32>
      %swap3A_270 = vector.shape_cast %mul3A_265 : vector<16xf32> to vector<1x16xf32>
      tpu.vector_store %arg9[%swap3A_266, %swap3A_267], %swap3A_270 {strides = array<i32>} : memref<32x768xf32, #tpu.memory_space<vmem>>, vector<1x16xf32>,
      %get3A_271 = arith.index_cast %scan3A_164 : i32 to index
      %get3A_272 = arith.constant 144 : index
      %get3A_273 = tpu.vector_load %arg7[%get3A_271, %get3A_272] {strides = array<i32>} : memref<32x768xf32, #tpu.memory_space<vmem>>, vector<1x16xf32>,
      %get3A_274 = vector.shape_cast %get3A_273 : vector<1x16xf32> to vector<16xf32>
      %mul3A_275 = arith.constant 27.7128124 : f32
      %mul3A_276 = vector.broadcast %mul3A_275 : f32 to vector<16xf32>
      %mul3A_277 = arith.mulf %get3A_274, %mul3A_276 : vector<16xf32>
      %swap3A_278 = arith.index_cast %scan3A_164 : i32 to index
      %swap3A_279 = arith.constant 144 : index
      %swap3A_280 = tpu.vector_load %arg9[%swap3A_278, %swap3A_279] {strides = array<i32>} : memref<32x768xf32, #tpu.memory_space<vmem>>, vector<1x16xf32>,
      %swap3A_281 = vector.shape_cast %swap3A_280 : vector<1x16xf32> to vector<16xf32>
      %swap3A_282 = vector.shape_cast %mul3A_277 : vector<16xf32> to vector<1x16xf32>
      tpu.vector_store %arg9[%swap3A_278, %swap3A_279], %swap3A_282 {strides = array<i32>} : memref<32x768xf32, #tpu.memory_space<vmem>>, vector<1x16xf32>,
      %get3A_283 = arith.index_cast %scan3A_164 : i32 to index
      %get3A_284 = arith.constant 160 : index
      %get3A_285 = tpu.vector_load %arg7[%get3A_283, %get3A_284] {strides = array<i32>} : memref<32x768xf32, #tpu.memory_space<vmem>>, vector<1x16xf32>,
      %get3A_286 = vector.shape_cast %get3A_285 : vector<1x16xf32> to vector<16xf32>
      %mul3A_287 = arith.constant 27.7128124 : f32
      %mul3A_288 = vector.broadcast %mul3A_287 : f32 to vector<16xf32>
      %mul3A_289 = arith.mulf %get3A_286, %mul3A_288 : vector<16xf32>
      %swap3A_290 = arith.index_cast %scan3A_164 : i32 to index
      %swap3A_291 = arith.constant 160 : index
      %swap3A_292 = tpu.vector_load %arg9[%swap3A_290, %swap3A_291] {strides = array<i32>} : memref<32x768xf32, #tpu.memory_space<vmem>>, vector<1x16xf32>,
      %swap3A_293 = vector.shape_cast %swap3A_292 : vector<1x16xf32> to vector<16xf32>
      %swap3A_294 = vector.shape_cast %mul3A_289 : vector<16xf32> to vector<1x16xf32>
      tpu.vector_store %arg9[%swap3A_290, %swap3A_291], %swap3A_294 {strides = array<i32>} : memref<32x768xf32, #tpu.memory_space<vmem>>, vector<1x16xf32>,
      %get3A_295 = arith.index_cast %scan3A_164 : i32 to index
      %get3A_296 = arith.constant 176 : index
      %get3A_297 = tpu.vector_load %arg7[%get3A_295, %get3A_296] {strides = array<i32>} : memref<32x768xf32, #tpu.memory_space<vmem>>, vector<1x16xf32>,
      %get3A_298 = vector.shape_cast %get3A_297 : vector<1x16xf32> to vector<16xf32>
      %mul3A_299 = arith.constant 27.7128124 : f32
      %mul3A_300 = vector.broadcast %mul3A_299 : f32 to vector<16xf32>
      %mul3A_301 = arith.mulf %get3A_298, %mul3A_300 : vector<16xf32>
      %swap3A_302 = arith.index_cast %scan3A_164 : i32 to index
      %swap3A_303 = arith.constant 176 : index
      %swap3A_304 = tpu.vector_load %arg9[%swap3A_302, %swap3A_303] {strides = array<i32>} : memref<32x768xf32, #tpu.memory_space<vmem>>, vector<1x16xf32>,
      %swap3A_305 = vector.shape_cast %swap3A_304 : vector<1x16xf32> to vector<16xf32>
      %swap3A_306 = vector.shape_cast %mul3A_301 : vector<16xf32> to vector<1x16xf32>
      tpu.vector_store %arg9[%swap3A_302, %swap3A_303], %swap3A_306 {strides = array<i32>} : memref<32x768xf32, #tpu.memory_space<vmem>>, vector<1x16xf32>,
      %get3A_307 = arith.index_cast %scan3A_164 : i32 to index
      %get3A_308 = arith.constant 192 : index
      %get3A_309 = tpu.vector_load %arg7[%get3A_307, %get3A_308] {strides = array<i32>} : memref<32x768xf32, #tpu.memory_space<vmem>>, vector<1x16xf32>,
      %get3A_310 = vector.shape_cast %get3A_309 : vector<1x16xf32> to vector<16xf32>
      %mul3A_311 = arith.constant 27.7128124 : f32
      %mul3A_312 = vector.broadcast %mul3A_311 : f32 to vector<16xf32>
      %mul3A_313 = arith.mulf %get3A_310, %mul3A_312 : vector<16xf32>
      %swap3A_314 = arith.index_cast %scan3A_164 : i32 to index
      %swap3A_315 = arith.constant 192 : index
      %swap3A_316 = tpu.vector_load %arg9[%swap3A_314, %swap3A_315] {strides = array<i32>} : memref<32x768xf32, #tpu.memory_space<vmem>>, vector<1x16xf32>,
      %swap3A_317 = vector.shape_cast %swap3A_316 : vector<1x16xf32> to vector<16xf32>
      %swap3A_318 = vector.shape_cast %mul3A_313 : vector<16xf32> to vector<1x16xf32>
      tpu.vector_store %arg9[%swap3A_314, %swap3A_315], %swap3A_318 {strides = array<i32>} : memref<32x768xf32, #tpu.memory_space<vmem>>, vector<1x16xf32>,
      %get3A_319 = arith.index_cast %scan3A_164 : i32 to index
      %get3A_320 = arith.constant 208 : index
      %get3A_321 = tpu.vector_load %arg7[%get3A_319, %get3A_320] {strides = array<i32>} : memref<32x768xf32, #tpu.memory_space<vmem>>, vector<1x16xf32>,
      %get3A_322 = vector.shape_cast %get3A_321 : vector<1x16xf32> to vector<16xf32>
      %mul3A_323 = arith.constant 27.7128124 : f32
      %mul3A_324 = vector.broadcast %mul3A_323 : f32 to vector<16xf32>
      %mul3A_325 = arith.mulf %get3A_322, %mul3A_324 : vector<16xf32>
      %swap3A_326 = arith.index_cast %scan3A_164 : i32 to index
      %swap3A_327 = arith.constant 208 : index
      %swap3A_328 = tpu.vector_load %arg9[%swap3A_326, %swap3A_327] {strides = array<i32>} : memref<32x768xf32, #tpu.memory_space<vmem>>, vector<1x16xf32>,
      %swap3A_329 = vector.shape_cast %swap3A_328 : vector<1x16xf32> to vector<16xf32>
      %swap3A_330 = vector.shape_cast %mul3A_325 : vector<16xf32> to vector<1x16xf32>
      tpu.vector_store %arg9[%swap3A_326, %swap3A_327], %swap3A_330 {strides = array<i32>} : memref<32x768xf32, #tpu.memory_space<vmem>>, vector<1x16xf32>,
      %get3A_331 = arith.index_cast %scan3A_164 : i32 to index
      %get3A_332 = arith.constant 224 : index
      %get3A_333 = tpu.vector_load %arg7[%get3A_331, %get3A_332] {strides = array<i32>} : memref<32x768xf32, #tpu.memory_space<vmem>>, vector<1x16xf32>,
      %get3A_334 = vector.shape_cast %get3A_333 : vector<1x16xf32> to vector<16xf32>
      %mul3A_335 = arith.constant 27.7128124 : f32
      %mul3A_336 = vector.broadcast %mul3A_335 : f32 to vector<16xf32>
      %mul3A_337 = arith.mulf %get3A_334, %mul3A_336 : vector<16xf32>
      %swap3A_338 = arith.index_cast %scan3A_164 : i32 to index
      %swap3A_339 = arith.constant 224 : index
      %swap3A_340 = tpu.vector_load %arg9[%swap3A_338, %swap3A_339] {strides = array<i32>} : memref<32x768xf32, #tpu.memory_space<vmem>>, vector<1x16xf32>,
      %swap3A_341 = vector.shape_cast %swap3A_340 : vector<1x16xf32> to vector<16xf32>
      %swap3A_342 = vector.shape_cast %mul3A_337 : vector<16xf32> to vector<1x16xf32>
      tpu.vector_store %arg9[%swap3A_338, %swap3A_339], %swap3A_342 {strides = array<i32>} : memref<32x768xf32, #tpu.memory_space<vmem>>, vector<1x16xf32>,
      %get3A_343 = arith.index_cast %scan3A_164 : i32 to index
      %get3A_344 = arith.constant 240 : index
      %get3A_345 = tpu.vector_load %arg7[%get3A_343, %get3A_344] {strides = array<i32>} : memref<32x768xf32, #tpu.memory_space<vmem>>, vector<1x16xf32>,
      %get3A_346 = vector.shape_cast %get3A_345 : vector<1x16xf32> to vector<16xf32>
      %mul3A_347 = arith.constant 27.7128124 : f32
      %mul3A_348 = vector.broadcast %mul3A_347 : f32 to vector<16xf32>
      %mul3A_349 = arith.mulf %get3A_346, %mul3A_348 : vector<16xf32>
      %swap3A_350 = arith.index_cast %scan3A_164 : i32 to index
      %swap3A_351 = arith.constant 240 : index
      %swap3A_352 = tpu.vector_load %arg9[%swap3A_350, %swap3A_351] {strides = array<i32>} : memref<32x768xf32, #tpu.memory_space<vmem>>, vector<1x16xf32>,
      %swap3A_353 = vector.shape_cast %swap3A_352 : vector<1x16xf32> to vector<16xf32>
      %swap3A_354 = vector.shape_cast %mul3A_349 : vector<16xf32> to vector<1x16xf32>
      tpu.vector_store %arg9[%swap3A_350, %swap3A_351], %swap3A_354 {strides = array<i32>} : memref<32x768xf32, #tpu.memory_space<vmem>>, vector<1x16xf32>,
      %get3A_355 = arith.index_cast %scan3A_164 : i32 to index
      %get3A_356 = arith.constant 256 : index
      %get3A_357 = tpu.vector_load %arg7[%get3A_355, %get3A_356] {strides = array<i32>} : memref<32x768xf32, #tpu.memory_space<vmem>>, vector<1x16xf32>,
      %get3A_358 = vector.shape_cast %get3A_357 : vector<1x16xf32> to vector<16xf32>
      %mul3A_359 = arith.constant 27.7128124 : f32
      %mul3A_360 = vector.broadcast %mul3A_359 : f32 to vector<16xf32>
      %mul3A_361 = arith.mulf %get3A_358, %mul3A_360 : vector<16xf32>
      %swap3A_362 = arith.index_cast %scan3A_164 : i32 to index
      %swap3A_363 = arith.constant 256 : index
      %swap3A_364 = tpu.vector_load %arg9[%swap3A_362, %swap3A_363] {strides = array<i32>} : memref<32x768xf32, #tpu.memory_space<vmem>>, vector<1x16xf32>,
      %swap3A_365 = vector.shape_cast %swap3A_364 : vector<1x16xf32> to vector<16xf32>
      %swap3A_366 = vector.shape_cast %mul3A_361 : vector<16xf32> to vector<1x16xf32>
      tpu.vector_store %arg9[%swap3A_362, %swap3A_363], %swap3A_366 {strides = array<i32>} : memref<32x768xf32, #tpu.memory_space<vmem>>, vector<1x16xf32>,
      %get3A_367 = arith.index_cast %scan3A_164 : i32 to index
      %get3A_368 = arith.constant 272 : index
      %get3A_369 = tpu.vector_load %arg7[%get3A_367, %get3A_368] {strides = array<i32>} : memref<32x768xf32, #tpu.memory_space<vmem>>, vector<1x16xf32>,
      %get3A_370 = vector.shape_cast %get3A_369 : vector<1x16xf32> to vector<16xf32>
      %mul3A_371 = arith.constant 27.7128124 : f32
      %mul3A_372 = vector.broadcast %mul3A_371 : f32 to vector<16xf32>
      %mul3A_373 = arith.mulf %get3A_370, %mul3A_372 : vector<16xf32>
      %swap3A_374 = arith.index_cast %scan3A_164 : i32 to index
      %swap3A_375 = arith.constant 272 : index
      %swap3A_376 = tpu.vector_load %arg9[%swap3A_374, %swap3A_375] {strides = array<i32>} : memref<32x768xf32, #tpu.memory_space<vmem>>, vector<1x16xf32>,
      %swap3A_377 = vector.shape_cast %swap3A_376 : vector<1x16xf32> to vector<16xf32>
      %swap3A_378 = vector.shape_cast %mul3A_373 : vector<16xf32> to vector<1x16xf32>
      tpu.vector_store %arg9[%swap3A_374, %swap3A_375], %swap3A_378 {strides = array<i32>} : memref<32x768xf32, #tpu.memory_space<vmem>>, vector<1x16xf32>,
      %get3A_379 = arith.index_cast %scan3A_164 : i32 to index
      %get3A_380 = arith.constant 288 : index
      %get3A_381 = tpu.vector_load %arg7[%get3A_379, %get3A_380] {strides = array<i32>} : memref<32x768xf32, #tpu.memory_space<vmem>>, vector<1x16xf32>,
      %get3A_382 = vector.shape_cast %get3A_381 : vector<1x16xf32> to vector<16xf32>
      %mul3A_383 = arith.constant 27.7128124 : f32
      %mul3A_384 = vector.broadcast %mul3A_383 : f32 to vector<16xf32>
      %mul3A_385 = arith.mulf %get3A_382, %mul3A_384 : vector<16xf32>
      %swap3A_386 = arith.index_cast %scan3A_164 : i32 to index
      %swap3A_387 = arith.constant 288 : index
      %swap3A_388 = tpu.vector_load %arg9[%swap3A_386, %swap3A_387] {strides = array<i32>} : memref<32x768xf32, #tpu.memory_space<vmem>>, vector<1x16xf32>,
      %swap3A_389 = vector.shape_cast %swap3A_388 : vector<1x16xf32> to vector<16xf32>
      %swap3A_390 = vector.shape_cast %mul3A_385 : vector<16xf32> to vector<1x16xf32>
      tpu.vector_store %arg9[%swap3A_386, %swap3A_387], %swap3A_390 {strides = array<i32>} : memref<32x768xf32, #tpu.memory_space<vmem>>, vector<1x16xf32>,
      %get3A_391 = arith.index_cast %scan3A_164 : i32 to index
      %get3A_392 = arith.constant 304 : index
      %get3A_393 = tpu.vector_load %arg7[%get3A_391, %get3A_392] {strides = array<i32>} : memref<32x768xf32, #tpu.memory_space<vmem>>, vector<1x16xf32>,
      %get3A_394 = vector.shape_cast %get3A_393 : vector<1x16xf32> to vector<16xf32>
      %mul3A_395 = arith.constant 27.7128124 : f32
      %mul3A_396 = vector.broadcast %mul3A_395 : f32 to vector<16xf32>
      %mul3A_397 = arith.mulf %get3A_394, %mul3A_396 : vector<16xf32>
      %swap3A_398 = arith.index_cast %scan3A_164 : i32 to index
      %swap3A_399 = arith.constant 304 : index
      %swap3A_400 = tpu.vector_load %arg9[%swap3A_398, %swap3A_399] {strides = array<i32>} : memref<32x768xf32, #tpu.memory_space<vmem>>, vector<1x16xf32>,
      %swap3A_401 = vector.shape_cast %swap3A_400 : vector<1x16xf32> to vector<16xf32>
      %swap3A_402 = vector.shape_cast %mul3A_397 : vector<16xf32> to vector<1x16xf32>
      tpu.vector_store %arg9[%swap3A_398, %swap3A_399], %swap3A_402 {strides = array<i32>} : memref<32x768xf32, #tpu.memory_space<vmem>>, vector<1x16xf32>,
      %get3A_403 = arith.index_cast %scan3A_164 : i32 to index
      %get3A_404 = arith.constant 320 : index
      %get3A_405 = tpu.vector_load %arg7[%get3A_403, %get3A_404] {strides = array<i32>} : memref<32x768xf32, #tpu.memory_space<vmem>>, vector<1x16xf32>,
      %get3A_406 = vector.shape_cast %get3A_405 : vector<1x16xf32> to vector<16xf32>
      %mul3A_407 = arith.constant 27.7128124 : f32
      %mul3A_408 = vector.broadcast %mul3A_407 : f32 to vector<16xf32>
      %mul3A_409 = arith.mulf %get3A_406, %mul3A_408 : vector<16xf32>
      %swap3A_410 = arith.index_cast %scan3A_164 : i32 to index
      %swap3A_411 = arith.constant 320 : index
      %swap3A_412 = tpu.vector_load %arg9[%swap3A_410, %swap3A_411] {strides = array<i32>} : memref<32x768xf32, #tpu.memory_space<vmem>>, vector<1x16xf32>,
      %swap3A_413 = vector.shape_cast %swap3A_412 : vector<1x16xf32> to vector<16xf32>
      %swap3A_414 = vector.shape_cast %mul3A_409 : vector<16xf32> to vector<1x16xf32>
      tpu.vector_store %arg9[%swap3A_410, %swap3A_411], %swap3A_414 {strides = array<i32>} : memref<32x768xf32, #tpu.memory_space<vmem>>, vector<1x16xf32>,
      %get3A_415 = arith.index_cast %scan3A_164 : i32 to index
      %get3A_416 = arith.constant 336 : index
      %get3A_417 = tpu.vector_load %arg7[%get3A_415, %get3A_416] {strides = array<i32>} : memref<32x768xf32, #tpu.memory_space<vmem>>, vector<1x16xf32>,
      %get3A_418 = vector.shape_cast %get3A_417 : vector<1x16xf32> to vector<16xf32>
      %mul3A_419 = arith.constant 27.7128124 : f32
      %mul3A_420 = vector.broadcast %mul3A_419 : f32 to vector<16xf32>
      %mul3A_421 = arith.mulf %get3A_418, %mul3A_420 : vector<16xf32>
      %swap3A_422 = arith.index_cast %scan3A_164 : i32 to index
      %swap3A_423 = arith.constant 336 : index
      %swap3A_424 = tpu.vector_load %arg9[%swap3A_422, %swap3A_423] {strides = array<i32>} : memref<32x768xf32, #tpu.memory_space<vmem>>, vector<1x16xf32>,
      %swap3A_425 = vector.shape_cast %swap3A_424 : vector<1x16xf32> to vector<16xf32>
      %swap3A_426 = vector.shape_cast %mul3A_421 : vector<16xf32> to vector<1x16xf32>
      tpu.vector_store %arg9[%swap3A_422, %swap3A_423], %swap3A_426 {strides = array<i32>} : memref<32x768xf32, #tpu.memory_space<vmem>>, vector<1x16xf32>,
      %get3A_427 = arith.index_cast %scan3A_164 : i32 to index
      %get3A_428 = arith.constant 352 : index
      %get3A_429 = tpu.vector_load %arg7[%get3A_427, %get3A_428] {strides = array<i32>} : memref<32x768xf32, #tpu.memory_space<vmem>>, vector<1x16xf32>,
      %get3A_430 = vector.shape_cast %get3A_429 : vector<1x16xf32> to vector<16xf32>
      %mul3A_431 = arith.constant 27.7128124 : f32
      %mul3A_432 = vector.broadcast %mul3A_431 : f32 to vector<16xf32>
      %mul3A_433 = arith.mulf %get3A_430, %mul3A_432 : vector<16xf32>
      %swap3A_434 = arith.index_cast %scan3A_164 : i32 to index
      %swap3A_435 = arith.constant 352 : index
      %swap3A_436 = tpu.vector_load %arg9[%swap3A_434, %swap3A_435] {strides = array<i32>} : memref<32x768xf32, #tpu.memory_space<vmem>>, vector<1x16xf32>,
      %swap3A_437 = vector.shape_cast %swap3A_436 : vector<1x16xf32> to vector<16xf32>
      %swap3A_438 = vector.shape_cast %mul3A_433 : vector<16xf32> to vector<1x16xf32>
      tpu.vector_store %arg9[%swap3A_434, %swap3A_435], %swap3A_438 {strides = array<i32>} : memref<32x768xf32, #tpu.memory_space<vmem>>, vector<1x16xf32>,
      %get3A_439 = arith.index_cast %scan3A_164 : i32 to index
      %get3A_440 = arith.constant 368 : index
      %get3A_441 = tpu.vector_load %arg7[%get3A_439, %get3A_440] {strides = array<i32>} : memref<32x768xf32, #tpu.memory_space<vmem>>, vector<1x16xf32>,
      %get3A_442 = vector.shape_cast %get3A_441 : vector<1x16xf32> to vector<16xf32>
      %mul3A_443 = arith.constant 27.7128124 : f32
      %mul3A_444 = vector.broadcast %mul3A_443 : f32 to vector<16xf32>
      %mul3A_445 = arith.mulf %get3A_442, %mul3A_444 : vector<16xf32>
      %swap3A_446 = arith.index_cast %scan3A_164 : i32 to index
      %swap3A_447 = arith.constant 368 : index
      %swap3A_448 = tpu.vector_load %arg9[%swap3A_446, %swap3A_447] {strides = array<i32>} : memref<32x768xf32, #tpu.memory_space<vmem>>, vector<1x16xf32>,
      %swap3A_449 = vector.shape_cast %swap3A_448 : vector<1x16xf32> to vector<16xf32>
      %swap3A_450 = vector.shape_cast %mul3A_445 : vector<16xf32> to vector<1x16xf32>
      tpu.vector_store %arg9[%swap3A_446, %swap3A_447], %swap3A_450 {strides = array<i32>} : memref<32x768xf32, #tpu.memory_space<vmem>>, vector<1x16xf32>,
      %get3A_451 = arith.index_cast %scan3A_164 : i32 to index
      %get3A_452 = arith.constant 384 : index
      %get3A_453 = tpu.vector_load %arg7[%get3A_451, %get3A_452] {strides = array<i32>} : memref<32x768xf32, #tpu.memory_space<vmem>>, vector<1x16xf32>,
      %get3A_454 = vector.shape_cast %get3A_453 : vector<1x16xf32> to vector<16xf32>
      %mul3A_455 = arith.constant 27.7128124 : f32
      %mul3A_456 = vector.broadcast %mul3A_455 : f32 to vector<16xf32>
      %mul3A_457 = arith.mulf %get3A_454, %mul3A_456 : vector<16xf32>
      %swap3A_458 = arith.index_cast %scan3A_164 : i32 to index
      %swap3A_459 = arith.constant 384 : index
      %swap3A_460 = tpu.vector_load %arg9[%swap3A_458, %swap3A_459] {strides = array<i32>} : memref<32x768xf32, #tpu.memory_space<vmem>>, vector<1x16xf32>,
      %swap3A_461 = vector.shape_cast %swap3A_460 : vector<1x16xf32> to vector<16xf32>
      %swap3A_462 = vector.shape_cast %mul3A_457 : vector<16xf32> to vector<1x16xf32>
      tpu.vector_store %arg9[%swap3A_458, %swap3A_459], %swap3A_462 {strides = array<i32>} : memref<32x768xf32, #tpu.memory_space<vmem>>, vector<1x16xf32>,
      %get3A_463 = arith.index_cast %scan3A_164 : i32 to index
      %get3A_464 = arith.constant 400 : index
      %get3A_465 = tpu.vector_load %arg7[%get3A_463, %get3A_464] {strides = array<i32>} : memref<32x768xf32, #tpu.memory_space<vmem>>, vector<1x16xf32>,
      %get3A_466 = vector.shape_cast %get3A_465 : vector<1x16xf32> to vector<16xf32>
      %mul3A_467 = arith.constant 27.7128124 : f32
      %mul3A_468 = vector.broadcast %mul3A_467 : f32 to vector<16xf32>
      %mul3A_469 = arith.mulf %get3A_466, %mul3A_468 : vector<16xf32>
      %swap3A_470 = arith.index_cast %scan3A_164 : i32 to index
      %swap3A_471 = arith.constant 400 : index
      %swap3A_472 = tpu.vector_load %arg9[%swap3A_470, %swap3A_471] {strides = array<i32>} : memref<32x768xf32, #tpu.memory_space<vmem>>, vector<1x16xf32>,
      %swap3A_473 = vector.shape_cast %swap3A_472 : vector<1x16xf32> to vector<16xf32>
      %swap3A_474 = vector.shape_cast %mul3A_469 : vector<16xf32> to vector<1x16xf32>
      tpu.vector_store %arg9[%swap3A_470, %swap3A_471], %swap3A_474 {strides = array<i32>} : memref<32x768xf32, #tpu.memory_space<vmem>>, vector<1x16xf32>,
      %get3A_475 = arith.index_cast %scan3A_164 : i32 to index
      %get3A_476 = arith.constant 416 : index
      %get3A_477 = tpu.vector_load %arg7[%get3A_475, %get3A_476] {strides = array<i32>} : memref<32x768xf32, #tpu.memory_space<vmem>>, vector<1x16xf32>,
      %get3A_478 = vector.shape_cast %get3A_477 : vector<1x16xf32> to vector<16xf32>
      %mul3A_479 = arith.constant 27.7128124 : f32
      %mul3A_480 = vector.broadcast %mul3A_479 : f32 to vector<16xf32>
      %mul3A_481 = arith.mulf %get3A_478, %mul3A_480 : vector<16xf32>
      %swap3A_482 = arith.index_cast %scan3A_164 : i32 to index
      %swap3A_483 = arith.constant 416 : index
      %swap3A_484 = tpu.vector_load %arg9[%swap3A_482, %swap3A_483] {strides = array<i32>} : memref<32x768xf32, #tpu.memory_space<vmem>>, vector<1x16xf32>,
      %swap3A_485 = vector.shape_cast %swap3A_484 : vector<1x16xf32> to vector<16xf32>
      %swap3A_486 = vector.shape_cast %mul3A_481 : vector<16xf32> to vector<1x16xf32>
      tpu.vector_store %arg9[%swap3A_482, %swap3A_483], %swap3A_486 {strides = array<i32>} : memref<32x768xf32, #tpu.memory_space<vmem>>, vector<1x16xf32>,
      %get3A_487 = arith.index_cast %scan3A_164 : i32 to index
      %get3A_488 = arith.constant 432 : index
      %get3A_489 = tpu.vector_load %arg7[%get3A_487, %get3A_488] {strides = array<i32>} : memref<32x768xf32, #tpu.memory_space<vmem>>, vector<1x16xf32>,
      %get3A_490 = vector.shape_cast %get3A_489 : vector<1x16xf32> to vector<16xf32>
      %mul3A_491 = arith.constant 27.7128124 : f32
      %mul3A_492 = vector.broadcast %mul3A_491 : f32 to vector<16xf32>
      %mul3A_493 = arith.mulf %get3A_490, %mul3A_492 : vector<16xf32>
      %swap3A_494 = arith.index_cast %scan3A_164 : i32 to index
      %swap3A_495 = arith.constant 432 : index
      %swap3A_496 = tpu.vector_load %arg9[%swap3A_494, %swap3A_495] {strides = array<i32>} : memref<32x768xf32, #tpu.memory_space<vmem>>, vector<1x16xf32>,
      %swap3A_497 = vector.shape_cast %swap3A_496 : vector<1x16xf32> to vector<16xf32>
      %swap3A_498 = vector.shape_cast %mul3A_493 : vector<16xf32> to vector<1x16xf32>
      tpu.vector_store %arg9[%swap3A_494, %swap3A_495], %swap3A_498 {strides = array<i32>} : memref<32x768xf32, #tpu.memory_space<vmem>>, vector<1x16xf32>,
      %get3A_499 = arith.index_cast %scan3A_164 : i32 to index
      %get3A_500 = arith.constant 448 : index
      %get3A_501 = tpu.vector_load %arg7[%get3A_499, %get3A_500] {strides = array<i32>} : memref<32x768xf32, #tpu.memory_space<vmem>>, vector<1x16xf32>,
      %get3A_502 = vector.shape_cast %get3A_501 : vector<1x16xf32> to vector<16xf32>
      %mul3A_503 = arith.constant 27.7128124 : f32
      %mul3A_504 = vector.broadcast %mul3A_503 : f32 to vector<16xf32>
      %mul3A_505 = arith.mulf %get3A_502, %mul3A_504 : vector<16xf32>
      %swap3A_506 = arith.index_cast %scan3A_164 : i32 to index
      %swap3A_507 = arith.constant 448 : index
      %swap3A_508 = tpu.vector_load %arg9[%swap3A_506, %swap3A_507] {strides = array<i32>} : memref<32x768xf32, #tpu.memory_space<vmem>>, vector<1x16xf32>,
      %swap3A_509 = vector.shape_cast %swap3A_508 : vector<1x16xf32> to vector<16xf32>
      %swap3A_510 = vector.shape_cast %mul3A_505 : vector<16xf32> to vector<1x16xf32>
      tpu.vector_store %arg9[%swap3A_506, %swap3A_507], %swap3A_510 {strides = array<i32>} : memref<32x768xf32, #tpu.memory_space<vmem>>, vector<1x16xf32>,
      %get3A_511 = arith.index_cast %scan3A_164 : i32 to index
      %get3A_512 = arith.constant 464 : index
      %get3A_513 = tpu.vector_load %arg7[%get3A_511, %get3A_512] {strides = array<i32>} : memref<32x768xf32, #tpu.memory_space<vmem>>, vector<1x16xf32>,
      %get3A_514 = vector.shape_cast %get3A_513 : vector<1x16xf32> to vector<16xf32>
      %mul3A_515 = arith.constant 27.7128124 : f32
      %mul3A_516 = vector.broadcast %mul3A_515 : f32 to vector<16xf32>
      %mul3A_517 = arith.mulf %get3A_514, %mul3A_516 : vector<16xf32>
      %swap3A_518 = arith.index_cast %scan3A_164 : i32 to index
      %swap3A_519 = arith.constant 464 : index
      %swap3A_520 = tpu.vector_load %arg9[%swap3A_518, %swap3A_519] {strides = array<i32>} : memref<32x768xf32, #tpu.memory_space<vmem>>, vector<1x16xf32>,
      %swap3A_521 = vector.shape_cast %swap3A_520 : vector<1x16xf32> to vector<16xf32>
      %swap3A_522 = vector.shape_cast %mul3A_517 : vector<16xf32> to vector<1x16xf32>
      tpu.vector_store %arg9[%swap3A_518, %swap3A_519], %swap3A_522 {strides = array<i32>} : memref<32x768xf32, #tpu.memory_space<vmem>>, vector<1x16xf32>,
      %get3A_523 = arith.index_cast %scan3A_164 : i32 to index
      %get3A_524 = arith.constant 480 : index
      %get3A_525 = tpu.vector_load %arg7[%get3A_523, %get3A_524] {strides = array<i32>} : memref<32x768xf32, #tpu.memory_space<vmem>>, vector<1x16xf32>,
      %get3A_526 = vector.shape_cast %get3A_525 : vector<1x16xf32> to vector<16xf32>
      %mul3A_527 = arith.constant 27.7128124 : f32
      %mul3A_528 = vector.broadcast %mul3A_527 : f32 to vector<16xf32>
      %mul3A_529 = arith.mulf %get3A_526, %mul3A_528 : vector<16xf32>
      %swap3A_530 = arith.index_cast %scan3A_164 : i32 to index
      %swap3A_531 = arith.constant 480 : index
      %swap3A_532 = tpu.vector_load %arg9[%swap3A_530, %swap3A_531] {strides = array<i32>} : memref<32x768xf32, #tpu.memory_space<vmem>>, vector<1x16xf32>,
      %swap3A_533 = vector.shape_cast %swap3A_532 : vector<1x16xf32> to vector<16xf32>
      %swap3A_534 = vector.shape_cast %mul3A_529 : vector<16xf32> to vector<1x16xf32>
      tpu.vector_store %arg9[%swap3A_530, %swap3A_531], %swap3A_534 {strides = array<i32>} : memref<32x768xf32, #tpu.memory_space<vmem>>, vector<1x16xf32>,
      %get3A_535 = arith.index_cast %scan3A_164 : i32 to index
      %get3A_536 = arith.constant 496 : index
      %get3A_537 = tpu.vector_load %arg7[%get3A_535, %get3A_536] {strides = array<i32>} : memref<32x768xf32, #tpu.memory_space<vmem>>, vector<1x16xf32>,
      %get3A_538 = vector.shape_cast %get3A_537 : vector<1x16xf32> to vector<16xf32>
      %mul3A_539 = arith.constant 27.7128124 : f32
      %mul3A_540 = vector.broadcast %mul3A_539 : f32 to vector<16xf32>
      %mul3A_541 = arith.mulf %get3A_538, %mul3A_540 : vector<16xf32>
      %swap3A_542 = arith.index_cast %scan3A_164 : i32 to index
      %swap3A_543 = arith.constant 496 : index
      %swap3A_544 = tpu.vector_load %arg9[%swap3A_542, %swap3A_543] {strides = array<i32>} : memref<32x768xf32, #tpu.memory_space<vmem>>, vector<1x16xf32>,
      %swap3A_545 = vector.shape_cast %swap3A_544 : vector<1x16xf32> to vector<16xf32>
      %swap3A_546 = vector.shape_cast %mul3A_541 : vector<16xf32> to vector<1x16xf32>
      tpu.vector_store %arg9[%swap3A_542, %swap3A_543], %swap3A_546 {strides = array<i32>} : memref<32x768xf32, #tpu.memory_space<vmem>>, vector<1x16xf32>,
      %get3A_547 = arith.index_cast %scan3A_164 : i32 to index
      %get3A_548 = arith.constant 512 : index
      %get3A_549 = tpu.vector_load %arg7[%get3A_547, %get3A_548] {strides = array<i32>} : memref<32x768xf32, #tpu.memory_space<vmem>>, vector<1x16xf32>,
      %get3A_550 = vector.shape_cast %get3A_549 : vector<1x16xf32> to vector<16xf32>
      %mul3A_551 = arith.constant 27.7128124 : f32
      %mul3A_552 = vector.broadcast %mul3A_551 : f32 to vector<16xf32>
      %mul3A_553 = arith.mulf %get3A_550, %mul3A_552 : vector<16xf32>
      %swap3A_554 = arith.index_cast %scan3A_164 : i32 to index
      %swap3A_555 = arith.constant 512 : index
      %swap3A_556 = tpu.vector_load %arg9[%swap3A_554, %swap3A_555] {strides = array<i32>} : memref<32x768xf32, #tpu.memory_space<vmem>>, vector<1x16xf32>,
      %swap3A_557 = vector.shape_cast %swap3A_556 : vector<1x16xf32> to vector<16xf32>
      %swap3A_558 = vector.shape_cast %mul3A_553 : vector<16xf32> to vector<1x16xf32>
      tpu.vector_store %arg9[%swap3A_554, %swap3A_555], %swap3A_558 {strides = array<i32>} : memref<32x768xf32, #tpu.memory_space<vmem>>, vector<1x16xf32>,
      %get3A_559 = arith.index_cast %scan3A_164 : i32 to index
      %get3A_560 = arith.constant 528 : index
      %get3A_561 = tpu.vector_load %arg7[%get3A_559, %get3A_560] {strides = array<i32>} : memref<32x768xf32, #tpu.memory_space<vmem>>, vector<1x16xf32>,
      %get3A_562 = vector.shape_cast %get3A_561 : vector<1x16xf32> to vector<16xf32>
      %mul3A_563 = arith.constant 27.7128124 : f32
      %mul3A_564 = vector.broadcast %mul3A_563 : f32 to vector<16xf32>
      %mul3A_565 = arith.mulf %get3A_562, %mul3A_564 : vector<16xf32>
      %swap3A_566 = arith.index_cast %scan3A_164 : i32 to index
      %swap3A_567 = arith.constant 528 : index
      %swap3A_568 = tpu.vector_load %arg9[%swap3A_566, %swap3A_567] {strides = array<i32>} : memref<32x768xf32, #tpu.memory_space<vmem>>, vector<1x16xf32>,
      %swap3A_569 = vector.shape_cast %swap3A_568 : vector<1x16xf32> to vector<16xf32>
      %swap3A_570 = vector.shape_cast %mul3A_565 : vector<16xf32> to vector<1x16xf32>
      tpu.vector_store %arg9[%swap3A_566, %swap3A_567], %swap3A_570 {strides = array<i32>} : memref<32x768xf32, #tpu.memory_space<vmem>>, vector<1x16xf32>,
      %get3A_571 = arith.index_cast %scan3A_164 : i32 to index
      %get3A_572 = arith.constant 544 : index
      %get3A_573 = tpu.vector_load %arg7[%get3A_571, %get3A_572] {strides = array<i32>} : memref<32x768xf32, #tpu.memory_space<vmem>>, vector<1x16xf32>,
      %get3A_574 = vector.shape_cast %get3A_573 : vector<1x16xf32> to vector<16xf32>
      %mul3A_575 = arith.constant 27.7128124 : f32
      %mul3A_576 = vector.broadcast %mul3A_575 : f32 to vector<16xf32>
      %mul3A_577 = arith.mulf %get3A_574, %mul3A_576 : vector<16xf32>
      %swap3A_578 = arith.index_cast %scan3A_164 : i32 to index
      %swap3A_579 = arith.constant 544 : index
      %swap3A_580 = tpu.vector_load %arg9[%swap3A_578, %swap3A_579] {strides = array<i32>} : memref<32x768xf32, #tpu.memory_space<vmem>>, vector<1x16xf32>,
      %swap3A_581 = vector.shape_cast %swap3A_580 : vector<1x16xf32> to vector<16xf32>
      %swap3A_582 = vector.shape_cast %mul3A_577 : vector<16xf32> to vector<1x16xf32>
      tpu.vector_store %arg9[%swap3A_578, %swap3A_579], %swap3A_582 {strides = array<i32>} : memref<32x768xf32, #tpu.memory_space<vmem>>, vector<1x16xf32>,
      %get3A_583 = arith.index_cast %scan3A_164 : i32 to index
      %get3A_584 = arith.constant 560 : index
      %get3A_585 = tpu.vector_load %arg7[%get3A_583, %get3A_584] {strides = array<i32>} : memref<32x768xf32, #tpu.memory_space<vmem>>, vector<1x16xf32>,
      %get3A_586 = vector.shape_cast %get3A_585 : vector<1x16xf32> to vector<16xf32>
      %mul3A_587 = arith.constant 27.7128124 : f32
      %mul3A_588 = vector.broadcast %mul3A_587 : f32 to vector<16xf32>
      %mul3A_589 = arith.mulf %get3A_586, %mul3A_588 : vector<16xf32>
      %swap3A_590 = arith.index_cast %scan3A_164 : i32 to index
      %swap3A_591 = arith.constant 560 : index
      %swap3A_592 = tpu.vector_load %arg9[%swap3A_590, %swap3A_591] {strides = array<i32>} : memref<32x768xf32, #tpu.memory_space<vmem>>, vector<1x16xf32>,
      %swap3A_593 = vector.shape_cast %swap3A_592 : vector<1x16xf32> to vector<16xf32>
      %swap3A_594 = vector.shape_cast %mul3A_589 : vector<16xf32> to vector<1x16xf32>
      tpu.vector_store %arg9[%swap3A_590, %swap3A_591], %swap3A_594 {strides = array<i32>} : memref<32x768xf32, #tpu.memory_space<vmem>>, vector<1x16xf32>,
      %get3A_595 = arith.index_cast %scan3A_164 : i32 to index
      %get3A_596 = arith.constant 576 : index
      %get3A_597 = tpu.vector_load %arg7[%get3A_595, %get3A_596] {strides = array<i32>} : memref<32x768xf32, #tpu.memory_space<vmem>>, vector<1x16xf32>,
      %get3A_598 = vector.shape_cast %get3A_597 : vector<1x16xf32> to vector<16xf32>
      %mul3A_599 = arith.constant 27.7128124 : f32
      %mul3A_600 = vector.broadcast %mul3A_599 : f32 to vector<16xf32>
      %mul3A_601 = arith.mulf %get3A_598, %mul3A_600 : vector<16xf32>
      %swap3A_602 = arith.index_cast %scan3A_164 : i32 to index
      %swap3A_603 = arith.constant 576 : index
      %swap3A_604 = tpu.vector_load %arg9[%swap3A_602, %swap3A_603] {strides = array<i32>} : memref<32x768xf32, #tpu.memory_space<vmem>>, vector<1x16xf32>,
      %swap3A_605 = vector.shape_cast %swap3A_604 : vector<1x16xf32> to vector<16xf32>
      %swap3A_606 = vector.shape_cast %mul3A_601 : vector<16xf32> to vector<1x16xf32>
      tpu.vector_store %arg9[%swap3A_602, %swap3A_603], %swap3A_606 {strides = array<i32>} : memref<32x768xf32, #tpu.memory_space<vmem>>, vector<1x16xf32>,
      %get3A_607 = arith.index_cast %scan3A_164 : i32 to index
      %get3A_608 = arith.constant 592 : index
      %get3A_609 = tpu.vector_load %arg7[%get3A_607, %get3A_608] {strides = array<i32>} : memref<32x768xf32, #tpu.memory_space<vmem>>, vector<1x16xf32>,
      %get3A_610 = vector.shape_cast %get3A_609 : vector<1x16xf32> to vector<16xf32>
      %mul3A_611 = arith.constant 27.7128124 : f32
      %mul3A_612 = vector.broadcast %mul3A_611 : f32 to vector<16xf32>
      %mul3A_613 = arith.mulf %get3A_610, %mul3A_612 : vector<16xf32>
      %swap3A_614 = arith.index_cast %scan3A_164 : i32 to index
      %swap3A_615 = arith.constant 592 : index
      %swap3A_616 = tpu.vector_load %arg9[%swap3A_614, %swap3A_615] {strides = array<i32>} : memref<32x768xf32, #tpu.memory_space<vmem>>, vector<1x16xf32>,
      %swap3A_617 = vector.shape_cast %swap3A_616 : vector<1x16xf32> to vector<16xf32>
      %swap3A_618 = vector.shape_cast %mul3A_613 : vector<16xf32> to vector<1x16xf32>
      tpu.vector_store %arg9[%swap3A_614, %swap3A_615], %swap3A_618 {strides = array<i32>} : memref<32x768xf32, #tpu.memory_space<vmem>>, vector<1x16xf32>,
      %get3A_619 = arith.index_cast %scan3A_164 : i32 to index
      %get3A_620 = arith.constant 608 : index
      %get3A_621 = tpu.vector_load %arg7[%get3A_619, %get3A_620] {strides = array<i32>} : memref<32x768xf32, #tpu.memory_space<vmem>>, vector<1x16xf32>,
      %get3A_622 = vector.shape_cast %get3A_621 : vector<1x16xf32> to vector<16xf32>
      %mul3A_623 = arith.constant 27.7128124 : f32
      %mul3A_624 = vector.broadcast %mul3A_623 : f32 to vector<16xf32>
      %mul3A_625 = arith.mulf %get3A_622, %mul3A_624 : vector<16xf32>
      %swap3A_626 = arith.index_cast %scan3A_164 : i32 to index
      %swap3A_627 = arith.constant 608 : index
      %swap3A_628 = tpu.vector_load %arg9[%swap3A_626, %swap3A_627] {strides = array<i32>} : memref<32x768xf32, #tpu.memory_space<vmem>>, vector<1x16xf32>,
      %swap3A_629 = vector.shape_cast %swap3A_628 : vector<1x16xf32> to vector<16xf32>
      %swap3A_630 = vector.shape_cast %mul3A_625 : vector<16xf32> to vector<1x16xf32>
      tpu.vector_store %arg9[%swap3A_626, %swap3A_627], %swap3A_630 {strides = array<i32>} : memref<32x768xf32, #tpu.memory_space<vmem>>, vector<1x16xf32>,
      %get3A_631 = arith.index_cast %scan3A_164 : i32 to index
      %get3A_632 = arith.constant 624 : index
      %get3A_633 = tpu.vector_load %arg7[%get3A_631, %get3A_632] {strides = array<i32>} : memref<32x768xf32, #tpu.memory_space<vmem>>, vector<1x16xf32>,
      %get3A_634 = vector.shape_cast %get3A_633 : vector<1x16xf32> to vector<16xf32>
      %mul3A_635 = arith.constant 27.7128124 : f32
      %mul3A_636 = vector.broadcast %mul3A_635 : f32 to vector<16xf32>
      %mul3A_637 = arith.mulf %get3A_634, %mul3A_636 : vector<16xf32>
      %swap3A_638 = arith.index_cast %scan3A_164 : i32 to index
      %swap3A_639 = arith.constant 624 : index
      %swap3A_640 = tpu.vector_load %arg9[%swap3A_638, %swap3A_639] {strides = array<i32>} : memref<32x768xf32, #tpu.memory_space<vmem>>, vector<1x16xf32>,
      %swap3A_641 = vector.shape_cast %swap3A_640 : vector<1x16xf32> to vector<16xf32>
      %swap3A_642 = vector.shape_cast %mul3A_637 : vector<16xf32> to vector<1x16xf32>
      tpu.vector_store %arg9[%swap3A_638, %swap3A_639], %swap3A_642 {strides = array<i32>} : memref<32x768xf32, #tpu.memory_space<vmem>>, vector<1x16xf32>,
      %get3A_643 = arith.index_cast %scan3A_164 : i32 to index
      %get3A_644 = arith.constant 640 : index
      %get3A_645 = tpu.vector_load %arg7[%get3A_643, %get3A_644] {strides = array<i32>} : memref<32x768xf32, #tpu.memory_space<vmem>>, vector<1x16xf32>,
      %get3A_646 = vector.shape_cast %get3A_645 : vector<1x16xf32> to vector<16xf32>
      %mul3A_647 = arith.constant 27.7128124 : f32
      %mul3A_648 = vector.broadcast %mul3A_647 : f32 to vector<16xf32>
      %mul3A_649 = arith.mulf %get3A_646, %mul3A_648 : vector<16xf32>
      %swap3A_650 = arith.index_cast %scan3A_164 : i32 to index
      %swap3A_651 = arith.constant 640 : index
      %swap3A_652 = tpu.vector_load %arg9[%swap3A_650, %swap3A_651] {strides = array<i32>} : memref<32x768xf32, #tpu.memory_space<vmem>>, vector<1x16xf32>,
      %swap3A_653 = vector.shape_cast %swap3A_652 : vector<1x16xf32> to vector<16xf32>
      %swap3A_654 = vector.shape_cast %mul3A_649 : vector<16xf32> to vector<1x16xf32>
      tpu.vector_store %arg9[%swap3A_650, %swap3A_651], %swap3A_654 {strides = array<i32>} : memref<32x768xf32, #tpu.memory_space<vmem>>, vector<1x16xf32>,
      %get3A_655 = arith.index_cast %scan3A_164 : i32 to index
      %get3A_656 = arith.constant 656 : index
      %get3A_657 = tpu.vector_load %arg7[%get3A_655, %get3A_656] {strides = array<i32>} : memref<32x768xf32, #tpu.memory_space<vmem>>, vector<1x16xf32>,
      %get3A_658 = vector.shape_cast %get3A_657 : vector<1x16xf32> to vector<16xf32>
      %mul3A_659 = arith.constant 27.7128124 : f32
      %mul3A_660 = vector.broadcast %mul3A_659 : f32 to vector<16xf32>
      %mul3A_661 = arith.mulf %get3A_658, %mul3A_660 : vector<16xf32>
      %swap3A_662 = arith.index_cast %scan3A_164 : i32 to index
      %swap3A_663 = arith.constant 656 : index
      %swap3A_664 = tpu.vector_load %arg9[%swap3A_662, %swap3A_663] {strides = array<i32>} : memref<32x768xf32, #tpu.memory_space<vmem>>, vector<1x16xf32>,
      %swap3A_665 = vector.shape_cast %swap3A_664 : vector<1x16xf32> to vector<16xf32>
      %swap3A_666 = vector.shape_cast %mul3A_661 : vector<16xf32> to vector<1x16xf32>
      tpu.vector_store %arg9[%swap3A_662, %swap3A_663], %swap3A_666 {strides = array<i32>} : memref<32x768xf32, #tpu.memory_space<vmem>>, vector<1x16xf32>,
      %get3A_667 = arith.index_cast %scan3A_164 : i32 to index
      %get3A_668 = arith.constant 672 : index
      %get3A_669 = tpu.vector_load %arg7[%get3A_667, %get3A_668] {strides = array<i32>} : memref<32x768xf32, #tpu.memory_space<vmem>>, vector<1x16xf32>,
      %get3A_670 = vector.shape_cast %get3A_669 : vector<1x16xf32> to vector<16xf32>
      %mul3A_671 = arith.constant 27.7128124 : f32
      %mul3A_672 = vector.broadcast %mul3A_671 : f32 to vector<16xf32>
      %mul3A_673 = arith.mulf %get3A_670, %mul3A_672 : vector<16xf32>
      %swap3A_674 = arith.index_cast %scan3A_164 : i32 to index
      %swap3A_675 = arith.constant 672 : index
      %swap3A_676 = tpu.vector_load %arg9[%swap3A_674, %swap3A_675] {strides = array<i32>} : memref<32x768xf32, #tpu.memory_space<vmem>>, vector<1x16xf32>,
      %swap3A_677 = vector.shape_cast %swap3A_676 : vector<1x16xf32> to vector<16xf32>
      %swap3A_678 = vector.shape_cast %mul3A_673 : vector<16xf32> to vector<1x16xf32>
      tpu.vector_store %arg9[%swap3A_674, %swap3A_675], %swap3A_678 {strides = array<i32>} : memref<32x768xf32, #tpu.memory_space<vmem>>, vector<1x16xf32>,
      %get3A_679 = arith.index_cast %scan3A_164 : i32 to index
      %get3A_680 = arith.constant 688 : index
      %get3A_681 = tpu.vector_load %arg7[%get3A_679, %get3A_680] {strides = array<i32>} : memref<32x768xf32, #tpu.memory_space<vmem>>, vector<1x16xf32>,
      %get3A_682 = vector.shape_cast %get3A_681 : vector<1x16xf32> to vector<16xf32>
      %mul3A_683 = arith.constant 27.7128124 : f32
      %mul3A_684 = vector.broadcast %mul3A_683 : f32 to vector<16xf32>
      %mul3A_685 = arith.mulf %get3A_682, %mul3A_684 : vector<16xf32>
      %swap3A_686 = arith.index_cast %scan3A_164 : i32 to index
      %swap3A_687 = arith.constant 688 : index
      %swap3A_688 = tpu.vector_load %arg9[%swap3A_686, %swap3A_687] {strides = array<i32>} : memref<32x768xf32, #tpu.memory_space<vmem>>, vector<1x16xf32>,
      %swap3A_689 = vector.shape_cast %swap3A_688 : vector<1x16xf32> to vector<16xf32>
      %swap3A_690 = vector.shape_cast %mul3A_685 : vector<16xf32> to vector<1x16xf32>
      tpu.vector_store %arg9[%swap3A_686, %swap3A_687], %swap3A_690 {strides = array<i32>} : memref<32x768xf32, #tpu.memory_space<vmem>>, vector<1x16xf32>,
      %get3A_691 = arith.index_cast %scan3A_164 : i32 to index
      %get3A_692 = arith.constant 704 : index
      %get3A_693 = tpu.vector_load %arg7[%get3A_691, %get3A_692] {strides = array<i32>} : memref<32x768xf32, #tpu.memory_space<vmem>>, vector<1x16xf32>,
      %get3A_694 = vector.shape_cast %get3A_693 : vector<1x16xf32> to vector<16xf32>
      %mul3A_695 = arith.constant 27.7128124 : f32
      %mul3A_696 = vector.broadcast %mul3A_695 : f32 to vector<16xf32>
      %mul3A_697 = arith.mulf %get3A_694, %mul3A_696 : vector<16xf32>
      %swap3A_698 = arith.index_cast %scan3A_164 : i32 to index
      %swap3A_699 = arith.constant 704 : index
      %swap3A_700 = tpu.vector_load %arg9[%swap3A_698, %swap3A_699] {strides = array<i32>} : memref<32x768xf32, #tpu.memory_space<vmem>>, vector<1x16xf32>,
      %swap3A_701 = vector.shape_cast %swap3A_700 : vector<1x16xf32> to vector<16xf32>
      %swap3A_702 = vector.shape_cast %mul3A_697 : vector<16xf32> to vector<1x16xf32>
      tpu.vector_store %arg9[%swap3A_698, %swap3A_699], %swap3A_702 {strides = array<i32>} : memref<32x768xf32, #tpu.memory_space<vmem>>, vector<1x16xf32>,
      %get3A_703 = arith.index_cast %scan3A_164 : i32 to index
      %get3A_704 = arith.constant 720 : index
      %get3A_705 = tpu.vector_load %arg7[%get3A_703, %get3A_704] {strides = array<i32>} : memref<32x768xf32, #tpu.memory_space<vmem>>, vector<1x16xf32>,
      %get3A_706 = vector.shape_cast %get3A_705 : vector<1x16xf32> to vector<16xf32>
      %mul3A_707 = arith.constant 27.7128124 : f32
      %mul3A_708 = vector.broadcast %mul3A_707 : f32 to vector<16xf32>
      %mul3A_709 = arith.mulf %get3A_706, %mul3A_708 : vector<16xf32>
      %swap3A_710 = arith.index_cast %scan3A_164 : i32 to index
      %swap3A_711 = arith.constant 720 : index
      %swap3A_712 = tpu.vector_load %arg9[%swap3A_710, %swap3A_711] {strides = array<i32>} : memref<32x768xf32, #tpu.memory_space<vmem>>, vector<1x16xf32>,
      %swap3A_713 = vector.shape_cast %swap3A_712 : vector<1x16xf32> to vector<16xf32>
      %swap3A_714 = vector.shape_cast %mul3A_709 : vector<16xf32> to vector<1x16xf32>
      tpu.vector_store %arg9[%swap3A_710, %swap3A_711], %swap3A_714 {strides = array<i32>} : memref<32x768xf32, #tpu.memory_space<vmem>>, vector<1x16xf32>,
      %get3A_715 = arith.index_cast %scan3A_164 : i32 to index
      %get3A_716 = arith.constant 736 : index
      %get3A_717 = tpu.vector_load %arg7[%get3A_715, %get3A_716] {strides = array<i32>} : memref<32x768xf32, #tpu.memory_space<vmem>>, vector<1x16xf32>,
      %get3A_718 = vector.shape_cast %get3A_717 : vector<1x16xf32> to vector<16xf32>
      %mul3A_719 = arith.constant 27.7128124 : f32
      %mul3A_720 = vector.broadcast %mul3A_719 : f32 to vector<16xf32>
      %mul3A_721 = arith.mulf %get3A_718, %mul3A_720 : vector<16xf32>
      %swap3A_722 = arith.index_cast %scan3A_164 : i32 to index
      %swap3A_723 = arith.constant 736 : index
      %swap3A_724 = tpu.vector_load %arg9[%swap3A_722, %swap3A_723] {strides = array<i32>} : memref<32x768xf32, #tpu.memory_space<vmem>>, vector<1x16xf32>,
      %swap3A_725 = vector.shape_cast %swap3A_724 : vector<1x16xf32> to vector<16xf32>
      %swap3A_726 = vector.shape_cast %mul3A_721 : vector<16xf32> to vector<1x16xf32>
      tpu.vector_store %arg9[%swap3A_722, %swap3A_723], %swap3A_726 {strides = array<i32>} : memref<32x768xf32, #tpu.memory_space<vmem>>, vector<1x16xf32>,
      %get3A_727 = arith.index_cast %scan3A_164 : i32 to index
      %get3A_728 = arith.constant 752 : index
      %get3A_729 = tpu.vector_load %arg7[%get3A_727, %get3A_728] {strides = array<i32>} : memref<32x768xf32, #tpu.memory_space<vmem>>, vector<1x16xf32>,
      %get3A_730 = vector.shape_cast %get3A_729 : vector<1x16xf32> to vector<16xf32>
      %mul3A_731 = arith.constant 27.7128124 : f32
      %mul3A_732 = vector.broadcast %mul3A_731 : f32 to vector<16xf32>
      %mul3A_733 = arith.mulf %get3A_730, %mul3A_732 : vector<16xf32>
      %swap3A_734 = arith.index_cast %scan3A_164 : i32 to index
      %swap3A_735 = arith.constant 752 : index
      %swap3A_736 = tpu.vector_load %arg9[%swap3A_734, %swap3A_735] {strides = array<i32>} : memref<32x768xf32, #tpu.memory_space<vmem>>, vector<1x16xf32>,
      %swap3A_737 = vector.shape_cast %swap3A_736 : vector<1x16xf32> to vector<16xf32>
      %swap3A_738 = vector.shape_cast %mul3A_733 : vector<16xf32> to vector<1x16xf32>
      tpu.vector_store %arg9[%swap3A_734, %swap3A_735], %swap3A_738 {strides = array<i32>} : memref<32x768xf32, #tpu.memory_space<vmem>>, vector<1x16xf32>,
    }
    %scan3A_74 = arith.constant 32 : i32
    %add3A_75 = arith.constant 32 : i32
    %add3A_76 = arith.addi %mul3A_32, %add3A_75 : i32
    %dma_start3A_77 = arith.constant 0 : i32
    %dma_start3A_78 = tpu.memref_slice %arg4[%select_n3A, %add3A_76, %dma_start3A_77] : memref<4x8192x768xf32, #tpu.memory_space<hbm>> -> memref<1x32x768xf32, #tpu.memory_space<hbm>>
    %dma_start3A_79 = tpu.memref_squeeze %dma_start3A_78 : memref<1x32x768xf32, #tpu.memory_space<hbm>> -> memref<32x768xf32, #tpu.memory_space<hbm>>
    %dma_start3A_80 = arith.constant 0 : i32
    %dma_start3A_81 = tpu.memref_slice %arg4[%select_n3A, %add3A_76, %dma_start3A_80] : memref<4x8192x768xf32, #tpu.memory_space<hbm>> -> memref<1x32x768xf32, #tpu.memory_space<hbm>>
    %dma_start3A_82 = tpu.memref_squeeze %dma_start3A_81 : memref<1x32x768xf32, #tpu.memory_space<hbm>> -> memref<32x768xf32, #tpu.memory_space<hbm>>
    tpu.enqueue_dma source(%arg9 : memref<32x768xf32, #tpu.memory_space<vmem>>) target(%dma_start3A_82 : memref<32x768xf32, #tpu.memory_space<hbm>>) target_semaphore(%arg13 : memref<!tpu.dma_semaphore, #tpu.memory_space<semaphore_mem>>)
    %dma_start3A_83 = arith.constant 96 : i32
    %dma_start3A_84 = tpu.memref_slice %arg5[%dma_start3A_83] : memref<1024xi32, #tpu.memory_space<vmem>> -> memref<32xi32, #tpu.memory_space<vmem>>
    %dma_start3A_85 = arith.constant 0 : i32
    %dma_start3A_86 = arith.constant 0 : i32
    %dma_start3A_87 = tpu.memref_slice %arg3[%dma_start3A_85, %dma_start3A_86] : memref<100000x768xf32, #tpu.memory_space<hbm>> -> memref<100000x768xf32, #tpu.memory_space<hbm>>
    tpu.enqueue_indirect_dma source(%dma_start3A_87 : memref<100000x768xf32, #tpu.memory_space<hbm>>) target(%arg7 : memref<32x768xf32, #tpu.memory_space<vmem>>) offsets(%dma_start3A_84 : memref<32xi32, #tpu.memory_space<vmem>>) semaphore(%arg11 : memref<!tpu.dma_semaphore, #tpu.memory_space<semaphore_mem>>)
    %scan3A_88 = arith.constant 0 : i32
    %scan3A_89 = arith.constant 0 : i32
    %scan3A_90 = arith.constant 14 : i32
    %scan3A_91 = arith.addi %scan3A_89, %scan3A_90 : i32
    %scan3A_92 = arith.constant 1 : i32
    scf.for %scan3A_164 = %scan3A_89 to %scan3A_91 step %scan3A_92  : i32 {
      %mul3A_165 = arith.constant 2 : i32
      %mul3A_166 = arith.muli %scan3A_164, %mul3A_165 : i32
      %add3A_167 = arith.constant 2 : i32
      %add3A_168 = arith.addi %add3A_167, %mul3A_166 : i32
      %add3A_169 = arith.constant 0 : i32
      %add3A_170 = arith.addi %add3A_168, %add3A_169 : i32
      %mul3A_171 = arith.constant 32 : i32
      %mul3A_172 = arith.muli %add3A_170, %mul3A_171 : i32
      %dma_wait3A_173 = tpu.memref_slice %arg5[%mul3A_172] : memref<1024xi32, #tpu.memory_space<vmem>> -> memref<32xi32, #tpu.memory_space<vmem>>
      %dma_wait3A_174 = arith.constant 0 : i32
      %dma_wait3A_175 = arith.constant 0 : i32
      %dma_wait3A_176 = tpu.memref_slice %arg3[%dma_wait3A_174, %dma_wait3A_175] : memref<100000x768xf32, #tpu.memory_space<hbm>> -> memref<100000x768xf32, #tpu.memory_space<hbm>>
      tpu.wait_indirect_dma semaphore(%arg10 : memref<!tpu.dma_semaphore, #tpu.memory_space<semaphore_mem>>) src(%dma_wait3A_176 : memref<100000x768xf32, #tpu.memory_space<hbm>>) dst(%arg6 : memref<32x768xf32, #tpu.memory_space<vmem>>)
      %sub3A_177 = arith.constant 2 : i32
      %sub3A_178 = arith.subi %add3A_170, %sub3A_177 : i32
      %mul3A_179 = arith.constant 32 : i32
      %mul3A_180 = arith.muli %sub3A_178, %mul3A_179 : i32
      %add3A_181 = arith.addi %mul3A_32, %mul3A_180 : i32
      %dma_wait3A_182 = arith.constant 0 : i32
      %dma_wait3A_183 = tpu.memref_slice %arg4[%select_n3A, %add3A_181, %dma_wait3A_182] : memref<4x8192x768xf32, #tpu.memory_space<hbm>> -> memref<1x32x768xf32, #tpu.memory_space<hbm>>
      %dma_wait3A_184 = tpu.memref_squeeze %dma_wait3A_183 : memref<1x32x768xf32, #tpu.memory_space<hbm>> -> memref<32x768xf32, #tpu.memory_space<hbm>>
      %dma_wait3A_185 = arith.constant 0 : i32
      %dma_wait3A_186 = tpu.memref_slice %arg4[%select_n3A, %add3A_181, %dma_wait3A_185] : memref<4x8192x768xf32, #tpu.memory_space<hbm>> -> memref<1x32x768xf32, #tpu.memory_space<hbm>>
      %dma_wait3A_187 = tpu.memref_squeeze %dma_wait3A_186 : memref<1x32x768xf32, #tpu.memory_space<hbm>> -> memref<32x768xf32, #tpu.memory_space<hbm>>
      tpu.wait_dma2 semaphore(%arg12 : memref<!tpu.dma_semaphore, #tpu.memory_space<semaphore_mem>>) src(%arg8 : memref<32x768xf32, #tpu.memory_space<vmem>>) dst(%dma_wait3A_187 : memref<32x768xf32, #tpu.memory_space<hbm>>)
      %scan3A_188 = arith.constant 0 : i32
      %scan3A_189 = arith.constant 0 : i32
      %scan3A_190 = arith.constant 32 : i32
      %scan3A_191 = arith.addi %scan3A_189, %scan3A_190 : i32
      %scan3A_192 = arith.constant 1 : i32
      scf.for %scan3A_253 = %scan3A_189 to %scan3A_191 step %scan3A_192  : i32 {
        %get3A = arith.index_cast %scan3A_253 : i32 to index
        %get3A_254 = arith.constant 0 : index
        %get3A_255 = tpu.vector_load %arg6[%get3A, %get3A_254] {strides = array<i32>} : memref<32x768xf32, #tpu.memory_space<vmem>>, vector<1x16xf32>,
        %get3A_256 = vector.shape_cast %get3A_255 : vector<1x16xf32> to vector<16xf32>
        %mul3A_257 = arith.constant 27.7128124 : f32
        %mul3A_258 = vector.broadcast %mul3A_257 : f32 to vector<16xf32>
        %mul3A_259 = arith.mulf %get3A_256, %mul3A_258 : vector<16xf32>
        %swap3A = arith.index_cast %scan3A_253 : i32 to index
        %swap3A_260 = arith.constant 0 : index
        %swap3A_261 = tpu.vector_load %arg8[%swap3A, %swap3A_260] {strides = array<i32>} : memref<32x768xf32, #tpu.memory_space<vmem>>, vector<1x16xf32>,
        %swap3A_262 = vector.shape_cast %swap3A_261 : vector<1x16xf32> to vector<16xf32>
        %swap3A_263 = vector.shape_cast %mul3A_259 : vector<16xf32> to vector<1x16xf32>
        tpu.vector_store %arg8[%swap3A, %swap3A_260], %swap3A_263 {strides = array<i32>} : memref<32x768xf32, #tpu.memory_space<vmem>>, vector<1x16xf32>,
        %get3A_264 = arith.index_cast %scan3A_253 : i32 to index
        %get3A_265 = arith.constant 16 : index
        %get3A_266 = tpu.vector_load %arg6[%get3A_264, %get3A_265] {strides = array<i32>} : memref<32x768xf32, #tpu.memory_space<vmem>>, vector<1x16xf32>,
        %get3A_267 = vector.shape_cast %get3A_266 : vector<1x16xf32> to vector<16xf32>
        %mul3A_268 = arith.constant 27.7128124 : f32
        %mul3A_269 = vector.broadcast %mul3A_268 : f32 to vector<16xf32>
        %mul3A_270 = arith.mulf %get3A_267, %mul3A_269 : vector<16xf32>
        %swap3A_271 = arith.index_cast %scan3A_253 : i32 to index
        %swap3A_272 = arith.constant 16 : index
        %swap3A_273 = tpu.vector_load %arg8[%swap3A_271, %swap3A_272] {strides = array<i32>} : memref<32x768xf32, #tpu.memory_space<vmem>>, vector<1x16xf32>,
        %swap3A_274 = vector.shape_cast %swap3A_273 : vector<1x16xf32> to vector<16xf32>
        %swap3A_275 = vector.shape_cast %mul3A_270 : vector<16xf32> to vector<1x16xf32>
        tpu.vector_store %arg8[%swap3A_271, %swap3A_272], %swap3A_275 {strides = array<i32>} : memref<32x768xf32, #tpu.memory_space<vmem>>, vector<1x16xf32>,
        %get3A_276 = arith.index_cast %scan3A_253 : i32 to index
        %get3A_277 = arith.constant 32 : index
        %get3A_278 = tpu.vector_load %arg6[%get3A_276, %get3A_277] {strides = array<i32>} : memref<32x768xf32, #tpu.memory_space<vmem>>, vector<1x16xf32>,
        %get3A_279 = vector.shape_cast %get3A_278 : vector<1x16xf32> to vector<16xf32>
        %mul3A_280 = arith.constant 27.7128124 : f32
        %mul3A_281 = vector.broadcast %mul3A_280 : f32 to vector<16xf32>
        %mul3A_282 = arith.mulf %get3A_279, %mul3A_281 : vector<16xf32>
        %swap3A_283 = arith.index_cast %scan3A_253 : i32 to index
        %swap3A_284 = arith.constant 32 : index
        %swap3A_285 = tpu.vector_load %arg8[%swap3A_283, %swap3A_284] {strides = array<i32>} : memref<32x768xf32, #tpu.memory_space<vmem>>, vector<1x16xf32>,
        %swap3A_286 = vector.shape_cast %swap3A_285 : vector<1x16xf32> to vector<16xf32>
        %swap3A_287 = vector.shape_cast %mul3A_282 : vector<16xf32> to vector<1x16xf32>
        tpu.vector_store %arg8[%swap3A_283, %swap3A_284], %swap3A_287 {strides = array<i32>} : memref<32x768xf32, #tpu.memory_space<vmem>>, vector<1x16xf32>,
        %get3A_288 = arith.index_cast %scan3A_253 : i32 to index
        %get3A_289 = arith.constant 48 : index
        %get3A_290 = tpu.vector_load %arg6[%get3A_288, %get3A_289] {strides = array<i32>} : memref<32x768xf32, #tpu.memory_space<vmem>>, vector<1x16xf32>,
        %get3A_291 = vector.shape_cast %get3A_290 : vector<1x16xf32> to vector<16xf32>
        %mul3A_292 = arith.constant 27.7128124 : f32
        %mul3A_293 = vector.broadcast %mul3A_292 : f32 to vector<16xf32>
        %mul3A_294 = arith.mulf %get3A_291, %mul3A_293 : vector<16xf32>
        %swap3A_295 = arith.index_cast %scan3A_253 : i32 to index
        %swap3A_296 = arith.constant 48 : index
        %swap3A_297 = tpu.vector_load %arg8[%swap3A_295, %swap3A_296] {strides = array<i32>} : memref<32x768xf32, #tpu.memory_space<vmem>>, vector<1x16xf32>,
        %swap3A_298 = vector.shape_cast %swap3A_297 : vector<1x16xf32> to vector<16xf32>
        %swap3A_299 = vector.shape_cast %mul3A_294 : vector<16xf32> to vector<1x16xf32>
        tpu.vector_store %arg8[%swap3A_295, %swap3A_296], %swap3A_299 {strides = array<i32>} : memref<32x768xf32, #tpu.memory_space<vmem>>, vector<1x16xf32>,
        %get3A_300 = arith.index_cast %scan3A_253 : i32 to index
        %get3A_301 = arith.constant 64 : index
        %get3A_302 = tpu.vector_load %arg6[%get3A_300, %get3A_301] {strides = array<i32>} : memref<32x768xf32, #tpu.memory_space<vmem>>, vector<1x16xf32>,
        %get3A_303 = vector.shape_cast %get3A_302 : vector<1x16xf32> to vector<16xf32>
        %mul3A_304 = arith.constant 27.7128124 : f32
        %mul3A_305 = vector.broadcast %mul3A_304 : f32 to vector<16xf32>
        %mul3A_306 = arith.mulf %get3A_303, %mul3A_305 : vector<16xf32>
        %swap3A_307 = arith.index_cast %scan3A_253 : i32 to index
        %swap3A_308 = arith.constant 64 : index
        %swap3A_309 = tpu.vector_load %arg8[%swap3A_307, %swap3A_308] {strides = array<i32>} : memref<32x768xf32, #tpu.memory_space<vmem>>, vector<1x16xf32>,
        %swap3A_310 = vector.shape_cast %swap3A_309 : vector<1x16xf32> to vector<16xf32>
        %swap3A_311 = vector.shape_cast %mul3A_306 : vector<16xf32> to vector<1x16xf32>
        tpu.vector_store %arg8[%swap3A_307, %swap3A_308], %swap3A_311 {strides = array<i32>} : memref<32x768xf32, #tpu.memory_space<vmem>>, vector<1x16xf32>,
        %get3A_312 = arith.index_cast %scan3A_253 : i32 to index
        %get3A_313 = arith.constant 80 : index
        %get3A_314 = tpu.vector_load %arg6[%get3A_312, %get3A_313] {strides = array<i32>} : memref<32x768xf32, #tpu.memory_space<vmem>>, vector<1x16xf32>,
        %get3A_315 = vector.shape_cast %get3A_314 : vector<1x16xf32> to vector<16xf32>
        %mul3A_316 = arith.constant 27.7128124 : f32
        %mul3A_317 = vector.broadcast %mul3A_316 : f32 to vector<16xf32>
        %mul3A_318 = arith.mulf %get3A_315, %mul3A_317 : vector<16xf32>
        %swap3A_319 = arith.index_cast %scan3A_253 : i32 to index
        %swap3A_320 = arith.constant 80 : index
        %swap3A_321 = tpu.vector_load %arg8[%swap3A_319, %swap3A_320] {strides = array<i32>} : memref<32x768xf32, #tpu.memory_space<vmem>>, vector<1x16xf32>,
        %swap3A_322 = vector.shape_cast %swap3A_321 : vector<1x16xf32> to vector<16xf32>
        %swap3A_323 = vector.shape_cast %mul3A_318 : vector<16xf32> to vector<1x16xf32>
        tpu.vector_store %arg8[%swap3A_319, %swap3A_320], %swap3A_323 {strides = array<i32>} : memref<32x768xf32, #tpu.memory_space<vmem>>, vector<1x16xf32>,
        %get3A_324 = arith.index_cast %scan3A_253 : i32 to index
        %get3A_325 = arith.constant 96 : index
        %get3A_326 = tpu.vector_load %arg6[%get3A_324, %get3A_325] {strides = array<i32>} : memref<32x768xf32, #tpu.memory_space<vmem>>, vector<1x16xf32>,
        %get3A_327 = vector.shape_cast %get3A_326 : vector<1x16xf32> to vector<16xf32>
        %mul3A_328 = arith.constant 27.7128124 : f32
        %mul3A_329 = vector.broadcast %mul3A_328 : f32 to vector<16xf32>
        %mul3A_330 = arith.mulf %get3A_327, %mul3A_329 : vector<16xf32>
        %swap3A_331 = arith.index_cast %scan3A_253 : i32 to index
        %swap3A_332 = arith.constant 96 : index
        %swap3A_333 = tpu.vector_load %arg8[%swap3A_331, %swap3A_332] {strides = array<i32>} : memref<32x768xf32, #tpu.memory_space<vmem>>, vector<1x16xf32>,
        %swap3A_334 = vector.shape_cast %swap3A_333 : vector<1x16xf32> to vector<16xf32>
        %swap3A_335 = vector.shape_cast %mul3A_330 : vector<16xf32> to vector<1x16xf32>
        tpu.vector_store %arg8[%swap3A_331, %swap3A_332], %swap3A_335 {strides = array<i32>} : memref<32x768xf32, #tpu.memory_space<vmem>>, vector<1x16xf32>,
        %get3A_336 = arith.index_cast %scan3A_253 : i32 to index
        %get3A_337 = arith.constant 112 : index
        %get3A_338 = tpu.vector_load %arg6[%get3A_336, %get3A_337] {strides = array<i32>} : memref<32x768xf32, #tpu.memory_space<vmem>>, vector<1x16xf32>,
        %get3A_339 = vector.shape_cast %get3A_338 : vector<1x16xf32> to vector<16xf32>
        %mul3A_340 = arith.constant 27.7128124 : f32
        %mul3A_341 = vector.broadcast %mul3A_340 : f32 to vector<16xf32>
        %mul3A_342 = arith.mulf %get3A_339, %mul3A_341 : vector<16xf32>
        %swap3A_343 = arith.index_cast %scan3A_253 : i32 to index
        %swap3A_344 = arith.constant 112 : index
        %swap3A_345 = tpu.vector_load %arg8[%swap3A_343, %swap3A_344] {strides = array<i32>} : memref<32x768xf32, #tpu.memory_space<vmem>>, vector<1x16xf32>,
        %swap3A_346 = vector.shape_cast %swap3A_345 : vector<1x16xf32> to vector<16xf32>
        %swap3A_347 = vector.shape_cast %mul3A_342 : vector<16xf32> to vector<1x16xf32>
        tpu.vector_store %arg8[%swap3A_343, %swap3A_344], %swap3A_347 {strides = array<i32>} : memref<32x768xf32, #tpu.memory_space<vmem>>, vector<1x16xf32>,
        %get3A_348 = arith.index_cast %scan3A_253 : i32 to index
        %get3A_349 = arith.constant 128 : index
        %get3A_350 = tpu.vector_load %arg6[%get3A_348, %get3A_349] {strides = array<i32>} : memref<32x768xf32, #tpu.memory_space<vmem>>, vector<1x16xf32>,
        %get3A_351 = vector.shape_cast %get3A_350 : vector<1x16xf32> to vector<16xf32>
        %mul3A_352 = arith.constant 27.7128124 : f32
        %mul3A_353 = vector.broadcast %mul3A_352 : f32 to vector<16xf32>
        %mul3A_354 = arith.mulf %get3A_351, %mul3A_353 : vector<16xf32>
        %swap3A_355 = arith.index_cast %scan3A_253 : i32 to index
        %swap3A_356 = arith.constant 128 : index
        %swap3A_357 = tpu.vector_load %arg8[%swap3A_355, %swap3A_356] {strides = array<i32>} : memref<32x768xf32, #tpu.memory_space<vmem>>, vector<1x16xf32>,
        %swap3A_358 = vector.shape_cast %swap3A_357 : vector<1x16xf32> to vector<16xf32>
        %swap3A_359 = vector.shape_cast %mul3A_354 : vector<16xf32> to vector<1x16xf32>
        tpu.vector_store %arg8[%swap3A_355, %swap3A_356], %swap3A_359 {strides = array<i32>} : memref<32x768xf32, #tpu.memory_space<vmem>>, vector<1x16xf32>,
        %get3A_360 = arith.index_cast %scan3A_253 : i32 to index
        %get3A_361 = arith.constant 144 : index
        %get3A_362 = tpu.vector_load %arg6[%get3A_360, %get3A_361] {strides = array<i32>} : memref<32x768xf32, #tpu.memory_space<vmem>>, vector<1x16xf32>,
        %get3A_363 = vector.shape_cast %get3A_362 : vector<1x16xf32> to vector<16xf32>
        %mul3A_364 = arith.constant 27.7128124 : f32
        %mul3A_365 = vector.broadcast %mul3A_364 : f32 to vector<16xf32>
        %mul3A_366 = arith.mulf %get3A_363, %mul3A_365 : vector<16xf32>
        %swap3A_367 = arith.index_cast %scan3A_253 : i32 to index
        %swap3A_368 = arith.constant 144 : index
        %swap3A_369 = tpu.vector_load %arg8[%swap3A_367, %swap3A_368] {strides = array<i32>} : memref<32x768xf32, #tpu.memory_space<vmem>>, vector<1x16xf32>,
        %swap3A_370 = vector.shape_cast %swap3A_369 : vector<1x16xf32> to vector<16xf32>
        %swap3A_371 = vector.shape_cast %mul3A_366 : vector<16xf32> to vector<1x16xf32>
        tpu.vector_store %arg8[%swap3A_367, %swap3A_368], %swap3A_371 {strides = array<i32>} : memref<32x768xf32, #tpu.memory_space<vmem>>, vector<1x16xf32>,
        %get3A_372 = arith.index_cast %scan3A_253 : i32 to index
        %get3A_373 = arith.constant 160 : index
        %get3A_374 = tpu.vector_load %arg6[%get3A_372, %get3A_373] {strides = array<i32>} : memref<32x768xf32, #tpu.memory_space<vmem>>, vector<1x16xf32>,
        %get3A_375 = vector.shape_cast %get3A_374 : vector<1x16xf32> to vector<16xf32>
        %mul3A_376 = arith.constant 27.7128124 : f32
        %mul3A_377 = vector.broadcast %mul3A_376 : f32 to vector<16xf32>
        %mul3A_378 = arith.mulf %get3A_375, %mul3A_377 : vector<16xf32>
        %swap3A_379 = arith.index_cast %scan3A_253 : i32 to index
        %swap3A_380 = arith.constant 160 : index
        %swap3A_381 = tpu.vector_load %arg8[%swap3A_379, %swap3A_380] {strides = array<i32>} : memref<32x768xf32, #tpu.memory_space<vmem>>, vector<1x16xf32>,
        %swap3A_382 = vector.shape_cast %swap3A_381 : vector<1x16xf32> to vector<16xf32>
        %swap3A_383 = vector.shape_cast %mul3A_378 : vector<16xf32> to vector<1x16xf32>
        tpu.vector_store %arg8[%swap3A_379, %swap3A_380], %swap3A_383 {strides = array<i32>} : memref<32x768xf32, #tpu.memory_space<vmem>>, vector<1x16xf32>,
        %get3A_384 = arith.index_cast %scan3A_253 : i32 to index
        %get3A_385 = arith.constant 176 : index
        %get3A_386 = tpu.vector_load %arg6[%get3A_384, %get3A_385] {strides = array<i32>} : memref<32x768xf32, #tpu.memory_space<vmem>>, vector<1x16xf32>,
        %get3A_387 = vector.shape_cast %get3A_386 : vector<1x16xf32> to vector<16xf32>
        %mul3A_388 = arith.constant 27.7128124 : f32
        %mul3A_389 = vector.broadcast %mul3A_388 : f32 to vector<16xf32>
        %mul3A_390 = arith.mulf %get3A_387, %mul3A_389 : vector<16xf32>
        %swap3A_391 = arith.index_cast %scan3A_253 : i32 to index
        %swap3A_392 = arith.constant 176 : index
        %swap3A_393 = tpu.vector_load %arg8[%swap3A_391, %swap3A_392] {strides = array<i32>} : memref<32x768xf32, #tpu.memory_space<vmem>>, vector<1x16xf32>,
        %swap3A_394 = vector.shape_cast %swap3A_393 : vector<1x16xf32> to vector<16xf32>
        %swap3A_395 = vector.shape_cast %mul3A_390 : vector<16xf32> to vector<1x16xf32>
        tpu.vector_store %arg8[%swap3A_391, %swap3A_392], %swap3A_395 {strides = array<i32>} : memref<32x768xf32, #tpu.memory_space<vmem>>, vector<1x16xf32>,
        %get3A_396 = arith.index_cast %scan3A_253 : i32 to index
        %get3A_397 = arith.constant 192 : index
        %get3A_398 = tpu.vector_load %arg6[%get3A_396, %get3A_397] {strides = array<i32>} : memref<32x768xf32, #tpu.memory_space<vmem>>, vector<1x16xf32>,
        %get3A_399 = vector.shape_cast %get3A_398 : vector<1x16xf32> to vector<16xf32>
        %mul3A_400 = arith.constant 27.7128124 : f32
        %mul3A_401 = vector.broadcast %mul3A_400 : f32 to vector<16xf32>
        %mul3A_402 = arith.mulf %get3A_399, %mul3A_401 : vector<16xf32>
        %swap3A_403 = arith.index_cast %scan3A_253 : i32 to index
        %swap3A_404 = arith.constant 192 : index
        %swap3A_405 = tpu.vector_load %arg8[%swap3A_403, %swap3A_404] {strides = array<i32>} : memref<32x768xf32, #tpu.memory_space<vmem>>, vector<1x16xf32>,
        %swap3A_406 = vector.shape_cast %swap3A_405 : vector<1x16xf32> to vector<16xf32>
        %swap3A_407 = vector.shape_cast %mul3A_402 : vector<16xf32> to vector<1x16xf32>
        tpu.vector_store %arg8[%swap3A_403, %swap3A_404], %swap3A_407 {strides = array<i32>} : memref<32x768xf32, #tpu.memory_space<vmem>>, vector<1x16xf32>,
        %get3A_408 = arith.index_cast %scan3A_253 : i32 to index
        %get3A_409 = arith.constant 208 : index
        %get3A_410 = tpu.vector_load %arg6[%get3A_408, %get3A_409] {strides = array<i32>} : memref<32x768xf32, #tpu.memory_space<vmem>>, vector<1x16xf32>,
        %get3A_411 = vector.shape_cast %get3A_410 : vector<1x16xf32> to vector<16xf32>
        %mul3A_412 = arith.constant 27.7128124 : f32
        %mul3A_413 = vector.broadcast %mul3A_412 : f32 to vector<16xf32>
        %mul3A_414 = arith.mulf %get3A_411, %mul3A_413 : vector<16xf32>
        %swap3A_415 = arith.index_cast %scan3A_253 : i32 to index
        %swap3A_416 = arith.constant 208 : index
        %swap3A_417 = tpu.vector_load %arg8[%swap3A_415, %swap3A_416] {strides = array<i32>} : memref<32x768xf32, #tpu.memory_space<vmem>>, vector<1x16xf32>,
        %swap3A_418 = vector.shape_cast %swap3A_417 : vector<1x16xf32> to vector<16xf32>
        %swap3A_419 = vector.shape_cast %mul3A_414 : vector<16xf32> to vector<1x16xf32>
        tpu.vector_store %arg8[%swap3A_415, %swap3A_416], %swap3A_419 {strides = array<i32>} : memref<32x768xf32, #tpu.memory_space<vmem>>, vector<1x16xf32>,
        %get3A_420 = arith.index_cast %scan3A_253 : i32 to index
        %get3A_421 = arith.constant 224 : index
        %get3A_422 = tpu.vector_load %arg6[%get3A_420, %get3A_421] {strides = array<i32>} : memref<32x768xf32, #tpu.memory_space<vmem>>, vector<1x16xf32>,
        %get3A_423 = vector.shape_cast %get3A_422 : vector<1x16xf32> to vector<16xf32>
        %mul3A_424 = arith.constant 27.7128124 : f32
        %mul3A_425 = vector.broadcast %mul3A_424 : f32 to vector<16xf32>
        %mul3A_426 = arith.mulf %get3A_423, %mul3A_425 : vector<16xf32>
        %swap3A_427 = arith.index_cast %scan3A_253 : i32 to index
        %swap3A_428 = arith.constant 224 : index
        %swap3A_429 = tpu.vector_load %arg8[%swap3A_427, %swap3A_428] {strides = array<i32>} : memref<32x768xf32, #tpu.memory_space<vmem>>, vector<1x16xf32>,
        %swap3A_430 = vector.shape_cast %swap3A_429 : vector<1x16xf32> to vector<16xf32>
        %swap3A_431 = vector.shape_cast %mul3A_426 : vector<16xf32> to vector<1x16xf32>
        tpu.vector_store %arg8[%swap3A_427, %swap3A_428], %swap3A_431 {strides = array<i32>} : memref<32x768xf32, #tpu.memory_space<vmem>>, vector<1x16xf32>,
        %get3A_432 = arith.index_cast %scan3A_253 : i32 to index
        %get3A_433 = arith.constant 240 : index
        %get3A_434 = tpu.vector_load %arg6[%get3A_432, %get3A_433] {strides = array<i32>} : memref<32x768xf32, #tpu.memory_space<vmem>>, vector<1x16xf32>,
        %get3A_435 = vector.shape_cast %get3A_434 : vector<1x16xf32> to vector<16xf32>
        %mul3A_436 = arith.constant 27.7128124 : f32
        %mul3A_437 = vector.broadcast %mul3A_436 : f32 to vector<16xf32>
        %mul3A_438 = arith.mulf %get3A_435, %mul3A_437 : vector<16xf32>
        %swap3A_439 = arith.index_cast %scan3A_253 : i32 to index
        %swap3A_440 = arith.constant 240 : index
        %swap3A_441 = tpu.vector_load %arg8[%swap3A_439, %swap3A_440] {strides = array<i32>} : memref<32x768xf32, #tpu.memory_space<vmem>>, vector<1x16xf32>,
        %swap3A_442 = vector.shape_cast %swap3A_441 : vector<1x16xf32> to vector<16xf32>
        %swap3A_443 = vector.shape_cast %mul3A_438 : vector<16xf32> to vector<1x16xf32>
        tpu.vector_store %arg8[%swap3A_439, %swap3A_440], %swap3A_443 {strides = array<i32>} : memref<32x768xf32, #tpu.memory_space<vmem>>, vector<1x16xf32>,
        %get3A_444 = arith.index_cast %scan3A_253 : i32 to index
        %get3A_445 = arith.constant 256 : index
        %get3A_446 = tpu.vector_load %arg6[%get3A_444, %get3A_445] {strides = array<i32>} : memref<32x768xf32, #tpu.memory_space<vmem>>, vector<1x16xf32>,
        %get3A_447 = vector.shape_cast %get3A_446 : vector<1x16xf32> to vector<16xf32>
        %mul3A_448 = arith.constant 27.7128124 : f32
        %mul3A_449 = vector.broadcast %mul3A_448 : f32 to vector<16xf32>
        %mul3A_450 = arith.mulf %get3A_447, %mul3A_449 : vector<16xf32>
        %swap3A_451 = arith.index_cast %scan3A_253 : i32 to index
        %swap3A_452 = arith.constant 256 : index
        %swap3A_453 = tpu.vector_load %arg8[%swap3A_451, %swap3A_452] {strides = array<i32>} : memref<32x768xf32, #tpu.memory_space<vmem>>, vector<1x16xf32>,
        %swap3A_454 = vector.shape_cast %swap3A_453 : vector<1x16xf32> to vector<16xf32>
        %swap3A_455 = vector.shape_cast %mul3A_450 : vector<16xf32> to vector<1x16xf32>
        tpu.vector_store %arg8[%swap3A_451, %swap3A_452], %swap3A_455 {strides = array<i32>} : memref<32x768xf32, #tpu.memory_space<vmem>>, vector<1x16xf32>,
        %get3A_456 = arith.index_cast %scan3A_253 : i32 to index
        %get3A_457 = arith.constant 272 : index
        %get3A_458 = tpu.vector_load %arg6[%get3A_456, %get3A_457] {strides = array<i32>} : memref<32x768xf32, #tpu.memory_space<vmem>>, vector<1x16xf32>,
        %get3A_459 = vector.shape_cast %get3A_458 : vector<1x16xf32> to vector<16xf32>
        %mul3A_460 = arith.constant 27.7128124 : f32
        %mul3A_461 = vector.broadcast %mul3A_460 : f32 to vector<16xf32>
        %mul3A_462 = arith.mulf %get3A_459, %mul3A_461 : vector<16xf32>
        %swap3A_463 = arith.index_cast %scan3A_253 : i32 to index
        %swap3A_464 = arith.constant 272 : index
        %swap3A_465 = tpu.vector_load %arg8[%swap3A_463, %swap3A_464] {strides = array<i32>} : memref<32x768xf32, #tpu.memory_space<vmem>>, vector<1x16xf32>,
        %swap3A_466 = vector.shape_cast %swap3A_465 : vector<1x16xf32> to vector<16xf32>
        %swap3A_467 = vector.shape_cast %mul3A_462 : vector<16xf32> to vector<1x16xf32>
        tpu.vector_store %arg8[%swap3A_463, %swap3A_464], %swap3A_467 {strides = array<i32>} : memref<32x768xf32, #tpu.memory_space<vmem>>, vector<1x16xf32>,
        %get3A_468 = arith.index_cast %scan3A_253 : i32 to index
        %get3A_469 = arith.constant 288 : index
        %get3A_470 = tpu.vector_load %arg6[%get3A_468, %get3A_469] {strides = array<i32>} : memref<32x768xf32, #tpu.memory_space<vmem>>, vector<1x16xf32>,
        %get3A_471 = vector.shape_cast %get3A_470 : vector<1x16xf32> to vector<16xf32>
        %mul3A_472 = arith.constant 27.7128124 : f32
        %mul3A_473 = vector.broadcast %mul3A_472 : f32 to vector<16xf32>
        %mul3A_474 = arith.mulf %get3A_471, %mul3A_473 : vector<16xf32>
        %swap3A_475 = arith.index_cast %scan3A_253 : i32 to index
        %swap3A_476 = arith.constant 288 : index
        %swap3A_477 = tpu.vector_load %arg8[%swap3A_475, %swap3A_476] {strides = array<i32>} : memref<32x768xf32, #tpu.memory_space<vmem>>, vector<1x16xf32>,
        %swap3A_478 = vector.shape_cast %swap3A_477 : vector<1x16xf32> to vector<16xf32>
        %swap3A_479 = vector.shape_cast %mul3A_474 : vector<16xf32> to vector<1x16xf32>
        tpu.vector_store %arg8[%swap3A_475, %swap3A_476], %swap3A_479 {strides = array<i32>} : memref<32x768xf32, #tpu.memory_space<vmem>>, vector<1x16xf32>,
        %get3A_480 = arith.index_cast %scan3A_253 : i32 to index
        %get3A_481 = arith.constant 304 : index
        %get3A_482 = tpu.vector_load %arg6[%get3A_480, %get3A_481] {strides = array<i32>} : memref<32x768xf32, #tpu.memory_space<vmem>>, vector<1x16xf32>,
        %get3A_483 = vector.shape_cast %get3A_482 : vector<1x16xf32> to vector<16xf32>
        %mul3A_484 = arith.constant 27.7128124 : f32
        %mul3A_485 = vector.broadcast %mul3A_484 : f32 to vector<16xf32>
        %mul3A_486 = arith.mulf %get3A_483, %mul3A_485 : vector<16xf32>
        %swap3A_487 = arith.index_cast %scan3A_253 : i32 to index
        %swap3A_488 = arith.constant 304 : index
        %swap3A_489 = tpu.vector_load %arg8[%swap3A_487, %swap3A_488] {strides = array<i32>} : memref<32x768xf32, #tpu.memory_space<vmem>>, vector<1x16xf32>,
        %swap3A_490 = vector.shape_cast %swap3A_489 : vector<1x16xf32> to vector<16xf32>
        %swap3A_491 = vector.shape_cast %mul3A_486 : vector<16xf32> to vector<1x16xf32>
        tpu.vector_store %arg8[%swap3A_487, %swap3A_488], %swap3A_491 {strides = array<i32>} : memref<32x768xf32, #tpu.memory_space<vmem>>, vector<1x16xf32>,
        %get3A_492 = arith.index_cast %scan3A_253 : i32 to index
        %get3A_493 = arith.constant 320 : index
        %get3A_494 = tpu.vector_load %arg6[%get3A_492, %get3A_493] {strides = array<i32>} : memref<32x768xf32, #tpu.memory_space<vmem>>, vector<1x16xf32>,
        %get3A_495 = vector.shape_cast %get3A_494 : vector<1x16xf32> to vector<16xf32>
        %mul3A_496 = arith.constant 27.7128124 : f32
        %mul3A_497 = vector.broadcast %mul3A_496 : f32 to vector<16xf32>
        %mul3A_498 = arith.mulf %get3A_495, %mul3A_497 : vector<16xf32>
        %swap3A_499 = arith.index_cast %scan3A_253 : i32 to index
        %swap3A_500 = arith.constant 320 : index
        %swap3A_501 = tpu.vector_load %arg8[%swap3A_499, %swap3A_500] {strides = array<i32>} : memref<32x768xf32, #tpu.memory_space<vmem>>, vector<1x16xf32>,
        %swap3A_502 = vector.shape_cast %swap3A_501 : vector<1x16xf32> to vector<16xf32>
        %swap3A_503 = vector.shape_cast %mul3A_498 : vector<16xf32> to vector<1x16xf32>
        tpu.vector_store %arg8[%swap3A_499, %swap3A_500], %swap3A_503 {strides = array<i32>} : memref<32x768xf32, #tpu.memory_space<vmem>>, vector<1x16xf32>,
        %get3A_504 = arith.index_cast %scan3A_253 : i32 to index
        %get3A_505 = arith.constant 336 : index
        %get3A_506 = tpu.vector_load %arg6[%get3A_504, %get3A_505] {strides = array<i32>} : memref<32x768xf32, #tpu.memory_space<vmem>>, vector<1x16xf32>,
        %get3A_507 = vector.shape_cast %get3A_506 : vector<1x16xf32> to vector<16xf32>
        %mul3A_508 = arith.constant 27.7128124 : f32
        %mul3A_509 = vector.broadcast %mul3A_508 : f32 to vector<16xf32>
        %mul3A_510 = arith.mulf %get3A_507, %mul3A_509 : vector<16xf32>
        %swap3A_511 = arith.index_cast %scan3A_253 : i32 to index
        %swap3A_512 = arith.constant 336 : index
        %swap3A_513 = tpu.vector_load %arg8[%swap3A_511, %swap3A_512] {strides = array<i32>} : memref<32x768xf32, #tpu.memory_space<vmem>>, vector<1x16xf32>,
        %swap3A_514 = vector.shape_cast %swap3A_513 : vector<1x16xf32> to vector<16xf32>
        %swap3A_515 = vector.shape_cast %mul3A_510 : vector<16xf32> to vector<1x16xf32>
        tpu.vector_store %arg8[%swap3A_511, %swap3A_512], %swap3A_515 {strides = array<i32>} : memref<32x768xf32, #tpu.memory_space<vmem>>, vector<1x16xf32>,
        %get3A_516 = arith.index_cast %scan3A_253 : i32 to index
        %get3A_517 = arith.constant 352 : index
        %get3A_518 = tpu.vector_load %arg6[%get3A_516, %get3A_517] {strides = array<i32>} : memref<32x768xf32, #tpu.memory_space<vmem>>, vector<1x16xf32>,
        %get3A_519 = vector.shape_cast %get3A_518 : vector<1x16xf32> to vector<16xf32>
        %mul3A_520 = arith.constant 27.7128124 : f32
        %mul3A_521 = vector.broadcast %mul3A_520 : f32 to vector<16xf32>
        %mul3A_522 = arith.mulf %get3A_519, %mul3A_521 : vector<16xf32>
        %swap3A_523 = arith.index_cast %scan3A_253 : i32 to index
        %swap3A_524 = arith.constant 352 : index
        %swap3A_525 = tpu.vector_load %arg8[%swap3A_523, %swap3A_524] {strides = array<i32>} : memref<32x768xf32, #tpu.memory_space<vmem>>, vector<1x16xf32>,
        %swap3A_526 = vector.shape_cast %swap3A_525 : vector<1x16xf32> to vector<16xf32>
        %swap3A_527 = vector.shape_cast %mul3A_522 : vector<16xf32> to vector<1x16xf32>
        tpu.vector_store %arg8[%swap3A_523, %swap3A_524], %swap3A_527 {strides = array<i32>} : memref<32x768xf32, #tpu.memory_space<vmem>>, vector<1x16xf32>,
        %get3A_528 = arith.index_cast %scan3A_253 : i32 to index
        %get3A_529 = arith.constant 368 : index
        %get3A_530 = tpu.vector_load %arg6[%get3A_528, %get3A_529] {strides = array<i32>} : memref<32x768xf32, #tpu.memory_space<vmem>>, vector<1x16xf32>,
        %get3A_531 = vector.shape_cast %get3A_530 : vector<1x16xf32> to vector<16xf32>
        %mul3A_532 = arith.constant 27.7128124 : f32
        %mul3A_533 = vector.broadcast %mul3A_532 : f32 to vector<16xf32>
        %mul3A_534 = arith.mulf %get3A_531, %mul3A_533 : vector<16xf32>
        %swap3A_535 = arith.index_cast %scan3A_253 : i32 to index
        %swap3A_536 = arith.constant 368 : index
        %swap3A_537 = tpu.vector_load %arg8[%swap3A_535, %swap3A_536] {strides = array<i32>} : memref<32x768xf32, #tpu.memory_space<vmem>>, vector<1x16xf32>,
        %swap3A_538 = vector.shape_cast %swap3A_537 : vector<1x16xf32> to vector<16xf32>
        %swap3A_539 = vector.shape_cast %mul3A_534 : vector<16xf32> to vector<1x16xf32>
        tpu.vector_store %arg8[%swap3A_535, %swap3A_536], %swap3A_539 {strides = array<i32>} : memref<32x768xf32, #tpu.memory_space<vmem>>, vector<1x16xf32>,
        %get3A_540 = arith.index_cast %scan3A_253 : i32 to index
        %get3A_541 = arith.constant 384 : index
        %get3A_542 = tpu.vector_load %arg6[%get3A_540, %get3A_541] {strides = array<i32>} : memref<32x768xf32, #tpu.memory_space<vmem>>, vector<1x16xf32>,
        %get3A_543 = vector.shape_cast %get3A_542 : vector<1x16xf32> to vector<16xf32>
        %mul3A_544 = arith.constant 27.7128124 : f32
        %mul3A_545 = vector.broadcast %mul3A_544 : f32 to vector<16xf32>
        %mul3A_546 = arith.mulf %get3A_543, %mul3A_545 : vector<16xf32>
        %swap3A_547 = arith.index_cast %scan3A_253 : i32 to index
        %swap3A_548 = arith.constant 384 : index
        %swap3A_549 = tpu.vector_load %arg8[%swap3A_547, %swap3A_548] {strides = array<i32>} : memref<32x768xf32, #tpu.memory_space<vmem>>, vector<1x16xf32>,
        %swap3A_550 = vector.shape_cast %swap3A_549 : vector<1x16xf32> to vector<16xf32>
        %swap3A_551 = vector.shape_cast %mul3A_546 : vector<16xf32> to vector<1x16xf32>
        tpu.vector_store %arg8[%swap3A_547, %swap3A_548], %swap3A_551 {strides = array<i32>} : memref<32x768xf32, #tpu.memory_space<vmem>>, vector<1x16xf32>,
        %get3A_552 = arith.index_cast %scan3A_253 : i32 to index
        %get3A_553 = arith.constant 400 : index
        %get3A_554 = tpu.vector_load %arg6[%get3A_552, %get3A_553] {strides = array<i32>} : memref<32x768xf32, #tpu.memory_space<vmem>>, vector<1x16xf32>,
        %get3A_555 = vector.shape_cast %get3A_554 : vector<1x16xf32> to vector<16xf32>
        %mul3A_556 = arith.constant 27.7128124 : f32
        %mul3A_557 = vector.broadcast %mul3A_556 : f32 to vector<16xf32>
        %mul3A_558 = arith.mulf %get3A_555, %mul3A_557 : vector<16xf32>
        %swap3A_559 = arith.index_cast %scan3A_253 : i32 to index
        %swap3A_560 = arith.constant 400 : index
        %swap3A_561 = tpu.vector_load %arg8[%swap3A_559, %swap3A_560] {strides = array<i32>} : memref<32x768xf32, #tpu.memory_space<vmem>>, vector<1x16xf32>,
        %swap3A_562 = vector.shape_cast %swap3A_561 : vector<1x16xf32> to vector<16xf32>
        %swap3A_563 = vector.shape_cast %mul3A_558 : vector<16xf32> to vector<1x16xf32>
        tpu.vector_store %arg8[%swap3A_559, %swap3A_560], %swap3A_563 {strides = array<i32>} : memref<32x768xf32, #tpu.memory_space<vmem>>, vector<1x16xf32>,
        %get3A_564 = arith.index_cast %scan3A_253 : i32 to index
        %get3A_565 = arith.constant 416 : index
        %get3A_566 = tpu.vector_load %arg6[%get3A_564, %get3A_565] {strides = array<i32>} : memref<32x768xf32, #tpu.memory_space<vmem>>, vector<1x16xf32>,
        %get3A_567 = vector.shape_cast %get3A_566 : vector<1x16xf32> to vector<16xf32>
        %mul3A_568 = arith.constant 27.7128124 : f32
        %mul3A_569 = vector.broadcast %mul3A_568 : f32 to vector<16xf32>
        %mul3A_570 = arith.mulf %get3A_567, %mul3A_569 : vector<16xf32>
        %swap3A_571 = arith.index_cast %scan3A_253 : i32 to index
        %swap3A_572 = arith.constant 416 : index
        %swap3A_573 = tpu.vector_load %arg8[%swap3A_571, %swap3A_572] {strides = array<i32>} : memref<32x768xf32, #tpu.memory_space<vmem>>, vector<1x16xf32>,
        %swap3A_574 = vector.shape_cast %swap3A_573 : vector<1x16xf32> to vector<16xf32>
        %swap3A_575 = vector.shape_cast %mul3A_570 : vector<16xf32> to vector<1x16xf32>
        tpu.vector_store %arg8[%swap3A_571, %swap3A_572], %swap3A_575 {strides = array<i32>} : memref<32x768xf32, #tpu.memory_space<vmem>>, vector<1x16xf32>,
        %get3A_576 = arith.index_cast %scan3A_253 : i32 to index
        %get3A_577 = arith.constant 432 : index
        %get3A_578 = tpu.vector_load %arg6[%get3A_576, %get3A_577] {strides = array<i32>} : memref<32x768xf32, #tpu.memory_space<vmem>>, vector<1x16xf32>,
        %get3A_579 = vector.shape_cast %get3A_578 : vector<1x16xf32> to vector<16xf32>
        %mul3A_580 = arith.constant 27.7128124 : f32
        %mul3A_581 = vector.broadcast %mul3A_580 : f32 to vector<16xf32>
        %mul3A_582 = arith.mulf %get3A_579, %mul3A_581 : vector<16xf32>
        %swap3A_583 = arith.index_cast %scan3A_253 : i32 to index
        %swap3A_584 = arith.constant 432 : index
        %swap3A_585 = tpu.vector_load %arg8[%swap3A_583, %swap3A_584] {strides = array<i32>} : memref<32x768xf32, #tpu.memory_space<vmem>>, vector<1x16xf32>,
        %swap3A_586 = vector.shape_cast %swap3A_585 : vector<1x16xf32> to vector<16xf32>
        %swap3A_587 = vector.shape_cast %mul3A_582 : vector<16xf32> to vector<1x16xf32>
        tpu.vector_store %arg8[%swap3A_583, %swap3A_584], %swap3A_587 {strides = array<i32>} : memref<32x768xf32, #tpu.memory_space<vmem>>, vector<1x16xf32>,
        %get3A_588 = arith.index_cast %scan3A_253 : i32 to index
        %get3A_589 = arith.constant 448 : index
        %get3A_590 = tpu.vector_load %arg6[%get3A_588, %get3A_589] {strides = array<i32>} : memref<32x768xf32, #tpu.memory_space<vmem>>, vector<1x16xf32>,
        %get3A_591 = vector.shape_cast %get3A_590 : vector<1x16xf32> to vector<16xf32>
        %mul3A_592 = arith.constant 27.7128124 : f32
        %mul3A_593 = vector.broadcast %mul3A_592 : f32 to vector<16xf32>
        %mul3A_594 = arith.mulf %get3A_591, %mul3A_593 : vector<16xf32>
        %swap3A_595 = arith.index_cast %scan3A_253 : i32 to index
        %swap3A_596 = arith.constant 448 : index
        %swap3A_597 = tpu.vector_load %arg8[%swap3A_595, %swap3A_596] {strides = array<i32>} : memref<32x768xf32, #tpu.memory_space<vmem>>, vector<1x16xf32>,
        %swap3A_598 = vector.shape_cast %swap3A_597 : vector<1x16xf32> to vector<16xf32>
        %swap3A_599 = vector.shape_cast %mul3A_594 : vector<16xf32> to vector<1x16xf32>
        tpu.vector_store %arg8[%swap3A_595, %swap3A_596], %swap3A_599 {strides = array<i32>} : memref<32x768xf32, #tpu.memory_space<vmem>>, vector<1x16xf32>,
        %get3A_600 = arith.index_cast %scan3A_253 : i32 to index
        %get3A_601 = arith.constant 464 : index
        %get3A_602 = tpu.vector_load %arg6[%get3A_600, %get3A_601] {strides = array<i32>} : memref<32x768xf32, #tpu.memory_space<vmem>>, vector<1x16xf32>,
        %get3A_603 = vector.shape_cast %get3A_602 : vector<1x16xf32> to vector<16xf32>
        %mul3A_604 = arith.constant 27.7128124 : f32
        %mul3A_605 = vector.broadcast %mul3A_604 : f32 to vector<16xf32>
        %mul3A_606 = arith.mulf %get3A_603, %mul3A_605 : vector<16xf32>
        %swap3A_607 = arith.index_cast %scan3A_253 : i32 to index
        %swap3A_608 = arith.constant 464 : index
        %swap3A_609 = tpu.vector_load %arg8[%swap3A_607, %swap3A_608] {strides = array<i32>} : memref<32x768xf32, #tpu.memory_space<vmem>>, vector<1x16xf32>,
        %swap3A_610 = vector.shape_cast %swap3A_609 : vector<1x16xf32> to vector<16xf32>
        %swap3A_611 = vector.shape_cast %mul3A_606 : vector<16xf32> to vector<1x16xf32>
        tpu.vector_store %arg8[%swap3A_607, %swap3A_608], %swap3A_611 {strides = array<i32>} : memref<32x768xf32, #tpu.memory_space<vmem>>, vector<1x16xf32>,
        %get3A_612 = arith.index_cast %scan3A_253 : i32 to index
        %get3A_613 = arith.constant 480 : index
        %get3A_614 = tpu.vector_load %arg6[%get3A_612, %get3A_613] {strides = array<i32>} : memref<32x768xf32, #tpu.memory_space<vmem>>, vector<1x16xf32>,
        %get3A_615 = vector.shape_cast %get3A_614 : vector<1x16xf32> to vector<16xf32>
        %mul3A_616 = arith.constant 27.7128124 : f32
        %mul3A_617 = vector.broadcast %mul3A_616 : f32 to vector<16xf32>
        %mul3A_618 = arith.mulf %get3A_615, %mul3A_617 : vector<16xf32>
        %swap3A_619 = arith.index_cast %scan3A_253 : i32 to index
        %swap3A_620 = arith.constant 480 : index
        %swap3A_621 = tpu.vector_load %arg8[%swap3A_619, %swap3A_620] {strides = array<i32>} : memref<32x768xf32, #tpu.memory_space<vmem>>, vector<1x16xf32>,
        %swap3A_622 = vector.shape_cast %swap3A_621 : vector<1x16xf32> to vector<16xf32>
        %swap3A_623 = vector.shape_cast %mul3A_618 : vector<16xf32> to vector<1x16xf32>
        tpu.vector_store %arg8[%swap3A_619, %swap3A_620], %swap3A_623 {strides = array<i32>} : memref<32x768xf32, #tpu.memory_space<vmem>>, vector<1x16xf32>,
        %get3A_624 = arith.index_cast %scan3A_253 : i32 to index
        %get3A_625 = arith.constant 496 : index
        %get3A_626 = tpu.vector_load %arg6[%get3A_624, %get3A_625] {strides = array<i32>} : memref<32x768xf32, #tpu.memory_space<vmem>>, vector<1x16xf32>,
        %get3A_627 = vector.shape_cast %get3A_626 : vector<1x16xf32> to vector<16xf32>
        %mul3A_628 = arith.constant 27.7128124 : f32
        %mul3A_629 = vector.broadcast %mul3A_628 : f32 to vector<16xf32>
        %mul3A_630 = arith.mulf %get3A_627, %mul3A_629 : vector<16xf32>
        %swap3A_631 = arith.index_cast %scan3A_253 : i32 to index
        %swap3A_632 = arith.constant 496 : index
        %swap3A_633 = tpu.vector_load %arg8[%swap3A_631, %swap3A_632] {strides = array<i32>} : memref<32x768xf32, #tpu.memory_space<vmem>>, vector<1x16xf32>,
        %swap3A_634 = vector.shape_cast %swap3A_633 : vector<1x16xf32> to vector<16xf32>
        %swap3A_635 = vector.shape_cast %mul3A_630 : vector<16xf32> to vector<1x16xf32>
        tpu.vector_store %arg8[%swap3A_631, %swap3A_632], %swap3A_635 {strides = array<i32>} : memref<32x768xf32, #tpu.memory_space<vmem>>, vector<1x16xf32>,
        %get3A_636 = arith.index_cast %scan3A_253 : i32 to index
        %get3A_637 = arith.constant 512 : index
        %get3A_638 = tpu.vector_load %arg6[%get3A_636, %get3A_637] {strides = array<i32>} : memref<32x768xf32, #tpu.memory_space<vmem>>, vector<1x16xf32>,
        %get3A_639 = vector.shape_cast %get3A_638 : vector<1x16xf32> to vector<16xf32>
        %mul3A_640 = arith.constant 27.7128124 : f32
        %mul3A_641 = vector.broadcast %mul3A_640 : f32 to vector<16xf32>
        %mul3A_642 = arith.mulf %get3A_639, %mul3A_641 : vector<16xf32>
        %swap3A_643 = arith.index_cast %scan3A_253 : i32 to index
        %swap3A_644 = arith.constant 512 : index
        %swap3A_645 = tpu.vector_load %arg8[%swap3A_643, %swap3A_644] {strides = array<i32>} : memref<32x768xf32, #tpu.memory_space<vmem>>, vector<1x16xf32>,
        %swap3A_646 = vector.shape_cast %swap3A_645 : vector<1x16xf32> to vector<16xf32>
        %swap3A_647 = vector.shape_cast %mul3A_642 : vector<16xf32> to vector<1x16xf32>
        tpu.vector_store %arg8[%swap3A_643, %swap3A_644], %swap3A_647 {strides = array<i32>} : memref<32x768xf32, #tpu.memory_space<vmem>>, vector<1x16xf32>,
        %get3A_648 = arith.index_cast %scan3A_253 : i32 to index
        %get3A_649 = arith.constant 528 : index
        %get3A_650 = tpu.vector_load %arg6[%get3A_648, %get3A_649] {strides = array<i32>} : memref<32x768xf32, #tpu.memory_space<vmem>>, vector<1x16xf32>,
        %get3A_651 = vector.shape_cast %get3A_650 : vector<1x16xf32> to vector<16xf32>
        %mul3A_652 = arith.constant 27.7128124 : f32
        %mul3A_653 = vector.broadcast %mul3A_652 : f32 to vector<16xf32>
        %mul3A_654 = arith.mulf %get3A_651, %mul3A_653 : vector<16xf32>
        %swap3A_655 = arith.index_cast %scan3A_253 : i32 to index
        %swap3A_656 = arith.constant 528 : index
        %swap3A_657 = tpu.vector_load %arg8[%swap3A_655, %swap3A_656] {strides = array<i32>} : memref<32x768xf32, #tpu.memory_space<vmem>>, vector<1x16xf32>,
        %swap3A_658 = vector.shape_cast %swap3A_657 : vector<1x16xf32> to vector<16xf32>
        %swap3A_659 = vector.shape_cast %mul3A_654 : vector<16xf32> to vector<1x16xf32>
        tpu.vector_store %arg8[%swap3A_655, %swap3A_656], %swap3A_659 {strides = array<i32>} : memref<32x768xf32, #tpu.memory_space<vmem>>, vector<1x16xf32>,
        %get3A_660 = arith.index_cast %scan3A_253 : i32 to index
        %get3A_661 = arith.constant 544 : index
        %get3A_662 = tpu.vector_load %arg6[%get3A_660, %get3A_661] {strides = array<i32>} : memref<32x768xf32, #tpu.memory_space<vmem>>, vector<1x16xf32>,
        %get3A_663 = vector.shape_cast %get3A_662 : vector<1x16xf32> to vector<16xf32>
        %mul3A_664 = arith.constant 27.7128124 : f32
        %mul3A_665 = vector.broadcast %mul3A_664 : f32 to vector<16xf32>
        %mul3A_666 = arith.mulf %get3A_663, %mul3A_665 : vector<16xf32>
        %swap3A_667 = arith.index_cast %scan3A_253 : i32 to index
        %swap3A_668 = arith.constant 544 : index
        %swap3A_669 = tpu.vector_load %arg8[%swap3A_667, %swap3A_668] {strides = array<i32>} : memref<32x768xf32, #tpu.memory_space<vmem>>, vector<1x16xf32>,
        %swap3A_670 = vector.shape_cast %swap3A_669 : vector<1x16xf32> to vector<16xf32>
        %swap3A_671 = vector.shape_cast %mul3A_666 : vector<16xf32> to vector<1x16xf32>
        tpu.vector_store %arg8[%swap3A_667, %swap3A_668], %swap3A_671 {strides = array<i32>} : memref<32x768xf32, #tpu.memory_space<vmem>>, vector<1x16xf32>,
        %get3A_672 = arith.index_cast %scan3A_253 : i32 to index
        %get3A_673 = arith.constant 560 : index
        %get3A_674 = tpu.vector_load %arg6[%get3A_672, %get3A_673] {strides = array<i32>} : memref<32x768xf32, #tpu.memory_space<vmem>>, vector<1x16xf32>,
        %get3A_675 = vector.shape_cast %get3A_674 : vector<1x16xf32> to vector<16xf32>
        %mul3A_676 = arith.constant 27.7128124 : f32
        %mul3A_677 = vector.broadcast %mul3A_676 : f32 to vector<16xf32>
        %mul3A_678 = arith.mulf %get3A_675, %mul3A_677 : vector<16xf32>
        %swap3A_679 = arith.index_cast %scan3A_253 : i32 to index
        %swap3A_680 = arith.constant 560 : index
        %swap3A_681 = tpu.vector_load %arg8[%swap3A_679, %swap3A_680] {strides = array<i32>} : memref<32x768xf32, #tpu.memory_space<vmem>>, vector<1x16xf32>,
        %swap3A_682 = vector.shape_cast %swap3A_681 : vector<1x16xf32> to vector<16xf32>
        %swap3A_683 = vector.shape_cast %mul3A_678 : vector<16xf32> to vector<1x16xf32>
        tpu.vector_store %arg8[%swap3A_679, %swap3A_680], %swap3A_683 {strides = array<i32>} : memref<32x768xf32, #tpu.memory_space<vmem>>, vector<1x16xf32>,
        %get3A_684 = arith.index_cast %scan3A_253 : i32 to index
        %get3A_685 = arith.constant 576 : index
        %get3A_686 = tpu.vector_load %arg6[%get3A_684, %get3A_685] {strides = array<i32>} : memref<32x768xf32, #tpu.memory_space<vmem>>, vector<1x16xf32>,
        %get3A_687 = vector.shape_cast %get3A_686 : vector<1x16xf32> to vector<16xf32>
        %mul3A_688 = arith.constant 27.7128124 : f32
        %mul3A_689 = vector.broadcast %mul3A_688 : f32 to vector<16xf32>
        %mul3A_690 = arith.mulf %get3A_687, %mul3A_689 : vector<16xf32>
        %swap3A_691 = arith.index_cast %scan3A_253 : i32 to index
        %swap3A_692 = arith.constant 576 : index
        %swap3A_693 = tpu.vector_load %arg8[%swap3A_691, %swap3A_692] {strides = array<i32>} : memref<32x768xf32, #tpu.memory_space<vmem>>, vector<1x16xf32>,
        %swap3A_694 = vector.shape_cast %swap3A_693 : vector<1x16xf32> to vector<16xf32>
        %swap3A_695 = vector.shape_cast %mul3A_690 : vector<16xf32> to vector<1x16xf32>
        tpu.vector_store %arg8[%swap3A_691, %swap3A_692], %swap3A_695 {strides = array<i32>} : memref<32x768xf32, #tpu.memory_space<vmem>>, vector<1x16xf32>,
        %get3A_696 = arith.index_cast %scan3A_253 : i32 to index
        %get3A_697 = arith.constant 592 : index
        %get3A_698 = tpu.vector_load %arg6[%get3A_696, %get3A_697] {strides = array<i32>} : memref<32x768xf32, #tpu.memory_space<vmem>>, vector<1x16xf32>,
        %get3A_699 = vector.shape_cast %get3A_698 : vector<1x16xf32> to vector<16xf32>
        %mul3A_700 = arith.constant 27.7128124 : f32
        %mul3A_701 = vector.broadcast %mul3A_700 : f32 to vector<16xf32>
        %mul3A_702 = arith.mulf %get3A_699, %mul3A_701 : vector<16xf32>
        %swap3A_703 = arith.index_cast %scan3A_253 : i32 to index
        %swap3A_704 = arith.constant 592 : index
        %swap3A_705 = tpu.vector_load %arg8[%swap3A_703, %swap3A_704] {strides = array<i32>} : memref<32x768xf32, #tpu.memory_space<vmem>>, vector<1x16xf32>,
        %swap3A_706 = vector.shape_cast %swap3A_705 : vector<1x16xf32> to vector<16xf32>
        %swap3A_707 = vector.shape_cast %mul3A_702 : vector<16xf32> to vector<1x16xf32>
        tpu.vector_store %arg8[%swap3A_703, %swap3A_704], %swap3A_707 {strides = array<i32>} : memref<32x768xf32, #tpu.memory_space<vmem>>, vector<1x16xf32>,
        %get3A_708 = arith.index_cast %scan3A_253 : i32 to index
        %get3A_709 = arith.constant 608 : index
        %get3A_710 = tpu.vector_load %arg6[%get3A_708, %get3A_709] {strides = array<i32>} : memref<32x768xf32, #tpu.memory_space<vmem>>, vector<1x16xf32>,
        %get3A_711 = vector.shape_cast %get3A_710 : vector<1x16xf32> to vector<16xf32>
        %mul3A_712 = arith.constant 27.7128124 : f32
        %mul3A_713 = vector.broadcast %mul3A_712 : f32 to vector<16xf32>
        %mul3A_714 = arith.mulf %get3A_711, %mul3A_713 : vector<16xf32>
        %swap3A_715 = arith.index_cast %scan3A_253 : i32 to index
        %swap3A_716 = arith.constant 608 : index
        %swap3A_717 = tpu.vector_load %arg8[%swap3A_715, %swap3A_716] {strides = array<i32>} : memref<32x768xf32, #tpu.memory_space<vmem>>, vector<1x16xf32>,
        %swap3A_718 = vector.shape_cast %swap3A_717 : vector<1x16xf32> to vector<16xf32>
        %swap3A_719 = vector.shape_cast %mul3A_714 : vector<16xf32> to vector<1x16xf32>
        tpu.vector_store %arg8[%swap3A_715, %swap3A_716], %swap3A_719 {strides = array<i32>} : memref<32x768xf32, #tpu.memory_space<vmem>>, vector<1x16xf32>,
        %get3A_720 = arith.index_cast %scan3A_253 : i32 to index
        %get3A_721 = arith.constant 624 : index
        %get3A_722 = tpu.vector_load %arg6[%get3A_720, %get3A_721] {strides = array<i32>} : memref<32x768xf32, #tpu.memory_space<vmem>>, vector<1x16xf32>,
        %get3A_723 = vector.shape_cast %get3A_722 : vector<1x16xf32> to vector<16xf32>
        %mul3A_724 = arith.constant 27.7128124 : f32
        %mul3A_725 = vector.broadcast %mul3A_724 : f32 to vector<16xf32>
        %mul3A_726 = arith.mulf %get3A_723, %mul3A_725 : vector<16xf32>
        %swap3A_727 = arith.index_cast %scan3A_253 : i32 to index
        %swap3A_728 = arith.constant 624 : index
        %swap3A_729 = tpu.vector_load %arg8[%swap3A_727, %swap3A_728] {strides = array<i32>} : memref<32x768xf32, #tpu.memory_space<vmem>>, vector<1x16xf32>,
        %swap3A_730 = vector.shape_cast %swap3A_729 : vector<1x16xf32> to vector<16xf32>
        %swap3A_731 = vector.shape_cast %mul3A_726 : vector<16xf32> to vector<1x16xf32>
        tpu.vector_store %arg8[%swap3A_727, %swap3A_728], %swap3A_731 {strides = array<i32>} : memref<32x768xf32, #tpu.memory_space<vmem>>, vector<1x16xf32>,
        %get3A_732 = arith.index_cast %scan3A_253 : i32 to index
        %get3A_733 = arith.constant 640 : index
        %get3A_734 = tpu.vector_load %arg6[%get3A_732, %get3A_733] {strides = array<i32>} : memref<32x768xf32, #tpu.memory_space<vmem>>, vector<1x16xf32>,
        %get3A_735 = vector.shape_cast %get3A_734 : vector<1x16xf32> to vector<16xf32>
        %mul3A_736 = arith.constant 27.7128124 : f32
        %mul3A_737 = vector.broadcast %mul3A_736 : f32 to vector<16xf32>
        %mul3A_738 = arith.mulf %get3A_735, %mul3A_737 : vector<16xf32>
        %swap3A_739 = arith.index_cast %scan3A_253 : i32 to index
        %swap3A_740 = arith.constant 640 : index
        %swap3A_741 = tpu.vector_load %arg8[%swap3A_739, %swap3A_740] {strides = array<i32>} : memref<32x768xf32, #tpu.memory_space<vmem>>, vector<1x16xf32>,
        %swap3A_742 = vector.shape_cast %swap3A_741 : vector<1x16xf32> to vector<16xf32>
        %swap3A_743 = vector.shape_cast %mul3A_738 : vector<16xf32> to vector<1x16xf32>
        tpu.vector_store %arg8[%swap3A_739, %swap3A_740], %swap3A_743 {strides = array<i32>} : memref<32x768xf32, #tpu.memory_space<vmem>>, vector<1x16xf32>,
        %get3A_744 = arith.index_cast %scan3A_253 : i32 to index
        %get3A_745 = arith.constant 656 : index
        %get3A_746 = tpu.vector_load %arg6[%get3A_744, %get3A_745] {strides = array<i32>} : memref<32x768xf32, #tpu.memory_space<vmem>>, vector<1x16xf32>,
        %get3A_747 = vector.shape_cast %get3A_746 : vector<1x16xf32> to vector<16xf32>
        %mul3A_748 = arith.constant 27.7128124 : f32
        %mul3A_749 = vector.broadcast %mul3A_748 : f32 to vector<16xf32>
        %mul3A_750 = arith.mulf %get3A_747, %mul3A_749 : vector<16xf32>
        %swap3A_751 = arith.index_cast %scan3A_253 : i32 to index
        %swap3A_752 = arith.constant 656 : index
        %swap3A_753 = tpu.vector_load %arg8[%swap3A_751, %swap3A_752] {strides = array<i32>} : memref<32x768xf32, #tpu.memory_space<vmem>>, vector<1x16xf32>,
        %swap3A_754 = vector.shape_cast %swap3A_753 : vector<1x16xf32> to vector<16xf32>
        %swap3A_755 = vector.shape_cast %mul3A_750 : vector<16xf32> to vector<1x16xf32>
        tpu.vector_store %arg8[%swap3A_751, %swap3A_752], %swap3A_755 {strides = array<i32>} : memref<32x768xf32, #tpu.memory_space<vmem>>, vector<1x16xf32>,
        %get3A_756 = arith.index_cast %scan3A_253 : i32 to index
        %get3A_757 = arith.constant 672 : index
        %get3A_758 = tpu.vector_load %arg6[%get3A_756, %get3A_757] {strides = array<i32>} : memref<32x768xf32, #tpu.memory_space<vmem>>, vector<1x16xf32>,
        %get3A_759 = vector.shape_cast %get3A_758 : vector<1x16xf32> to vector<16xf32>
        %mul3A_760 = arith.constant 27.7128124 : f32
        %mul3A_761 = vector.broadcast %mul3A_760 : f32 to vector<16xf32>
        %mul3A_762 = arith.mulf %get3A_759, %mul3A_761 : vector<16xf32>
        %swap3A_763 = arith.index_cast %scan3A_253 : i32 to index
        %swap3A_764 = arith.constant 672 : index
        %swap3A_765 = tpu.vector_load %arg8[%swap3A_763, %swap3A_764] {strides = array<i32>} : memref<32x768xf32, #tpu.memory_space<vmem>>, vector<1x16xf32>,
        %swap3A_766 = vector.shape_cast %swap3A_765 : vector<1x16xf32> to vector<16xf32>
        %swap3A_767 = vector.shape_cast %mul3A_762 : vector<16xf32> to vector<1x16xf32>
        tpu.vector_store %arg8[%swap3A_763, %swap3A_764], %swap3A_767 {strides = array<i32>} : memref<32x768xf32, #tpu.memory_space<vmem>>, vector<1x16xf32>,
        %get3A_768 = arith.index_cast %scan3A_253 : i32 to index
        %get3A_769 = arith.constant 688 : index
        %get3A_770 = tpu.vector_load %arg6[%get3A_768, %get3A_769] {strides = array<i32>} : memref<32x768xf32, #tpu.memory_space<vmem>>, vector<1x16xf32>,
        %get3A_771 = vector.shape_cast %get3A_770 : vector<1x16xf32> to vector<16xf32>
        %mul3A_772 = arith.constant 27.7128124 : f32
        %mul3A_773 = vector.broadcast %mul3A_772 : f32 to vector<16xf32>
        %mul3A_774 = arith.mulf %get3A_771, %mul3A_773 : vector<16xf32>
        %swap3A_775 = arith.index_cast %scan3A_253 : i32 to index
        %swap3A_776 = arith.constant 688 : index
        %swap3A_777 = tpu.vector_load %arg8[%swap3A_775, %swap3A_776] {strides = array<i32>} : memref<32x768xf32, #tpu.memory_space<vmem>>, vector<1x16xf32>,
        %swap3A_778 = vector.shape_cast %swap3A_777 : vector<1x16xf32> to vector<16xf32>
        %swap3A_779 = vector.shape_cast %mul3A_774 : vector<16xf32> to vector<1x16xf32>
        tpu.vector_store %arg8[%swap3A_775, %swap3A_776], %swap3A_779 {strides = array<i32>} : memref<32x768xf32, #tpu.memory_space<vmem>>, vector<1x16xf32>,
        %get3A_780 = arith.index_cast %scan3A_253 : i32 to index
        %get3A_781 = arith.constant 704 : index
        %get3A_782 = tpu.vector_load %arg6[%get3A_780, %get3A_781] {strides = array<i32>} : memref<32x768xf32, #tpu.memory_space<vmem>>, vector<1x16xf32>,
        %get3A_783 = vector.shape_cast %get3A_782 : vector<1x16xf32> to vector<16xf32>
        %mul3A_784 = arith.constant 27.7128124 : f32
        %mul3A_785 = vector.broadcast %mul3A_784 : f32 to vector<16xf32>
        %mul3A_786 = arith.mulf %get3A_783, %mul3A_785 : vector<16xf32>
        %swap3A_787 = arith.index_cast %scan3A_253 : i32 to index
        %swap3A_788 = arith.constant 704 : index
        %swap3A_789 = tpu.vector_load %arg8[%swap3A_787, %swap3A_788] {strides = array<i32>} : memref<32x768xf32, #tpu.memory_space<vmem>>, vector<1x16xf32>,
        %swap3A_790 = vector.shape_cast %swap3A_789 : vector<1x16xf32> to vector<16xf32>
        %swap3A_791 = vector.shape_cast %mul3A_786 : vector<16xf32> to vector<1x16xf32>
        tpu.vector_store %arg8[%swap3A_787, %swap3A_788], %swap3A_791 {strides = array<i32>} : memref<32x768xf32, #tpu.memory_space<vmem>>, vector<1x16xf32>,
        %get3A_792 = arith.index_cast %scan3A_253 : i32 to index
        %get3A_793 = arith.constant 720 : index
        %get3A_794 = tpu.vector_load %arg6[%get3A_792, %get3A_793] {strides = array<i32>} : memref<32x768xf32, #tpu.memory_space<vmem>>, vector<1x16xf32>,
        %get3A_795 = vector.shape_cast %get3A_794 : vector<1x16xf32> to vector<16xf32>
        %mul3A_796 = arith.constant 27.7128124 : f32
        %mul3A_797 = vector.broadcast %mul3A_796 : f32 to vector<16xf32>
        %mul3A_798 = arith.mulf %get3A_795, %mul3A_797 : vector<16xf32>
        %swap3A_799 = arith.index_cast %scan3A_253 : i32 to index
        %swap3A_800 = arith.constant 720 : index
        %swap3A_801 = tpu.vector_load %arg8[%swap3A_799, %swap3A_800] {strides = array<i32>} : memref<32x768xf32, #tpu.memory_space<vmem>>, vector<1x16xf32>,
        %swap3A_802 = vector.shape_cast %swap3A_801 : vector<1x16xf32> to vector<16xf32>
        %swap3A_803 = vector.shape_cast %mul3A_798 : vector<16xf32> to vector<1x16xf32>
        tpu.vector_store %arg8[%swap3A_799, %swap3A_800], %swap3A_803 {strides = array<i32>} : memref<32x768xf32, #tpu.memory_space<vmem>>, vector<1x16xf32>,
        %get3A_804 = arith.index_cast %scan3A_253 : i32 to index
        %get3A_805 = arith.constant 736 : index
        %get3A_806 = tpu.vector_load %arg6[%get3A_804, %get3A_805] {strides = array<i32>} : memref<32x768xf32, #tpu.memory_space<vmem>>, vector<1x16xf32>,
        %get3A_807 = vector.shape_cast %get3A_806 : vector<1x16xf32> to vector<16xf32>
        %mul3A_808 = arith.constant 27.7128124 : f32
        %mul3A_809 = vector.broadcast %mul3A_808 : f32 to vector<16xf32>
        %mul3A_810 = arith.mulf %get3A_807, %mul3A_809 : vector<16xf32>
        %swap3A_811 = arith.index_cast %scan3A_253 : i32 to index
        %swap3A_812 = arith.constant 736 : index
        %swap3A_813 = tpu.vector_load %arg8[%swap3A_811, %swap3A_812] {strides = array<i32>} : memref<32x768xf32, #tpu.memory_space<vmem>>, vector<1x16xf32>,
        %swap3A_814 = vector.shape_cast %swap3A_813 : vector<1x16xf32> to vector<16xf32>
        %swap3A_815 = vector.shape_cast %mul3A_810 : vector<16xf32> to vector<1x16xf32>
        tpu.vector_store %arg8[%swap3A_811, %swap3A_812], %swap3A_815 {strides = array<i32>} : memref<32x768xf32, #tpu.memory_space<vmem>>, vector<1x16xf32>,
        %get3A_816 = arith.index_cast %scan3A_253 : i32 to index
        %get3A_817 = arith.constant 752 : index
        %get3A_818 = tpu.vector_load %arg6[%get3A_816, %get3A_817] {strides = array<i32>} : memref<32x768xf32, #tpu.memory_space<vmem>>, vector<1x16xf32>,
        %get3A_819 = vector.shape_cast %get3A_818 : vector<1x16xf32> to vector<16xf32>
        %mul3A_820 = arith.constant 27.7128124 : f32
        %mul3A_821 = vector.broadcast %mul3A_820 : f32 to vector<16xf32>
        %mul3A_822 = arith.mulf %get3A_819, %mul3A_821 : vector<16xf32>
        %swap3A_823 = arith.index_cast %scan3A_253 : i32 to index
        %swap3A_824 = arith.constant 752 : index
        %swap3A_825 = tpu.vector_load %arg8[%swap3A_823, %swap3A_824] {strides = array<i32>} : memref<32x768xf32, #tpu.memory_space<vmem>>, vector<1x16xf32>,
        %swap3A_826 = vector.shape_cast %swap3A_825 : vector<1x16xf32> to vector<16xf32>
        %swap3A_827 = vector.shape_cast %mul3A_822 : vector<16xf32> to vector<1x16xf32>
        tpu.vector_store %arg8[%swap3A_823, %swap3A_824], %swap3A_827 {strides = array<i32>} : memref<32x768xf32, #tpu.memory_space<vmem>>, vector<1x16xf32>,
      }
      %scan3A_193 = arith.constant 32 : i32
      %mul3A_194 = arith.constant 32 : i32
      %mul3A_195 = arith.muli %add3A_170, %mul3A_194 : i32
      %add3A_196 = arith.addi %mul3A_32, %mul3A_195 : i32
      %dma_start3A_197 = arith.constant 0 : i32
      %dma_start3A_198 = tpu.memref_slice %arg4[%select_n3A, %add3A_196, %dma_start3A_197] : memref<4x8192x768xf32, #tpu.memory_space<hbm>> -> memref<1x32x768xf32, #tpu.memory_space<hbm>>
      %dma_start3A_199 = tpu.memref_squeeze %dma_start3A_198 : memref<1x32x768xf32, #tpu.memory_space<hbm>> -> memref<32x768xf32, #tpu.memory_space<hbm>>
      %dma_start3A_200 = arith.constant 0 : i32
      %dma_start3A_201 = tpu.memref_slice %arg4[%select_n3A, %add3A_196, %dma_start3A_200] : memref<4x8192x768xf32, #tpu.memory_space<hbm>> -> memref<1x32x768xf32, #tpu.memory_space<hbm>>
      %dma_start3A_202 = tpu.memref_squeeze %dma_start3A_201 : memref<1x32x768xf32, #tpu.memory_space<hbm>> -> memref<32x768xf32, #tpu.memory_space<hbm>>
      tpu.enqueue_dma source(%arg8 : memref<32x768xf32, #tpu.memory_space<vmem>>) target(%dma_start3A_202 : memref<32x768xf32, #tpu.memory_space<hbm>>) target_semaphore(%arg12 : memref<!tpu.dma_semaphore, #tpu.memory_space<semaphore_mem>>)
      %add3A_203 = arith.constant 2 : i32
      %add3A_204 = arith.addi %add3A_170, %add3A_203 : i32
      %mul3A_205 = arith.constant 32 : i32
      %mul3A_206 = arith.muli %add3A_204, %mul3A_205 : i32
      %dma_start3A_207 = tpu.memref_slice %arg5[%mul3A_206] : memref<1024xi32, #tpu.memory_space<vmem>> -> memref<32xi32, #tpu.memory_space<vmem>>
      %dma_start3A_208 = arith.constant 0 : i32
      %dma_start3A_209 = arith.constant 0 : i32
      %dma_start3A_210 = tpu.memref_slice %arg3[%dma_start3A_208, %dma_start3A_209] : memref<100000x768xf32, #tpu.memory_space<hbm>> -> memref<100000x768xf32, #tpu.memory_space<hbm>>
      tpu.enqueue_indirect_dma source(%dma_start3A_210 : memref<100000x768xf32, #tpu.memory_space<hbm>>) target(%arg6 : memref<32x768xf32, #tpu.memory_space<vmem>>) offsets(%dma_start3A_207 : memref<32xi32, #tpu.memory_space<vmem>>) semaphore(%arg10 : memref<!tpu.dma_semaphore, #tpu.memory_space<semaphore_mem>>)
      %add3A_211 = arith.constant 1 : i32
      %add3A_212 = arith.addi %add3A_168, %add3A_211 : i32
      %mul3A_213 = arith.constant 32 : i32
      %mul3A_214 = arith.muli %add3A_212, %mul3A_213 : i32
      %dma_wait3A_215 = tpu.memref_slice %arg5[%mul3A_214] : memref<1024xi32, #tpu.memory_space<vmem>> -> memref<32xi32, #tpu.memory_space<vmem>>
      %dma_wait3A_216 = arith.constant 0 : i32
      %dma_wait3A_217 = arith.constant 0 : i32
      %dma_wait3A_218 = tpu.memref_slice %arg3[%dma_wait3A_216, %dma_wait3A_217] : memref<100000x768xf32, #tpu.memory_space<hbm>> -> memref<100000x768xf32, #tpu.memory_space<hbm>>
      tpu.wait_indirect_dma semaphore(%arg11 : memref<!tpu.dma_semaphore, #tpu.memory_space<semaphore_mem>>) src(%dma_wait3A_218 : memref<100000x768xf32, #tpu.memory_space<hbm>>) dst(%arg7 : memref<32x768xf32, #tpu.memory_space<vmem>>)
      %sub3A_219 = arith.constant 2 : i32
      %sub3A_220 = arith.subi %add3A_212, %sub3A_219 : i32
      %mul3A_221 = arith.constant 32 : i32
      %mul3A_222 = arith.muli %sub3A_220, %mul3A_221 : i32
      %add3A_223 = arith.addi %mul3A_32, %mul3A_222 : i32
      %dma_wait3A_224 = arith.constant 0 : i32
      %dma_wait3A_225 = tpu.memref_slice %arg4[%select_n3A, %add3A_223, %dma_wait3A_224] : memref<4x8192x768xf32, #tpu.memory_space<hbm>> -> memref<1x32x768xf32, #tpu.memory_space<hbm>>
      %dma_wait3A_226 = tpu.memref_squeeze %dma_wait3A_225 : memref<1x32x768xf32, #tpu.memory_space<hbm>> -> memref<32x768xf32, #tpu.memory_space<hbm>>
      %dma_wait3A_227 = arith.constant 0 : i32
      %dma_wait3A_228 = tpu.memref_slice %arg4[%select_n3A, %add3A_223, %dma_wait3A_227] : memref<4x8192x768xf32, #tpu.memory_space<hbm>> -> memref<1x32x768xf32, #tpu.memory_space<hbm>>
      %dma_wait3A_229 = tpu.memref_squeeze %dma_wait3A_228 : memref<1x32x768xf32, #tpu.memory_space<hbm>> -> memref<32x768xf32, #tpu.memory_space<hbm>>
      tpu.wait_dma2 semaphore(%arg13 : memref<!tpu.dma_semaphore, #tpu.memory_space<semaphore_mem>>) src(%arg9 : memref<32x768xf32, #tpu.memory_space<vmem>>) dst(%dma_wait3A_229 : memref<32x768xf32, #tpu.memory_space<hbm>>)
      %scan3A_230 = arith.constant 0 : i32
      %scan3A_231 = arith.constant 0 : i32
      %scan3A_232 = arith.constant 32 : i32
      %scan3A_233 = arith.addi %scan3A_231, %scan3A_232 : i32
      %scan3A_234 = arith.constant 1 : i32
      scf.for %scan3A_253 = %scan3A_231 to %scan3A_233 step %scan3A_234  : i32 {
        %get3A = arith.index_cast %scan3A_253 : i32 to index
        %get3A_254 = arith.constant 0 : index
        %get3A_255 = tpu.vector_load %arg7[%get3A, %get3A_254] {strides = array<i32>} : memref<32x768xf32, #tpu.memory_space<vmem>>, vector<1x16xf32>,
        %get3A_256 = vector.shape_cast %get3A_255 : vector<1x16xf32> to vector<16xf32>
        %mul3A_257 = arith.constant 27.7128124 : f32
        %mul3A_258 = vector.broadcast %mul3A_257 : f32 to vector<16xf32>
        %mul3A_259 = arith.mulf %get3A_256, %mul3A_258 : vector<16xf32>
        %swap3A = arith.index_cast %scan3A_253 : i32 to index
        %swap3A_260 = arith.constant 0 : index
        %swap3A_261 = tpu.vector_load %arg9[%swap3A, %swap3A_260] {strides = array<i32>} : memref<32x768xf32, #tpu.memory_space<vmem>>, vector<1x16xf32>,
        %swap3A_262 = vector.shape_cast %swap3A_261 : vector<1x16xf32> to vector<16xf32>
        %swap3A_263 = vector.shape_cast %mul3A_259 : vector<16xf32> to vector<1x16xf32>
        tpu.vector_store %arg9[%swap3A, %swap3A_260], %swap3A_263 {strides = array<i32>} : memref<32x768xf32, #tpu.memory_space<vmem>>, vector<1x16xf32>,
        %get3A_264 = arith.index_cast %scan3A_253 : i32 to index
        %get3A_265 = arith.constant 16 : index
        %get3A_266 = tpu.vector_load %arg7[%get3A_264, %get3A_265] {strides = array<i32>} : memref<32x768xf32, #tpu.memory_space<vmem>>, vector<1x16xf32>,
        %get3A_267 = vector.shape_cast %get3A_266 : vector<1x16xf32> to vector<16xf32>
        %mul3A_268 = arith.constant 27.7128124 : f32
        %mul3A_269 = vector.broadcast %mul3A_268 : f32 to vector<16xf32>
        %mul3A_270 = arith.mulf %get3A_267, %mul3A_269 : vector<16xf32>
        %swap3A_271 = arith.index_cast %scan3A_253 : i32 to index
        %swap3A_272 = arith.constant 16 : index
        %swap3A_273 = tpu.vector_load %arg9[%swap3A_271, %swap3A_272] {strides = array<i32>} : memref<32x768xf32, #tpu.memory_space<vmem>>, vector<1x16xf32>,
        %swap3A_274 = vector.shape_cast %swap3A_273 : vector<1x16xf32> to vector<16xf32>
        %swap3A_275 = vector.shape_cast %mul3A_270 : vector<16xf32> to vector<1x16xf32>
        tpu.vector_store %arg9[%swap3A_271, %swap3A_272], %swap3A_275 {strides = array<i32>} : memref<32x768xf32, #tpu.memory_space<vmem>>, vector<1x16xf32>,
        %get3A_276 = arith.index_cast %scan3A_253 : i32 to index
        %get3A_277 = arith.constant 32 : index
        %get3A_278 = tpu.vector_load %arg7[%get3A_276, %get3A_277] {strides = array<i32>} : memref<32x768xf32, #tpu.memory_space<vmem>>, vector<1x16xf32>,
        %get3A_279 = vector.shape_cast %get3A_278 : vector<1x16xf32> to vector<16xf32>
        %mul3A_280 = arith.constant 27.7128124 : f32
        %mul3A_281 = vector.broadcast %mul3A_280 : f32 to vector<16xf32>
        %mul3A_282 = arith.mulf %get3A_279, %mul3A_281 : vector<16xf32>
        %swap3A_283 = arith.index_cast %scan3A_253 : i32 to index
        %swap3A_284 = arith.constant 32 : index
        %swap3A_285 = tpu.vector_load %arg9[%swap3A_283, %swap3A_284] {strides = array<i32>} : memref<32x768xf32, #tpu.memory_space<vmem>>, vector<1x16xf32>,
        %swap3A_286 = vector.shape_cast %swap3A_285 : vector<1x16xf32> to vector<16xf32>
        %swap3A_287 = vector.shape_cast %mul3A_282 : vector<16xf32> to vector<1x16xf32>
        tpu.vector_store %arg9[%swap3A_283, %swap3A_284], %swap3A_287 {strides = array<i32>} : memref<32x768xf32, #tpu.memory_space<vmem>>, vector<1x16xf32>,
        %get3A_288 = arith.index_cast %scan3A_253 : i32 to index
        %get3A_289 = arith.constant 48 : index
        %get3A_290 = tpu.vector_load %arg7[%get3A_288, %get3A_289] {strides = array<i32>} : memref<32x768xf32, #tpu.memory_space<vmem>>, vector<1x16xf32>,
        %get3A_291 = vector.shape_cast %get3A_290 : vector<1x16xf32> to vector<16xf32>
        %mul3A_292 = arith.constant 27.7128124 : f32
        %mul3A_293 = vector.broadcast %mul3A_292 : f32 to vector<16xf32>
        %mul3A_294 = arith.mulf %get3A_291, %mul3A_293 : vector<16xf32>
        %swap3A_295 = arith.index_cast %scan3A_253 : i32 to index
        %swap3A_296 = arith.constant 48 : index
        %swap3A_297 = tpu.vector_load %arg9[%swap3A_295, %swap3A_296] {strides = array<i32>} : memref<32x768xf32, #tpu.memory_space<vmem>>, vector<1x16xf32>,
        %swap3A_298 = vector.shape_cast %swap3A_297 : vector<1x16xf32> to vector<16xf32>
        %swap3A_299 = vector.shape_cast %mul3A_294 : vector<16xf32> to vector<1x16xf32>
        tpu.vector_store %arg9[%swap3A_295, %swap3A_296], %swap3A_299 {strides = array<i32>} : memref<32x768xf32, #tpu.memory_space<vmem>>, vector<1x16xf32>,
        %get3A_300 = arith.index_cast %scan3A_253 : i32 to index
        %get3A_301 = arith.constant 64 : index
        %get3A_302 = tpu.vector_load %arg7[%get3A_300, %get3A_301] {strides = array<i32>} : memref<32x768xf32, #tpu.memory_space<vmem>>, vector<1x16xf32>,
        %get3A_303 = vector.shape_cast %get3A_302 : vector<1x16xf32> to vector<16xf32>
        %mul3A_304 = arith.constant 27.7128124 : f32
        %mul3A_305 = vector.broadcast %mul3A_304 : f32 to vector<16xf32>
        %mul3A_306 = arith.mulf %get3A_303, %mul3A_305 : vector<16xf32>
        %swap3A_307 = arith.index_cast %scan3A_253 : i32 to index
        %swap3A_308 = arith.constant 64 : index
        %swap3A_309 = tpu.vector_load %arg9[%swap3A_307, %swap3A_308] {strides = array<i32>} : memref<32x768xf32, #tpu.memory_space<vmem>>, vector<1x16xf32>,
        %swap3A_310 = vector.shape_cast %swap3A_309 : vector<1x16xf32> to vector<16xf32>
        %swap3A_311 = vector.shape_cast %mul3A_306 : vector<16xf32> to vector<1x16xf32>
        tpu.vector_store %arg9[%swap3A_307, %swap3A_308], %swap3A_311 {strides = array<i32>} : memref<32x768xf32, #tpu.memory_space<vmem>>, vector<1x16xf32>,
        %get3A_312 = arith.index_cast %scan3A_253 : i32 to index
        %get3A_313 = arith.constant 80 : index
        %get3A_314 = tpu.vector_load %arg7[%get3A_312, %get3A_313] {strides = array<i32>} : memref<32x768xf32, #tpu.memory_space<vmem>>, vector<1x16xf32>,
        %get3A_315 = vector.shape_cast %get3A_314 : vector<1x16xf32> to vector<16xf32>
        %mul3A_316 = arith.constant 27.7128124 : f32
        %mul3A_317 = vector.broadcast %mul3A_316 : f32 to vector<16xf32>
        %mul3A_318 = arith.mulf %get3A_315, %mul3A_317 : vector<16xf32>
        %swap3A_319 = arith.index_cast %scan3A_253 : i32 to index
        %swap3A_320 = arith.constant 80 : index
        %swap3A_321 = tpu.vector_load %arg9[%swap3A_319, %swap3A_320] {strides = array<i32>} : memref<32x768xf32, #tpu.memory_space<vmem>>, vector<1x16xf32>,
        %swap3A_322 = vector.shape_cast %swap3A_321 : vector<1x16xf32> to vector<16xf32>
        %swap3A_323 = vector.shape_cast %mul3A_318 : vector<16xf32> to vector<1x16xf32>
        tpu.vector_store %arg9[%swap3A_319, %swap3A_320], %swap3A_323 {strides = array<i32>} : memref<32x768xf32, #tpu.memory_space<vmem>>, vector<1x16xf32>,
        %get3A_324 = arith.index_cast %scan3A_253 : i32 to index
        %get3A_325 = arith.constant 96 : index
        %get3A_326 = tpu.vector_load %arg7[%get3A_324, %get3A_325] {strides = array<i32>} : memref<32x768xf32, #tpu.memory_space<vmem>>, vector<1x16xf32>,
        %get3A_327 = vector.shape_cast %get3A_326 : vector<1x16xf32> to vector<16xf32>
        %mul3A_328 = arith.constant 27.7128124 : f32
        %mul3A_329 = vector.broadcast %mul3A_328 : f32 to vector<16xf32>
        %mul3A_330 = arith.mulf %get3A_327, %mul3A_329 : vector<16xf32>
        %swap3A_331 = arith.index_cast %scan3A_253 : i32 to index
        %swap3A_332 = arith.constant 96 : index
        %swap3A_333 = tpu.vector_load %arg9[%swap3A_331, %swap3A_332] {strides = array<i32>} : memref<32x768xf32, #tpu.memory_space<vmem>>, vector<1x16xf32>,
        %swap3A_334 = vector.shape_cast %swap3A_333 : vector<1x16xf32> to vector<16xf32>
        %swap3A_335 = vector.shape_cast %mul3A_330 : vector<16xf32> to vector<1x16xf32>
        tpu.vector_store %arg9[%swap3A_331, %swap3A_332], %swap3A_335 {strides = array<i32>} : memref<32x768xf32, #tpu.memory_space<vmem>>, vector<1x16xf32>,
        %get3A_336 = arith.index_cast %scan3A_253 : i32 to index
        %get3A_337 = arith.constant 112 : index
        %get3A_338 = tpu.vector_load %arg7[%get3A_336, %get3A_337] {strides = array<i32>} : memref<32x768xf32, #tpu.memory_space<vmem>>, vector<1x16xf32>,
        %get3A_339 = vector.shape_cast %get3A_338 : vector<1x16xf32> to vector<16xf32>
        %mul3A_340 = arith.constant 27.7128124 : f32
        %mul3A_341 = vector.broadcast %mul3A_340 : f32 to vector<16xf32>
        %mul3A_342 = arith.mulf %get3A_339, %mul3A_341 : vector<16xf32>
        %swap3A_343 = arith.index_cast %scan3A_253 : i32 to index
        %swap3A_344 = arith.constant 112 : index
        %swap3A_345 = tpu.vector_load %arg9[%swap3A_343, %swap3A_344] {strides = array<i32>} : memref<32x768xf32, #tpu.memory_space<vmem>>, vector<1x16xf32>,
        %swap3A_346 = vector.shape_cast %swap3A_345 : vector<1x16xf32> to vector<16xf32>
        %swap3A_347 = vector.shape_cast %mul3A_342 : vector<16xf32> to vector<1x16xf32>
        tpu.vector_store %arg9[%swap3A_343, %swap3A_344], %swap3A_347 {strides = array<i32>} : memref<32x768xf32, #tpu.memory_space<vmem>>, vector<1x16xf32>,
        %get3A_348 = arith.index_cast %scan3A_253 : i32 to index
        %get3A_349 = arith.constant 128 : index
        %get3A_350 = tpu.vector_load %arg7[%get3A_348, %get3A_349] {strides = array<i32>} : memref<32x768xf32, #tpu.memory_space<vmem>>, vector<1x16xf32>,
        %get3A_351 = vector.shape_cast %get3A_350 : vector<1x16xf32> to vector<16xf32>
        %mul3A_352 = arith.constant 27.7128124 : f32
        %mul3A_353 = vector.broadcast %mul3A_352 : f32 to vector<16xf32>
        %mul3A_354 = arith.mulf %get3A_351, %mul3A_353 : vector<16xf32>
        %swap3A_355 = arith.index_cast %scan3A_253 : i32 to index
        %swap3A_356 = arith.constant 128 : index
        %swap3A_357 = tpu.vector_load %arg9[%swap3A_355, %swap3A_356] {strides = array<i32>} : memref<32x768xf32, #tpu.memory_space<vmem>>, vector<1x16xf32>,
        %swap3A_358 = vector.shape_cast %swap3A_357 : vector<1x16xf32> to vector<16xf32>
        %swap3A_359 = vector.shape_cast %mul3A_354 : vector<16xf32> to vector<1x16xf32>
        tpu.vector_store %arg9[%swap3A_355, %swap3A_356], %swap3A_359 {strides = array<i32>} : memref<32x768xf32, #tpu.memory_space<vmem>>, vector<1x16xf32>,
        %get3A_360 = arith.index_cast %scan3A_253 : i32 to index
        %get3A_361 = arith.constant 144 : index
        %get3A_362 = tpu.vector_load %arg7[%get3A_360, %get3A_361] {strides = array<i32>} : memref<32x768xf32, #tpu.memory_space<vmem>>, vector<1x16xf32>,
        %get3A_363 = vector.shape_cast %get3A_362 : vector<1x16xf32> to vector<16xf32>
        %mul3A_364 = arith.constant 27.7128124 : f32
        %mul3A_365 = vector.broadcast %mul3A_364 : f32 to vector<16xf32>
        %mul3A_366 = arith.mulf %get3A_363, %mul3A_365 : vector<16xf32>
        %swap3A_367 = arith.index_cast %scan3A_253 : i32 to index
        %swap3A_368 = arith.constant 144 : index
        %swap3A_369 = tpu.vector_load %arg9[%swap3A_367, %swap3A_368] {strides = array<i32>} : memref<32x768xf32, #tpu.memory_space<vmem>>, vector<1x16xf32>,
        %swap3A_370 = vector.shape_cast %swap3A_369 : vector<1x16xf32> to vector<16xf32>
        %swap3A_371 = vector.shape_cast %mul3A_366 : vector<16xf32> to vector<1x16xf32>
        tpu.vector_store %arg9[%swap3A_367, %swap3A_368], %swap3A_371 {strides = array<i32>} : memref<32x768xf32, #tpu.memory_space<vmem>>, vector<1x16xf32>,
        %get3A_372 = arith.index_cast %scan3A_253 : i32 to index
        %get3A_373 = arith.constant 160 : index
        %get3A_374 = tpu.vector_load %arg7[%get3A_372, %get3A_373] {strides = array<i32>} : memref<32x768xf32, #tpu.memory_space<vmem>>, vector<1x16xf32>,
        %get3A_375 = vector.shape_cast %get3A_374 : vector<1x16xf32> to vector<16xf32>
        %mul3A_376 = arith.constant 27.7128124 : f32
        %mul3A_377 = vector.broadcast %mul3A_376 : f32 to vector<16xf32>
        %mul3A_378 = arith.mulf %get3A_375, %mul3A_377 : vector<16xf32>
        %swap3A_379 = arith.index_cast %scan3A_253 : i32 to index
        %swap3A_380 = arith.constant 160 : index
        %swap3A_381 = tpu.vector_load %arg9[%swap3A_379, %swap3A_380] {strides = array<i32>} : memref<32x768xf32, #tpu.memory_space<vmem>>, vector<1x16xf32>,
        %swap3A_382 = vector.shape_cast %swap3A_381 : vector<1x16xf32> to vector<16xf32>
        %swap3A_383 = vector.shape_cast %mul3A_378 : vector<16xf32> to vector<1x16xf32>
        tpu.vector_store %arg9[%swap3A_379, %swap3A_380], %swap3A_383 {strides = array<i32>} : memref<32x768xf32, #tpu.memory_space<vmem>>, vector<1x16xf32>,
        %get3A_384 = arith.index_cast %scan3A_253 : i32 to index
        %get3A_385 = arith.constant 176 : index
        %get3A_386 = tpu.vector_load %arg7[%get3A_384, %get3A_385] {strides = array<i32>} : memref<32x768xf32, #tpu.memory_space<vmem>>, vector<1x16xf32>,
        %get3A_387 = vector.shape_cast %get3A_386 : vector<1x16xf32> to vector<16xf32>
        %mul3A_388 = arith.constant 27.7128124 : f32
        %mul3A_389 = vector.broadcast %mul3A_388 : f32 to vector<16xf32>
        %mul3A_390 = arith.mulf %get3A_387, %mul3A_389 : vector<16xf32>
        %swap3A_391 = arith.index_cast %scan3A_253 : i32 to index
        %swap3A_392 = arith.constant 176 : index
        %swap3A_393 = tpu.vector_load %arg9[%swap3A_391, %swap3A_392] {strides = array<i32>} : memref<32x768xf32, #tpu.memory_space<vmem>>, vector<1x16xf32>,
        %swap3A_394 = vector.shape_cast %swap3A_393 : vector<1x16xf32> to vector<16xf32>
        %swap3A_395 = vector.shape_cast %mul3A_390 : vector<16xf32> to vector<1x16xf32>
        tpu.vector_store %arg9[%swap3A_391, %swap3A_392], %swap3A_395 {strides = array<i32>} : memref<32x768xf32, #tpu.memory_space<vmem>>, vector<1x16xf32>,
        %get3A_396 = arith.index_cast %scan3A_253 : i32 to index
        %get3A_397 = arith.constant 192 : index
        %get3A_398 = tpu.vector_load %arg7[%get3A_396, %get3A_397] {strides = array<i32>} : memref<32x768xf32, #tpu.memory_space<vmem>>, vector<1x16xf32>,
        %get3A_399 = vector.shape_cast %get3A_398 : vector<1x16xf32> to vector<16xf32>
        %mul3A_400 = arith.constant 27.7128124 : f32
        %mul3A_401 = vector.broadcast %mul3A_400 : f32 to vector<16xf32>
        %mul3A_402 = arith.mulf %get3A_399, %mul3A_401 : vector<16xf32>
        %swap3A_403 = arith.index_cast %scan3A_253 : i32 to index
        %swap3A_404 = arith.constant 192 : index
        %swap3A_405 = tpu.vector_load %arg9[%swap3A_403, %swap3A_404] {strides = array<i32>} : memref<32x768xf32, #tpu.memory_space<vmem>>, vector<1x16xf32>,
        %swap3A_406 = vector.shape_cast %swap3A_405 : vector<1x16xf32> to vector<16xf32>
        %swap3A_407 = vector.shape_cast %mul3A_402 : vector<16xf32> to vector<1x16xf32>
        tpu.vector_store %arg9[%swap3A_403, %swap3A_404], %swap3A_407 {strides = array<i32>} : memref<32x768xf32, #tpu.memory_space<vmem>>, vector<1x16xf32>,
        %get3A_408 = arith.index_cast %scan3A_253 : i32 to index
        %get3A_409 = arith.constant 208 : index
        %get3A_410 = tpu.vector_load %arg7[%get3A_408, %get3A_409] {strides = array<i32>} : memref<32x768xf32, #tpu.memory_space<vmem>>, vector<1x16xf32>,
        %get3A_411 = vector.shape_cast %get3A_410 : vector<1x16xf32> to vector<16xf32>
        %mul3A_412 = arith.constant 27.7128124 : f32
        %mul3A_413 = vector.broadcast %mul3A_412 : f32 to vector<16xf32>
        %mul3A_414 = arith.mulf %get3A_411, %mul3A_413 : vector<16xf32>
        %swap3A_415 = arith.index_cast %scan3A_253 : i32 to index
        %swap3A_416 = arith.constant 208 : index
        %swap3A_417 = tpu.vector_load %arg9[%swap3A_415, %swap3A_416] {strides = array<i32>} : memref<32x768xf32, #tpu.memory_space<vmem>>, vector<1x16xf32>,
        %swap3A_418 = vector.shape_cast %swap3A_417 : vector<1x16xf32> to vector<16xf32>
        %swap3A_419 = vector.shape_cast %mul3A_414 : vector<16xf32> to vector<1x16xf32>
        tpu.vector_store %arg9[%swap3A_415, %swap3A_416], %swap3A_419 {strides = array<i32>} : memref<32x768xf32, #tpu.memory_space<vmem>>, vector<1x16xf32>,
        %get3A_420 = arith.index_cast %scan3A_253 : i32 to index
        %get3A_421 = arith.constant 224 : index
        %get3A_422 = tpu.vector_load %arg7[%get3A_420, %get3A_421] {strides = array<i32>} : memref<32x768xf32, #tpu.memory_space<vmem>>, vector<1x16xf32>,
        %get3A_423 = vector.shape_cast %get3A_422 : vector<1x16xf32> to vector<16xf32>
        %mul3A_424 = arith.constant 27.7128124 : f32
        %mul3A_425 = vector.broadcast %mul3A_424 : f32 to vector<16xf32>
        %mul3A_426 = arith.mulf %get3A_423, %mul3A_425 : vector<16xf32>
        %swap3A_427 = arith.index_cast %scan3A_253 : i32 to index
        %swap3A_428 = arith.constant 224 : index
        %swap3A_429 = tpu.vector_load %arg9[%swap3A_427, %swap3A_428] {strides = array<i32>} : memref<32x768xf32, #tpu.memory_space<vmem>>, vector<1x16xf32>,
        %swap3A_430 = vector.shape_cast %swap3A_429 : vector<1x16xf32> to vector<16xf32>
        %swap3A_431 = vector.shape_cast %mul3A_426 : vector<16xf32> to vector<1x16xf32>
        tpu.vector_store %arg9[%swap3A_427, %swap3A_428], %swap3A_431 {strides = array<i32>} : memref<32x768xf32, #tpu.memory_space<vmem>>, vector<1x16xf32>,
        %get3A_432 = arith.index_cast %scan3A_253 : i32 to index
        %get3A_433 = arith.constant 240 : index
        %get3A_434 = tpu.vector_load %arg7[%get3A_432, %get3A_433] {strides = array<i32>} : memref<32x768xf32, #tpu.memory_space<vmem>>, vector<1x16xf32>,
        %get3A_435 = vector.shape_cast %get3A_434 : vector<1x16xf32> to vector<16xf32>
        %mul3A_436 = arith.constant 27.7128124 : f32
        %mul3A_437 = vector.broadcast %mul3A_436 : f32 to vector<16xf32>
        %mul3A_438 = arith.mulf %get3A_435, %mul3A_437 : vector<16xf32>
        %swap3A_439 = arith.index_cast %scan3A_253 : i32 to index
        %swap3A_440 = arith.constant 240 : index
        %swap3A_441 = tpu.vector_load %arg9[%swap3A_439, %swap3A_440] {strides = array<i32>} : memref<32x768xf32, #tpu.memory_space<vmem>>, vector<1x16xf32>,
        %swap3A_442 = vector.shape_cast %swap3A_441 : vector<1x16xf32> to vector<16xf32>
        %swap3A_443 = vector.shape_cast %mul3A_438 : vector<16xf32> to vector<1x16xf32>
        tpu.vector_store %arg9[%swap3A_439, %swap3A_440], %swap3A_443 {strides = array<i32>} : memref<32x768xf32, #tpu.memory_space<vmem>>, vector<1x16xf32>,
        %get3A_444 = arith.index_cast %scan3A_253 : i32 to index
        %get3A_445 = arith.constant 256 : index
        %get3A_446 = tpu.vector_load %arg7[%get3A_444, %get3A_445] {strides = array<i32>} : memref<32x768xf32, #tpu.memory_space<vmem>>, vector<1x16xf32>,
        %get3A_447 = vector.shape_cast %get3A_446 : vector<1x16xf32> to vector<16xf32>
        %mul3A_448 = arith.constant 27.7128124 : f32
        %mul3A_449 = vector.broadcast %mul3A_448 : f32 to vector<16xf32>
        %mul3A_450 = arith.mulf %get3A_447, %mul3A_449 : vector<16xf32>
        %swap3A_451 = arith.index_cast %scan3A_253 : i32 to index
        %swap3A_452 = arith.constant 256 : index
        %swap3A_453 = tpu.vector_load %arg9[%swap3A_451, %swap3A_452] {strides = array<i32>} : memref<32x768xf32, #tpu.memory_space<vmem>>, vector<1x16xf32>,
        %swap3A_454 = vector.shape_cast %swap3A_453 : vector<1x16xf32> to vector<16xf32>
        %swap3A_455 = vector.shape_cast %mul3A_450 : vector<16xf32> to vector<1x16xf32>
        tpu.vector_store %arg9[%swap3A_451, %swap3A_452], %swap3A_455 {strides = array<i32>} : memref<32x768xf32, #tpu.memory_space<vmem>>, vector<1x16xf32>,
        %get3A_456 = arith.index_cast %scan3A_253 : i32 to index
        %get3A_457 = arith.constant 272 : index
        %get3A_458 = tpu.vector_load %arg7[%get3A_456, %get3A_457] {strides = array<i32>} : memref<32x768xf32, #tpu.memory_space<vmem>>, vector<1x16xf32>,
        %get3A_459 = vector.shape_cast %get3A_458 : vector<1x16xf32> to vector<16xf32>
        %mul3A_460 = arith.constant 27.7128124 : f32
        %mul3A_461 = vector.broadcast %mul3A_460 : f32 to vector<16xf32>
        %mul3A_462 = arith.mulf %get3A_459, %mul3A_461 : vector<16xf32>
        %swap3A_463 = arith.index_cast %scan3A_253 : i32 to index
        %swap3A_464 = arith.constant 272 : index
        %swap3A_465 = tpu.vector_load %arg9[%swap3A_463, %swap3A_464] {strides = array<i32>} : memref<32x768xf32, #tpu.memory_space<vmem>>, vector<1x16xf32>,
        %swap3A_466 = vector.shape_cast %swap3A_465 : vector<1x16xf32> to vector<16xf32>
        %swap3A_467 = vector.shape_cast %mul3A_462 : vector<16xf32> to vector<1x16xf32>
        tpu.vector_store %arg9[%swap3A_463, %swap3A_464], %swap3A_467 {strides = array<i32>} : memref<32x768xf32, #tpu.memory_space<vmem>>, vector<1x16xf32>,
        %get3A_468 = arith.index_cast %scan3A_253 : i32 to index
        %get3A_469 = arith.constant 288 : index
        %get3A_470 = tpu.vector_load %arg7[%get3A_468, %get3A_469] {strides = array<i32>} : memref<32x768xf32, #tpu.memory_space<vmem>>, vector<1x16xf32>,
        %get3A_471 = vector.shape_cast %get3A_470 : vector<1x16xf32> to vector<16xf32>
        %mul3A_472 = arith.constant 27.7128124 : f32
        %mul3A_473 = vector.broadcast %mul3A_472 : f32 to vector<16xf32>
        %mul3A_474 = arith.mulf %get3A_471, %mul3A_473 : vector<16xf32>
        %swap3A_475 = arith.index_cast %scan3A_253 : i32 to index
        %swap3A_476 = arith.constant 288 : index
        %swap3A_477 = tpu.vector_load %arg9[%swap3A_475, %swap3A_476] {strides = array<i32>} : memref<32x768xf32, #tpu.memory_space<vmem>>, vector<1x16xf32>,
        %swap3A_478 = vector.shape_cast %swap3A_477 : vector<1x16xf32> to vector<16xf32>
        %swap3A_479 = vector.shape_cast %mul3A_474 : vector<16xf32> to vector<1x16xf32>
        tpu.vector_store %arg9[%swap3A_475, %swap3A_476], %swap3A_479 {strides = array<i32>} : memref<32x768xf32, #tpu.memory_space<vmem>>, vector<1x16xf32>,
        %get3A_480 = arith.index_cast %scan3A_253 : i32 to index
        %get3A_481 = arith.constant 304 : index
        %get3A_482 = tpu.vector_load %arg7[%get3A_480, %get3A_481] {strides = array<i32>} : memref<32x768xf32, #tpu.memory_space<vmem>>, vector<1x16xf32>,
        %get3A_483 = vector.shape_cast %get3A_482 : vector<1x16xf32> to vector<16xf32>
        %mul3A_484 = arith.constant 27.7128124 : f32
        %mul3A_485 = vector.broadcast %mul3A_484 : f32 to vector<16xf32>
        %mul3A_486 = arith.mulf %get3A_483, %mul3A_485 : vector<16xf32>
        %swap3A_487 = arith.index_cast %scan3A_253 : i32 to index
        %swap3A_488 = arith.constant 304 : index
        %swap3A_489 = tpu.vector_load %arg9[%swap3A_487, %swap3A_488] {strides = array<i32>} : memref<32x768xf32, #tpu.memory_space<vmem>>, vector<1x16xf32>,
        %swap3A_490 = vector.shape_cast %swap3A_489 : vector<1x16xf32> to vector<16xf32>
        %swap3A_491 = vector.shape_cast %mul3A_486 : vector<16xf32> to vector<1x16xf32>
        tpu.vector_store %arg9[%swap3A_487, %swap3A_488], %swap3A_491 {strides = array<i32>} : memref<32x768xf32, #tpu.memory_space<vmem>>, vector<1x16xf32>,
        %get3A_492 = arith.index_cast %scan3A_253 : i32 to index
        %get3A_493 = arith.constant 320 : index
        %get3A_494 = tpu.vector_load %arg7[%get3A_492, %get3A_493] {strides = array<i32>} : memref<32x768xf32, #tpu.memory_space<vmem>>, vector<1x16xf32>,
        %get3A_495 = vector.shape_cast %get3A_494 : vector<1x16xf32> to vector<16xf32>
        %mul3A_496 = arith.constant 27.7128124 : f32
        %mul3A_497 = vector.broadcast %mul3A_496 : f32 to vector<16xf32>
        %mul3A_498 = arith.mulf %get3A_495, %mul3A_497 : vector<16xf32>
        %swap3A_499 = arith.index_cast %scan3A_253 : i32 to index
        %swap3A_500 = arith.constant 320 : index
        %swap3A_501 = tpu.vector_load %arg9[%swap3A_499, %swap3A_500] {strides = array<i32>} : memref<32x768xf32, #tpu.memory_space<vmem>>, vector<1x16xf32>,
        %swap3A_502 = vector.shape_cast %swap3A_501 : vector<1x16xf32> to vector<16xf32>
        %swap3A_503 = vector.shape_cast %mul3A_498 : vector<16xf32> to vector<1x16xf32>
        tpu.vector_store %arg9[%swap3A_499, %swap3A_500], %swap3A_503 {strides = array<i32>} : memref<32x768xf32, #tpu.memory_space<vmem>>, vector<1x16xf32>,
        %get3A_504 = arith.index_cast %scan3A_253 : i32 to index
        %get3A_505 = arith.constant 336 : index
        %get3A_506 = tpu.vector_load %arg7[%get3A_504, %get3A_505] {strides = array<i32>} : memref<32x768xf32, #tpu.memory_space<vmem>>, vector<1x16xf32>,
        %get3A_507 = vector.shape_cast %get3A_506 : vector<1x16xf32> to vector<16xf32>
        %mul3A_508 = arith.constant 27.7128124 : f32
        %mul3A_509 = vector.broadcast %mul3A_508 : f32 to vector<16xf32>
        %mul3A_510 = arith.mulf %get3A_507, %mul3A_509 : vector<16xf32>
        %swap3A_511 = arith.index_cast %scan3A_253 : i32 to index
        %swap3A_512 = arith.constant 336 : index
        %swap3A_513 = tpu.vector_load %arg9[%swap3A_511, %swap3A_512] {strides = array<i32>} : memref<32x768xf32, #tpu.memory_space<vmem>>, vector<1x16xf32>,
        %swap3A_514 = vector.shape_cast %swap3A_513 : vector<1x16xf32> to vector<16xf32>
        %swap3A_515 = vector.shape_cast %mul3A_510 : vector<16xf32> to vector<1x16xf32>
        tpu.vector_store %arg9[%swap3A_511, %swap3A_512], %swap3A_515 {strides = array<i32>} : memref<32x768xf32, #tpu.memory_space<vmem>>, vector<1x16xf32>,
        %get3A_516 = arith.index_cast %scan3A_253 : i32 to index
        %get3A_517 = arith.constant 352 : index
        %get3A_518 = tpu.vector_load %arg7[%get3A_516, %get3A_517] {strides = array<i32>} : memref<32x768xf32, #tpu.memory_space<vmem>>, vector<1x16xf32>,
        %get3A_519 = vector.shape_cast %get3A_518 : vector<1x16xf32> to vector<16xf32>
        %mul3A_520 = arith.constant 27.7128124 : f32
        %mul3A_521 = vector.broadcast %mul3A_520 : f32 to vector<16xf32>
        %mul3A_522 = arith.mulf %get3A_519, %mul3A_521 : vector<16xf32>
        %swap3A_523 = arith.index_cast %scan3A_253 : i32 to index
        %swap3A_524 = arith.constant 352 : index
        %swap3A_525 = tpu.vector_load %arg9[%swap3A_523, %swap3A_524] {strides = array<i32>} : memref<32x768xf32, #tpu.memory_space<vmem>>, vector<1x16xf32>,
        %swap3A_526 = vector.shape_cast %swap3A_525 : vector<1x16xf32> to vector<16xf32>
        %swap3A_527 = vector.shape_cast %mul3A_522 : vector<16xf32> to vector<1x16xf32>
        tpu.vector_store %arg9[%swap3A_523, %swap3A_524], %swap3A_527 {strides = array<i32>} : memref<32x768xf32, #tpu.memory_space<vmem>>, vector<1x16xf32>,
        %get3A_528 = arith.index_cast %scan3A_253 : i32 to index
        %get3A_529 = arith.constant 368 : index
        %get3A_530 = tpu.vector_load %arg7[%get3A_528, %get3A_529] {strides = array<i32>} : memref<32x768xf32, #tpu.memory_space<vmem>>, vector<1x16xf32>,
        %get3A_531 = vector.shape_cast %get3A_530 : vector<1x16xf32> to vector<16xf32>
        %mul3A_532 = arith.constant 27.7128124 : f32
        %mul3A_533 = vector.broadcast %mul3A_532 : f32 to vector<16xf32>
        %mul3A_534 = arith.mulf %get3A_531, %mul3A_533 : vector<16xf32>
        %swap3A_535 = arith.index_cast %scan3A_253 : i32 to index
        %swap3A_536 = arith.constant 368 : index
        %swap3A_537 = tpu.vector_load %arg9[%swap3A_535, %swap3A_536] {strides = array<i32>} : memref<32x768xf32, #tpu.memory_space<vmem>>, vector<1x16xf32>,
        %swap3A_538 = vector.shape_cast %swap3A_537 : vector<1x16xf32> to vector<16xf32>
        %swap3A_539 = vector.shape_cast %mul3A_534 : vector<16xf32> to vector<1x16xf32>
        tpu.vector_store %arg9[%swap3A_535, %swap3A_536], %swap3A_539 {strides = array<i32>} : memref<32x768xf32, #tpu.memory_space<vmem>>, vector<1x16xf32>,
        %get3A_540 = arith.index_cast %scan3A_253 : i32 to index
        %get3A_541 = arith.constant 384 : index
        %get3A_542 = tpu.vector_load %arg7[%get3A_540, %get3A_541] {strides = array<i32>} : memref<32x768xf32, #tpu.memory_space<vmem>>, vector<1x16xf32>,
        %get3A_543 = vector.shape_cast %get3A_542 : vector<1x16xf32> to vector<16xf32>
        %mul3A_544 = arith.constant 27.7128124 : f32
        %mul3A_545 = vector.broadcast %mul3A_544 : f32 to vector<16xf32>
        %mul3A_546 = arith.mulf %get3A_543, %mul3A_545 : vector<16xf32>
        %swap3A_547 = arith.index_cast %scan3A_253 : i32 to index
        %swap3A_548 = arith.constant 384 : index
        %swap3A_549 = tpu.vector_load %arg9[%swap3A_547, %swap3A_548] {strides = array<i32>} : memref<32x768xf32, #tpu.memory_space<vmem>>, vector<1x16xf32>,
        %swap3A_550 = vector.shape_cast %swap3A_549 : vector<1x16xf32> to vector<16xf32>
        %swap3A_551 = vector.shape_cast %mul3A_546 : vector<16xf32> to vector<1x16xf32>
        tpu.vector_store %arg9[%swap3A_547, %swap3A_548], %swap3A_551 {strides = array<i32>} : memref<32x768xf32, #tpu.memory_space<vmem>>, vector<1x16xf32>,
        %get3A_552 = arith.index_cast %scan3A_253 : i32 to index
        %get3A_553 = arith.constant 400 : index
        %get3A_554 = tpu.vector_load %arg7[%get3A_552, %get3A_553] {strides = array<i32>} : memref<32x768xf32, #tpu.memory_space<vmem>>, vector<1x16xf32>,
        %get3A_555 = vector.shape_cast %get3A_554 : vector<1x16xf32> to vector<16xf32>
        %mul3A_556 = arith.constant 27.7128124 : f32
        %mul3A_557 = vector.broadcast %mul3A_556 : f32 to vector<16xf32>
        %mul3A_558 = arith.mulf %get3A_555, %mul3A_557 : vector<16xf32>
        %swap3A_559 = arith.index_cast %scan3A_253 : i32 to index
        %swap3A_560 = arith.constant 400 : index
        %swap3A_561 = tpu.vector_load %arg9[%swap3A_559, %swap3A_560] {strides = array<i32>} : memref<32x768xf32, #tpu.memory_space<vmem>>, vector<1x16xf32>,
        %swap3A_562 = vector.shape_cast %swap3A_561 : vector<1x16xf32> to vector<16xf32>
        %swap3A_563 = vector.shape_cast %mul3A_558 : vector<16xf32> to vector<1x16xf32>
        tpu.vector_store %arg9[%swap3A_559, %swap3A_560], %swap3A_563 {strides = array<i32>} : memref<32x768xf32, #tpu.memory_space<vmem>>, vector<1x16xf32>,
        %get3A_564 = arith.index_cast %scan3A_253 : i32 to index
        %get3A_565 = arith.constant 416 : index
        %get3A_566 = tpu.vector_load %arg7[%get3A_564, %get3A_565] {strides = array<i32>} : memref<32x768xf32, #tpu.memory_space<vmem>>, vector<1x16xf32>,
        %get3A_567 = vector.shape_cast %get3A_566 : vector<1x16xf32> to vector<16xf32>
        %mul3A_568 = arith.constant 27.7128124 : f32
        %mul3A_569 = vector.broadcast %mul3A_568 : f32 to vector<16xf32>
        %mul3A_570 = arith.mulf %get3A_567, %mul3A_569 : vector<16xf32>
        %swap3A_571 = arith.index_cast %scan3A_253 : i32 to index
        %swap3A_572 = arith.constant 416 : index
        %swap3A_573 = tpu.vector_load %arg9[%swap3A_571, %swap3A_572] {strides = array<i32>} : memref<32x768xf32, #tpu.memory_space<vmem>>, vector<1x16xf32>,
        %swap3A_574 = vector.shape_cast %swap3A_573 : vector<1x16xf32> to vector<16xf32>
        %swap3A_575 = vector.shape_cast %mul3A_570 : vector<16xf32> to vector<1x16xf32>
        tpu.vector_store %arg9[%swap3A_571, %swap3A_572], %swap3A_575 {strides = array<i32>} : memref<32x768xf32, #tpu.memory_space<vmem>>, vector<1x16xf32>,
        %get3A_576 = arith.index_cast %scan3A_253 : i32 to index
        %get3A_577 = arith.constant 432 : index
        %get3A_578 = tpu.vector_load %arg7[%get3A_576, %get3A_577] {strides = array<i32>} : memref<32x768xf32, #tpu.memory_space<vmem>>, vector<1x16xf32>,
        %get3A_579 = vector.shape_cast %get3A_578 : vector<1x16xf32> to vector<16xf32>
        %mul3A_580 = arith.constant 27.7128124 : f32
        %mul3A_581 = vector.broadcast %mul3A_580 : f32 to vector<16xf32>
        %mul3A_582 = arith.mulf %get3A_579, %mul3A_581 : vector<16xf32>
        %swap3A_583 = arith.index_cast %scan3A_253 : i32 to index
        %swap3A_584 = arith.constant 432 : index
        %swap3A_585 = tpu.vector_load %arg9[%swap3A_583, %swap3A_584] {strides = array<i32>} : memref<32x768xf32, #tpu.memory_space<vmem>>, vector<1x16xf32>,
        %swap3A_586 = vector.shape_cast %swap3A_585 : vector<1x16xf32> to vector<16xf32>
        %swap3A_587 = vector.shape_cast %mul3A_582 : vector<16xf32> to vector<1x16xf32>
        tpu.vector_store %arg9[%swap3A_583, %swap3A_584], %swap3A_587 {strides = array<i32>} : memref<32x768xf32, #tpu.memory_space<vmem>>, vector<1x16xf32>,
        %get3A_588 = arith.index_cast %scan3A_253 : i32 to index
        %get3A_589 = arith.constant 448 : index
        %get3A_590 = tpu.vector_load %arg7[%get3A_588, %get3A_589] {strides = array<i32>} : memref<32x768xf32, #tpu.memory_space<vmem>>, vector<1x16xf32>,
        %get3A_591 = vector.shape_cast %get3A_590 : vector<1x16xf32> to vector<16xf32>
        %mul3A_592 = arith.constant 27.7128124 : f32
        %mul3A_593 = vector.broadcast %mul3A_592 : f32 to vector<16xf32>
        %mul3A_594 = arith.mulf %get3A_591, %mul3A_593 : vector<16xf32>
        %swap3A_595 = arith.index_cast %scan3A_253 : i32 to index
        %swap3A_596 = arith.constant 448 : index
        %swap3A_597 = tpu.vector_load %arg9[%swap3A_595, %swap3A_596] {strides = array<i32>} : memref<32x768xf32, #tpu.memory_space<vmem>>, vector<1x16xf32>,
        %swap3A_598 = vector.shape_cast %swap3A_597 : vector<1x16xf32> to vector<16xf32>
        %swap3A_599 = vector.shape_cast %mul3A_594 : vector<16xf32> to vector<1x16xf32>
        tpu.vector_store %arg9[%swap3A_595, %swap3A_596], %swap3A_599 {strides = array<i32>} : memref<32x768xf32, #tpu.memory_space<vmem>>, vector<1x16xf32>,
        %get3A_600 = arith.index_cast %scan3A_253 : i32 to index
        %get3A_601 = arith.constant 464 : index
        %get3A_602 = tpu.vector_load %arg7[%get3A_600, %get3A_601] {strides = array<i32>} : memref<32x768xf32, #tpu.memory_space<vmem>>, vector<1x16xf32>,
        %get3A_603 = vector.shape_cast %get3A_602 : vector<1x16xf32> to vector<16xf32>
        %mul3A_604 = arith.constant 27.7128124 : f32
        %mul3A_605 = vector.broadcast %mul3A_604 : f32 to vector<16xf32>
        %mul3A_606 = arith.mulf %get3A_603, %mul3A_605 : vector<16xf32>
        %swap3A_607 = arith.index_cast %scan3A_253 : i32 to index
        %swap3A_608 = arith.constant 464 : index
        %swap3A_609 = tpu.vector_load %arg9[%swap3A_607, %swap3A_608] {strides = array<i32>} : memref<32x768xf32, #tpu.memory_space<vmem>>, vector<1x16xf32>,
        %swap3A_610 = vector.shape_cast %swap3A_609 : vector<1x16xf32> to vector<16xf32>
        %swap3A_611 = vector.shape_cast %mul3A_606 : vector<16xf32> to vector<1x16xf32>
        tpu.vector_store %arg9[%swap3A_607, %swap3A_608], %swap3A_611 {strides = array<i32>} : memref<32x768xf32, #tpu.memory_space<vmem>>, vector<1x16xf32>,
        %get3A_612 = arith.index_cast %scan3A_253 : i32 to index
        %get3A_613 = arith.constant 480 : index
        %get3A_614 = tpu.vector_load %arg7[%get3A_612, %get3A_613] {strides = array<i32>} : memref<32x768xf32, #tpu.memory_space<vmem>>, vector<1x16xf32>,
        %get3A_615 = vector.shape_cast %get3A_614 : vector<1x16xf32> to vector<16xf32>
        %mul3A_616 = arith.constant 27.7128124 : f32
        %mul3A_617 = vector.broadcast %mul3A_616 : f32 to vector<16xf32>
        %mul3A_618 = arith.mulf %get3A_615, %mul3A_617 : vector<16xf32>
        %swap3A_619 = arith.index_cast %scan3A_253 : i32 to index
        %swap3A_620 = arith.constant 480 : index
        %swap3A_621 = tpu.vector_load %arg9[%swap3A_619, %swap3A_620] {strides = array<i32>} : memref<32x768xf32, #tpu.memory_space<vmem>>, vector<1x16xf32>,
        %swap3A_622 = vector.shape_cast %swap3A_621 : vector<1x16xf32> to vector<16xf32>
        %swap3A_623 = vector.shape_cast %mul3A_618 : vector<16xf32> to vector<1x16xf32>
        tpu.vector_store %arg9[%swap3A_619, %swap3A_620], %swap3A_623 {strides = array<i32>} : memref<32x768xf32, #tpu.memory_space<vmem>>, vector<1x16xf32>,
        %get3A_624 = arith.index_cast %scan3A_253 : i32 to index
        %get3A_625 = arith.constant 496 : index
        %get3A_626 = tpu.vector_load %arg7[%get3A_624, %get3A_625] {strides = array<i32>} : memref<32x768xf32, #tpu.memory_space<vmem>>, vector<1x16xf32>,
        %get3A_627 = vector.shape_cast %get3A_626 : vector<1x16xf32> to vector<16xf32>
        %mul3A_628 = arith.constant 27.7128124 : f32
        %mul3A_629 = vector.broadcast %mul3A_628 : f32 to vector<16xf32>
        %mul3A_630 = arith.mulf %get3A_627, %mul3A_629 : vector<16xf32>
        %swap3A_631 = arith.index_cast %scan3A_253 : i32 to index
        %swap3A_632 = arith.constant 496 : index
        %swap3A_633 = tpu.vector_load %arg9[%swap3A_631, %swap3A_632] {strides = array<i32>} : memref<32x768xf32, #tpu.memory_space<vmem>>, vector<1x16xf32>,
        %swap3A_634 = vector.shape_cast %swap3A_633 : vector<1x16xf32> to vector<16xf32>
        %swap3A_635 = vector.shape_cast %mul3A_630 : vector<16xf32> to vector<1x16xf32>
        tpu.vector_store %arg9[%swap3A_631, %swap3A_632], %swap3A_635 {strides = array<i32>} : memref<32x768xf32, #tpu.memory_space<vmem>>, vector<1x16xf32>,
        %get3A_636 = arith.index_cast %scan3A_253 : i32 to index
        %get3A_637 = arith.constant 512 : index
        %get3A_638 = tpu.vector_load %arg7[%get3A_636, %get3A_637] {strides = array<i32>} : memref<32x768xf32, #tpu.memory_space<vmem>>, vector<1x16xf32>,
        %get3A_639 = vector.shape_cast %get3A_638 : vector<1x16xf32> to vector<16xf32>
        %mul3A_640 = arith.constant 27.7128124 : f32
        %mul3A_641 = vector.broadcast %mul3A_640 : f32 to vector<16xf32>
        %mul3A_642 = arith.mulf %get3A_639, %mul3A_641 : vector<16xf32>
        %swap3A_643 = arith.index_cast %scan3A_253 : i32 to index
        %swap3A_644 = arith.constant 512 : index
        %swap3A_645 = tpu.vector_load %arg9[%swap3A_643, %swap3A_644] {strides = array<i32>} : memref<32x768xf32, #tpu.memory_space<vmem>>, vector<1x16xf32>,
        %swap3A_646 = vector.shape_cast %swap3A_645 : vector<1x16xf32> to vector<16xf32>
        %swap3A_647 = vector.shape_cast %mul3A_642 : vector<16xf32> to vector<1x16xf32>
        tpu.vector_store %arg9[%swap3A_643, %swap3A_644], %swap3A_647 {strides = array<i32>} : memref<32x768xf32, #tpu.memory_space<vmem>>, vector<1x16xf32>,
        %get3A_648 = arith.index_cast %scan3A_253 : i32 to index
        %get3A_649 = arith.constant 528 : index
        %get3A_650 = tpu.vector_load %arg7[%get3A_648, %get3A_649] {strides = array<i32>} : memref<32x768xf32, #tpu.memory_space<vmem>>, vector<1x16xf32>,
        %get3A_651 = vector.shape_cast %get3A_650 : vector<1x16xf32> to vector<16xf32>
        %mul3A_652 = arith.constant 27.7128124 : f32
        %mul3A_653 = vector.broadcast %mul3A_652 : f32 to vector<16xf32>
        %mul3A_654 = arith.mulf %get3A_651, %mul3A_653 : vector<16xf32>
        %swap3A_655 = arith.index_cast %scan3A_253 : i32 to index
        %swap3A_656 = arith.constant 528 : index
        %swap3A_657 = tpu.vector_load %arg9[%swap3A_655, %swap3A_656] {strides = array<i32>} : memref<32x768xf32, #tpu.memory_space<vmem>>, vector<1x16xf32>,
        %swap3A_658 = vector.shape_cast %swap3A_657 : vector<1x16xf32> to vector<16xf32>
        %swap3A_659 = vector.shape_cast %mul3A_654 : vector<16xf32> to vector<1x16xf32>
        tpu.vector_store %arg9[%swap3A_655, %swap3A_656], %swap3A_659 {strides = array<i32>} : memref<32x768xf32, #tpu.memory_space<vmem>>, vector<1x16xf32>,
        %get3A_660 = arith.index_cast %scan3A_253 : i32 to index
        %get3A_661 = arith.constant 544 : index
        %get3A_662 = tpu.vector_load %arg7[%get3A_660, %get3A_661] {strides = array<i32>} : memref<32x768xf32, #tpu.memory_space<vmem>>, vector<1x16xf32>,
        %get3A_663 = vector.shape_cast %get3A_662 : vector<1x16xf32> to vector<16xf32>
        %mul3A_664 = arith.constant 27.7128124 : f32
        %mul3A_665 = vector.broadcast %mul3A_664 : f32 to vector<16xf32>
        %mul3A_666 = arith.mulf %get3A_663, %mul3A_665 : vector<16xf32>
        %swap3A_667 = arith.index_cast %scan3A_253 : i32 to index
        %swap3A_668 = arith.constant 544 : index
        %swap3A_669 = tpu.vector_load %arg9[%swap3A_667, %swap3A_668] {strides = array<i32>} : memref<32x768xf32, #tpu.memory_space<vmem>>, vector<1x16xf32>,
        %swap3A_670 = vector.shape_cast %swap3A_669 : vector<1x16xf32> to vector<16xf32>
        %swap3A_671 = vector.shape_cast %mul3A_666 : vector<16xf32> to vector<1x16xf32>
        tpu.vector_store %arg9[%swap3A_667, %swap3A_668], %swap3A_671 {strides = array<i32>} : memref<32x768xf32, #tpu.memory_space<vmem>>, vector<1x16xf32>,
        %get3A_672 = arith.index_cast %scan3A_253 : i32 to index
        %get3A_673 = arith.constant 560 : index
        %get3A_674 = tpu.vector_load %arg7[%get3A_672, %get3A_673] {strides = array<i32>} : memref<32x768xf32, #tpu.memory_space<vmem>>, vector<1x16xf32>,
        %get3A_675 = vector.shape_cast %get3A_674 : vector<1x16xf32> to vector<16xf32>
        %mul3A_676 = arith.constant 27.7128124 : f32
        %mul3A_677 = vector.broadcast %mul3A_676 : f32 to vector<16xf32>
        %mul3A_678 = arith.mulf %get3A_675, %mul3A_677 : vector<16xf32>
        %swap3A_679 = arith.index_cast %scan3A_253 : i32 to index
        %swap3A_680 = arith.constant 560 : index
        %swap3A_681 = tpu.vector_load %arg9[%swap3A_679, %swap3A_680] {strides = array<i32>} : memref<32x768xf32, #tpu.memory_space<vmem>>, vector<1x16xf32>,
        %swap3A_682 = vector.shape_cast %swap3A_681 : vector<1x16xf32> to vector<16xf32>
        %swap3A_683 = vector.shape_cast %mul3A_678 : vector<16xf32> to vector<1x16xf32>
        tpu.vector_store %arg9[%swap3A_679, %swap3A_680], %swap3A_683 {strides = array<i32>} : memref<32x768xf32, #tpu.memory_space<vmem>>, vector<1x16xf32>,
        %get3A_684 = arith.index_cast %scan3A_253 : i32 to index
        %get3A_685 = arith.constant 576 : index
        %get3A_686 = tpu.vector_load %arg7[%get3A_684, %get3A_685] {strides = array<i32>} : memref<32x768xf32, #tpu.memory_space<vmem>>, vector<1x16xf32>,
        %get3A_687 = vector.shape_cast %get3A_686 : vector<1x16xf32> to vector<16xf32>
        %mul3A_688 = arith.constant 27.7128124 : f32
        %mul3A_689 = vector.broadcast %mul3A_688 : f32 to vector<16xf32>
        %mul3A_690 = arith.mulf %get3A_687, %mul3A_689 : vector<16xf32>
        %swap3A_691 = arith.index_cast %scan3A_253 : i32 to index
        %swap3A_692 = arith.constant 576 : index
        %swap3A_693 = tpu.vector_load %arg9[%swap3A_691, %swap3A_692] {strides = array<i32>} : memref<32x768xf32, #tpu.memory_space<vmem>>, vector<1x16xf32>,
        %swap3A_694 = vector.shape_cast %swap3A_693 : vector<1x16xf32> to vector<16xf32>
        %swap3A_695 = vector.shape_cast %mul3A_690 : vector<16xf32> to vector<1x16xf32>
        tpu.vector_store %arg9[%swap3A_691, %swap3A_692], %swap3A_695 {strides = array<i32>} : memref<32x768xf32, #tpu.memory_space<vmem>>, vector<1x16xf32>,
        %get3A_696 = arith.index_cast %scan3A_253 : i32 to index
        %get3A_697 = arith.constant 592 : index
        %get3A_698 = tpu.vector_load %arg7[%get3A_696, %get3A_697] {strides = array<i32>} : memref<32x768xf32, #tpu.memory_space<vmem>>, vector<1x16xf32>,
        %get3A_699 = vector.shape_cast %get3A_698 : vector<1x16xf32> to vector<16xf32>
        %mul3A_700 = arith.constant 27.7128124 : f32
        %mul3A_701 = vector.broadcast %mul3A_700 : f32 to vector<16xf32>
        %mul3A_702 = arith.mulf %get3A_699, %mul3A_701 : vector<16xf32>
        %swap3A_703 = arith.index_cast %scan3A_253 : i32 to index
        %swap3A_704 = arith.constant 592 : index
        %swap3A_705 = tpu.vector_load %arg9[%swap3A_703, %swap3A_704] {strides = array<i32>} : memref<32x768xf32, #tpu.memory_space<vmem>>, vector<1x16xf32>,
        %swap3A_706 = vector.shape_cast %swap3A_705 : vector<1x16xf32> to vector<16xf32>
        %swap3A_707 = vector.shape_cast %mul3A_702 : vector<16xf32> to vector<1x16xf32>
        tpu.vector_store %arg9[%swap3A_703, %swap3A_704], %swap3A_707 {strides = array<i32>} : memref<32x768xf32, #tpu.memory_space<vmem>>, vector<1x16xf32>,
        %get3A_708 = arith.index_cast %scan3A_253 : i32 to index
        %get3A_709 = arith.constant 608 : index
        %get3A_710 = tpu.vector_load %arg7[%get3A_708, %get3A_709] {strides = array<i32>} : memref<32x768xf32, #tpu.memory_space<vmem>>, vector<1x16xf32>,
        %get3A_711 = vector.shape_cast %get3A_710 : vector<1x16xf32> to vector<16xf32>
        %mul3A_712 = arith.constant 27.7128124 : f32
        %mul3A_713 = vector.broadcast %mul3A_712 : f32 to vector<16xf32>
        %mul3A_714 = arith.mulf %get3A_711, %mul3A_713 : vector<16xf32>
        %swap3A_715 = arith.index_cast %scan3A_253 : i32 to index
        %swap3A_716 = arith.constant 608 : index
        %swap3A_717 = tpu.vector_load %arg9[%swap3A_715, %swap3A_716] {strides = array<i32>} : memref<32x768xf32, #tpu.memory_space<vmem>>, vector<1x16xf32>,
        %swap3A_718 = vector.shape_cast %swap3A_717 : vector<1x16xf32> to vector<16xf32>
        %swap3A_719 = vector.shape_cast %mul3A_714 : vector<16xf32> to vector<1x16xf32>
        tpu.vector_store %arg9[%swap3A_715, %swap3A_716], %swap3A_719 {strides = array<i32>} : memref<32x768xf32, #tpu.memory_space<vmem>>, vector<1x16xf32>,
        %get3A_720 = arith.index_cast %scan3A_253 : i32 to index
        %get3A_721 = arith.constant 624 : index
        %get3A_722 = tpu.vector_load %arg7[%get3A_720, %get3A_721] {strides = array<i32>} : memref<32x768xf32, #tpu.memory_space<vmem>>, vector<1x16xf32>,
        %get3A_723 = vector.shape_cast %get3A_722 : vector<1x16xf32> to vector<16xf32>
        %mul3A_724 = arith.constant 27.7128124 : f32
        %mul3A_725 = vector.broadcast %mul3A_724 : f32 to vector<16xf32>
        %mul3A_726 = arith.mulf %get3A_723, %mul3A_725 : vector<16xf32>
        %swap3A_727 = arith.index_cast %scan3A_253 : i32 to index
        %swap3A_728 = arith.constant 624 : index
        %swap3A_729 = tpu.vector_load %arg9[%swap3A_727, %swap3A_728] {strides = array<i32>} : memref<32x768xf32, #tpu.memory_space<vmem>>, vector<1x16xf32>,
        %swap3A_730 = vector.shape_cast %swap3A_729 : vector<1x16xf32> to vector<16xf32>
        %swap3A_731 = vector.shape_cast %mul3A_726 : vector<16xf32> to vector<1x16xf32>
        tpu.vector_store %arg9[%swap3A_727, %swap3A_728], %swap3A_731 {strides = array<i32>} : memref<32x768xf32, #tpu.memory_space<vmem>>, vector<1x16xf32>,
        %get3A_732 = arith.index_cast %scan3A_253 : i32 to index
        %get3A_733 = arith.constant 640 : index
        %get3A_734 = tpu.vector_load %arg7[%get3A_732, %get3A_733] {strides = array<i32>} : memref<32x768xf32, #tpu.memory_space<vmem>>, vector<1x16xf32>,
        %get3A_735 = vector.shape_cast %get3A_734 : vector<1x16xf32> to vector<16xf32>
        %mul3A_736 = arith.constant 27.7128124 : f32
        %mul3A_737 = vector.broadcast %mul3A_736 : f32 to vector<16xf32>
        %mul3A_738 = arith.mulf %get3A_735, %mul3A_737 : vector<16xf32>
        %swap3A_739 = arith.index_cast %scan3A_253 : i32 to index
        %swap3A_740 = arith.constant 640 : index
        %swap3A_741 = tpu.vector_load %arg9[%swap3A_739, %swap3A_740] {strides = array<i32>} : memref<32x768xf32, #tpu.memory_space<vmem>>, vector<1x16xf32>,
        %swap3A_742 = vector.shape_cast %swap3A_741 : vector<1x16xf32> to vector<16xf32>
        %swap3A_743 = vector.shape_cast %mul3A_738 : vector<16xf32> to vector<1x16xf32>
        tpu.vector_store %arg9[%swap3A_739, %swap3A_740], %swap3A_743 {strides = array<i32>} : memref<32x768xf32, #tpu.memory_space<vmem>>, vector<1x16xf32>,
        %get3A_744 = arith.index_cast %scan3A_253 : i32 to index
        %get3A_745 = arith.constant 656 : index
        %get3A_746 = tpu.vector_load %arg7[%get3A_744, %get3A_745] {strides = array<i32>} : memref<32x768xf32, #tpu.memory_space<vmem>>, vector<1x16xf32>,
        %get3A_747 = vector.shape_cast %get3A_746 : vector<1x16xf32> to vector<16xf32>
        %mul3A_748 = arith.constant 27.7128124 : f32
        %mul3A_749 = vector.broadcast %mul3A_748 : f32 to vector<16xf32>
        %mul3A_750 = arith.mulf %get3A_747, %mul3A_749 : vector<16xf32>
        %swap3A_751 = arith.index_cast %scan3A_253 : i32 to index
        %swap3A_752 = arith.constant 656 : index
        %swap3A_753 = tpu.vector_load %arg9[%swap3A_751, %swap3A_752] {strides = array<i32>} : memref<32x768xf32, #tpu.memory_space<vmem>>, vector<1x16xf32>,
        %swap3A_754 = vector.shape_cast %swap3A_753 : vector<1x16xf32> to vector<16xf32>
        %swap3A_755 = vector.shape_cast %mul3A_750 : vector<16xf32> to vector<1x16xf32>
        tpu.vector_store %arg9[%swap3A_751, %swap3A_752], %swap3A_755 {strides = array<i32>} : memref<32x768xf32, #tpu.memory_space<vmem>>, vector<1x16xf32>,
        %get3A_756 = arith.index_cast %scan3A_253 : i32 to index
        %get3A_757 = arith.constant 672 : index
        %get3A_758 = tpu.vector_load %arg7[%get3A_756, %get3A_757] {strides = array<i32>} : memref<32x768xf32, #tpu.memory_space<vmem>>, vector<1x16xf32>,
        %get3A_759 = vector.shape_cast %get3A_758 : vector<1x16xf32> to vector<16xf32>
        %mul3A_760 = arith.constant 27.7128124 : f32
        %mul3A_761 = vector.broadcast %mul3A_760 : f32 to vector<16xf32>
        %mul3A_762 = arith.mulf %get3A_759, %mul3A_761 : vector<16xf32>
        %swap3A_763 = arith.index_cast %scan3A_253 : i32 to index
        %swap3A_764 = arith.constant 672 : index
        %swap3A_765 = tpu.vector_load %arg9[%swap3A_763, %swap3A_764] {strides = array<i32>} : memref<32x768xf32, #tpu.memory_space<vmem>>, vector<1x16xf32>,
        %swap3A_766 = vector.shape_cast %swap3A_765 : vector<1x16xf32> to vector<16xf32>
        %swap3A_767 = vector.shape_cast %mul3A_762 : vector<16xf32> to vector<1x16xf32>
        tpu.vector_store %arg9[%swap3A_763, %swap3A_764], %swap3A_767 {strides = array<i32>} : memref<32x768xf32, #tpu.memory_space<vmem>>, vector<1x16xf32>,
        %get3A_768 = arith.index_cast %scan3A_253 : i32 to index
        %get3A_769 = arith.constant 688 : index
        %get3A_770 = tpu.vector_load %arg7[%get3A_768, %get3A_769] {strides = array<i32>} : memref<32x768xf32, #tpu.memory_space<vmem>>, vector<1x16xf32>,
        %get3A_771 = vector.shape_cast %get3A_770 : vector<1x16xf32> to vector<16xf32>
        %mul3A_772 = arith.constant 27.7128124 : f32
        %mul3A_773 = vector.broadcast %mul3A_772 : f32 to vector<16xf32>
        %mul3A_774 = arith.mulf %get3A_771, %mul3A_773 : vector<16xf32>
        %swap3A_775 = arith.index_cast %scan3A_253 : i32 to index
        %swap3A_776 = arith.constant 688 : index
        %swap3A_777 = tpu.vector_load %arg9[%swap3A_775, %swap3A_776] {strides = array<i32>} : memref<32x768xf32, #tpu.memory_space<vmem>>, vector<1x16xf32>,
        %swap3A_778 = vector.shape_cast %swap3A_777 : vector<1x16xf32> to vector<16xf32>
        %swap3A_779 = vector.shape_cast %mul3A_774 : vector<16xf32> to vector<1x16xf32>
        tpu.vector_store %arg9[%swap3A_775, %swap3A_776], %swap3A_779 {strides = array<i32>} : memref<32x768xf32, #tpu.memory_space<vmem>>, vector<1x16xf32>,
        %get3A_780 = arith.index_cast %scan3A_253 : i32 to index
        %get3A_781 = arith.constant 704 : index
        %get3A_782 = tpu.vector_load %arg7[%get3A_780, %get3A_781] {strides = array<i32>} : memref<32x768xf32, #tpu.memory_space<vmem>>, vector<1x16xf32>,
        %get3A_783 = vector.shape_cast %get3A_782 : vector<1x16xf32> to vector<16xf32>
        %mul3A_784 = arith.constant 27.7128124 : f32
        %mul3A_785 = vector.broadcast %mul3A_784 : f32 to vector<16xf32>
        %mul3A_786 = arith.mulf %get3A_783, %mul3A_785 : vector<16xf32>
        %swap3A_787 = arith.index_cast %scan3A_253 : i32 to index
        %swap3A_788 = arith.constant 704 : index
        %swap3A_789 = tpu.vector_load %arg9[%swap3A_787, %swap3A_788] {strides = array<i32>} : memref<32x768xf32, #tpu.memory_space<vmem>>, vector<1x16xf32>,
        %swap3A_790 = vector.shape_cast %swap3A_789 : vector<1x16xf32> to vector<16xf32>
        %swap3A_791 = vector.shape_cast %mul3A_786 : vector<16xf32> to vector<1x16xf32>
        tpu.vector_store %arg9[%swap3A_787, %swap3A_788], %swap3A_791 {strides = array<i32>} : memref<32x768xf32, #tpu.memory_space<vmem>>, vector<1x16xf32>,
        %get3A_792 = arith.index_cast %scan3A_253 : i32 to index
        %get3A_793 = arith.constant 720 : index
        %get3A_794 = tpu.vector_load %arg7[%get3A_792, %get3A_793] {strides = array<i32>} : memref<32x768xf32, #tpu.memory_space<vmem>>, vector<1x16xf32>,
        %get3A_795 = vector.shape_cast %get3A_794 : vector<1x16xf32> to vector<16xf32>
        %mul3A_796 = arith.constant 27.7128124 : f32
        %mul3A_797 = vector.broadcast %mul3A_796 : f32 to vector<16xf32>
        %mul3A_798 = arith.mulf %get3A_795, %mul3A_797 : vector<16xf32>
        %swap3A_799 = arith.index_cast %scan3A_253 : i32 to index
        %swap3A_800 = arith.constant 720 : index
        %swap3A_801 = tpu.vector_load %arg9[%swap3A_799, %swap3A_800] {strides = array<i32>} : memref<32x768xf32, #tpu.memory_space<vmem>>, vector<1x16xf32>,
        %swap3A_802 = vector.shape_cast %swap3A_801 : vector<1x16xf32> to vector<16xf32>
        %swap3A_803 = vector.shape_cast %mul3A_798 : vector<16xf32> to vector<1x16xf32>
        tpu.vector_store %arg9[%swap3A_799, %swap3A_800], %swap3A_803 {strides = array<i32>} : memref<32x768xf32, #tpu.memory_space<vmem>>, vector<1x16xf32>,
        %get3A_804 = arith.index_cast %scan3A_253 : i32 to index
        %get3A_805 = arith.constant 736 : index
        %get3A_806 = tpu.vector_load %arg7[%get3A_804, %get3A_805] {strides = array<i32>} : memref<32x768xf32, #tpu.memory_space<vmem>>, vector<1x16xf32>,
        %get3A_807 = vector.shape_cast %get3A_806 : vector<1x16xf32> to vector<16xf32>
        %mul3A_808 = arith.constant 27.7128124 : f32
        %mul3A_809 = vector.broadcast %mul3A_808 : f32 to vector<16xf32>
        %mul3A_810 = arith.mulf %get3A_807, %mul3A_809 : vector<16xf32>
        %swap3A_811 = arith.index_cast %scan3A_253 : i32 to index
        %swap3A_812 = arith.constant 736 : index
        %swap3A_813 = tpu.vector_load %arg9[%swap3A_811, %swap3A_812] {strides = array<i32>} : memref<32x768xf32, #tpu.memory_space<vmem>>, vector<1x16xf32>,
        %swap3A_814 = vector.shape_cast %swap3A_813 : vector<1x16xf32> to vector<16xf32>
        %swap3A_815 = vector.shape_cast %mul3A_810 : vector<16xf32> to vector<1x16xf32>
        tpu.vector_store %arg9[%swap3A_811, %swap3A_812], %swap3A_815 {strides = array<i32>} : memref<32x768xf32, #tpu.memory_space<vmem>>, vector<1x16xf32>,
        %get3A_816 = arith.index_cast %scan3A_253 : i32 to index
        %get3A_817 = arith.constant 752 : index
        %get3A_818 = tpu.vector_load %arg7[%get3A_816, %get3A_817] {strides = array<i32>} : memref<32x768xf32, #tpu.memory_space<vmem>>, vector<1x16xf32>,
        %get3A_819 = vector.shape_cast %get3A_818 : vector<1x16xf32> to vector<16xf32>
        %mul3A_820 = arith.constant 27.7128124 : f32
        %mul3A_821 = vector.broadcast %mul3A_820 : f32 to vector<16xf32>
        %mul3A_822 = arith.mulf %get3A_819, %mul3A_821 : vector<16xf32>
        %swap3A_823 = arith.index_cast %scan3A_253 : i32 to index
        %swap3A_824 = arith.constant 752 : index
        %swap3A_825 = tpu.vector_load %arg9[%swap3A_823, %swap3A_824] {strides = array<i32>} : memref<32x768xf32, #tpu.memory_space<vmem>>, vector<1x16xf32>,
        %swap3A_826 = vector.shape_cast %swap3A_825 : vector<1x16xf32> to vector<16xf32>
        %swap3A_827 = vector.shape_cast %mul3A_822 : vector<16xf32> to vector<1x16xf32>
        tpu.vector_store %arg9[%swap3A_823, %swap3A_824], %swap3A_827 {strides = array<i32>} : memref<32x768xf32, #tpu.memory_space<vmem>>, vector<1x16xf32>,
      }
      %scan3A_235 = arith.constant 32 : i32
      %mul3A_236 = arith.constant 32 : i32
      %mul3A_237 = arith.muli %add3A_212, %mul3A_236 : i32
      %add3A_238 = arith.addi %mul3A_32, %mul3A_237 : i32
      %dma_start3A_239 = arith.constant 0 : i32
      %dma_start3A_240 = tpu.memref_slice %arg4[%select_n3A, %add3A_238, %dma_start3A_239] : memref<4x8192x768xf32, #tpu.memory_space<hbm>> -> memref<1x32x768xf32, #tpu.memory_space<hbm>>
      %dma_start3A_241 = tpu.memref_squeeze %dma_start3A_240 : memref<1x32x768xf32, #tpu.memory_space<hbm>> -> memref<32x768xf32, #tpu.memory_space<hbm>>
      %dma_start3A_242 = arith.constant 0 : i32
      %dma_start3A_243 = tpu.memref_slice %arg4[%select_n3A, %add3A_238, %dma_start3A_242] : memref<4x8192x768xf32, #tpu.memory_space<hbm>> -> memref<1x32x768xf32, #tpu.memory_space<hbm>>
      %dma_start3A_244 = tpu.memref_squeeze %dma_start3A_243 : memref<1x32x768xf32, #tpu.memory_space<hbm>> -> memref<32x768xf32, #tpu.memory_space<hbm>>
      tpu.enqueue_dma source(%arg9 : memref<32x768xf32, #tpu.memory_space<vmem>>) target(%dma_start3A_244 : memref<32x768xf32, #tpu.memory_space<hbm>>) target_semaphore(%arg13 : memref<!tpu.dma_semaphore, #tpu.memory_space<semaphore_mem>>)
      %add3A_245 = arith.constant 2 : i32
      %add3A_246 = arith.addi %add3A_212, %add3A_245 : i32
      %mul3A_247 = arith.constant 32 : i32
      %mul3A_248 = arith.muli %add3A_246, %mul3A_247 : i32
      %dma_start3A_249 = tpu.memref_slice %arg5[%mul3A_248] : memref<1024xi32, #tpu.memory_space<vmem>> -> memref<32xi32, #tpu.memory_space<vmem>>
      %dma_start3A_250 = arith.constant 0 : i32
      %dma_start3A_251 = arith.constant 0 : i32
      %dma_start3A_252 = tpu.memref_slice %arg3[%dma_start3A_250, %dma_start3A_251] : memref<100000x768xf32, #tpu.memory_space<hbm>> -> memref<100000x768xf32, #tpu.memory_space<hbm>>
      tpu.enqueue_indirect_dma source(%dma_start3A_252 : memref<100000x768xf32, #tpu.memory_space<hbm>>) target(%arg7 : memref<32x768xf32, #tpu.memory_space<vmem>>) offsets(%dma_start3A_249 : memref<32xi32, #tpu.memory_space<vmem>>) semaphore(%arg11 : memref<!tpu.dma_semaphore, #tpu.memory_space<semaphore_mem>>)
    }
    %scan3A_93 = arith.constant 14 : i32
    %dma_wait3A_94 = arith.constant 960 : i32
    %dma_wait3A_95 = tpu.memref_slice %arg5[%dma_wait3A_94] : memref<1024xi32, #tpu.memory_space<vmem>> -> memref<32xi32, #tpu.memory_space<vmem>>
    %dma_wait3A_96 = arith.constant 0 : i32
    %dma_wait3A_97 = arith.constant 0 : i32
    %dma_wait3A_98 = tpu.memref_slice %arg3[%dma_wait3A_96, %dma_wait3A_97] : memref<100000x768xf32, #tpu.memory_space<hbm>> -> memref<100000x768xf32, #tpu.memory_space<hbm>>
    tpu.wait_indirect_dma semaphore(%arg10 : memref<!tpu.dma_semaphore, #tpu.memory_space<semaphore_mem>>) src(%dma_wait3A_98 : memref<100000x768xf32, #tpu.memory_space<hbm>>) dst(%arg6 : memref<32x768xf32, #tpu.memory_space<vmem>>)
    %add3A_99 = arith.constant 896 : i32
    %add3A_100 = arith.addi %mul3A_32, %add3A_99 : i32
    %dma_wait3A_101 = arith.constant 0 : i32
    %dma_wait3A_102 = tpu.memref_slice %arg4[%select_n3A, %add3A_100, %dma_wait3A_101] : memref<4x8192x768xf32, #tpu.memory_space<hbm>> -> memref<1x32x768xf32, #tpu.memory_space<hbm>>
    %dma_wait3A_103 = tpu.memref_squeeze %dma_wait3A_102 : memref<1x32x768xf32, #tpu.memory_space<hbm>> -> memref<32x768xf32, #tpu.memory_space<hbm>>
    %dma_wait3A_104 = arith.constant 0 : i32
    %dma_wait3A_105 = tpu.memref_slice %arg4[%select_n3A, %add3A_100, %dma_wait3A_104] : memref<4x8192x768xf32, #tpu.memory_space<hbm>> -> memref<1x32x768xf32, #tpu.memory_space<hbm>>
    %dma_wait3A_106 = tpu.memref_squeeze %dma_wait3A_105 : memref<1x32x768xf32, #tpu.memory_space<hbm>> -> memref<32x768xf32, #tpu.memory_space<hbm>>
    tpu.wait_dma2 semaphore(%arg12 : memref<!tpu.dma_semaphore, #tpu.memory_space<semaphore_mem>>) src(%arg8 : memref<32x768xf32, #tpu.memory_space<vmem>>) dst(%dma_wait3A_106 : memref<32x768xf32, #tpu.memory_space<hbm>>)
    %scan3A_107 = arith.constant 0 : i32
    %scan3A_108 = arith.constant 0 : i32
    %scan3A_109 = arith.constant 32 : i32
    %scan3A_110 = arith.addi %scan3A_108, %scan3A_109 : i32
    %scan3A_111 = arith.constant 1 : i32
    scf.for %scan3A_164 = %scan3A_108 to %scan3A_110 step %scan3A_111  : i32 {
      %get3A = arith.index_cast %scan3A_164 : i32 to index
      %get3A_165 = arith.constant 0 : index
      %get3A_166 = tpu.vector_load %arg6[%get3A, %get3A_165] {strides = array<i32>} : memref<32x768xf32, #tpu.memory_space<vmem>>, vector<1x16xf32>,
      %get3A_167 = vector.shape_cast %get3A_166 : vector<1x16xf32> to vector<16xf32>
      %mul3A_168 = arith.constant 27.7128124 : f32
      %mul3A_169 = vector.broadcast %mul3A_168 : f32 to vector<16xf32>
      %mul3A_170 = arith.mulf %get3A_167, %mul3A_169 : vector<16xf32>
      %swap3A = arith.index_cast %scan3A_164 : i32 to index
      %swap3A_171 = arith.constant 0 : index
      %swap3A_172 = tpu.vector_load %arg8[%swap3A, %swap3A_171] {strides = array<i32>} : memref<32x768xf32, #tpu.memory_space<vmem>>, vector<1x16xf32>,
      %swap3A_173 = vector.shape_cast %swap3A_172 : vector<1x16xf32> to vector<16xf32>
      %swap3A_174 = vector.shape_cast %mul3A_170 : vector<16xf32> to vector<1x16xf32>
      tpu.vector_store %arg8[%swap3A, %swap3A_171], %swap3A_174 {strides = array<i32>} : memref<32x768xf32, #tpu.memory_space<vmem>>, vector<1x16xf32>,
      %get3A_175 = arith.index_cast %scan3A_164 : i32 to index
      %get3A_176 = arith.constant 16 : index
      %get3A_177 = tpu.vector_load %arg6[%get3A_175, %get3A_176] {strides = array<i32>} : memref<32x768xf32, #tpu.memory_space<vmem>>, vector<1x16xf32>,
      %get3A_178 = vector.shape_cast %get3A_177 : vector<1x16xf32> to vector<16xf32>
      %mul3A_179 = arith.constant 27.7128124 : f32
      %mul3A_180 = vector.broadcast %mul3A_179 : f32 to vector<16xf32>
      %mul3A_181 = arith.mulf %get3A_178, %mul3A_180 : vector<16xf32>
      %swap3A_182 = arith.index_cast %scan3A_164 : i32 to index
      %swap3A_183 = arith.constant 16 : index
      %swap3A_184 = tpu.vector_load %arg8[%swap3A_182, %swap3A_183] {strides = array<i32>} : memref<32x768xf32, #tpu.memory_space<vmem>>, vector<1x16xf32>,
      %swap3A_185 = vector.shape_cast %swap3A_184 : vector<1x16xf32> to vector<16xf32>
      %swap3A_186 = vector.shape_cast %mul3A_181 : vector<16xf32> to vector<1x16xf32>
      tpu.vector_store %arg8[%swap3A_182, %swap3A_183], %swap3A_186 {strides = array<i32>} : memref<32x768xf32, #tpu.memory_space<vmem>>, vector<1x16xf32>,
      %get3A_187 = arith.index_cast %scan3A_164 : i32 to index
      %get3A_188 = arith.constant 32 : index
      %get3A_189 = tpu.vector_load %arg6[%get3A_187, %get3A_188] {strides = array<i32>} : memref<32x768xf32, #tpu.memory_space<vmem>>, vector<1x16xf32>,
      %get3A_190 = vector.shape_cast %get3A_189 : vector<1x16xf32> to vector<16xf32>
      %mul3A_191 = arith.constant 27.7128124 : f32
      %mul3A_192 = vector.broadcast %mul3A_191 : f32 to vector<16xf32>
      %mul3A_193 = arith.mulf %get3A_190, %mul3A_192 : vector<16xf32>
      %swap3A_194 = arith.index_cast %scan3A_164 : i32 to index
      %swap3A_195 = arith.constant 32 : index
      %swap3A_196 = tpu.vector_load %arg8[%swap3A_194, %swap3A_195] {strides = array<i32>} : memref<32x768xf32, #tpu.memory_space<vmem>>, vector<1x16xf32>,
      %swap3A_197 = vector.shape_cast %swap3A_196 : vector<1x16xf32> to vector<16xf32>
      %swap3A_198 = vector.shape_cast %mul3A_193 : vector<16xf32> to vector<1x16xf32>
      tpu.vector_store %arg8[%swap3A_194, %swap3A_195], %swap3A_198 {strides = array<i32>} : memref<32x768xf32, #tpu.memory_space<vmem>>, vector<1x16xf32>,
      %get3A_199 = arith.index_cast %scan3A_164 : i32 to index
      %get3A_200 = arith.constant 48 : index
      %get3A_201 = tpu.vector_load %arg6[%get3A_199, %get3A_200] {strides = array<i32>} : memref<32x768xf32, #tpu.memory_space<vmem>>, vector<1x16xf32>,
      %get3A_202 = vector.shape_cast %get3A_201 : vector<1x16xf32> to vector<16xf32>
      %mul3A_203 = arith.constant 27.7128124 : f32
      %mul3A_204 = vector.broadcast %mul3A_203 : f32 to vector<16xf32>
      %mul3A_205 = arith.mulf %get3A_202, %mul3A_204 : vector<16xf32>
      %swap3A_206 = arith.index_cast %scan3A_164 : i32 to index
      %swap3A_207 = arith.constant 48 : index
      %swap3A_208 = tpu.vector_load %arg8[%swap3A_206, %swap3A_207] {strides = array<i32>} : memref<32x768xf32, #tpu.memory_space<vmem>>, vector<1x16xf32>,
      %swap3A_209 = vector.shape_cast %swap3A_208 : vector<1x16xf32> to vector<16xf32>
      %swap3A_210 = vector.shape_cast %mul3A_205 : vector<16xf32> to vector<1x16xf32>
      tpu.vector_store %arg8[%swap3A_206, %swap3A_207], %swap3A_210 {strides = array<i32>} : memref<32x768xf32, #tpu.memory_space<vmem>>, vector<1x16xf32>,
      %get3A_211 = arith.index_cast %scan3A_164 : i32 to index
      %get3A_212 = arith.constant 64 : index
      %get3A_213 = tpu.vector_load %arg6[%get3A_211, %get3A_212] {strides = array<i32>} : memref<32x768xf32, #tpu.memory_space<vmem>>, vector<1x16xf32>,
      %get3A_214 = vector.shape_cast %get3A_213 : vector<1x16xf32> to vector<16xf32>
      %mul3A_215 = arith.constant 27.7128124 : f32
      %mul3A_216 = vector.broadcast %mul3A_215 : f32 to vector<16xf32>
      %mul3A_217 = arith.mulf %get3A_214, %mul3A_216 : vector<16xf32>
      %swap3A_218 = arith.index_cast %scan3A_164 : i32 to index
      %swap3A_219 = arith.constant 64 : index
      %swap3A_220 = tpu.vector_load %arg8[%swap3A_218, %swap3A_219] {strides = array<i32>} : memref<32x768xf32, #tpu.memory_space<vmem>>, vector<1x16xf32>,
      %swap3A_221 = vector.shape_cast %swap3A_220 : vector<1x16xf32> to vector<16xf32>
      %swap3A_222 = vector.shape_cast %mul3A_217 : vector<16xf32> to vector<1x16xf32>
      tpu.vector_store %arg8[%swap3A_218, %swap3A_219], %swap3A_222 {strides = array<i32>} : memref<32x768xf32, #tpu.memory_space<vmem>>, vector<1x16xf32>,
      %get3A_223 = arith.index_cast %scan3A_164 : i32 to index
      %get3A_224 = arith.constant 80 : index
      %get3A_225 = tpu.vector_load %arg6[%get3A_223, %get3A_224] {strides = array<i32>} : memref<32x768xf32, #tpu.memory_space<vmem>>, vector<1x16xf32>,
      %get3A_226 = vector.shape_cast %get3A_225 : vector<1x16xf32> to vector<16xf32>
      %mul3A_227 = arith.constant 27.7128124 : f32
      %mul3A_228 = vector.broadcast %mul3A_227 : f32 to vector<16xf32>
      %mul3A_229 = arith.mulf %get3A_226, %mul3A_228 : vector<16xf32>
      %swap3A_230 = arith.index_cast %scan3A_164 : i32 to index
      %swap3A_231 = arith.constant 80 : index
      %swap3A_232 = tpu.vector_load %arg8[%swap3A_230, %swap3A_231] {strides = array<i32>} : memref<32x768xf32, #tpu.memory_space<vmem>>, vector<1x16xf32>,
      %swap3A_233 = vector.shape_cast %swap3A_232 : vector<1x16xf32> to vector<16xf32>
      %swap3A_234 = vector.shape_cast %mul3A_229 : vector<16xf32> to vector<1x16xf32>
      tpu.vector_store %arg8[%swap3A_230, %swap3A_231], %swap3A_234 {strides = array<i32>} : memref<32x768xf32, #tpu.memory_space<vmem>>, vector<1x16xf32>,
      %get3A_235 = arith.index_cast %scan3A_164 : i32 to index
      %get3A_236 = arith.constant 96 : index
      %get3A_237 = tpu.vector_load %arg6[%get3A_235, %get3A_236] {strides = array<i32>} : memref<32x768xf32, #tpu.memory_space<vmem>>, vector<1x16xf32>,
      %get3A_238 = vector.shape_cast %get3A_237 : vector<1x16xf32> to vector<16xf32>
      %mul3A_239 = arith.constant 27.7128124 : f32
      %mul3A_240 = vector.broadcast %mul3A_239 : f32 to vector<16xf32>
      %mul3A_241 = arith.mulf %get3A_238, %mul3A_240 : vector<16xf32>
      %swap3A_242 = arith.index_cast %scan3A_164 : i32 to index
      %swap3A_243 = arith.constant 96 : index
      %swap3A_244 = tpu.vector_load %arg8[%swap3A_242, %swap3A_243] {strides = array<i32>} : memref<32x768xf32, #tpu.memory_space<vmem>>, vector<1x16xf32>,
      %swap3A_245 = vector.shape_cast %swap3A_244 : vector<1x16xf32> to vector<16xf32>
      %swap3A_246 = vector.shape_cast %mul3A_241 : vector<16xf32> to vector<1x16xf32>
      tpu.vector_store %arg8[%swap3A_242, %swap3A_243], %swap3A_246 {strides = array<i32>} : memref<32x768xf32, #tpu.memory_space<vmem>>, vector<1x16xf32>,
      %get3A_247 = arith.index_cast %scan3A_164 : i32 to index
      %get3A_248 = arith.constant 112 : index
      %get3A_249 = tpu.vector_load %arg6[%get3A_247, %get3A_248] {strides = array<i32>} : memref<32x768xf32, #tpu.memory_space<vmem>>, vector<1x16xf32>,
      %get3A_250 = vector.shape_cast %get3A_249 : vector<1x16xf32> to vector<16xf32>
      %mul3A_251 = arith.constant 27.7128124 : f32
      %mul3A_252 = vector.broadcast %mul3A_251 : f32 to vector<16xf32>
      %mul3A_253 = arith.mulf %get3A_250, %mul3A_252 : vector<16xf32>
      %swap3A_254 = arith.index_cast %scan3A_164 : i32 to index
      %swap3A_255 = arith.constant 112 : index
      %swap3A_256 = tpu.vector_load %arg8[%swap3A_254, %swap3A_255] {strides = array<i32>} : memref<32x768xf32, #tpu.memory_space<vmem>>, vector<1x16xf32>,
      %swap3A_257 = vector.shape_cast %swap3A_256 : vector<1x16xf32> to vector<16xf32>
      %swap3A_258 = vector.shape_cast %mul3A_253 : vector<16xf32> to vector<1x16xf32>
      tpu.vector_store %arg8[%swap3A_254, %swap3A_255], %swap3A_258 {strides = array<i32>} : memref<32x768xf32, #tpu.memory_space<vmem>>, vector<1x16xf32>,
      %get3A_259 = arith.index_cast %scan3A_164 : i32 to index
      %get3A_260 = arith.constant 128 : index
      %get3A_261 = tpu.vector_load %arg6[%get3A_259, %get3A_260] {strides = array<i32>} : memref<32x768xf32, #tpu.memory_space<vmem>>, vector<1x16xf32>,
      %get3A_262 = vector.shape_cast %get3A_261 : vector<1x16xf32> to vector<16xf32>
      %mul3A_263 = arith.constant 27.7128124 : f32
      %mul3A_264 = vector.broadcast %mul3A_263 : f32 to vector<16xf32>
      %mul3A_265 = arith.mulf %get3A_262, %mul3A_264 : vector<16xf32>
      %swap3A_266 = arith.index_cast %scan3A_164 : i32 to index
      %swap3A_267 = arith.constant 128 : index
      %swap3A_268 = tpu.vector_load %arg8[%swap3A_266, %swap3A_267] {strides = array<i32>} : memref<32x768xf32, #tpu.memory_space<vmem>>, vector<1x16xf32>,
      %swap3A_269 = vector.shape_cast %swap3A_268 : vector<1x16xf32> to vector<16xf32>
      %swap3A_270 = vector.shape_cast %mul3A_265 : vector<16xf32> to vector<1x16xf32>
      tpu.vector_store %arg8[%swap3A_266, %swap3A_267], %swap3A_270 {strides = array<i32>} : memref<32x768xf32, #tpu.memory_space<vmem>>, vector<1x16xf32>,
      %get3A_271 = arith.index_cast %scan3A_164 : i32 to index
      %get3A_272 = arith.constant 144 : index
      %get3A_273 = tpu.vector_load %arg6[%get3A_271, %get3A_272] {strides = array<i32>} : memref<32x768xf32, #tpu.memory_space<vmem>>, vector<1x16xf32>,
      %get3A_274 = vector.shape_cast %get3A_273 : vector<1x16xf32> to vector<16xf32>
      %mul3A_275 = arith.constant 27.7128124 : f32
      %mul3A_276 = vector.broadcast %mul3A_275 : f32 to vector<16xf32>
      %mul3A_277 = arith.mulf %get3A_274, %mul3A_276 : vector<16xf32>
      %swap3A_278 = arith.index_cast %scan3A_164 : i32 to index
      %swap3A_279 = arith.constant 144 : index
      %swap3A_280 = tpu.vector_load %arg8[%swap3A_278, %swap3A_279] {strides = array<i32>} : memref<32x768xf32, #tpu.memory_space<vmem>>, vector<1x16xf32>,
      %swap3A_281 = vector.shape_cast %swap3A_280 : vector<1x16xf32> to vector<16xf32>
      %swap3A_282 = vector.shape_cast %mul3A_277 : vector<16xf32> to vector<1x16xf32>
      tpu.vector_store %arg8[%swap3A_278, %swap3A_279], %swap3A_282 {strides = array<i32>} : memref<32x768xf32, #tpu.memory_space<vmem>>, vector<1x16xf32>,
      %get3A_283 = arith.index_cast %scan3A_164 : i32 to index
      %get3A_284 = arith.constant 160 : index
      %get3A_285 = tpu.vector_load %arg6[%get3A_283, %get3A_284] {strides = array<i32>} : memref<32x768xf32, #tpu.memory_space<vmem>>, vector<1x16xf32>,
      %get3A_286 = vector.shape_cast %get3A_285 : vector<1x16xf32> to vector<16xf32>
      %mul3A_287 = arith.constant 27.7128124 : f32
      %mul3A_288 = vector.broadcast %mul3A_287 : f32 to vector<16xf32>
      %mul3A_289 = arith.mulf %get3A_286, %mul3A_288 : vector<16xf32>
      %swap3A_290 = arith.index_cast %scan3A_164 : i32 to index
      %swap3A_291 = arith.constant 160 : index
      %swap3A_292 = tpu.vector_load %arg8[%swap3A_290, %swap3A_291] {strides = array<i32>} : memref<32x768xf32, #tpu.memory_space<vmem>>, vector<1x16xf32>,
      %swap3A_293 = vector.shape_cast %swap3A_292 : vector<1x16xf32> to vector<16xf32>
      %swap3A_294 = vector.shape_cast %mul3A_289 : vector<16xf32> to vector<1x16xf32>
      tpu.vector_store %arg8[%swap3A_290, %swap3A_291], %swap3A_294 {strides = array<i32>} : memref<32x768xf32, #tpu.memory_space<vmem>>, vector<1x16xf32>,
      %get3A_295 = arith.index_cast %scan3A_164 : i32 to index
      %get3A_296 = arith.constant 176 : index
      %get3A_297 = tpu.vector_load %arg6[%get3A_295, %get3A_296] {strides = array<i32>} : memref<32x768xf32, #tpu.memory_space<vmem>>, vector<1x16xf32>,
      %get3A_298 = vector.shape_cast %get3A_297 : vector<1x16xf32> to vector<16xf32>
      %mul3A_299 = arith.constant 27.7128124 : f32
      %mul3A_300 = vector.broadcast %mul3A_299 : f32 to vector<16xf32>
      %mul3A_301 = arith.mulf %get3A_298, %mul3A_300 : vector<16xf32>
      %swap3A_302 = arith.index_cast %scan3A_164 : i32 to index
      %swap3A_303 = arith.constant 176 : index
      %swap3A_304 = tpu.vector_load %arg8[%swap3A_302, %swap3A_303] {strides = array<i32>} : memref<32x768xf32, #tpu.memory_space<vmem>>, vector<1x16xf32>,
      %swap3A_305 = vector.shape_cast %swap3A_304 : vector<1x16xf32> to vector<16xf32>
      %swap3A_306 = vector.shape_cast %mul3A_301 : vector<16xf32> to vector<1x16xf32>
      tpu.vector_store %arg8[%swap3A_302, %swap3A_303], %swap3A_306 {strides = array<i32>} : memref<32x768xf32, #tpu.memory_space<vmem>>, vector<1x16xf32>,
      %get3A_307 = arith.index_cast %scan3A_164 : i32 to index
      %get3A_308 = arith.constant 192 : index
      %get3A_309 = tpu.vector_load %arg6[%get3A_307, %get3A_308] {strides = array<i32>} : memref<32x768xf32, #tpu.memory_space<vmem>>, vector<1x16xf32>,
      %get3A_310 = vector.shape_cast %get3A_309 : vector<1x16xf32> to vector<16xf32>
      %mul3A_311 = arith.constant 27.7128124 : f32
      %mul3A_312 = vector.broadcast %mul3A_311 : f32 to vector<16xf32>
      %mul3A_313 = arith.mulf %get3A_310, %mul3A_312 : vector<16xf32>
      %swap3A_314 = arith.index_cast %scan3A_164 : i32 to index
      %swap3A_315 = arith.constant 192 : index
      %swap3A_316 = tpu.vector_load %arg8[%swap3A_314, %swap3A_315] {strides = array<i32>} : memref<32x768xf32, #tpu.memory_space<vmem>>, vector<1x16xf32>,
      %swap3A_317 = vector.shape_cast %swap3A_316 : vector<1x16xf32> to vector<16xf32>
      %swap3A_318 = vector.shape_cast %mul3A_313 : vector<16xf32> to vector<1x16xf32>
      tpu.vector_store %arg8[%swap3A_314, %swap3A_315], %swap3A_318 {strides = array<i32>} : memref<32x768xf32, #tpu.memory_space<vmem>>, vector<1x16xf32>,
      %get3A_319 = arith.index_cast %scan3A_164 : i32 to index
      %get3A_320 = arith.constant 208 : index
      %get3A_321 = tpu.vector_load %arg6[%get3A_319, %get3A_320] {strides = array<i32>} : memref<32x768xf32, #tpu.memory_space<vmem>>, vector<1x16xf32>,
      %get3A_322 = vector.shape_cast %get3A_321 : vector<1x16xf32> to vector<16xf32>
      %mul3A_323 = arith.constant 27.7128124 : f32
      %mul3A_324 = vector.broadcast %mul3A_323 : f32 to vector<16xf32>
      %mul3A_325 = arith.mulf %get3A_322, %mul3A_324 : vector<16xf32>
      %swap3A_326 = arith.index_cast %scan3A_164 : i32 to index
      %swap3A_327 = arith.constant 208 : index
      %swap3A_328 = tpu.vector_load %arg8[%swap3A_326, %swap3A_327] {strides = array<i32>} : memref<32x768xf32, #tpu.memory_space<vmem>>, vector<1x16xf32>,
      %swap3A_329 = vector.shape_cast %swap3A_328 : vector<1x16xf32> to vector<16xf32>
      %swap3A_330 = vector.shape_cast %mul3A_325 : vector<16xf32> to vector<1x16xf32>
      tpu.vector_store %arg8[%swap3A_326, %swap3A_327], %swap3A_330 {strides = array<i32>} : memref<32x768xf32, #tpu.memory_space<vmem>>, vector<1x16xf32>,
      %get3A_331 = arith.index_cast %scan3A_164 : i32 to index
      %get3A_332 = arith.constant 224 : index
      %get3A_333 = tpu.vector_load %arg6[%get3A_331, %get3A_332] {strides = array<i32>} : memref<32x768xf32, #tpu.memory_space<vmem>>, vector<1x16xf32>,
      %get3A_334 = vector.shape_cast %get3A_333 : vector<1x16xf32> to vector<16xf32>
      %mul3A_335 = arith.constant 27.7128124 : f32
      %mul3A_336 = vector.broadcast %mul3A_335 : f32 to vector<16xf32>
      %mul3A_337 = arith.mulf %get3A_334, %mul3A_336 : vector<16xf32>
      %swap3A_338 = arith.index_cast %scan3A_164 : i32 to index
      %swap3A_339 = arith.constant 224 : index
      %swap3A_340 = tpu.vector_load %arg8[%swap3A_338, %swap3A_339] {strides = array<i32>} : memref<32x768xf32, #tpu.memory_space<vmem>>, vector<1x16xf32>,
      %swap3A_341 = vector.shape_cast %swap3A_340 : vector<1x16xf32> to vector<16xf32>
      %swap3A_342 = vector.shape_cast %mul3A_337 : vector<16xf32> to vector<1x16xf32>
      tpu.vector_store %arg8[%swap3A_338, %swap3A_339], %swap3A_342 {strides = array<i32>} : memref<32x768xf32, #tpu.memory_space<vmem>>, vector<1x16xf32>,
      %get3A_343 = arith.index_cast %scan3A_164 : i32 to index
      %get3A_344 = arith.constant 240 : index
      %get3A_345 = tpu.vector_load %arg6[%get3A_343, %get3A_344] {strides = array<i32>} : memref<32x768xf32, #tpu.memory_space<vmem>>, vector<1x16xf32>,
      %get3A_346 = vector.shape_cast %get3A_345 : vector<1x16xf32> to vector<16xf32>
      %mul3A_347 = arith.constant 27.7128124 : f32
      %mul3A_348 = vector.broadcast %mul3A_347 : f32 to vector<16xf32>
      %mul3A_349 = arith.mulf %get3A_346, %mul3A_348 : vector<16xf32>
      %swap3A_350 = arith.index_cast %scan3A_164 : i32 to index
      %swap3A_351 = arith.constant 240 : index
      %swap3A_352 = tpu.vector_load %arg8[%swap3A_350, %swap3A_351] {strides = array<i32>} : memref<32x768xf32, #tpu.memory_space<vmem>>, vector<1x16xf32>,
      %swap3A_353 = vector.shape_cast %swap3A_352 : vector<1x16xf32> to vector<16xf32>
      %swap3A_354 = vector.shape_cast %mul3A_349 : vector<16xf32> to vector<1x16xf32>
      tpu.vector_store %arg8[%swap3A_350, %swap3A_351], %swap3A_354 {strides = array<i32>} : memref<32x768xf32, #tpu.memory_space<vmem>>, vector<1x16xf32>,
      %get3A_355 = arith.index_cast %scan3A_164 : i32 to index
      %get3A_356 = arith.constant 256 : index
      %get3A_357 = tpu.vector_load %arg6[%get3A_355, %get3A_356] {strides = array<i32>} : memref<32x768xf32, #tpu.memory_space<vmem>>, vector<1x16xf32>,
      %get3A_358 = vector.shape_cast %get3A_357 : vector<1x16xf32> to vector<16xf32>
      %mul3A_359 = arith.constant 27.7128124 : f32
      %mul3A_360 = vector.broadcast %mul3A_359 : f32 to vector<16xf32>
      %mul3A_361 = arith.mulf %get3A_358, %mul3A_360 : vector<16xf32>
      %swap3A_362 = arith.index_cast %scan3A_164 : i32 to index
      %swap3A_363 = arith.constant 256 : index
      %swap3A_364 = tpu.vector_load %arg8[%swap3A_362, %swap3A_363] {strides = array<i32>} : memref<32x768xf32, #tpu.memory_space<vmem>>, vector<1x16xf32>,
      %swap3A_365 = vector.shape_cast %swap3A_364 : vector<1x16xf32> to vector<16xf32>
      %swap3A_366 = vector.shape_cast %mul3A_361 : vector<16xf32> to vector<1x16xf32>
      tpu.vector_store %arg8[%swap3A_362, %swap3A_363], %swap3A_366 {strides = array<i32>} : memref<32x768xf32, #tpu.memory_space<vmem>>, vector<1x16xf32>,
      %get3A_367 = arith.index_cast %scan3A_164 : i32 to index
      %get3A_368 = arith.constant 272 : index
      %get3A_369 = tpu.vector_load %arg6[%get3A_367, %get3A_368] {strides = array<i32>} : memref<32x768xf32, #tpu.memory_space<vmem>>, vector<1x16xf32>,
      %get3A_370 = vector.shape_cast %get3A_369 : vector<1x16xf32> to vector<16xf32>
      %mul3A_371 = arith.constant 27.7128124 : f32
      %mul3A_372 = vector.broadcast %mul3A_371 : f32 to vector<16xf32>
      %mul3A_373 = arith.mulf %get3A_370, %mul3A_372 : vector<16xf32>
      %swap3A_374 = arith.index_cast %scan3A_164 : i32 to index
      %swap3A_375 = arith.constant 272 : index
      %swap3A_376 = tpu.vector_load %arg8[%swap3A_374, %swap3A_375] {strides = array<i32>} : memref<32x768xf32, #tpu.memory_space<vmem>>, vector<1x16xf32>,
      %swap3A_377 = vector.shape_cast %swap3A_376 : vector<1x16xf32> to vector<16xf32>
      %swap3A_378 = vector.shape_cast %mul3A_373 : vector<16xf32> to vector<1x16xf32>
      tpu.vector_store %arg8[%swap3A_374, %swap3A_375], %swap3A_378 {strides = array<i32>} : memref<32x768xf32, #tpu.memory_space<vmem>>, vector<1x16xf32>,
      %get3A_379 = arith.index_cast %scan3A_164 : i32 to index
      %get3A_380 = arith.constant 288 : index
      %get3A_381 = tpu.vector_load %arg6[%get3A_379, %get3A_380] {strides = array<i32>} : memref<32x768xf32, #tpu.memory_space<vmem>>, vector<1x16xf32>,
      %get3A_382 = vector.shape_cast %get3A_381 : vector<1x16xf32> to vector<16xf32>
      %mul3A_383 = arith.constant 27.7128124 : f32
      %mul3A_384 = vector.broadcast %mul3A_383 : f32 to vector<16xf32>
      %mul3A_385 = arith.mulf %get3A_382, %mul3A_384 : vector<16xf32>
      %swap3A_386 = arith.index_cast %scan3A_164 : i32 to index
      %swap3A_387 = arith.constant 288 : index
      %swap3A_388 = tpu.vector_load %arg8[%swap3A_386, %swap3A_387] {strides = array<i32>} : memref<32x768xf32, #tpu.memory_space<vmem>>, vector<1x16xf32>,
      %swap3A_389 = vector.shape_cast %swap3A_388 : vector<1x16xf32> to vector<16xf32>
      %swap3A_390 = vector.shape_cast %mul3A_385 : vector<16xf32> to vector<1x16xf32>
      tpu.vector_store %arg8[%swap3A_386, %swap3A_387], %swap3A_390 {strides = array<i32>} : memref<32x768xf32, #tpu.memory_space<vmem>>, vector<1x16xf32>,
      %get3A_391 = arith.index_cast %scan3A_164 : i32 to index
      %get3A_392 = arith.constant 304 : index
      %get3A_393 = tpu.vector_load %arg6[%get3A_391, %get3A_392] {strides = array<i32>} : memref<32x768xf32, #tpu.memory_space<vmem>>, vector<1x16xf32>,
      %get3A_394 = vector.shape_cast %get3A_393 : vector<1x16xf32> to vector<16xf32>
      %mul3A_395 = arith.constant 27.7128124 : f32
      %mul3A_396 = vector.broadcast %mul3A_395 : f32 to vector<16xf32>
      %mul3A_397 = arith.mulf %get3A_394, %mul3A_396 : vector<16xf32>
      %swap3A_398 = arith.index_cast %scan3A_164 : i32 to index
      %swap3A_399 = arith.constant 304 : index
      %swap3A_400 = tpu.vector_load %arg8[%swap3A_398, %swap3A_399] {strides = array<i32>} : memref<32x768xf32, #tpu.memory_space<vmem>>, vector<1x16xf32>,
      %swap3A_401 = vector.shape_cast %swap3A_400 : vector<1x16xf32> to vector<16xf32>
      %swap3A_402 = vector.shape_cast %mul3A_397 : vector<16xf32> to vector<1x16xf32>
      tpu.vector_store %arg8[%swap3A_398, %swap3A_399], %swap3A_402 {strides = array<i32>} : memref<32x768xf32, #tpu.memory_space<vmem>>, vector<1x16xf32>,
      %get3A_403 = arith.index_cast %scan3A_164 : i32 to index
      %get3A_404 = arith.constant 320 : index
      %get3A_405 = tpu.vector_load %arg6[%get3A_403, %get3A_404] {strides = array<i32>} : memref<32x768xf32, #tpu.memory_space<vmem>>, vector<1x16xf32>,
      %get3A_406 = vector.shape_cast %get3A_405 : vector<1x16xf32> to vector<16xf32>
      %mul3A_407 = arith.constant 27.7128124 : f32
      %mul3A_408 = vector.broadcast %mul3A_407 : f32 to vector<16xf32>
      %mul3A_409 = arith.mulf %get3A_406, %mul3A_408 : vector<16xf32>
      %swap3A_410 = arith.index_cast %scan3A_164 : i32 to index
      %swap3A_411 = arith.constant 320 : index
      %swap3A_412 = tpu.vector_load %arg8[%swap3A_410, %swap3A_411] {strides = array<i32>} : memref<32x768xf32, #tpu.memory_space<vmem>>, vector<1x16xf32>,
      %swap3A_413 = vector.shape_cast %swap3A_412 : vector<1x16xf32> to vector<16xf32>
      %swap3A_414 = vector.shape_cast %mul3A_409 : vector<16xf32> to vector<1x16xf32>
      tpu.vector_store %arg8[%swap3A_410, %swap3A_411], %swap3A_414 {strides = array<i32>} : memref<32x768xf32, #tpu.memory_space<vmem>>, vector<1x16xf32>,
      %get3A_415 = arith.index_cast %scan3A_164 : i32 to index
      %get3A_416 = arith.constant 336 : index
      %get3A_417 = tpu.vector_load %arg6[%get3A_415, %get3A_416] {strides = array<i32>} : memref<32x768xf32, #tpu.memory_space<vmem>>, vector<1x16xf32>,
      %get3A_418 = vector.shape_cast %get3A_417 : vector<1x16xf32> to vector<16xf32>
      %mul3A_419 = arith.constant 27.7128124 : f32
      %mul3A_420 = vector.broadcast %mul3A_419 : f32 to vector<16xf32>
      %mul3A_421 = arith.mulf %get3A_418, %mul3A_420 : vector<16xf32>
      %swap3A_422 = arith.index_cast %scan3A_164 : i32 to index
      %swap3A_423 = arith.constant 336 : index
      %swap3A_424 = tpu.vector_load %arg8[%swap3A_422, %swap3A_423] {strides = array<i32>} : memref<32x768xf32, #tpu.memory_space<vmem>>, vector<1x16xf32>,
      %swap3A_425 = vector.shape_cast %swap3A_424 : vector<1x16xf32> to vector<16xf32>
      %swap3A_426 = vector.shape_cast %mul3A_421 : vector<16xf32> to vector<1x16xf32>
      tpu.vector_store %arg8[%swap3A_422, %swap3A_423], %swap3A_426 {strides = array<i32>} : memref<32x768xf32, #tpu.memory_space<vmem>>, vector<1x16xf32>,
      %get3A_427 = arith.index_cast %scan3A_164 : i32 to index
      %get3A_428 = arith.constant 352 : index
      %get3A_429 = tpu.vector_load %arg6[%get3A_427, %get3A_428] {strides = array<i32>} : memref<32x768xf32, #tpu.memory_space<vmem>>, vector<1x16xf32>,
      %get3A_430 = vector.shape_cast %get3A_429 : vector<1x16xf32> to vector<16xf32>
      %mul3A_431 = arith.constant 27.7128124 : f32
      %mul3A_432 = vector.broadcast %mul3A_431 : f32 to vector<16xf32>
      %mul3A_433 = arith.mulf %get3A_430, %mul3A_432 : vector<16xf32>
      %swap3A_434 = arith.index_cast %scan3A_164 : i32 to index
      %swap3A_435 = arith.constant 352 : index
      %swap3A_436 = tpu.vector_load %arg8[%swap3A_434, %swap3A_435] {strides = array<i32>} : memref<32x768xf32, #tpu.memory_space<vmem>>, vector<1x16xf32>,
      %swap3A_437 = vector.shape_cast %swap3A_436 : vector<1x16xf32> to vector<16xf32>
      %swap3A_438 = vector.shape_cast %mul3A_433 : vector<16xf32> to vector<1x16xf32>
      tpu.vector_store %arg8[%swap3A_434, %swap3A_435], %swap3A_438 {strides = array<i32>} : memref<32x768xf32, #tpu.memory_space<vmem>>, vector<1x16xf32>,
      %get3A_439 = arith.index_cast %scan3A_164 : i32 to index
      %get3A_440 = arith.constant 368 : index
      %get3A_441 = tpu.vector_load %arg6[%get3A_439, %get3A_440] {strides = array<i32>} : memref<32x768xf32, #tpu.memory_space<vmem>>, vector<1x16xf32>,
      %get3A_442 = vector.shape_cast %get3A_441 : vector<1x16xf32> to vector<16xf32>
      %mul3A_443 = arith.constant 27.7128124 : f32
      %mul3A_444 = vector.broadcast %mul3A_443 : f32 to vector<16xf32>
      %mul3A_445 = arith.mulf %get3A_442, %mul3A_444 : vector<16xf32>
      %swap3A_446 = arith.index_cast %scan3A_164 : i32 to index
      %swap3A_447 = arith.constant 368 : index
      %swap3A_448 = tpu.vector_load %arg8[%swap3A_446, %swap3A_447] {strides = array<i32>} : memref<32x768xf32, #tpu.memory_space<vmem>>, vector<1x16xf32>,
      %swap3A_449 = vector.shape_cast %swap3A_448 : vector<1x16xf32> to vector<16xf32>
      %swap3A_450 = vector.shape_cast %mul3A_445 : vector<16xf32> to vector<1x16xf32>
      tpu.vector_store %arg8[%swap3A_446, %swap3A_447], %swap3A_450 {strides = array<i32>} : memref<32x768xf32, #tpu.memory_space<vmem>>, vector<1x16xf32>,
      %get3A_451 = arith.index_cast %scan3A_164 : i32 to index
      %get3A_452 = arith.constant 384 : index
      %get3A_453 = tpu.vector_load %arg6[%get3A_451, %get3A_452] {strides = array<i32>} : memref<32x768xf32, #tpu.memory_space<vmem>>, vector<1x16xf32>,
      %get3A_454 = vector.shape_cast %get3A_453 : vector<1x16xf32> to vector<16xf32>
      %mul3A_455 = arith.constant 27.7128124 : f32
      %mul3A_456 = vector.broadcast %mul3A_455 : f32 to vector<16xf32>
      %mul3A_457 = arith.mulf %get3A_454, %mul3A_456 : vector<16xf32>
      %swap3A_458 = arith.index_cast %scan3A_164 : i32 to index
      %swap3A_459 = arith.constant 384 : index
      %swap3A_460 = tpu.vector_load %arg8[%swap3A_458, %swap3A_459] {strides = array<i32>} : memref<32x768xf32, #tpu.memory_space<vmem>>, vector<1x16xf32>,
      %swap3A_461 = vector.shape_cast %swap3A_460 : vector<1x16xf32> to vector<16xf32>
      %swap3A_462 = vector.shape_cast %mul3A_457 : vector<16xf32> to vector<1x16xf32>
      tpu.vector_store %arg8[%swap3A_458, %swap3A_459], %swap3A_462 {strides = array<i32>} : memref<32x768xf32, #tpu.memory_space<vmem>>, vector<1x16xf32>,
      %get3A_463 = arith.index_cast %scan3A_164 : i32 to index
      %get3A_464 = arith.constant 400 : index
      %get3A_465 = tpu.vector_load %arg6[%get3A_463, %get3A_464] {strides = array<i32>} : memref<32x768xf32, #tpu.memory_space<vmem>>, vector<1x16xf32>,
      %get3A_466 = vector.shape_cast %get3A_465 : vector<1x16xf32> to vector<16xf32>
      %mul3A_467 = arith.constant 27.7128124 : f32
      %mul3A_468 = vector.broadcast %mul3A_467 : f32 to vector<16xf32>
      %mul3A_469 = arith.mulf %get3A_466, %mul3A_468 : vector<16xf32>
      %swap3A_470 = arith.index_cast %scan3A_164 : i32 to index
      %swap3A_471 = arith.constant 400 : index
      %swap3A_472 = tpu.vector_load %arg8[%swap3A_470, %swap3A_471] {strides = array<i32>} : memref<32x768xf32, #tpu.memory_space<vmem>>, vector<1x16xf32>,
      %swap3A_473 = vector.shape_cast %swap3A_472 : vector<1x16xf32> to vector<16xf32>
      %swap3A_474 = vector.shape_cast %mul3A_469 : vector<16xf32> to vector<1x16xf32>
      tpu.vector_store %arg8[%swap3A_470, %swap3A_471], %swap3A_474 {strides = array<i32>} : memref<32x768xf32, #tpu.memory_space<vmem>>, vector<1x16xf32>,
      %get3A_475 = arith.index_cast %scan3A_164 : i32 to index
      %get3A_476 = arith.constant 416 : index
      %get3A_477 = tpu.vector_load %arg6[%get3A_475, %get3A_476] {strides = array<i32>} : memref<32x768xf32, #tpu.memory_space<vmem>>, vector<1x16xf32>,
      %get3A_478 = vector.shape_cast %get3A_477 : vector<1x16xf32> to vector<16xf32>
      %mul3A_479 = arith.constant 27.7128124 : f32
      %mul3A_480 = vector.broadcast %mul3A_479 : f32 to vector<16xf32>
      %mul3A_481 = arith.mulf %get3A_478, %mul3A_480 : vector<16xf32>
      %swap3A_482 = arith.index_cast %scan3A_164 : i32 to index
      %swap3A_483 = arith.constant 416 : index
      %swap3A_484 = tpu.vector_load %arg8[%swap3A_482, %swap3A_483] {strides = array<i32>} : memref<32x768xf32, #tpu.memory_space<vmem>>, vector<1x16xf32>,
      %swap3A_485 = vector.shape_cast %swap3A_484 : vector<1x16xf32> to vector<16xf32>
      %swap3A_486 = vector.shape_cast %mul3A_481 : vector<16xf32> to vector<1x16xf32>
      tpu.vector_store %arg8[%swap3A_482, %swap3A_483], %swap3A_486 {strides = array<i32>} : memref<32x768xf32, #tpu.memory_space<vmem>>, vector<1x16xf32>,
      %get3A_487 = arith.index_cast %scan3A_164 : i32 to index
      %get3A_488 = arith.constant 432 : index
      %get3A_489 = tpu.vector_load %arg6[%get3A_487, %get3A_488] {strides = array<i32>} : memref<32x768xf32, #tpu.memory_space<vmem>>, vector<1x16xf32>,
      %get3A_490 = vector.shape_cast %get3A_489 : vector<1x16xf32> to vector<16xf32>
      %mul3A_491 = arith.constant 27.7128124 : f32
      %mul3A_492 = vector.broadcast %mul3A_491 : f32 to vector<16xf32>
      %mul3A_493 = arith.mulf %get3A_490, %mul3A_492 : vector<16xf32>
      %swap3A_494 = arith.index_cast %scan3A_164 : i32 to index
      %swap3A_495 = arith.constant 432 : index
      %swap3A_496 = tpu.vector_load %arg8[%swap3A_494, %swap3A_495] {strides = array<i32>} : memref<32x768xf32, #tpu.memory_space<vmem>>, vector<1x16xf32>,
      %swap3A_497 = vector.shape_cast %swap3A_496 : vector<1x16xf32> to vector<16xf32>
      %swap3A_498 = vector.shape_cast %mul3A_493 : vector<16xf32> to vector<1x16xf32>
      tpu.vector_store %arg8[%swap3A_494, %swap3A_495], %swap3A_498 {strides = array<i32>} : memref<32x768xf32, #tpu.memory_space<vmem>>, vector<1x16xf32>,
      %get3A_499 = arith.index_cast %scan3A_164 : i32 to index
      %get3A_500 = arith.constant 448 : index
      %get3A_501 = tpu.vector_load %arg6[%get3A_499, %get3A_500] {strides = array<i32>} : memref<32x768xf32, #tpu.memory_space<vmem>>, vector<1x16xf32>,
      %get3A_502 = vector.shape_cast %get3A_501 : vector<1x16xf32> to vector<16xf32>
      %mul3A_503 = arith.constant 27.7128124 : f32
      %mul3A_504 = vector.broadcast %mul3A_503 : f32 to vector<16xf32>
      %mul3A_505 = arith.mulf %get3A_502, %mul3A_504 : vector<16xf32>
      %swap3A_506 = arith.index_cast %scan3A_164 : i32 to index
      %swap3A_507 = arith.constant 448 : index
      %swap3A_508 = tpu.vector_load %arg8[%swap3A_506, %swap3A_507] {strides = array<i32>} : memref<32x768xf32, #tpu.memory_space<vmem>>, vector<1x16xf32>,
      %swap3A_509 = vector.shape_cast %swap3A_508 : vector<1x16xf32> to vector<16xf32>
      %swap3A_510 = vector.shape_cast %mul3A_505 : vector<16xf32> to vector<1x16xf32>
      tpu.vector_store %arg8[%swap3A_506, %swap3A_507], %swap3A_510 {strides = array<i32>} : memref<32x768xf32, #tpu.memory_space<vmem>>, vector<1x16xf32>,
      %get3A_511 = arith.index_cast %scan3A_164 : i32 to index
      %get3A_512 = arith.constant 464 : index
      %get3A_513 = tpu.vector_load %arg6[%get3A_511, %get3A_512] {strides = array<i32>} : memref<32x768xf32, #tpu.memory_space<vmem>>, vector<1x16xf32>,
      %get3A_514 = vector.shape_cast %get3A_513 : vector<1x16xf32> to vector<16xf32>
      %mul3A_515 = arith.constant 27.7128124 : f32
      %mul3A_516 = vector.broadcast %mul3A_515 : f32 to vector<16xf32>
      %mul3A_517 = arith.mulf %get3A_514, %mul3A_516 : vector<16xf32>
      %swap3A_518 = arith.index_cast %scan3A_164 : i32 to index
      %swap3A_519 = arith.constant 464 : index
      %swap3A_520 = tpu.vector_load %arg8[%swap3A_518, %swap3A_519] {strides = array<i32>} : memref<32x768xf32, #tpu.memory_space<vmem>>, vector<1x16xf32>,
      %swap3A_521 = vector.shape_cast %swap3A_520 : vector<1x16xf32> to vector<16xf32>
      %swap3A_522 = vector.shape_cast %mul3A_517 : vector<16xf32> to vector<1x16xf32>
      tpu.vector_store %arg8[%swap3A_518, %swap3A_519], %swap3A_522 {strides = array<i32>} : memref<32x768xf32, #tpu.memory_space<vmem>>, vector<1x16xf32>,
      %get3A_523 = arith.index_cast %scan3A_164 : i32 to index
      %get3A_524 = arith.constant 480 : index
      %get3A_525 = tpu.vector_load %arg6[%get3A_523, %get3A_524] {strides = array<i32>} : memref<32x768xf32, #tpu.memory_space<vmem>>, vector<1x16xf32>,
      %get3A_526 = vector.shape_cast %get3A_525 : vector<1x16xf32> to vector<16xf32>
      %mul3A_527 = arith.constant 27.7128124 : f32
      %mul3A_528 = vector.broadcast %mul3A_527 : f32 to vector<16xf32>
      %mul3A_529 = arith.mulf %get3A_526, %mul3A_528 : vector<16xf32>
      %swap3A_530 = arith.index_cast %scan3A_164 : i32 to index
      %swap3A_531 = arith.constant 480 : index
      %swap3A_532 = tpu.vector_load %arg8[%swap3A_530, %swap3A_531] {strides = array<i32>} : memref<32x768xf32, #tpu.memory_space<vmem>>, vector<1x16xf32>,
      %swap3A_533 = vector.shape_cast %swap3A_532 : vector<1x16xf32> to vector<16xf32>
      %swap3A_534 = vector.shape_cast %mul3A_529 : vector<16xf32> to vector<1x16xf32>
      tpu.vector_store %arg8[%swap3A_530, %swap3A_531], %swap3A_534 {strides = array<i32>} : memref<32x768xf32, #tpu.memory_space<vmem>>, vector<1x16xf32>,
      %get3A_535 = arith.index_cast %scan3A_164 : i32 to index
      %get3A_536 = arith.constant 496 : index
      %get3A_537 = tpu.vector_load %arg6[%get3A_535, %get3A_536] {strides = array<i32>} : memref<32x768xf32, #tpu.memory_space<vmem>>, vector<1x16xf32>,
      %get3A_538 = vector.shape_cast %get3A_537 : vector<1x16xf32> to vector<16xf32>
      %mul3A_539 = arith.constant 27.7128124 : f32
      %mul3A_540 = vector.broadcast %mul3A_539 : f32 to vector<16xf32>
      %mul3A_541 = arith.mulf %get3A_538, %mul3A_540 : vector<16xf32>
      %swap3A_542 = arith.index_cast %scan3A_164 : i32 to index
      %swap3A_543 = arith.constant 496 : index
      %swap3A_544 = tpu.vector_load %arg8[%swap3A_542, %swap3A_543] {strides = array<i32>} : memref<32x768xf32, #tpu.memory_space<vmem>>, vector<1x16xf32>,
      %swap3A_545 = vector.shape_cast %swap3A_544 : vector<1x16xf32> to vector<16xf32>
      %swap3A_546 = vector.shape_cast %mul3A_541 : vector<16xf32> to vector<1x16xf32>
      tpu.vector_store %arg8[%swap3A_542, %swap3A_543], %swap3A_546 {strides = array<i32>} : memref<32x768xf32, #tpu.memory_space<vmem>>, vector<1x16xf32>,
      %get3A_547 = arith.index_cast %scan3A_164 : i32 to index
      %get3A_548 = arith.constant 512 : index
      %get3A_549 = tpu.vector_load %arg6[%get3A_547, %get3A_548] {strides = array<i32>} : memref<32x768xf32, #tpu.memory_space<vmem>>, vector<1x16xf32>,
      %get3A_550 = vector.shape_cast %get3A_549 : vector<1x16xf32> to vector<16xf32>
      %mul3A_551 = arith.constant 27.7128124 : f32
      %mul3A_552 = vector.broadcast %mul3A_551 : f32 to vector<16xf32>
      %mul3A_553 = arith.mulf %get3A_550, %mul3A_552 : vector<16xf32>
      %swap3A_554 = arith.index_cast %scan3A_164 : i32 to index
      %swap3A_555 = arith.constant 512 : index
      %swap3A_556 = tpu.vector_load %arg8[%swap3A_554, %swap3A_555] {strides = array<i32>} : memref<32x768xf32, #tpu.memory_space<vmem>>, vector<1x16xf32>,
      %swap3A_557 = vector.shape_cast %swap3A_556 : vector<1x16xf32> to vector<16xf32>
      %swap3A_558 = vector.shape_cast %mul3A_553 : vector<16xf32> to vector<1x16xf32>
      tpu.vector_store %arg8[%swap3A_554, %swap3A_555], %swap3A_558 {strides = array<i32>} : memref<32x768xf32, #tpu.memory_space<vmem>>, vector<1x16xf32>,
      %get3A_559 = arith.index_cast %scan3A_164 : i32 to index
      %get3A_560 = arith.constant 528 : index
      %get3A_561 = tpu.vector_load %arg6[%get3A_559, %get3A_560] {strides = array<i32>} : memref<32x768xf32, #tpu.memory_space<vmem>>, vector<1x16xf32>,
      %get3A_562 = vector.shape_cast %get3A_561 : vector<1x16xf32> to vector<16xf32>
      %mul3A_563 = arith.constant 27.7128124 : f32
      %mul3A_564 = vector.broadcast %mul3A_563 : f32 to vector<16xf32>
      %mul3A_565 = arith.mulf %get3A_562, %mul3A_564 : vector<16xf32>
      %swap3A_566 = arith.index_cast %scan3A_164 : i32 to index
      %swap3A_567 = arith.constant 528 : index
      %swap3A_568 = tpu.vector_load %arg8[%swap3A_566, %swap3A_567] {strides = array<i32>} : memref<32x768xf32, #tpu.memory_space<vmem>>, vector<1x16xf32>,
      %swap3A_569 = vector.shape_cast %swap3A_568 : vector<1x16xf32> to vector<16xf32>
      %swap3A_570 = vector.shape_cast %mul3A_565 : vector<16xf32> to vector<1x16xf32>
      tpu.vector_store %arg8[%swap3A_566, %swap3A_567], %swap3A_570 {strides = array<i32>} : memref<32x768xf32, #tpu.memory_space<vmem>>, vector<1x16xf32>,
      %get3A_571 = arith.index_cast %scan3A_164 : i32 to index
      %get3A_572 = arith.constant 544 : index
      %get3A_573 = tpu.vector_load %arg6[%get3A_571, %get3A_572] {strides = array<i32>} : memref<32x768xf32, #tpu.memory_space<vmem>>, vector<1x16xf32>,
      %get3A_574 = vector.shape_cast %get3A_573 : vector<1x16xf32> to vector<16xf32>
      %mul3A_575 = arith.constant 27.7128124 : f32
      %mul3A_576 = vector.broadcast %mul3A_575 : f32 to vector<16xf32>
      %mul3A_577 = arith.mulf %get3A_574, %mul3A_576 : vector<16xf32>
      %swap3A_578 = arith.index_cast %scan3A_164 : i32 to index
      %swap3A_579 = arith.constant 544 : index
      %swap3A_580 = tpu.vector_load %arg8[%swap3A_578, %swap3A_579] {strides = array<i32>} : memref<32x768xf32, #tpu.memory_space<vmem>>, vector<1x16xf32>,
      %swap3A_581 = vector.shape_cast %swap3A_580 : vector<1x16xf32> to vector<16xf32>
      %swap3A_582 = vector.shape_cast %mul3A_577 : vector<16xf32> to vector<1x16xf32>
      tpu.vector_store %arg8[%swap3A_578, %swap3A_579], %swap3A_582 {strides = array<i32>} : memref<32x768xf32, #tpu.memory_space<vmem>>, vector<1x16xf32>,
      %get3A_583 = arith.index_cast %scan3A_164 : i32 to index
      %get3A_584 = arith.constant 560 : index
      %get3A_585 = tpu.vector_load %arg6[%get3A_583, %get3A_584] {strides = array<i32>} : memref<32x768xf32, #tpu.memory_space<vmem>>, vector<1x16xf32>,
      %get3A_586 = vector.shape_cast %get3A_585 : vector<1x16xf32> to vector<16xf32>
      %mul3A_587 = arith.constant 27.7128124 : f32
      %mul3A_588 = vector.broadcast %mul3A_587 : f32 to vector<16xf32>
      %mul3A_589 = arith.mulf %get3A_586, %mul3A_588 : vector<16xf32>
      %swap3A_590 = arith.index_cast %scan3A_164 : i32 to index
      %swap3A_591 = arith.constant 560 : index
      %swap3A_592 = tpu.vector_load %arg8[%swap3A_590, %swap3A_591] {strides = array<i32>} : memref<32x768xf32, #tpu.memory_space<vmem>>, vector<1x16xf32>,
      %swap3A_593 = vector.shape_cast %swap3A_592 : vector<1x16xf32> to vector<16xf32>
      %swap3A_594 = vector.shape_cast %mul3A_589 : vector<16xf32> to vector<1x16xf32>
      tpu.vector_store %arg8[%swap3A_590, %swap3A_591], %swap3A_594 {strides = array<i32>} : memref<32x768xf32, #tpu.memory_space<vmem>>, vector<1x16xf32>,
      %get3A_595 = arith.index_cast %scan3A_164 : i32 to index
      %get3A_596 = arith.constant 576 : index
      %get3A_597 = tpu.vector_load %arg6[%get3A_595, %get3A_596] {strides = array<i32>} : memref<32x768xf32, #tpu.memory_space<vmem>>, vector<1x16xf32>,
      %get3A_598 = vector.shape_cast %get3A_597 : vector<1x16xf32> to vector<16xf32>
      %mul3A_599 = arith.constant 27.7128124 : f32
      %mul3A_600 = vector.broadcast %mul3A_599 : f32 to vector<16xf32>
      %mul3A_601 = arith.mulf %get3A_598, %mul3A_600 : vector<16xf32>
      %swap3A_602 = arith.index_cast %scan3A_164 : i32 to index
      %swap3A_603 = arith.constant 576 : index
      %swap3A_604 = tpu.vector_load %arg8[%swap3A_602, %swap3A_603] {strides = array<i32>} : memref<32x768xf32, #tpu.memory_space<vmem>>, vector<1x16xf32>,
      %swap3A_605 = vector.shape_cast %swap3A_604 : vector<1x16xf32> to vector<16xf32>
      %swap3A_606 = vector.shape_cast %mul3A_601 : vector<16xf32> to vector<1x16xf32>
      tpu.vector_store %arg8[%swap3A_602, %swap3A_603], %swap3A_606 {strides = array<i32>} : memref<32x768xf32, #tpu.memory_space<vmem>>, vector<1x16xf32>,
      %get3A_607 = arith.index_cast %scan3A_164 : i32 to index
      %get3A_608 = arith.constant 592 : index
      %get3A_609 = tpu.vector_load %arg6[%get3A_607, %get3A_608] {strides = array<i32>} : memref<32x768xf32, #tpu.memory_space<vmem>>, vector<1x16xf32>,
      %get3A_610 = vector.shape_cast %get3A_609 : vector<1x16xf32> to vector<16xf32>
      %mul3A_611 = arith.constant 27.7128124 : f32
      %mul3A_612 = vector.broadcast %mul3A_611 : f32 to vector<16xf32>
      %mul3A_613 = arith.mulf %get3A_610, %mul3A_612 : vector<16xf32>
      %swap3A_614 = arith.index_cast %scan3A_164 : i32 to index
      %swap3A_615 = arith.constant 592 : index
      %swap3A_616 = tpu.vector_load %arg8[%swap3A_614, %swap3A_615] {strides = array<i32>} : memref<32x768xf32, #tpu.memory_space<vmem>>, vector<1x16xf32>,
      %swap3A_617 = vector.shape_cast %swap3A_616 : vector<1x16xf32> to vector<16xf32>
      %swap3A_618 = vector.shape_cast %mul3A_613 : vector<16xf32> to vector<1x16xf32>
      tpu.vector_store %arg8[%swap3A_614, %swap3A_615], %swap3A_618 {strides = array<i32>} : memref<32x768xf32, #tpu.memory_space<vmem>>, vector<1x16xf32>,
      %get3A_619 = arith.index_cast %scan3A_164 : i32 to index
      %get3A_620 = arith.constant 608 : index
      %get3A_621 = tpu.vector_load %arg6[%get3A_619, %get3A_620] {strides = array<i32>} : memref<32x768xf32, #tpu.memory_space<vmem>>, vector<1x16xf32>,
      %get3A_622 = vector.shape_cast %get3A_621 : vector<1x16xf32> to vector<16xf32>
      %mul3A_623 = arith.constant 27.7128124 : f32
      %mul3A_624 = vector.broadcast %mul3A_623 : f32 to vector<16xf32>
      %mul3A_625 = arith.mulf %get3A_622, %mul3A_624 : vector<16xf32>
      %swap3A_626 = arith.index_cast %scan3A_164 : i32 to index
      %swap3A_627 = arith.constant 608 : index
      %swap3A_628 = tpu.vector_load %arg8[%swap3A_626, %swap3A_627] {strides = array<i32>} : memref<32x768xf32, #tpu.memory_space<vmem>>, vector<1x16xf32>,
      %swap3A_629 = vector.shape_cast %swap3A_628 : vector<1x16xf32> to vector<16xf32>
      %swap3A_630 = vector.shape_cast %mul3A_625 : vector<16xf32> to vector<1x16xf32>
      tpu.vector_store %arg8[%swap3A_626, %swap3A_627], %swap3A_630 {strides = array<i32>} : memref<32x768xf32, #tpu.memory_space<vmem>>, vector<1x16xf32>,
      %get3A_631 = arith.index_cast %scan3A_164 : i32 to index
      %get3A_632 = arith.constant 624 : index
      %get3A_633 = tpu.vector_load %arg6[%get3A_631, %get3A_632] {strides = array<i32>} : memref<32x768xf32, #tpu.memory_space<vmem>>, vector<1x16xf32>,
      %get3A_634 = vector.shape_cast %get3A_633 : vector<1x16xf32> to vector<16xf32>
      %mul3A_635 = arith.constant 27.7128124 : f32
      %mul3A_636 = vector.broadcast %mul3A_635 : f32 to vector<16xf32>
      %mul3A_637 = arith.mulf %get3A_634, %mul3A_636 : vector<16xf32>
      %swap3A_638 = arith.index_cast %scan3A_164 : i32 to index
      %swap3A_639 = arith.constant 624 : index
      %swap3A_640 = tpu.vector_load %arg8[%swap3A_638, %swap3A_639] {strides = array<i32>} : memref<32x768xf32, #tpu.memory_space<vmem>>, vector<1x16xf32>,
      %swap3A_641 = vector.shape_cast %swap3A_640 : vector<1x16xf32> to vector<16xf32>
      %swap3A_642 = vector.shape_cast %mul3A_637 : vector<16xf32> to vector<1x16xf32>
      tpu.vector_store %arg8[%swap3A_638, %swap3A_639], %swap3A_642 {strides = array<i32>} : memref<32x768xf32, #tpu.memory_space<vmem>>, vector<1x16xf32>,
      %get3A_643 = arith.index_cast %scan3A_164 : i32 to index
      %get3A_644 = arith.constant 640 : index
      %get3A_645 = tpu.vector_load %arg6[%get3A_643, %get3A_644] {strides = array<i32>} : memref<32x768xf32, #tpu.memory_space<vmem>>, vector<1x16xf32>,
      %get3A_646 = vector.shape_cast %get3A_645 : vector<1x16xf32> to vector<16xf32>
      %mul3A_647 = arith.constant 27.7128124 : f32
      %mul3A_648 = vector.broadcast %mul3A_647 : f32 to vector<16xf32>
      %mul3A_649 = arith.mulf %get3A_646, %mul3A_648 : vector<16xf32>
      %swap3A_650 = arith.index_cast %scan3A_164 : i32 to index
      %swap3A_651 = arith.constant 640 : index
      %swap3A_652 = tpu.vector_load %arg8[%swap3A_650, %swap3A_651] {strides = array<i32>} : memref<32x768xf32, #tpu.memory_space<vmem>>, vector<1x16xf32>,
      %swap3A_653 = vector.shape_cast %swap3A_652 : vector<1x16xf32> to vector<16xf32>
      %swap3A_654 = vector.shape_cast %mul3A_649 : vector<16xf32> to vector<1x16xf32>
      tpu.vector_store %arg8[%swap3A_650, %swap3A_651], %swap3A_654 {strides = array<i32>} : memref<32x768xf32, #tpu.memory_space<vmem>>, vector<1x16xf32>,
      %get3A_655 = arith.index_cast %scan3A_164 : i32 to index
      %get3A_656 = arith.constant 656 : index
      %get3A_657 = tpu.vector_load %arg6[%get3A_655, %get3A_656] {strides = array<i32>} : memref<32x768xf32, #tpu.memory_space<vmem>>, vector<1x16xf32>,
      %get3A_658 = vector.shape_cast %get3A_657 : vector<1x16xf32> to vector<16xf32>
      %mul3A_659 = arith.constant 27.7128124 : f32
      %mul3A_660 = vector.broadcast %mul3A_659 : f32 to vector<16xf32>
      %mul3A_661 = arith.mulf %get3A_658, %mul3A_660 : vector<16xf32>
      %swap3A_662 = arith.index_cast %scan3A_164 : i32 to index
      %swap3A_663 = arith.constant 656 : index
      %swap3A_664 = tpu.vector_load %arg8[%swap3A_662, %swap3A_663] {strides = array<i32>} : memref<32x768xf32, #tpu.memory_space<vmem>>, vector<1x16xf32>,
      %swap3A_665 = vector.shape_cast %swap3A_664 : vector<1x16xf32> to vector<16xf32>
      %swap3A_666 = vector.shape_cast %mul3A_661 : vector<16xf32> to vector<1x16xf32>
      tpu.vector_store %arg8[%swap3A_662, %swap3A_663], %swap3A_666 {strides = array<i32>} : memref<32x768xf32, #tpu.memory_space<vmem>>, vector<1x16xf32>,
      %get3A_667 = arith.index_cast %scan3A_164 : i32 to index
      %get3A_668 = arith.constant 672 : index
      %get3A_669 = tpu.vector_load %arg6[%get3A_667, %get3A_668] {strides = array<i32>} : memref<32x768xf32, #tpu.memory_space<vmem>>, vector<1x16xf32>,
      %get3A_670 = vector.shape_cast %get3A_669 : vector<1x16xf32> to vector<16xf32>
      %mul3A_671 = arith.constant 27.7128124 : f32
      %mul3A_672 = vector.broadcast %mul3A_671 : f32 to vector<16xf32>
      %mul3A_673 = arith.mulf %get3A_670, %mul3A_672 : vector<16xf32>
      %swap3A_674 = arith.index_cast %scan3A_164 : i32 to index
      %swap3A_675 = arith.constant 672 : index
      %swap3A_676 = tpu.vector_load %arg8[%swap3A_674, %swap3A_675] {strides = array<i32>} : memref<32x768xf32, #tpu.memory_space<vmem>>, vector<1x16xf32>,
      %swap3A_677 = vector.shape_cast %swap3A_676 : vector<1x16xf32> to vector<16xf32>
      %swap3A_678 = vector.shape_cast %mul3A_673 : vector<16xf32> to vector<1x16xf32>
      tpu.vector_store %arg8[%swap3A_674, %swap3A_675], %swap3A_678 {strides = array<i32>} : memref<32x768xf32, #tpu.memory_space<vmem>>, vector<1x16xf32>,
      %get3A_679 = arith.index_cast %scan3A_164 : i32 to index
      %get3A_680 = arith.constant 688 : index
      %get3A_681 = tpu.vector_load %arg6[%get3A_679, %get3A_680] {strides = array<i32>} : memref<32x768xf32, #tpu.memory_space<vmem>>, vector<1x16xf32>,
      %get3A_682 = vector.shape_cast %get3A_681 : vector<1x16xf32> to vector<16xf32>
      %mul3A_683 = arith.constant 27.7128124 : f32
      %mul3A_684 = vector.broadcast %mul3A_683 : f32 to vector<16xf32>
      %mul3A_685 = arith.mulf %get3A_682, %mul3A_684 : vector<16xf32>
      %swap3A_686 = arith.index_cast %scan3A_164 : i32 to index
      %swap3A_687 = arith.constant 688 : index
      %swap3A_688 = tpu.vector_load %arg8[%swap3A_686, %swap3A_687] {strides = array<i32>} : memref<32x768xf32, #tpu.memory_space<vmem>>, vector<1x16xf32>,
      %swap3A_689 = vector.shape_cast %swap3A_688 : vector<1x16xf32> to vector<16xf32>
      %swap3A_690 = vector.shape_cast %mul3A_685 : vector<16xf32> to vector<1x16xf32>
      tpu.vector_store %arg8[%swap3A_686, %swap3A_687], %swap3A_690 {strides = array<i32>} : memref<32x768xf32, #tpu.memory_space<vmem>>, vector<1x16xf32>,
      %get3A_691 = arith.index_cast %scan3A_164 : i32 to index
      %get3A_692 = arith.constant 704 : index
      %get3A_693 = tpu.vector_load %arg6[%get3A_691, %get3A_692] {strides = array<i32>} : memref<32x768xf32, #tpu.memory_space<vmem>>, vector<1x16xf32>,
      %get3A_694 = vector.shape_cast %get3A_693 : vector<1x16xf32> to vector<16xf32>
      %mul3A_695 = arith.constant 27.7128124 : f32
      %mul3A_696 = vector.broadcast %mul3A_695 : f32 to vector<16xf32>
      %mul3A_697 = arith.mulf %get3A_694, %mul3A_696 : vector<16xf32>
      %swap3A_698 = arith.index_cast %scan3A_164 : i32 to index
      %swap3A_699 = arith.constant 704 : index
      %swap3A_700 = tpu.vector_load %arg8[%swap3A_698, %swap3A_699] {strides = array<i32>} : memref<32x768xf32, #tpu.memory_space<vmem>>, vector<1x16xf32>,
      %swap3A_701 = vector.shape_cast %swap3A_700 : vector<1x16xf32> to vector<16xf32>
      %swap3A_702 = vector.shape_cast %mul3A_697 : vector<16xf32> to vector<1x16xf32>
      tpu.vector_store %arg8[%swap3A_698, %swap3A_699], %swap3A_702 {strides = array<i32>} : memref<32x768xf32, #tpu.memory_space<vmem>>, vector<1x16xf32>,
      %get3A_703 = arith.index_cast %scan3A_164 : i32 to index
      %get3A_704 = arith.constant 720 : index
      %get3A_705 = tpu.vector_load %arg6[%get3A_703, %get3A_704] {strides = array<i32>} : memref<32x768xf32, #tpu.memory_space<vmem>>, vector<1x16xf32>,
      %get3A_706 = vector.shape_cast %get3A_705 : vector<1x16xf32> to vector<16xf32>
      %mul3A_707 = arith.constant 27.7128124 : f32
      %mul3A_708 = vector.broadcast %mul3A_707 : f32 to vector<16xf32>
      %mul3A_709 = arith.mulf %get3A_706, %mul3A_708 : vector<16xf32>
      %swap3A_710 = arith.index_cast %scan3A_164 : i32 to index
      %swap3A_711 = arith.constant 720 : index
      %swap3A_712 = tpu.vector_load %arg8[%swap3A_710, %swap3A_711] {strides = array<i32>} : memref<32x768xf32, #tpu.memory_space<vmem>>, vector<1x16xf32>,
      %swap3A_713 = vector.shape_cast %swap3A_712 : vector<1x16xf32> to vector<16xf32>
      %swap3A_714 = vector.shape_cast %mul3A_709 : vector<16xf32> to vector<1x16xf32>
      tpu.vector_store %arg8[%swap3A_710, %swap3A_711], %swap3A_714 {strides = array<i32>} : memref<32x768xf32, #tpu.memory_space<vmem>>, vector<1x16xf32>,
      %get3A_715 = arith.index_cast %scan3A_164 : i32 to index
      %get3A_716 = arith.constant 736 : index
      %get3A_717 = tpu.vector_load %arg6[%get3A_715, %get3A_716] {strides = array<i32>} : memref<32x768xf32, #tpu.memory_space<vmem>>, vector<1x16xf32>,
      %get3A_718 = vector.shape_cast %get3A_717 : vector<1x16xf32> to vector<16xf32>
      %mul3A_719 = arith.constant 27.7128124 : f32
      %mul3A_720 = vector.broadcast %mul3A_719 : f32 to vector<16xf32>
      %mul3A_721 = arith.mulf %get3A_718, %mul3A_720 : vector<16xf32>
      %swap3A_722 = arith.index_cast %scan3A_164 : i32 to index
      %swap3A_723 = arith.constant 736 : index
      %swap3A_724 = tpu.vector_load %arg8[%swap3A_722, %swap3A_723] {strides = array<i32>} : memref<32x768xf32, #tpu.memory_space<vmem>>, vector<1x16xf32>,
      %swap3A_725 = vector.shape_cast %swap3A_724 : vector<1x16xf32> to vector<16xf32>
      %swap3A_726 = vector.shape_cast %mul3A_721 : vector<16xf32> to vector<1x16xf32>
      tpu.vector_store %arg8[%swap3A_722, %swap3A_723], %swap3A_726 {strides = array<i32>} : memref<32x768xf32, #tpu.memory_space<vmem>>, vector<1x16xf32>,
      %get3A_727 = arith.index_cast %scan3A_164 : i32 to index
      %get3A_728 = arith.constant 752 : index
      %get3A_729 = tpu.vector_load %arg6[%get3A_727, %get3A_728] {strides = array<i32>} : memref<32x768xf32, #tpu.memory_space<vmem>>, vector<1x16xf32>,
      %get3A_730 = vector.shape_cast %get3A_729 : vector<1x16xf32> to vector<16xf32>
      %mul3A_731 = arith.constant 27.7128124 : f32
      %mul3A_732 = vector.broadcast %mul3A_731 : f32 to vector<16xf32>
      %mul3A_733 = arith.mulf %get3A_730, %mul3A_732 : vector<16xf32>
      %swap3A_734 = arith.index_cast %scan3A_164 : i32 to index
      %swap3A_735 = arith.constant 752 : index
      %swap3A_736 = tpu.vector_load %arg8[%swap3A_734, %swap3A_735] {strides = array<i32>} : memref<32x768xf32, #tpu.memory_space<vmem>>, vector<1x16xf32>,
      %swap3A_737 = vector.shape_cast %swap3A_736 : vector<1x16xf32> to vector<16xf32>
      %swap3A_738 = vector.shape_cast %mul3A_733 : vector<16xf32> to vector<1x16xf32>
      tpu.vector_store %arg8[%swap3A_734, %swap3A_735], %swap3A_738 {strides = array<i32>} : memref<32x768xf32, #tpu.memory_space<vmem>>, vector<1x16xf32>,
    }
    %scan3A_112 = arith.constant 32 : i32
    %add3A_113 = arith.constant 960 : i32
    %add3A_114 = arith.addi %mul3A_32, %add3A_113 : i32
    %dma_start3A_115 = arith.constant 0 : i32
    %dma_start3A_116 = tpu.memref_slice %arg4[%select_n3A, %add3A_114, %dma_start3A_115] : memref<4x8192x768xf32, #tpu.memory_space<hbm>> -> memref<1x32x768xf32, #tpu.memory_space<hbm>>
    %dma_start3A_117 = tpu.memref_squeeze %dma_start3A_116 : memref<1x32x768xf32, #tpu.memory_space<hbm>> -> memref<32x768xf32, #tpu.memory_space<hbm>>
    %dma_start3A_118 = arith.constant 0 : i32
    %dma_start3A_119 = tpu.memref_slice %arg4[%select_n3A, %add3A_114, %dma_start3A_118] : memref<4x8192x768xf32, #tpu.memory_space<hbm>> -> memref<1x32x768xf32, #tpu.memory_space<hbm>>
    %dma_start3A_120 = tpu.memref_squeeze %dma_start3A_119 : memref<1x32x768xf32, #tpu.memory_space<hbm>> -> memref<32x768xf32, #tpu.memory_space<hbm>>
    tpu.enqueue_dma source(%arg8 : memref<32x768xf32, #tpu.memory_space<vmem>>) target(%dma_start3A_120 : memref<32x768xf32, #tpu.memory_space<hbm>>) target_semaphore(%arg12 : memref<!tpu.dma_semaphore, #tpu.memory_space<semaphore_mem>>)
    %dma_wait3A_121 = arith.constant 992 : i32
    %dma_wait3A_122 = tpu.memref_slice %arg5[%dma_wait3A_121] : memref<1024xi32, #tpu.memory_space<vmem>> -> memref<32xi32, #tpu.memory_space<vmem>>
    %dma_wait3A_123 = arith.constant 0 : i32
    %dma_wait3A_124 = arith.constant 0 : i32
    %dma_wait3A_125 = tpu.memref_slice %arg3[%dma_wait3A_123, %dma_wait3A_124] : memref<100000x768xf32, #tpu.memory_space<hbm>> -> memref<100000x768xf32, #tpu.memory_space<hbm>>
    tpu.wait_indirect_dma semaphore(%arg11 : memref<!tpu.dma_semaphore, #tpu.memory_space<semaphore_mem>>) src(%dma_wait3A_125 : memref<100000x768xf32, #tpu.memory_space<hbm>>) dst(%arg7 : memref<32x768xf32, #tpu.memory_space<vmem>>)
    %add3A_126 = arith.constant 928 : i32
    %add3A_127 = arith.addi %mul3A_32, %add3A_126 : i32
    %dma_wait3A_128 = arith.constant 0 : i32
    %dma_wait3A_129 = tpu.memref_slice %arg4[%select_n3A, %add3A_127, %dma_wait3A_128] : memref<4x8192x768xf32, #tpu.memory_space<hbm>> -> memref<1x32x768xf32, #tpu.memory_space<hbm>>
    %dma_wait3A_130 = tpu.memref_squeeze %dma_wait3A_129 : memref<1x32x768xf32, #tpu.memory_space<hbm>> -> memref<32x768xf32, #tpu.memory_space<hbm>>
    %dma_wait3A_131 = arith.constant 0 : i32
    %dma_wait3A_132 = tpu.memref_slice %arg4[%select_n3A, %add3A_127, %dma_wait3A_131] : memref<4x8192x768xf32, #tpu.memory_space<hbm>> -> memref<1x32x768xf32, #tpu.memory_space<hbm>>
    %dma_wait3A_133 = tpu.memref_squeeze %dma_wait3A_132 : memref<1x32x768xf32, #tpu.memory_space<hbm>> -> memref<32x768xf32, #tpu.memory_space<hbm>>
    tpu.wait_dma2 semaphore(%arg13 : memref<!tpu.dma_semaphore, #tpu.memory_space<semaphore_mem>>) src(%arg9 : memref<32x768xf32, #tpu.memory_space<vmem>>) dst(%dma_wait3A_133 : memref<32x768xf32, #tpu.memory_space<hbm>>)
    %scan3A_134 = arith.constant 0 : i32
    %scan3A_135 = arith.constant 0 : i32
    %scan3A_136 = arith.constant 32 : i32
    %scan3A_137 = arith.addi %scan3A_135, %scan3A_136 : i32
    %scan3A_138 = arith.constant 1 : i32
    scf.for %scan3A_164 = %scan3A_135 to %scan3A_137 step %scan3A_138  : i32 {
      %get3A = arith.index_cast %scan3A_164 : i32 to index
      %get3A_165 = arith.constant 0 : index
      %get3A_166 = tpu.vector_load %arg7[%get3A, %get3A_165] {strides = array<i32>} : memref<32x768xf32, #tpu.memory_space<vmem>>, vector<1x16xf32>,
      %get3A_167 = vector.shape_cast %get3A_166 : vector<1x16xf32> to vector<16xf32>
      %mul3A_168 = arith.constant 27.7128124 : f32
      %mul3A_169 = vector.broadcast %mul3A_168 : f32 to vector<16xf32>
      %mul3A_170 = arith.mulf %get3A_167, %mul3A_169 : vector<16xf32>
      %swap3A = arith.index_cast %scan3A_164 : i32 to index
      %swap3A_171 = arith.constant 0 : index
      %swap3A_172 = tpu.vector_load %arg9[%swap3A, %swap3A_171] {strides = array<i32>} : memref<32x768xf32, #tpu.memory_space<vmem>>, vector<1x16xf32>,
      %swap3A_173 = vector.shape_cast %swap3A_172 : vector<1x16xf32> to vector<16xf32>
      %swap3A_174 = vector.shape_cast %mul3A_170 : vector<16xf32> to vector<1x16xf32>
      tpu.vector_store %arg9[%swap3A, %swap3A_171], %swap3A_174 {strides = array<i32>} : memref<32x768xf32, #tpu.memory_space<vmem>>, vector<1x16xf32>,
      %get3A_175 = arith.index_cast %scan3A_164 : i32 to index
      %get3A_176 = arith.constant 16 : index
      %get3A_177 = tpu.vector_load %arg7[%get3A_175, %get3A_176] {strides = array<i32>} : memref<32x768xf32, #tpu.memory_space<vmem>>, vector<1x16xf32>,
      %get3A_178 = vector.shape_cast %get3A_177 : vector<1x16xf32> to vector<16xf32>
      %mul3A_179 = arith.constant 27.7128124 : f32
      %mul3A_180 = vector.broadcast %mul3A_179 : f32 to vector<16xf32>
      %mul3A_181 = arith.mulf %get3A_178, %mul3A_180 : vector<16xf32>
      %swap3A_182 = arith.index_cast %scan3A_164 : i32 to index
      %swap3A_183 = arith.constant 16 : index
      %swap3A_184 = tpu.vector_load %arg9[%swap3A_182, %swap3A_183] {strides = array<i32>} : memref<32x768xf32, #tpu.memory_space<vmem>>, vector<1x16xf32>,
      %swap3A_185 = vector.shape_cast %swap3A_184 : vector<1x16xf32> to vector<16xf32>
      %swap3A_186 = vector.shape_cast %mul3A_181 : vector<16xf32> to vector<1x16xf32>
      tpu.vector_store %arg9[%swap3A_182, %swap3A_183], %swap3A_186 {strides = array<i32>} : memref<32x768xf32, #tpu.memory_space<vmem>>, vector<1x16xf32>,
      %get3A_187 = arith.index_cast %scan3A_164 : i32 to index
      %get3A_188 = arith.constant 32 : index
      %get3A_189 = tpu.vector_load %arg7[%get3A_187, %get3A_188] {strides = array<i32>} : memref<32x768xf32, #tpu.memory_space<vmem>>, vector<1x16xf32>,
      %get3A_190 = vector.shape_cast %get3A_189 : vector<1x16xf32> to vector<16xf32>
      %mul3A_191 = arith.constant 27.7128124 : f32
      %mul3A_192 = vector.broadcast %mul3A_191 : f32 to vector<16xf32>
      %mul3A_193 = arith.mulf %get3A_190, %mul3A_192 : vector<16xf32>
      %swap3A_194 = arith.index_cast %scan3A_164 : i32 to index
      %swap3A_195 = arith.constant 32 : index
      %swap3A_196 = tpu.vector_load %arg9[%swap3A_194, %swap3A_195] {strides = array<i32>} : memref<32x768xf32, #tpu.memory_space<vmem>>, vector<1x16xf32>,
      %swap3A_197 = vector.shape_cast %swap3A_196 : vector<1x16xf32> to vector<16xf32>
      %swap3A_198 = vector.shape_cast %mul3A_193 : vector<16xf32> to vector<1x16xf32>
      tpu.vector_store %arg9[%swap3A_194, %swap3A_195], %swap3A_198 {strides = array<i32>} : memref<32x768xf32, #tpu.memory_space<vmem>>, vector<1x16xf32>,
      %get3A_199 = arith.index_cast %scan3A_164 : i32 to index
      %get3A_200 = arith.constant 48 : index
      %get3A_201 = tpu.vector_load %arg7[%get3A_199, %get3A_200] {strides = array<i32>} : memref<32x768xf32, #tpu.memory_space<vmem>>, vector<1x16xf32>,
      %get3A_202 = vector.shape_cast %get3A_201 : vector<1x16xf32> to vector<16xf32>
      %mul3A_203 = arith.constant 27.7128124 : f32
      %mul3A_204 = vector.broadcast %mul3A_203 : f32 to vector<16xf32>
      %mul3A_205 = arith.mulf %get3A_202, %mul3A_204 : vector<16xf32>
      %swap3A_206 = arith.index_cast %scan3A_164 : i32 to index
      %swap3A_207 = arith.constant 48 : index
      %swap3A_208 = tpu.vector_load %arg9[%swap3A_206, %swap3A_207] {strides = array<i32>} : memref<32x768xf32, #tpu.memory_space<vmem>>, vector<1x16xf32>,
      %swap3A_209 = vector.shape_cast %swap3A_208 : vector<1x16xf32> to vector<16xf32>
      %swap3A_210 = vector.shape_cast %mul3A_205 : vector<16xf32> to vector<1x16xf32>
      tpu.vector_store %arg9[%swap3A_206, %swap3A_207], %swap3A_210 {strides = array<i32>} : memref<32x768xf32, #tpu.memory_space<vmem>>, vector<1x16xf32>,
      %get3A_211 = arith.index_cast %scan3A_164 : i32 to index
      %get3A_212 = arith.constant 64 : index
      %get3A_213 = tpu.vector_load %arg7[%get3A_211, %get3A_212] {strides = array<i32>} : memref<32x768xf32, #tpu.memory_space<vmem>>, vector<1x16xf32>,
      %get3A_214 = vector.shape_cast %get3A_213 : vector<1x16xf32> to vector<16xf32>
      %mul3A_215 = arith.constant 27.7128124 : f32
      %mul3A_216 = vector.broadcast %mul3A_215 : f32 to vector<16xf32>
      %mul3A_217 = arith.mulf %get3A_214, %mul3A_216 : vector<16xf32>
      %swap3A_218 = arith.index_cast %scan3A_164 : i32 to index
      %swap3A_219 = arith.constant 64 : index
      %swap3A_220 = tpu.vector_load %arg9[%swap3A_218, %swap3A_219] {strides = array<i32>} : memref<32x768xf32, #tpu.memory_space<vmem>>, vector<1x16xf32>,
      %swap3A_221 = vector.shape_cast %swap3A_220 : vector<1x16xf32> to vector<16xf32>
      %swap3A_222 = vector.shape_cast %mul3A_217 : vector<16xf32> to vector<1x16xf32>
      tpu.vector_store %arg9[%swap3A_218, %swap3A_219], %swap3A_222 {strides = array<i32>} : memref<32x768xf32, #tpu.memory_space<vmem>>, vector<1x16xf32>,
      %get3A_223 = arith.index_cast %scan3A_164 : i32 to index
      %get3A_224 = arith.constant 80 : index
      %get3A_225 = tpu.vector_load %arg7[%get3A_223, %get3A_224] {strides = array<i32>} : memref<32x768xf32, #tpu.memory_space<vmem>>, vector<1x16xf32>,
      %get3A_226 = vector.shape_cast %get3A_225 : vector<1x16xf32> to vector<16xf32>
      %mul3A_227 = arith.constant 27.7128124 : f32
      %mul3A_228 = vector.broadcast %mul3A_227 : f32 to vector<16xf32>
      %mul3A_229 = arith.mulf %get3A_226, %mul3A_228 : vector<16xf32>
      %swap3A_230 = arith.index_cast %scan3A_164 : i32 to index
      %swap3A_231 = arith.constant 80 : index
      %swap3A_232 = tpu.vector_load %arg9[%swap3A_230, %swap3A_231] {strides = array<i32>} : memref<32x768xf32, #tpu.memory_space<vmem>>, vector<1x16xf32>,
      %swap3A_233 = vector.shape_cast %swap3A_232 : vector<1x16xf32> to vector<16xf32>
      %swap3A_234 = vector.shape_cast %mul3A_229 : vector<16xf32> to vector<1x16xf32>
      tpu.vector_store %arg9[%swap3A_230, %swap3A_231], %swap3A_234 {strides = array<i32>} : memref<32x768xf32, #tpu.memory_space<vmem>>, vector<1x16xf32>,
      %get3A_235 = arith.index_cast %scan3A_164 : i32 to index
      %get3A_236 = arith.constant 96 : index
      %get3A_237 = tpu.vector_load %arg7[%get3A_235, %get3A_236] {strides = array<i32>} : memref<32x768xf32, #tpu.memory_space<vmem>>, vector<1x16xf32>,
      %get3A_238 = vector.shape_cast %get3A_237 : vector<1x16xf32> to vector<16xf32>
      %mul3A_239 = arith.constant 27.7128124 : f32
      %mul3A_240 = vector.broadcast %mul3A_239 : f32 to vector<16xf32>
      %mul3A_241 = arith.mulf %get3A_238, %mul3A_240 : vector<16xf32>
      %swap3A_242 = arith.index_cast %scan3A_164 : i32 to index
      %swap3A_243 = arith.constant 96 : index
      %swap3A_244 = tpu.vector_load %arg9[%swap3A_242, %swap3A_243] {strides = array<i32>} : memref<32x768xf32, #tpu.memory_space<vmem>>, vector<1x16xf32>,
      %swap3A_245 = vector.shape_cast %swap3A_244 : vector<1x16xf32> to vector<16xf32>
      %swap3A_246 = vector.shape_cast %mul3A_241 : vector<16xf32> to vector<1x16xf32>
      tpu.vector_store %arg9[%swap3A_242, %swap3A_243], %swap3A_246 {strides = array<i32>} : memref<32x768xf32, #tpu.memory_space<vmem>>, vector<1x16xf32>,
      %get3A_247 = arith.index_cast %scan3A_164 : i32 to index
      %get3A_248 = arith.constant 112 : index
      %get3A_249 = tpu.vector_load %arg7[%get3A_247, %get3A_248] {strides = array<i32>} : memref<32x768xf32, #tpu.memory_space<vmem>>, vector<1x16xf32>,
      %get3A_250 = vector.shape_cast %get3A_249 : vector<1x16xf32> to vector<16xf32>
      %mul3A_251 = arith.constant 27.7128124 : f32
      %mul3A_252 = vector.broadcast %mul3A_251 : f32 to vector<16xf32>
      %mul3A_253 = arith.mulf %get3A_250, %mul3A_252 : vector<16xf32>
      %swap3A_254 = arith.index_cast %scan3A_164 : i32 to index
      %swap3A_255 = arith.constant 112 : index
      %swap3A_256 = tpu.vector_load %arg9[%swap3A_254, %swap3A_255] {strides = array<i32>} : memref<32x768xf32, #tpu.memory_space<vmem>>, vector<1x16xf32>,
      %swap3A_257 = vector.shape_cast %swap3A_256 : vector<1x16xf32> to vector<16xf32>
      %swap3A_258 = vector.shape_cast %mul3A_253 : vector<16xf32> to vector<1x16xf32>
      tpu.vector_store %arg9[%swap3A_254, %swap3A_255], %swap3A_258 {strides = array<i32>} : memref<32x768xf32, #tpu.memory_space<vmem>>, vector<1x16xf32>,
      %get3A_259 = arith.index_cast %scan3A_164 : i32 to index
      %get3A_260 = arith.constant 128 : index
      %get3A_261 = tpu.vector_load %arg7[%get3A_259, %get3A_260] {strides = array<i32>} : memref<32x768xf32, #tpu.memory_space<vmem>>, vector<1x16xf32>,
      %get3A_262 = vector.shape_cast %get3A_261 : vector<1x16xf32> to vector<16xf32>
      %mul3A_263 = arith.constant 27.7128124 : f32
      %mul3A_264 = vector.broadcast %mul3A_263 : f32 to vector<16xf32>
      %mul3A_265 = arith.mulf %get3A_262, %mul3A_264 : vector<16xf32>
      %swap3A_266 = arith.index_cast %scan3A_164 : i32 to index
      %swap3A_267 = arith.constant 128 : index
      %swap3A_268 = tpu.vector_load %arg9[%swap3A_266, %swap3A_267] {strides = array<i32>} : memref<32x768xf32, #tpu.memory_space<vmem>>, vector<1x16xf32>,
      %swap3A_269 = vector.shape_cast %swap3A_268 : vector<1x16xf32> to vector<16xf32>
      %swap3A_270 = vector.shape_cast %mul3A_265 : vector<16xf32> to vector<1x16xf32>
      tpu.vector_store %arg9[%swap3A_266, %swap3A_267], %swap3A_270 {strides = array<i32>} : memref<32x768xf32, #tpu.memory_space<vmem>>, vector<1x16xf32>,
      %get3A_271 = arith.index_cast %scan3A_164 : i32 to index
      %get3A_272 = arith.constant 144 : index
      %get3A_273 = tpu.vector_load %arg7[%get3A_271, %get3A_272] {strides = array<i32>} : memref<32x768xf32, #tpu.memory_space<vmem>>, vector<1x16xf32>,
      %get3A_274 = vector.shape_cast %get3A_273 : vector<1x16xf32> to vector<16xf32>
      %mul3A_275 = arith.constant 27.7128124 : f32
      %mul3A_276 = vector.broadcast %mul3A_275 : f32 to vector<16xf32>
      %mul3A_277 = arith.mulf %get3A_274, %mul3A_276 : vector<16xf32>
      %swap3A_278 = arith.index_cast %scan3A_164 : i32 to index
      %swap3A_279 = arith.constant 144 : index
      %swap3A_280 = tpu.vector_load %arg9[%swap3A_278, %swap3A_279] {strides = array<i32>} : memref<32x768xf32, #tpu.memory_space<vmem>>, vector<1x16xf32>,
      %swap3A_281 = vector.shape_cast %swap3A_280 : vector<1x16xf32> to vector<16xf32>
      %swap3A_282 = vector.shape_cast %mul3A_277 : vector<16xf32> to vector<1x16xf32>
      tpu.vector_store %arg9[%swap3A_278, %swap3A_279], %swap3A_282 {strides = array<i32>} : memref<32x768xf32, #tpu.memory_space<vmem>>, vector<1x16xf32>,
      %get3A_283 = arith.index_cast %scan3A_164 : i32 to index
      %get3A_284 = arith.constant 160 : index
      %get3A_285 = tpu.vector_load %arg7[%get3A_283, %get3A_284] {strides = array<i32>} : memref<32x768xf32, #tpu.memory_space<vmem>>, vector<1x16xf32>,
      %get3A_286 = vector.shape_cast %get3A_285 : vector<1x16xf32> to vector<16xf32>
      %mul3A_287 = arith.constant 27.7128124 : f32
      %mul3A_288 = vector.broadcast %mul3A_287 : f32 to vector<16xf32>
      %mul3A_289 = arith.mulf %get3A_286, %mul3A_288 : vector<16xf32>
      %swap3A_290 = arith.index_cast %scan3A_164 : i32 to index
      %swap3A_291 = arith.constant 160 : index
      %swap3A_292 = tpu.vector_load %arg9[%swap3A_290, %swap3A_291] {strides = array<i32>} : memref<32x768xf32, #tpu.memory_space<vmem>>, vector<1x16xf32>,
      %swap3A_293 = vector.shape_cast %swap3A_292 : vector<1x16xf32> to vector<16xf32>
      %swap3A_294 = vector.shape_cast %mul3A_289 : vector<16xf32> to vector<1x16xf32>
      tpu.vector_store %arg9[%swap3A_290, %swap3A_291], %swap3A_294 {strides = array<i32>} : memref<32x768xf32, #tpu.memory_space<vmem>>, vector<1x16xf32>,
      %get3A_295 = arith.index_cast %scan3A_164 : i32 to index
      %get3A_296 = arith.constant 176 : index
      %get3A_297 = tpu.vector_load %arg7[%get3A_295, %get3A_296] {strides = array<i32>} : memref<32x768xf32, #tpu.memory_space<vmem>>, vector<1x16xf32>,
      %get3A_298 = vector.shape_cast %get3A_297 : vector<1x16xf32> to vector<16xf32>
      %mul3A_299 = arith.constant 27.7128124 : f32
      %mul3A_300 = vector.broadcast %mul3A_299 : f32 to vector<16xf32>
      %mul3A_301 = arith.mulf %get3A_298, %mul3A_300 : vector<16xf32>
      %swap3A_302 = arith.index_cast %scan3A_164 : i32 to index
      %swap3A_303 = arith.constant 176 : index
      %swap3A_304 = tpu.vector_load %arg9[%swap3A_302, %swap3A_303] {strides = array<i32>} : memref<32x768xf32, #tpu.memory_space<vmem>>, vector<1x16xf32>,
      %swap3A_305 = vector.shape_cast %swap3A_304 : vector<1x16xf32> to vector<16xf32>
      %swap3A_306 = vector.shape_cast %mul3A_301 : vector<16xf32> to vector<1x16xf32>
      tpu.vector_store %arg9[%swap3A_302, %swap3A_303], %swap3A_306 {strides = array<i32>} : memref<32x768xf32, #tpu.memory_space<vmem>>, vector<1x16xf32>,
      %get3A_307 = arith.index_cast %scan3A_164 : i32 to index
      %get3A_308 = arith.constant 192 : index
      %get3A_309 = tpu.vector_load %arg7[%get3A_307, %get3A_308] {strides = array<i32>} : memref<32x768xf32, #tpu.memory_space<vmem>>, vector<1x16xf32>,
      %get3A_310 = vector.shape_cast %get3A_309 : vector<1x16xf32> to vector<16xf32>
      %mul3A_311 = arith.constant 27.7128124 : f32
      %mul3A_312 = vector.broadcast %mul3A_311 : f32 to vector<16xf32>
      %mul3A_313 = arith.mulf %get3A_310, %mul3A_312 : vector<16xf32>
      %swap3A_314 = arith.index_cast %scan3A_164 : i32 to index
      %swap3A_315 = arith.constant 192 : index
      %swap3A_316 = tpu.vector_load %arg9[%swap3A_314, %swap3A_315] {strides = array<i32>} : memref<32x768xf32, #tpu.memory_space<vmem>>, vector<1x16xf32>,
      %swap3A_317 = vector.shape_cast %swap3A_316 : vector<1x16xf32> to vector<16xf32>
      %swap3A_318 = vector.shape_cast %mul3A_313 : vector<16xf32> to vector<1x16xf32>
      tpu.vector_store %arg9[%swap3A_314, %swap3A_315], %swap3A_318 {strides = array<i32>} : memref<32x768xf32, #tpu.memory_space<vmem>>, vector<1x16xf32>,
      %get3A_319 = arith.index_cast %scan3A_164 : i32 to index
      %get3A_320 = arith.constant 208 : index
      %get3A_321 = tpu.vector_load %arg7[%get3A_319, %get3A_320] {strides = array<i32>} : memref<32x768xf32, #tpu.memory_space<vmem>>, vector<1x16xf32>,
      %get3A_322 = vector.shape_cast %get3A_321 : vector<1x16xf32> to vector<16xf32>
      %mul3A_323 = arith.constant 27.7128124 : f32
      %mul3A_324 = vector.broadcast %mul3A_323 : f32 to vector<16xf32>
      %mul3A_325 = arith.mulf %get3A_322, %mul3A_324 : vector<16xf32>
      %swap3A_326 = arith.index_cast %scan3A_164 : i32 to index
      %swap3A_327 = arith.constant 208 : index
      %swap3A_328 = tpu.vector_load %arg9[%swap3A_326, %swap3A_327] {strides = array<i32>} : memref<32x768xf32, #tpu.memory_space<vmem>>, vector<1x16xf32>,
      %swap3A_329 = vector.shape_cast %swap3A_328 : vector<1x16xf32> to vector<16xf32>
      %swap3A_330 = vector.shape_cast %mul3A_325 : vector<16xf32> to vector<1x16xf32>
      tpu.vector_store %arg9[%swap3A_326, %swap3A_327], %swap3A_330 {strides = array<i32>} : memref<32x768xf32, #tpu.memory_space<vmem>>, vector<1x16xf32>,
      %get3A_331 = arith.index_cast %scan3A_164 : i32 to index
      %get3A_332 = arith.constant 224 : index
      %get3A_333 = tpu.vector_load %arg7[%get3A_331, %get3A_332] {strides = array<i32>} : memref<32x768xf32, #tpu.memory_space<vmem>>, vector<1x16xf32>,
      %get3A_334 = vector.shape_cast %get3A_333 : vector<1x16xf32> to vector<16xf32>
      %mul3A_335 = arith.constant 27.7128124 : f32
      %mul3A_336 = vector.broadcast %mul3A_335 : f32 to vector<16xf32>
      %mul3A_337 = arith.mulf %get3A_334, %mul3A_336 : vector<16xf32>
      %swap3A_338 = arith.index_cast %scan3A_164 : i32 to index
      %swap3A_339 = arith.constant 224 : index
      %swap3A_340 = tpu.vector_load %arg9[%swap3A_338, %swap3A_339] {strides = array<i32>} : memref<32x768xf32, #tpu.memory_space<vmem>>, vector<1x16xf32>,
      %swap3A_341 = vector.shape_cast %swap3A_340 : vector<1x16xf32> to vector<16xf32>
      %swap3A_342 = vector.shape_cast %mul3A_337 : vector<16xf32> to vector<1x16xf32>
      tpu.vector_store %arg9[%swap3A_338, %swap3A_339], %swap3A_342 {strides = array<i32>} : memref<32x768xf32, #tpu.memory_space<vmem>>, vector<1x16xf32>,
      %get3A_343 = arith.index_cast %scan3A_164 : i32 to index
      %get3A_344 = arith.constant 240 : index
      %get3A_345 = tpu.vector_load %arg7[%get3A_343, %get3A_344] {strides = array<i32>} : memref<32x768xf32, #tpu.memory_space<vmem>>, vector<1x16xf32>,
      %get3A_346 = vector.shape_cast %get3A_345 : vector<1x16xf32> to vector<16xf32>
      %mul3A_347 = arith.constant 27.7128124 : f32
      %mul3A_348 = vector.broadcast %mul3A_347 : f32 to vector<16xf32>
      %mul3A_349 = arith.mulf %get3A_346, %mul3A_348 : vector<16xf32>
      %swap3A_350 = arith.index_cast %scan3A_164 : i32 to index
      %swap3A_351 = arith.constant 240 : index
      %swap3A_352 = tpu.vector_load %arg9[%swap3A_350, %swap3A_351] {strides = array<i32>} : memref<32x768xf32, #tpu.memory_space<vmem>>, vector<1x16xf32>,
      %swap3A_353 = vector.shape_cast %swap3A_352 : vector<1x16xf32> to vector<16xf32>
      %swap3A_354 = vector.shape_cast %mul3A_349 : vector<16xf32> to vector<1x16xf32>
      tpu.vector_store %arg9[%swap3A_350, %swap3A_351], %swap3A_354 {strides = array<i32>} : memref<32x768xf32, #tpu.memory_space<vmem>>, vector<1x16xf32>,
      %get3A_355 = arith.index_cast %scan3A_164 : i32 to index
      %get3A_356 = arith.constant 256 : index
      %get3A_357 = tpu.vector_load %arg7[%get3A_355, %get3A_356] {strides = array<i32>} : memref<32x768xf32, #tpu.memory_space<vmem>>, vector<1x16xf32>,
      %get3A_358 = vector.shape_cast %get3A_357 : vector<1x16xf32> to vector<16xf32>
      %mul3A_359 = arith.constant 27.7128124 : f32
      %mul3A_360 = vector.broadcast %mul3A_359 : f32 to vector<16xf32>
      %mul3A_361 = arith.mulf %get3A_358, %mul3A_360 : vector<16xf32>
      %swap3A_362 = arith.index_cast %scan3A_164 : i32 to index
      %swap3A_363 = arith.constant 256 : index
      %swap3A_364 = tpu.vector_load %arg9[%swap3A_362, %swap3A_363] {strides = array<i32>} : memref<32x768xf32, #tpu.memory_space<vmem>>, vector<1x16xf32>,
      %swap3A_365 = vector.shape_cast %swap3A_364 : vector<1x16xf32> to vector<16xf32>
      %swap3A_366 = vector.shape_cast %mul3A_361 : vector<16xf32> to vector<1x16xf32>
      tpu.vector_store %arg9[%swap3A_362, %swap3A_363], %swap3A_366 {strides = array<i32>} : memref<32x768xf32, #tpu.memory_space<vmem>>, vector<1x16xf32>,
      %get3A_367 = arith.index_cast %scan3A_164 : i32 to index
      %get3A_368 = arith.constant 272 : index
      %get3A_369 = tpu.vector_load %arg7[%get3A_367, %get3A_368] {strides = array<i32>} : memref<32x768xf32, #tpu.memory_space<vmem>>, vector<1x16xf32>,
      %get3A_370 = vector.shape_cast %get3A_369 : vector<1x16xf32> to vector<16xf32>
      %mul3A_371 = arith.constant 27.7128124 : f32
      %mul3A_372 = vector.broadcast %mul3A_371 : f32 to vector<16xf32>
      %mul3A_373 = arith.mulf %get3A_370, %mul3A_372 : vector<16xf32>
      %swap3A_374 = arith.index_cast %scan3A_164 : i32 to index
      %swap3A_375 = arith.constant 272 : index
      %swap3A_376 = tpu.vector_load %arg9[%swap3A_374, %swap3A_375] {strides = array<i32>} : memref<32x768xf32, #tpu.memory_space<vmem>>, vector<1x16xf32>,
      %swap3A_377 = vector.shape_cast %swap3A_376 : vector<1x16xf32> to vector<16xf32>
      %swap3A_378 = vector.shape_cast %mul3A_373 : vector<16xf32> to vector<1x16xf32>
      tpu.vector_store %arg9[%swap3A_374, %swap3A_375], %swap3A_378 {strides = array<i32>} : memref<32x768xf32, #tpu.memory_space<vmem>>, vector<1x16xf32>,
      %get3A_379 = arith.index_cast %scan3A_164 : i32 to index
      %get3A_380 = arith.constant 288 : index
      %get3A_381 = tpu.vector_load %arg7[%get3A_379, %get3A_380] {strides = array<i32>} : memref<32x768xf32, #tpu.memory_space<vmem>>, vector<1x16xf32>,
      %get3A_382 = vector.shape_cast %get3A_381 : vector<1x16xf32> to vector<16xf32>
      %mul3A_383 = arith.constant 27.7128124 : f32
      %mul3A_384 = vector.broadcast %mul3A_383 : f32 to vector<16xf32>
      %mul3A_385 = arith.mulf %get3A_382, %mul3A_384 : vector<16xf32>
      %swap3A_386 = arith.index_cast %scan3A_164 : i32 to index
      %swap3A_387 = arith.constant 288 : index
      %swap3A_388 = tpu.vector_load %arg9[%swap3A_386, %swap3A_387] {strides = array<i32>} : memref<32x768xf32, #tpu.memory_space<vmem>>, vector<1x16xf32>,
      %swap3A_389 = vector.shape_cast %swap3A_388 : vector<1x16xf32> to vector<16xf32>
      %swap3A_390 = vector.shape_cast %mul3A_385 : vector<16xf32> to vector<1x16xf32>
      tpu.vector_store %arg9[%swap3A_386, %swap3A_387], %swap3A_390 {strides = array<i32>} : memref<32x768xf32, #tpu.memory_space<vmem>>, vector<1x16xf32>,
      %get3A_391 = arith.index_cast %scan3A_164 : i32 to index
      %get3A_392 = arith.constant 304 : index
      %get3A_393 = tpu.vector_load %arg7[%get3A_391, %get3A_392] {strides = array<i32>} : memref<32x768xf32, #tpu.memory_space<vmem>>, vector<1x16xf32>,
      %get3A_394 = vector.shape_cast %get3A_393 : vector<1x16xf32> to vector<16xf32>
      %mul3A_395 = arith.constant 27.7128124 : f32
      %mul3A_396 = vector.broadcast %mul3A_395 : f32 to vector<16xf32>
      %mul3A_397 = arith.mulf %get3A_394, %mul3A_396 : vector<16xf32>
      %swap3A_398 = arith.index_cast %scan3A_164 : i32 to index
      %swap3A_399 = arith.constant 304 : index
      %swap3A_400 = tpu.vector_load %arg9[%swap3A_398, %swap3A_399] {strides = array<i32>} : memref<32x768xf32, #tpu.memory_space<vmem>>, vector<1x16xf32>,
      %swap3A_401 = vector.shape_cast %swap3A_400 : vector<1x16xf32> to vector<16xf32>
      %swap3A_402 = vector.shape_cast %mul3A_397 : vector<16xf32> to vector<1x16xf32>
      tpu.vector_store %arg9[%swap3A_398, %swap3A_399], %swap3A_402 {strides = array<i32>} : memref<32x768xf32, #tpu.memory_space<vmem>>, vector<1x16xf32>,
      %get3A_403 = arith.index_cast %scan3A_164 : i32 to index
      %get3A_404 = arith.constant 320 : index
      %get3A_405 = tpu.vector_load %arg7[%get3A_403, %get3A_404] {strides = array<i32>} : memref<32x768xf32, #tpu.memory_space<vmem>>, vector<1x16xf32>,
      %get3A_406 = vector.shape_cast %get3A_405 : vector<1x16xf32> to vector<16xf32>
      %mul3A_407 = arith.constant 27.7128124 : f32
      %mul3A_408 = vector.broadcast %mul3A_407 : f32 to vector<16xf32>
      %mul3A_409 = arith.mulf %get3A_406, %mul3A_408 : vector<16xf32>
      %swap3A_410 = arith.index_cast %scan3A_164 : i32 to index
      %swap3A_411 = arith.constant 320 : index
      %swap3A_412 = tpu.vector_load %arg9[%swap3A_410, %swap3A_411] {strides = array<i32>} : memref<32x768xf32, #tpu.memory_space<vmem>>, vector<1x16xf32>,
      %swap3A_413 = vector.shape_cast %swap3A_412 : vector<1x16xf32> to vector<16xf32>
      %swap3A_414 = vector.shape_cast %mul3A_409 : vector<16xf32> to vector<1x16xf32>
      tpu.vector_store %arg9[%swap3A_410, %swap3A_411], %swap3A_414 {strides = array<i32>} : memref<32x768xf32, #tpu.memory_space<vmem>>, vector<1x16xf32>,
      %get3A_415 = arith.index_cast %scan3A_164 : i32 to index
      %get3A_416 = arith.constant 336 : index
      %get3A_417 = tpu.vector_load %arg7[%get3A_415, %get3A_416] {strides = array<i32>} : memref<32x768xf32, #tpu.memory_space<vmem>>, vector<1x16xf32>,
      %get3A_418 = vector.shape_cast %get3A_417 : vector<1x16xf32> to vector<16xf32>
      %mul3A_419 = arith.constant 27.7128124 : f32
      %mul3A_420 = vector.broadcast %mul3A_419 : f32 to vector<16xf32>
      %mul3A_421 = arith.mulf %get3A_418, %mul3A_420 : vector<16xf32>
      %swap3A_422 = arith.index_cast %scan3A_164 : i32 to index
      %swap3A_423 = arith.constant 336 : index
      %swap3A_424 = tpu.vector_load %arg9[%swap3A_422, %swap3A_423] {strides = array<i32>} : memref<32x768xf32, #tpu.memory_space<vmem>>, vector<1x16xf32>,
      %swap3A_425 = vector.shape_cast %swap3A_424 : vector<1x16xf32> to vector<16xf32>
      %swap3A_426 = vector.shape_cast %mul3A_421 : vector<16xf32> to vector<1x16xf32>
      tpu.vector_store %arg9[%swap3A_422, %swap3A_423], %swap3A_426 {strides = array<i32>} : memref<32x768xf32, #tpu.memory_space<vmem>>, vector<1x16xf32>,
      %get3A_427 = arith.index_cast %scan3A_164 : i32 to index
      %get3A_428 = arith.constant 352 : index
      %get3A_429 = tpu.vector_load %arg7[%get3A_427, %get3A_428] {strides = array<i32>} : memref<32x768xf32, #tpu.memory_space<vmem>>, vector<1x16xf32>,
      %get3A_430 = vector.shape_cast %get3A_429 : vector<1x16xf32> to vector<16xf32>
      %mul3A_431 = arith.constant 27.7128124 : f32
      %mul3A_432 = vector.broadcast %mul3A_431 : f32 to vector<16xf32>
      %mul3A_433 = arith.mulf %get3A_430, %mul3A_432 : vector<16xf32>
      %swap3A_434 = arith.index_cast %scan3A_164 : i32 to index
      %swap3A_435 = arith.constant 352 : index
      %swap3A_436 = tpu.vector_load %arg9[%swap3A_434, %swap3A_435] {strides = array<i32>} : memref<32x768xf32, #tpu.memory_space<vmem>>, vector<1x16xf32>,
      %swap3A_437 = vector.shape_cast %swap3A_436 : vector<1x16xf32> to vector<16xf32>
      %swap3A_438 = vector.shape_cast %mul3A_433 : vector<16xf32> to vector<1x16xf32>
      tpu.vector_store %arg9[%swap3A_434, %swap3A_435], %swap3A_438 {strides = array<i32>} : memref<32x768xf32, #tpu.memory_space<vmem>>, vector<1x16xf32>,
      %get3A_439 = arith.index_cast %scan3A_164 : i32 to index
      %get3A_440 = arith.constant 368 : index
      %get3A_441 = tpu.vector_load %arg7[%get3A_439, %get3A_440] {strides = array<i32>} : memref<32x768xf32, #tpu.memory_space<vmem>>, vector<1x16xf32>,
      %get3A_442 = vector.shape_cast %get3A_441 : vector<1x16xf32> to vector<16xf32>
      %mul3A_443 = arith.constant 27.7128124 : f32
      %mul3A_444 = vector.broadcast %mul3A_443 : f32 to vector<16xf32>
      %mul3A_445 = arith.mulf %get3A_442, %mul3A_444 : vector<16xf32>
      %swap3A_446 = arith.index_cast %scan3A_164 : i32 to index
      %swap3A_447 = arith.constant 368 : index
      %swap3A_448 = tpu.vector_load %arg9[%swap3A_446, %swap3A_447] {strides = array<i32>} : memref<32x768xf32, #tpu.memory_space<vmem>>, vector<1x16xf32>,
      %swap3A_449 = vector.shape_cast %swap3A_448 : vector<1x16xf32> to vector<16xf32>
      %swap3A_450 = vector.shape_cast %mul3A_445 : vector<16xf32> to vector<1x16xf32>
      tpu.vector_store %arg9[%swap3A_446, %swap3A_447], %swap3A_450 {strides = array<i32>} : memref<32x768xf32, #tpu.memory_space<vmem>>, vector<1x16xf32>,
      %get3A_451 = arith.index_cast %scan3A_164 : i32 to index
      %get3A_452 = arith.constant 384 : index
      %get3A_453 = tpu.vector_load %arg7[%get3A_451, %get3A_452] {strides = array<i32>} : memref<32x768xf32, #tpu.memory_space<vmem>>, vector<1x16xf32>,
      %get3A_454 = vector.shape_cast %get3A_453 : vector<1x16xf32> to vector<16xf32>
      %mul3A_455 = arith.constant 27.7128124 : f32
      %mul3A_456 = vector.broadcast %mul3A_455 : f32 to vector<16xf32>
      %mul3A_457 = arith.mulf %get3A_454, %mul3A_456 : vector<16xf32>
      %swap3A_458 = arith.index_cast %scan3A_164 : i32 to index
      %swap3A_459 = arith.constant 384 : index
      %swap3A_460 = tpu.vector_load %arg9[%swap3A_458, %swap3A_459] {strides = array<i32>} : memref<32x768xf32, #tpu.memory_space<vmem>>, vector<1x16xf32>,
      %swap3A_461 = vector.shape_cast %swap3A_460 : vector<1x16xf32> to vector<16xf32>
      %swap3A_462 = vector.shape_cast %mul3A_457 : vector<16xf32> to vector<1x16xf32>
      tpu.vector_store %arg9[%swap3A_458, %swap3A_459], %swap3A_462 {strides = array<i32>} : memref<32x768xf32, #tpu.memory_space<vmem>>, vector<1x16xf32>,
      %get3A_463 = arith.index_cast %scan3A_164 : i32 to index
      %get3A_464 = arith.constant 400 : index
      %get3A_465 = tpu.vector_load %arg7[%get3A_463, %get3A_464] {strides = array<i32>} : memref<32x768xf32, #tpu.memory_space<vmem>>, vector<1x16xf32>,
      %get3A_466 = vector.shape_cast %get3A_465 : vector<1x16xf32> to vector<16xf32>
      %mul3A_467 = arith.constant 27.7128124 : f32
      %mul3A_468 = vector.broadcast %mul3A_467 : f32 to vector<16xf32>
      %mul3A_469 = arith.mulf %get3A_466, %mul3A_468 : vector<16xf32>
      %swap3A_470 = arith.index_cast %scan3A_164 : i32 to index
      %swap3A_471 = arith.constant 400 : index
      %swap3A_472 = tpu.vector_load %arg9[%swap3A_470, %swap3A_471] {strides = array<i32>} : memref<32x768xf32, #tpu.memory_space<vmem>>, vector<1x16xf32>,
      %swap3A_473 = vector.shape_cast %swap3A_472 : vector<1x16xf32> to vector<16xf32>
      %swap3A_474 = vector.shape_cast %mul3A_469 : vector<16xf32> to vector<1x16xf32>
      tpu.vector_store %arg9[%swap3A_470, %swap3A_471], %swap3A_474 {strides = array<i32>} : memref<32x768xf32, #tpu.memory_space<vmem>>, vector<1x16xf32>,
      %get3A_475 = arith.index_cast %scan3A_164 : i32 to index
      %get3A_476 = arith.constant 416 : index
      %get3A_477 = tpu.vector_load %arg7[%get3A_475, %get3A_476] {strides = array<i32>} : memref<32x768xf32, #tpu.memory_space<vmem>>, vector<1x16xf32>,
      %get3A_478 = vector.shape_cast %get3A_477 : vector<1x16xf32> to vector<16xf32>
      %mul3A_479 = arith.constant 27.7128124 : f32
      %mul3A_480 = vector.broadcast %mul3A_479 : f32 to vector<16xf32>
      %mul3A_481 = arith.mulf %get3A_478, %mul3A_480 : vector<16xf32>
      %swap3A_482 = arith.index_cast %scan3A_164 : i32 to index
      %swap3A_483 = arith.constant 416 : index
      %swap3A_484 = tpu.vector_load %arg9[%swap3A_482, %swap3A_483] {strides = array<i32>} : memref<32x768xf32, #tpu.memory_space<vmem>>, vector<1x16xf32>,
      %swap3A_485 = vector.shape_cast %swap3A_484 : vector<1x16xf32> to vector<16xf32>
      %swap3A_486 = vector.shape_cast %mul3A_481 : vector<16xf32> to vector<1x16xf32>
      tpu.vector_store %arg9[%swap3A_482, %swap3A_483], %swap3A_486 {strides = array<i32>} : memref<32x768xf32, #tpu.memory_space<vmem>>, vector<1x16xf32>,
      %get3A_487 = arith.index_cast %scan3A_164 : i32 to index
      %get3A_488 = arith.constant 432 : index
      %get3A_489 = tpu.vector_load %arg7[%get3A_487, %get3A_488] {strides = array<i32>} : memref<32x768xf32, #tpu.memory_space<vmem>>, vector<1x16xf32>,
      %get3A_490 = vector.shape_cast %get3A_489 : vector<1x16xf32> to vector<16xf32>
      %mul3A_491 = arith.constant 27.7128124 : f32
      %mul3A_492 = vector.broadcast %mul3A_491 : f32 to vector<16xf32>
      %mul3A_493 = arith.mulf %get3A_490, %mul3A_492 : vector<16xf32>
      %swap3A_494 = arith.index_cast %scan3A_164 : i32 to index
      %swap3A_495 = arith.constant 432 : index
      %swap3A_496 = tpu.vector_load %arg9[%swap3A_494, %swap3A_495] {strides = array<i32>} : memref<32x768xf32, #tpu.memory_space<vmem>>, vector<1x16xf32>,
      %swap3A_497 = vector.shape_cast %swap3A_496 : vector<1x16xf32> to vector<16xf32>
      %swap3A_498 = vector.shape_cast %mul3A_493 : vector<16xf32> to vector<1x16xf32>
      tpu.vector_store %arg9[%swap3A_494, %swap3A_495], %swap3A_498 {strides = array<i32>} : memref<32x768xf32, #tpu.memory_space<vmem>>, vector<1x16xf32>,
      %get3A_499 = arith.index_cast %scan3A_164 : i32 to index
      %get3A_500 = arith.constant 448 : index
      %get3A_501 = tpu.vector_load %arg7[%get3A_499, %get3A_500] {strides = array<i32>} : memref<32x768xf32, #tpu.memory_space<vmem>>, vector<1x16xf32>,
      %get3A_502 = vector.shape_cast %get3A_501 : vector<1x16xf32> to vector<16xf32>
      %mul3A_503 = arith.constant 27.7128124 : f32
      %mul3A_504 = vector.broadcast %mul3A_503 : f32 to vector<16xf32>
      %mul3A_505 = arith.mulf %get3A_502, %mul3A_504 : vector<16xf32>
      %swap3A_506 = arith.index_cast %scan3A_164 : i32 to index
      %swap3A_507 = arith.constant 448 : index
      %swap3A_508 = tpu.vector_load %arg9[%swap3A_506, %swap3A_507] {strides = array<i32>} : memref<32x768xf32, #tpu.memory_space<vmem>>, vector<1x16xf32>,
      %swap3A_509 = vector.shape_cast %swap3A_508 : vector<1x16xf32> to vector<16xf32>
      %swap3A_510 = vector.shape_cast %mul3A_505 : vector<16xf32> to vector<1x16xf32>
      tpu.vector_store %arg9[%swap3A_506, %swap3A_507], %swap3A_510 {strides = array<i32>} : memref<32x768xf32, #tpu.memory_space<vmem>>, vector<1x16xf32>,
      %get3A_511 = arith.index_cast %scan3A_164 : i32 to index
      %get3A_512 = arith.constant 464 : index
      %get3A_513 = tpu.vector_load %arg7[%get3A_511, %get3A_512] {strides = array<i32>} : memref<32x768xf32, #tpu.memory_space<vmem>>, vector<1x16xf32>,
      %get3A_514 = vector.shape_cast %get3A_513 : vector<1x16xf32> to vector<16xf32>
      %mul3A_515 = arith.constant 27.7128124 : f32
      %mul3A_516 = vector.broadcast %mul3A_515 : f32 to vector<16xf32>
      %mul3A_517 = arith.mulf %get3A_514, %mul3A_516 : vector<16xf32>
      %swap3A_518 = arith.index_cast %scan3A_164 : i32 to index
      %swap3A_519 = arith.constant 464 : index
      %swap3A_520 = tpu.vector_load %arg9[%swap3A_518, %swap3A_519] {strides = array<i32>} : memref<32x768xf32, #tpu.memory_space<vmem>>, vector<1x16xf32>,
      %swap3A_521 = vector.shape_cast %swap3A_520 : vector<1x16xf32> to vector<16xf32>
      %swap3A_522 = vector.shape_cast %mul3A_517 : vector<16xf32> to vector<1x16xf32>
      tpu.vector_store %arg9[%swap3A_518, %swap3A_519], %swap3A_522 {strides = array<i32>} : memref<32x768xf32, #tpu.memory_space<vmem>>, vector<1x16xf32>,
      %get3A_523 = arith.index_cast %scan3A_164 : i32 to index
      %get3A_524 = arith.constant 480 : index
      %get3A_525 = tpu.vector_load %arg7[%get3A_523, %get3A_524] {strides = array<i32>} : memref<32x768xf32, #tpu.memory_space<vmem>>, vector<1x16xf32>,
      %get3A_526 = vector.shape_cast %get3A_525 : vector<1x16xf32> to vector<16xf32>
      %mul3A_527 = arith.constant 27.7128124 : f32
      %mul3A_528 = vector.broadcast %mul3A_527 : f32 to vector<16xf32>
      %mul3A_529 = arith.mulf %get3A_526, %mul3A_528 : vector<16xf32>
      %swap3A_530 = arith.index_cast %scan3A_164 : i32 to index
      %swap3A_531 = arith.constant 480 : index
      %swap3A_532 = tpu.vector_load %arg9[%swap3A_530, %swap3A_531] {strides = array<i32>} : memref<32x768xf32, #tpu.memory_space<vmem>>, vector<1x16xf32>,
      %swap3A_533 = vector.shape_cast %swap3A_532 : vector<1x16xf32> to vector<16xf32>
      %swap3A_534 = vector.shape_cast %mul3A_529 : vector<16xf32> to vector<1x16xf32>
      tpu.vector_store %arg9[%swap3A_530, %swap3A_531], %swap3A_534 {strides = array<i32>} : memref<32x768xf32, #tpu.memory_space<vmem>>, vector<1x16xf32>,
      %get3A_535 = arith.index_cast %scan3A_164 : i32 to index
      %get3A_536 = arith.constant 496 : index
      %get3A_537 = tpu.vector_load %arg7[%get3A_535, %get3A_536] {strides = array<i32>} : memref<32x768xf32, #tpu.memory_space<vmem>>, vector<1x16xf32>,
      %get3A_538 = vector.shape_cast %get3A_537 : vector<1x16xf32> to vector<16xf32>
      %mul3A_539 = arith.constant 27.7128124 : f32
      %mul3A_540 = vector.broadcast %mul3A_539 : f32 to vector<16xf32>
      %mul3A_541 = arith.mulf %get3A_538, %mul3A_540 : vector<16xf32>
      %swap3A_542 = arith.index_cast %scan3A_164 : i32 to index
      %swap3A_543 = arith.constant 496 : index
      %swap3A_544 = tpu.vector_load %arg9[%swap3A_542, %swap3A_543] {strides = array<i32>} : memref<32x768xf32, #tpu.memory_space<vmem>>, vector<1x16xf32>,
      %swap3A_545 = vector.shape_cast %swap3A_544 : vector<1x16xf32> to vector<16xf32>
      %swap3A_546 = vector.shape_cast %mul3A_541 : vector<16xf32> to vector<1x16xf32>
      tpu.vector_store %arg9[%swap3A_542, %swap3A_543], %swap3A_546 {strides = array<i32>} : memref<32x768xf32, #tpu.memory_space<vmem>>, vector<1x16xf32>,
      %get3A_547 = arith.index_cast %scan3A_164 : i32 to index
      %get3A_548 = arith.constant 512 : index
      %get3A_549 = tpu.vector_load %arg7[%get3A_547, %get3A_548] {strides = array<i32>} : memref<32x768xf32, #tpu.memory_space<vmem>>, vector<1x16xf32>,
      %get3A_550 = vector.shape_cast %get3A_549 : vector<1x16xf32> to vector<16xf32>
      %mul3A_551 = arith.constant 27.7128124 : f32
      %mul3A_552 = vector.broadcast %mul3A_551 : f32 to vector<16xf32>
      %mul3A_553 = arith.mulf %get3A_550, %mul3A_552 : vector<16xf32>
      %swap3A_554 = arith.index_cast %scan3A_164 : i32 to index
      %swap3A_555 = arith.constant 512 : index
      %swap3A_556 = tpu.vector_load %arg9[%swap3A_554, %swap3A_555] {strides = array<i32>} : memref<32x768xf32, #tpu.memory_space<vmem>>, vector<1x16xf32>,
      %swap3A_557 = vector.shape_cast %swap3A_556 : vector<1x16xf32> to vector<16xf32>
      %swap3A_558 = vector.shape_cast %mul3A_553 : vector<16xf32> to vector<1x16xf32>
      tpu.vector_store %arg9[%swap3A_554, %swap3A_555], %swap3A_558 {strides = array<i32>} : memref<32x768xf32, #tpu.memory_space<vmem>>, vector<1x16xf32>,
      %get3A_559 = arith.index_cast %scan3A_164 : i32 to index
      %get3A_560 = arith.constant 528 : index
      %get3A_561 = tpu.vector_load %arg7[%get3A_559, %get3A_560] {strides = array<i32>} : memref<32x768xf32, #tpu.memory_space<vmem>>, vector<1x16xf32>,
      %get3A_562 = vector.shape_cast %get3A_561 : vector<1x16xf32> to vector<16xf32>
      %mul3A_563 = arith.constant 27.7128124 : f32
      %mul3A_564 = vector.broadcast %mul3A_563 : f32 to vector<16xf32>
      %mul3A_565 = arith.mulf %get3A_562, %mul3A_564 : vector<16xf32>
      %swap3A_566 = arith.index_cast %scan3A_164 : i32 to index
      %swap3A_567 = arith.constant 528 : index
      %swap3A_568 = tpu.vector_load %arg9[%swap3A_566, %swap3A_567] {strides = array<i32>} : memref<32x768xf32, #tpu.memory_space<vmem>>, vector<1x16xf32>,
      %swap3A_569 = vector.shape_cast %swap3A_568 : vector<1x16xf32> to vector<16xf32>
      %swap3A_570 = vector.shape_cast %mul3A_565 : vector<16xf32> to vector<1x16xf32>
      tpu.vector_store %arg9[%swap3A_566, %swap3A_567], %swap3A_570 {strides = array<i32>} : memref<32x768xf32, #tpu.memory_space<vmem>>, vector<1x16xf32>,
      %get3A_571 = arith.index_cast %scan3A_164 : i32 to index
      %get3A_572 = arith.constant 544 : index
      %get3A_573 = tpu.vector_load %arg7[%get3A_571, %get3A_572] {strides = array<i32>} : memref<32x768xf32, #tpu.memory_space<vmem>>, vector<1x16xf32>,
      %get3A_574 = vector.shape_cast %get3A_573 : vector<1x16xf32> to vector<16xf32>
      %mul3A_575 = arith.constant 27.7128124 : f32
      %mul3A_576 = vector.broadcast %mul3A_575 : f32 to vector<16xf32>
      %mul3A_577 = arith.mulf %get3A_574, %mul3A_576 : vector<16xf32>
      %swap3A_578 = arith.index_cast %scan3A_164 : i32 to index
      %swap3A_579 = arith.constant 544 : index
      %swap3A_580 = tpu.vector_load %arg9[%swap3A_578, %swap3A_579] {strides = array<i32>} : memref<32x768xf32, #tpu.memory_space<vmem>>, vector<1x16xf32>,
      %swap3A_581 = vector.shape_cast %swap3A_580 : vector<1x16xf32> to vector<16xf32>
      %swap3A_582 = vector.shape_cast %mul3A_577 : vector<16xf32> to vector<1x16xf32>
      tpu.vector_store %arg9[%swap3A_578, %swap3A_579], %swap3A_582 {strides = array<i32>} : memref<32x768xf32, #tpu.memory_space<vmem>>, vector<1x16xf32>,
      %get3A_583 = arith.index_cast %scan3A_164 : i32 to index
      %get3A_584 = arith.constant 560 : index
      %get3A_585 = tpu.vector_load %arg7[%get3A_583, %get3A_584] {strides = array<i32>} : memref<32x768xf32, #tpu.memory_space<vmem>>, vector<1x16xf32>,
      %get3A_586 = vector.shape_cast %get3A_585 : vector<1x16xf32> to vector<16xf32>
      %mul3A_587 = arith.constant 27.7128124 : f32
      %mul3A_588 = vector.broadcast %mul3A_587 : f32 to vector<16xf32>
      %mul3A_589 = arith.mulf %get3A_586, %mul3A_588 : vector<16xf32>
      %swap3A_590 = arith.index_cast %scan3A_164 : i32 to index
      %swap3A_591 = arith.constant 560 : index
      %swap3A_592 = tpu.vector_load %arg9[%swap3A_590, %swap3A_591] {strides = array<i32>} : memref<32x768xf32, #tpu.memory_space<vmem>>, vector<1x16xf32>,
      %swap3A_593 = vector.shape_cast %swap3A_592 : vector<1x16xf32> to vector<16xf32>
      %swap3A_594 = vector.shape_cast %mul3A_589 : vector<16xf32> to vector<1x16xf32>
      tpu.vector_store %arg9[%swap3A_590, %swap3A_591], %swap3A_594 {strides = array<i32>} : memref<32x768xf32, #tpu.memory_space<vmem>>, vector<1x16xf32>,
      %get3A_595 = arith.index_cast %scan3A_164 : i32 to index
      %get3A_596 = arith.constant 576 : index
      %get3A_597 = tpu.vector_load %arg7[%get3A_595, %get3A_596] {strides = array<i32>} : memref<32x768xf32, #tpu.memory_space<vmem>>, vector<1x16xf32>,
      %get3A_598 = vector.shape_cast %get3A_597 : vector<1x16xf32> to vector<16xf32>
      %mul3A_599 = arith.constant 27.7128124 : f32
      %mul3A_600 = vector.broadcast %mul3A_599 : f32 to vector<16xf32>
      %mul3A_601 = arith.mulf %get3A_598, %mul3A_600 : vector<16xf32>
      %swap3A_602 = arith.index_cast %scan3A_164 : i32 to index
      %swap3A_603 = arith.constant 576 : index
      %swap3A_604 = tpu.vector_load %arg9[%swap3A_602, %swap3A_603] {strides = array<i32>} : memref<32x768xf32, #tpu.memory_space<vmem>>, vector<1x16xf32>,
      %swap3A_605 = vector.shape_cast %swap3A_604 : vector<1x16xf32> to vector<16xf32>
      %swap3A_606 = vector.shape_cast %mul3A_601 : vector<16xf32> to vector<1x16xf32>
      tpu.vector_store %arg9[%swap3A_602, %swap3A_603], %swap3A_606 {strides = array<i32>} : memref<32x768xf32, #tpu.memory_space<vmem>>, vector<1x16xf32>,
      %get3A_607 = arith.index_cast %scan3A_164 : i32 to index
      %get3A_608 = arith.constant 592 : index
      %get3A_609 = tpu.vector_load %arg7[%get3A_607, %get3A_608] {strides = array<i32>} : memref<32x768xf32, #tpu.memory_space<vmem>>, vector<1x16xf32>,
      %get3A_610 = vector.shape_cast %get3A_609 : vector<1x16xf32> to vector<16xf32>
      %mul3A_611 = arith.constant 27.7128124 : f32
      %mul3A_612 = vector.broadcast %mul3A_611 : f32 to vector<16xf32>
      %mul3A_613 = arith.mulf %get3A_610, %mul3A_612 : vector<16xf32>
      %swap3A_614 = arith.index_cast %scan3A_164 : i32 to index
      %swap3A_615 = arith.constant 592 : index
      %swap3A_616 = tpu.vector_load %arg9[%swap3A_614, %swap3A_615] {strides = array<i32>} : memref<32x768xf32, #tpu.memory_space<vmem>>, vector<1x16xf32>,
      %swap3A_617 = vector.shape_cast %swap3A_616 : vector<1x16xf32> to vector<16xf32>
      %swap3A_618 = vector.shape_cast %mul3A_613 : vector<16xf32> to vector<1x16xf32>
      tpu.vector_store %arg9[%swap3A_614, %swap3A_615], %swap3A_618 {strides = array<i32>} : memref<32x768xf32, #tpu.memory_space<vmem>>, vector<1x16xf32>,
      %get3A_619 = arith.index_cast %scan3A_164 : i32 to index
      %get3A_620 = arith.constant 608 : index
      %get3A_621 = tpu.vector_load %arg7[%get3A_619, %get3A_620] {strides = array<i32>} : memref<32x768xf32, #tpu.memory_space<vmem>>, vector<1x16xf32>,
      %get3A_622 = vector.shape_cast %get3A_621 : vector<1x16xf32> to vector<16xf32>
      %mul3A_623 = arith.constant 27.7128124 : f32
      %mul3A_624 = vector.broadcast %mul3A_623 : f32 to vector<16xf32>
      %mul3A_625 = arith.mulf %get3A_622, %mul3A_624 : vector<16xf32>
      %swap3A_626 = arith.index_cast %scan3A_164 : i32 to index
      %swap3A_627 = arith.constant 608 : index
      %swap3A_628 = tpu.vector_load %arg9[%swap3A_626, %swap3A_627] {strides = array<i32>} : memref<32x768xf32, #tpu.memory_space<vmem>>, vector<1x16xf32>,
      %swap3A_629 = vector.shape_cast %swap3A_628 : vector<1x16xf32> to vector<16xf32>
      %swap3A_630 = vector.shape_cast %mul3A_625 : vector<16xf32> to vector<1x16xf32>
      tpu.vector_store %arg9[%swap3A_626, %swap3A_627], %swap3A_630 {strides = array<i32>} : memref<32x768xf32, #tpu.memory_space<vmem>>, vector<1x16xf32>,
      %get3A_631 = arith.index_cast %scan3A_164 : i32 to index
      %get3A_632 = arith.constant 624 : index
      %get3A_633 = tpu.vector_load %arg7[%get3A_631, %get3A_632] {strides = array<i32>} : memref<32x768xf32, #tpu.memory_space<vmem>>, vector<1x16xf32>,
      %get3A_634 = vector.shape_cast %get3A_633 : vector<1x16xf32> to vector<16xf32>
      %mul3A_635 = arith.constant 27.7128124 : f32
      %mul3A_636 = vector.broadcast %mul3A_635 : f32 to vector<16xf32>
      %mul3A_637 = arith.mulf %get3A_634, %mul3A_636 : vector<16xf32>
      %swap3A_638 = arith.index_cast %scan3A_164 : i32 to index
      %swap3A_639 = arith.constant 624 : index
      %swap3A_640 = tpu.vector_load %arg9[%swap3A_638, %swap3A_639] {strides = array<i32>} : memref<32x768xf32, #tpu.memory_space<vmem>>, vector<1x16xf32>,
      %swap3A_641 = vector.shape_cast %swap3A_640 : vector<1x16xf32> to vector<16xf32>
      %swap3A_642 = vector.shape_cast %mul3A_637 : vector<16xf32> to vector<1x16xf32>
      tpu.vector_store %arg9[%swap3A_638, %swap3A_639], %swap3A_642 {strides = array<i32>} : memref<32x768xf32, #tpu.memory_space<vmem>>, vector<1x16xf32>,
      %get3A_643 = arith.index_cast %scan3A_164 : i32 to index
      %get3A_644 = arith.constant 640 : index
      %get3A_645 = tpu.vector_load %arg7[%get3A_643, %get3A_644] {strides = array<i32>} : memref<32x768xf32, #tpu.memory_space<vmem>>, vector<1x16xf32>,
      %get3A_646 = vector.shape_cast %get3A_645 : vector<1x16xf32> to vector<16xf32>
      %mul3A_647 = arith.constant 27.7128124 : f32
      %mul3A_648 = vector.broadcast %mul3A_647 : f32 to vector<16xf32>
      %mul3A_649 = arith.mulf %get3A_646, %mul3A_648 : vector<16xf32>
      %swap3A_650 = arith.index_cast %scan3A_164 : i32 to index
      %swap3A_651 = arith.constant 640 : index
      %swap3A_652 = tpu.vector_load %arg9[%swap3A_650, %swap3A_651] {strides = array<i32>} : memref<32x768xf32, #tpu.memory_space<vmem>>, vector<1x16xf32>,
      %swap3A_653 = vector.shape_cast %swap3A_652 : vector<1x16xf32> to vector<16xf32>
      %swap3A_654 = vector.shape_cast %mul3A_649 : vector<16xf32> to vector<1x16xf32>
      tpu.vector_store %arg9[%swap3A_650, %swap3A_651], %swap3A_654 {strides = array<i32>} : memref<32x768xf32, #tpu.memory_space<vmem>>, vector<1x16xf32>,
      %get3A_655 = arith.index_cast %scan3A_164 : i32 to index
      %get3A_656 = arith.constant 656 : index
      %get3A_657 = tpu.vector_load %arg7[%get3A_655, %get3A_656] {strides = array<i32>} : memref<32x768xf32, #tpu.memory_space<vmem>>, vector<1x16xf32>,
      %get3A_658 = vector.shape_cast %get3A_657 : vector<1x16xf32> to vector<16xf32>
      %mul3A_659 = arith.constant 27.7128124 : f32
      %mul3A_660 = vector.broadcast %mul3A_659 : f32 to vector<16xf32>
      %mul3A_661 = arith.mulf %get3A_658, %mul3A_660 : vector<16xf32>
      %swap3A_662 = arith.index_cast %scan3A_164 : i32 to index
      %swap3A_663 = arith.constant 656 : index
      %swap3A_664 = tpu.vector_load %arg9[%swap3A_662, %swap3A_663] {strides = array<i32>} : memref<32x768xf32, #tpu.memory_space<vmem>>, vector<1x16xf32>,
      %swap3A_665 = vector.shape_cast %swap3A_664 : vector<1x16xf32> to vector<16xf32>
      %swap3A_666 = vector.shape_cast %mul3A_661 : vector<16xf32> to vector<1x16xf32>
      tpu.vector_store %arg9[%swap3A_662, %swap3A_663], %swap3A_666 {strides = array<i32>} : memref<32x768xf32, #tpu.memory_space<vmem>>, vector<1x16xf32>,
      %get3A_667 = arith.index_cast %scan3A_164 : i32 to index
      %get3A_668 = arith.constant 672 : index
      %get3A_669 = tpu.vector_load %arg7[%get3A_667, %get3A_668] {strides = array<i32>} : memref<32x768xf32, #tpu.memory_space<vmem>>, vector<1x16xf32>,
      %get3A_670 = vector.shape_cast %get3A_669 : vector<1x16xf32> to vector<16xf32>
      %mul3A_671 = arith.constant 27.7128124 : f32
      %mul3A_672 = vector.broadcast %mul3A_671 : f32 to vector<16xf32>
      %mul3A_673 = arith.mulf %get3A_670, %mul3A_672 : vector<16xf32>
      %swap3A_674 = arith.index_cast %scan3A_164 : i32 to index
      %swap3A_675 = arith.constant 672 : index
      %swap3A_676 = tpu.vector_load %arg9[%swap3A_674, %swap3A_675] {strides = array<i32>} : memref<32x768xf32, #tpu.memory_space<vmem>>, vector<1x16xf32>,
      %swap3A_677 = vector.shape_cast %swap3A_676 : vector<1x16xf32> to vector<16xf32>
      %swap3A_678 = vector.shape_cast %mul3A_673 : vector<16xf32> to vector<1x16xf32>
      tpu.vector_store %arg9[%swap3A_674, %swap3A_675], %swap3A_678 {strides = array<i32>} : memref<32x768xf32, #tpu.memory_space<vmem>>, vector<1x16xf32>,
      %get3A_679 = arith.index_cast %scan3A_164 : i32 to index
      %get3A_680 = arith.constant 688 : index
      %get3A_681 = tpu.vector_load %arg7[%get3A_679, %get3A_680] {strides = array<i32>} : memref<32x768xf32, #tpu.memory_space<vmem>>, vector<1x16xf32>,
      %get3A_682 = vector.shape_cast %get3A_681 : vector<1x16xf32> to vector<16xf32>
      %mul3A_683 = arith.constant 27.7128124 : f32
      %mul3A_684 = vector.broadcast %mul3A_683 : f32 to vector<16xf32>
      %mul3A_685 = arith.mulf %get3A_682, %mul3A_684 : vector<16xf32>
      %swap3A_686 = arith.index_cast %scan3A_164 : i32 to index
      %swap3A_687 = arith.constant 688 : index
      %swap3A_688 = tpu.vector_load %arg9[%swap3A_686, %swap3A_687] {strides = array<i32>} : memref<32x768xf32, #tpu.memory_space<vmem>>, vector<1x16xf32>,
      %swap3A_689 = vector.shape_cast %swap3A_688 : vector<1x16xf32> to vector<16xf32>
      %swap3A_690 = vector.shape_cast %mul3A_685 : vector<16xf32> to vector<1x16xf32>
      tpu.vector_store %arg9[%swap3A_686, %swap3A_687], %swap3A_690 {strides = array<i32>} : memref<32x768xf32, #tpu.memory_space<vmem>>, vector<1x16xf32>,
      %get3A_691 = arith.index_cast %scan3A_164 : i32 to index
      %get3A_692 = arith.constant 704 : index
      %get3A_693 = tpu.vector_load %arg7[%get3A_691, %get3A_692] {strides = array<i32>} : memref<32x768xf32, #tpu.memory_space<vmem>>, vector<1x16xf32>,
      %get3A_694 = vector.shape_cast %get3A_693 : vector<1x16xf32> to vector<16xf32>
      %mul3A_695 = arith.constant 27.7128124 : f32
      %mul3A_696 = vector.broadcast %mul3A_695 : f32 to vector<16xf32>
      %mul3A_697 = arith.mulf %get3A_694, %mul3A_696 : vector<16xf32>
      %swap3A_698 = arith.index_cast %scan3A_164 : i32 to index
      %swap3A_699 = arith.constant 704 : index
      %swap3A_700 = tpu.vector_load %arg9[%swap3A_698, %swap3A_699] {strides = array<i32>} : memref<32x768xf32, #tpu.memory_space<vmem>>, vector<1x16xf32>,
      %swap3A_701 = vector.shape_cast %swap3A_700 : vector<1x16xf32> to vector<16xf32>
      %swap3A_702 = vector.shape_cast %mul3A_697 : vector<16xf32> to vector<1x16xf32>
      tpu.vector_store %arg9[%swap3A_698, %swap3A_699], %swap3A_702 {strides = array<i32>} : memref<32x768xf32, #tpu.memory_space<vmem>>, vector<1x16xf32>,
      %get3A_703 = arith.index_cast %scan3A_164 : i32 to index
      %get3A_704 = arith.constant 720 : index
      %get3A_705 = tpu.vector_load %arg7[%get3A_703, %get3A_704] {strides = array<i32>} : memref<32x768xf32, #tpu.memory_space<vmem>>, vector<1x16xf32>,
      %get3A_706 = vector.shape_cast %get3A_705 : vector<1x16xf32> to vector<16xf32>
      %mul3A_707 = arith.constant 27.7128124 : f32
      %mul3A_708 = vector.broadcast %mul3A_707 : f32 to vector<16xf32>
      %mul3A_709 = arith.mulf %get3A_706, %mul3A_708 : vector<16xf32>
      %swap3A_710 = arith.index_cast %scan3A_164 : i32 to index
      %swap3A_711 = arith.constant 720 : index
      %swap3A_712 = tpu.vector_load %arg9[%swap3A_710, %swap3A_711] {strides = array<i32>} : memref<32x768xf32, #tpu.memory_space<vmem>>, vector<1x16xf32>,
      %swap3A_713 = vector.shape_cast %swap3A_712 : vector<1x16xf32> to vector<16xf32>
      %swap3A_714 = vector.shape_cast %mul3A_709 : vector<16xf32> to vector<1x16xf32>
      tpu.vector_store %arg9[%swap3A_710, %swap3A_711], %swap3A_714 {strides = array<i32>} : memref<32x768xf32, #tpu.memory_space<vmem>>, vector<1x16xf32>,
      %get3A_715 = arith.index_cast %scan3A_164 : i32 to index
      %get3A_716 = arith.constant 736 : index
      %get3A_717 = tpu.vector_load %arg7[%get3A_715, %get3A_716] {strides = array<i32>} : memref<32x768xf32, #tpu.memory_space<vmem>>, vector<1x16xf32>,
      %get3A_718 = vector.shape_cast %get3A_717 : vector<1x16xf32> to vector<16xf32>
      %mul3A_719 = arith.constant 27.7128124 : f32
      %mul3A_720 = vector.broadcast %mul3A_719 : f32 to vector<16xf32>
      %mul3A_721 = arith.mulf %get3A_718, %mul3A_720 : vector<16xf32>
      %swap3A_722 = arith.index_cast %scan3A_164 : i32 to index
      %swap3A_723 = arith.constant 736 : index
      %swap3A_724 = tpu.vector_load %arg9[%swap3A_722, %swap3A_723] {strides = array<i32>} : memref<32x768xf32, #tpu.memory_space<vmem>>, vector<1x16xf32>,
      %swap3A_725 = vector.shape_cast %swap3A_724 : vector<1x16xf32> to vector<16xf32>
      %swap3A_726 = vector.shape_cast %mul3A_721 : vector<16xf32> to vector<1x16xf32>
      tpu.vector_store %arg9[%swap3A_722, %swap3A_723], %swap3A_726 {strides = array<i32>} : memref<32x768xf32, #tpu.memory_space<vmem>>, vector<1x16xf32>,
      %get3A_727 = arith.index_cast %scan3A_164 : i32 to index
      %get3A_728 = arith.constant 752 : index
      %get3A_729 = tpu.vector_load %arg7[%get3A_727, %get3A_728] {strides = array<i32>} : memref<32x768xf32, #tpu.memory_space<vmem>>, vector<1x16xf32>,
      %get3A_730 = vector.shape_cast %get3A_729 : vector<1x16xf32> to vector<16xf32>
      %mul3A_731 = arith.constant 27.7128124 : f32
      %mul3A_732 = vector.broadcast %mul3A_731 : f32 to vector<16xf32>
      %mul3A_733 = arith.mulf %get3A_730, %mul3A_732 : vector<16xf32>
      %swap3A_734 = arith.index_cast %scan3A_164 : i32 to index
      %swap3A_735 = arith.constant 752 : index
      %swap3A_736 = tpu.vector_load %arg9[%swap3A_734, %swap3A_735] {strides = array<i32>} : memref<32x768xf32, #tpu.memory_space<vmem>>, vector<1x16xf32>,
      %swap3A_737 = vector.shape_cast %swap3A_736 : vector<1x16xf32> to vector<16xf32>
      %swap3A_738 = vector.shape_cast %mul3A_733 : vector<16xf32> to vector<1x16xf32>
      tpu.vector_store %arg9[%swap3A_734, %swap3A_735], %swap3A_738 {strides = array<i32>} : memref<32x768xf32, #tpu.memory_space<vmem>>, vector<1x16xf32>,
    }
    %scan3A_139 = arith.constant 32 : i32
    %add3A_140 = arith.constant 992 : i32
    %add3A_141 = arith.addi %mul3A_32, %add3A_140 : i32
    %dma_start3A_142 = arith.constant 0 : i32
    %dma_start3A_143 = tpu.memref_slice %arg4[%select_n3A, %add3A_141, %dma_start3A_142] : memref<4x8192x768xf32, #tpu.memory_space<hbm>> -> memref<1x32x768xf32, #tpu.memory_space<hbm>>
    %dma_start3A_144 = tpu.memref_squeeze %dma_start3A_143 : memref<1x32x768xf32, #tpu.memory_space<hbm>> -> memref<32x768xf32, #tpu.memory_space<hbm>>
    %dma_start3A_145 = arith.constant 0 : i32
    %dma_start3A_146 = tpu.memref_slice %arg4[%select_n3A, %add3A_141, %dma_start3A_145] : memref<4x8192x768xf32, #tpu.memory_space<hbm>> -> memref<1x32x768xf32, #tpu.memory_space<hbm>>
    %dma_start3A_147 = tpu.memref_squeeze %dma_start3A_146 : memref<1x32x768xf32, #tpu.memory_space<hbm>> -> memref<32x768xf32, #tpu.memory_space<hbm>>
    tpu.enqueue_dma source(%arg9 : memref<32x768xf32, #tpu.memory_space<vmem>>) target(%dma_start3A_147 : memref<32x768xf32, #tpu.memory_space<hbm>>) target_semaphore(%arg13 : memref<!tpu.dma_semaphore, #tpu.memory_space<semaphore_mem>>)
    %add3A_148 = arith.constant 960 : i32
    %add3A_149 = arith.addi %mul3A_32, %add3A_148 : i32
    %dma_wait3A_150 = arith.constant 0 : i32
    %dma_wait3A_151 = tpu.memref_slice %arg4[%select_n3A, %add3A_149, %dma_wait3A_150] : memref<4x8192x768xf32, #tpu.memory_space<hbm>> -> memref<1x32x768xf32, #tpu.memory_space<hbm>>
    %dma_wait3A_152 = tpu.memref_squeeze %dma_wait3A_151 : memref<1x32x768xf32, #tpu.memory_space<hbm>> -> memref<32x768xf32, #tpu.memory_space<hbm>>
    %dma_wait3A_153 = arith.constant 0 : i32
    %dma_wait3A_154 = tpu.memref_slice %arg4[%select_n3A, %add3A_149, %dma_wait3A_153] : memref<4x8192x768xf32, #tpu.memory_space<hbm>> -> memref<1x32x768xf32, #tpu.memory_space<hbm>>
    %dma_wait3A_155 = tpu.memref_squeeze %dma_wait3A_154 : memref<1x32x768xf32, #tpu.memory_space<hbm>> -> memref<32x768xf32, #tpu.memory_space<hbm>>
    tpu.wait_dma2 semaphore(%arg12 : memref<!tpu.dma_semaphore, #tpu.memory_space<semaphore_mem>>) src(%arg8 : memref<32x768xf32, #tpu.memory_space<vmem>>) dst(%dma_wait3A_155 : memref<32x768xf32, #tpu.memory_space<hbm>>)
    %add3A_156 = arith.constant 992 : i32
    %add3A_157 = arith.addi %mul3A_32, %add3A_156 : i32
    %dma_wait3A_158 = arith.constant 0 : i32
    %dma_wait3A_159 = tpu.memref_slice %arg4[%select_n3A, %add3A_157, %dma_wait3A_158] : memref<4x8192x768xf32, #tpu.memory_space<hbm>> -> memref<1x32x768xf32, #tpu.memory_space<hbm>>
    %dma_wait3A_160 = tpu.memref_squeeze %dma_wait3A_159 : memref<1x32x768xf32, #tpu.memory_space<hbm>> -> memref<32x768xf32, #tpu.memory_space<hbm>>
    %dma_wait3A_161 = arith.constant 0 : i32
    %dma_wait3A_162 = tpu.memref_slice %arg4[%select_n3A, %add3A_157, %dma_wait3A_161] : memref<4x8192x768xf32, #tpu.memory_space<hbm>> -> memref<1x32x768xf32, #tpu.memory_space<hbm>>
    %dma_wait3A_163 = tpu.memref_squeeze %dma_wait3A_162 : memref<1x32x768xf32, #tpu.memory_space<hbm>> -> memref<32x768xf32, #tpu.memory_space<hbm>>
    tpu.wait_dma2 semaphore(%arg13 : memref<!tpu.dma_semaphore, #tpu.memory_space<semaphore_mem>>) src(%arg9 : memref<32x768xf32, #tpu.memory_space<vmem>>) dst(%dma_wait3A_163 : memref<32x768xf32, #tpu.memory_space<hbm>>)
    return
  }
}

</mosaic_0001>

<sc_bundles>
// kernel: kernel.3.cloned.1.call-start
scs
__scs_entry_jumppad:
0x0: {  	(pc) =	sbr.rel $0x88, $3  }
0x1: {  	(tag) =	ssettag $0x0;
	lr =	simm.s32 $0x1  }
0x2: {  	[smem:$0x3F9F] =	sst lr;
	_ =	strace $0xD0000000  }
0x3: {  	_ = 	snop  }
0x4: {  	_ = 	snop  }
0x5: {  	_ = 	snop  }
0x6: {  	_ = 	snop  }
0x7: {  	_ = 	snop  }
__scs_overlays_trampoline_lowered:
0x8: {  	[smem:$0x3FAE] =	sst s0  }
0x9: {  	[smem:$0x3FAF] =	sst s1  }
0xa: {  	[smem:$0x3FB0] =	sst s2  }
0xb: {  	[smem:$0x3FB1] =	sst s3  }
0xc: {  	[smem:$0x3FB2] =	sst s4  }
0xd: {  	[smem:$0x3FB3] =	sst s5  }
0xe: {  	[smem:$0x3FB4] =	sst s6  }
0xf: {  	[smem:$0x3FB5] =	sst s7  }
0x10: {  	[smem:$0x3FB6] =	sst s8  }
0x11: {  	[smem:$0x3FB7] =	sst s9;
	s0 =	simm.s32 @!p0 $0x0  }
0x12: {  	s1 =	sld [smem:$0x3F9D];
	s0 =	simm.s32 @p0 $0x1  }
0x13: {  	[smem:$0x3FB8] =	sst s0;
	s0 =	simm.s32 @!p1 $0x0  }
0x14: {  	s2 =	sld [smem:$0x3F9C];
	s0 =	simm.s32 @p1 $0x1  }
0x15: {  	[smem:$0x3FB9] =	sst s0;
	s0 =	simm.s32 @!p2 $0x0  }
0x16: {  	s3 =	sld [smem:$0x3FDB];
	s0 =	simm.s32 @p2 $0x1  }
0x17: {  	s4 =	simm.s32 $0x1BF5;
	[smem:$0x3FBB] =	sst s0  }
0x18: {  	s0 =	sld [smem:$0x3F9E];
	_ =	swait.ge [sflag:s4], $0x0  }
0x19: {  	s7 =	sld [smem:$0x3F9F]  }
0x1a: {  	s8 =	sadd.s32 $0xFFFFE003, lr  }
0x1b: {  	s9 =	sadd.s32 $0xFFFFFEF7, lr;
	s5 =	simm.s32 $0xFFFFFFFF;
	p2 =	slt.u32 s8, $0xFFFFF086  }
0x1c: {  	p1 =	slt.u32 s9, $0xF7A;
	s5 =	simm.s32 @!p2 $0x0  }
0x1d: {  	s5 =	simm.s32 @p1 $0x1;
	p0 =	seq.s32 s7, s2  }
0x1e: {  	s7 =	smul.u32 @!p0 $0xF7A, s2;
	p2 =	seq.s32 @!p0 s5, $0x0  }
0x1f: {  	s9 =	smul.u32 $0xF7A, s1;
	s8 =	simm.s32 @!p0 $0x1BF5;
	p2 =	por !p2, p0  }
0x20: {  	[sflag:s8] =	ssyncset.s32 @!p0 $0xFFFFF086;
	s6 =	sadd.s32 @!p0 s3, s7;
	s7 =	simm.s32 @!p0 $0x108  }
0x21: {  	s3 =	sadd.s32 s3, s9;
	s6 =	sadd.s32 @!p0 $0x88, s6;
	s7 =	simm.s32 @p2 $0x1082  }
0x22: {  	[simem:s7], [sflag:s8] =	dma.local @!p0 [hbm:s6], $0xF7A  }
0x23: {  	s9 =	sor.u32 $0xD0000000, s2;
	s6 =	simm.s32 $0x108;
	_ =	swait.ge @!p0 [sflag:s8], $0x0  }
0x24: {  	s3 =	sadd.s32 $0x88, s3;
	s6 =	simm.s32 @!p1 $0x1082;
	[sflag:s4] =	ssyncset.s32 $0xFFFFF086  }
0x25: {  	[simem:s6], [sflag:s4] =	dma.local [hbm:s3], $0xF7A  }
0x26: {  	[smem:$0x3F9F] =	sst s1;
	(tag) =	ssettag s2;
	_ =	strace s9  }
0x27: {  	s1 =	sld [smem:$0x3FAF]  }
0x28: {  	s2 =	sld [smem:$0x3FB0]  }
0x29: {  	s4 =	sld [smem:$0x3FB2]  }
0x2a: {  	p0 =	seq.s32 s5, $0x0;
	s5 =	sld [smem:$0x3FB3]  }
0x2b: {  	s6 =	sld [smem:$0x3FB4]  }
0x2c: {  	s7 =	sld [smem:$0x3FB5]  }
0x2d: {  	s3 =	simm.s32 $0x108;
	s8 =	sld [smem:$0x3FB6]  }
0x2e: {  	s3 =	simm.s32 @!p0 $0x1082;
	s9 =	sld [smem:$0x3FB7]  }
0x2f: {  	lr =	sadd.s32 s0, s3;
	s0 =	sld [smem:$0x3FAE]  }
0x30: {  	s3 =	sld [smem:$0x3FB1]  }
0x31: {  	[smem:$0x3FBA] =	sst s10  }
0x32: {  	s10 =	sld [smem:$0x3FB8];
	_ =	sdelay $0x3  }
0x33: {  	p0 =	seq.s32 s10, $0x1;
	s10 =	sld [smem:$0x3FBA];
	_ =	sdelay $0x3  }
0x34: {  	[smem:$0x3FBA] =	sst s10  }
0x35: {  	s10 =	sld [smem:$0x3FB9];
	_ =	sdelay $0x3  }
0x36: {  	p1 =	seq.s32 s10, $0x1;
	s10 =	sld [smem:$0x3FBA];
	_ =	sdelay $0x3  }
0x37: {  	[smem:$0x3FBA] =	sst s10  }
0x38: {  	s10 =	sld [smem:$0x3FBB]  }
0x39: {  	_ = 	snop;
	(pc) =	sbr.ind lr, $3  }
0x3a: {  	_ = 	snop  }
0x3b: {  	_ = 	snop  }
0x3c: {  	p2 =	seq.s32 s10, $0x1;
	s10 =	sld [smem:$0x3FBA]  }
0x3d: {  	_ =	shalt  }
0x3e: {  	_ =	shalt  }
0x3f: {  	_ =	shalt  }
0x40: {  	_ =	shalt  }
0x41: {  	_ =	shalt  }
0x42: {  	_ =	shalt  }
0x43: {  	_ =	shalt  }
0x44: {  	_ =	shalt  }
0x45: {  	_ =	shalt  }
0x46: {  	_ =	shalt  }
0x47: {  	_ =	shalt  }
0x48: {  	_ =	shalt  }
0x49: {  	_ =	shalt  }
0x4a: {  	_ =	shalt  }
0x4b: {  	_ =	shalt  }
0x4c: {  	_ =	shalt  }
0x4d: {  	_ =	shalt  }
0x4e: {  	_ =	shalt  }
0x4f: {  	_ =	shalt  }
0x50: {  	_ =	shalt  }
0x51: {  	_ =	shalt  }
0x52: {  	_ =	shalt  }
0x53: {  	_ =	shalt  }
0x54: {  	_ =	shalt  }
0x55: {  	_ =	shalt  }
0x56: {  	_ =	shalt  }
0x57: {  	_ =	shalt  }
0x58: {  	_ =	shalt  }
0x59: {  	_ =	shalt  }
0x5a: {  	_ =	shalt  }
0x5b: {  	_ =	shalt  }
0x5c: {  	_ =	shalt  }
0x5d: {  	_ =	shalt  }
0x5e: {  	_ =	shalt  }
0x5f: {  	_ =	shalt  }
0x60: {  	_ =	shalt  }
0x61: {  	_ =	shalt  }
0x62: {  	_ =	shalt  }
0x63: {  	_ =	shalt  }
0x64: {  	_ =	shalt  }
0x65: {  	_ =	shalt  }
0x66: {  	_ =	shalt  }
0x67: {  	_ =	shalt  }
0x68: {  	_ =	shalt  }
0x69: {  	_ =	shalt  }
0x6a: {  	_ =	shalt  }
0x6b: {  	_ =	shalt  }
0x6c: {  	_ =	shalt  }
0x6d: {  	_ =	shalt  }
0x6e: {  	_ =	shalt  }
0x6f: {  	_ =	shalt  }
0x70: {  	_ =	shalt  }
0x71: {  	_ =	shalt  }
0x72: {  	_ =	shalt  }
0x73: {  	_ =	shalt  }
0x74: {  	_ =	shalt  }
0x75: {  	_ =	shalt  }
0x76: {  	_ =	shalt  }
0x77: {  	_ =	shalt  }
0x78: {  	_ =	shalt  }
0x79: {  	_ =	shalt  }
0x7a: {  	_ =	shalt  }
0x7b: {  	_ =	shalt  }
0x7c: {  	_ =	shalt  }
0x7d: {  	_ =	shalt  }
0x7e: {  	_ =	shalt  }
0x7f: {  	_ =	shalt  }
0x80: {  	_ =	shalt  }
0x81: {  	_ =	shalt  }
0x82: {  	_ =	shalt  }
0x83: {  	_ =	shalt  }
0x84: {  	_ =	shalt  }
0x85: {  	_ =	shalt  }
0x86: {  	_ =	shalt  }
0x87: {  	_ =	shalt  }
.Lfunc_end0:
.L_simem_size_0:
called_computation_lowered:
.L_overlay_start_0:
0x88: {  	s2 =	sld [smem:$0x3FD9]  }
0x89: {  	s3 =	sld [smem:$0x3FFE];
	_ =	sdelay $0x1  }
0x8a: {  	s1 =	srdreg.scid  }
0x8b: {  	s0 =	sand.u32 $0x1, s1  }
0x8c: {  	s18 =	sshll.u32 s0, $0xA;
	s2 =	sadd.s32 s3, s2  }
0x8d: {  	s2 =	sadd.s32 s2, s18  }
0x8e: {  	[smem:$0x3FC6] =	sst s2  }
0x8f: {  	_ = 	snop  }
0x90: {  	s2 =	sld [smem:$0x3FC9]  }
0x91: {  	s19 =	sld [smem:$0x3FC8]  }
0x92: {  	s4 =	sld [smem:$0x3FD0];
	(tm) =	ssettm $0x1  }
0x93: {  	s5 =	sld [smem:$0x3FFB];
	_ =	sdelay $0x3  }
0x94: {  	_ =	strace s5  }
0x95: {  	s5 =	sld [smem:$0x3FFC];
	_ =	sdelay $0x3  }
0x96: {  	_ =	strace s5  }
0x97: {  	s5 =	sld [smem:$0x3FFD];
	_ =	sdelay $0x3  }
0x98: {  	_ =	strace s5  }
0x99: {  	_ =	strace $0x8FFFFFFF  }
0x9a: {  	s20 =	sld [smem:$0x3FDB];
	_ =	sdelay $0x1  }
0x9b: {  	s6 =	simm.s32 $_scs_section_size  }
0x9c: {  	s7 =	simm.s32 $_size__tile_overlayer_lowered;
	s8 =	simm.s32 $_tile_overlayer_lowered  }
0x9d: {  	s23 =	simm.s32 $0x1BFF;
	s22 =	sshll.u32 s8, $0x1;
	s5 =	sadd.s32 s6, s20  }
0x9e: {  	s9 =	simm.s32 $0x0;
	s21 =	sshll.u32 s7, $0x1;
	s7 =	sadd.s32 s22, s5  }
0x9f: {  	[timem:s9], [sflag:s23] =	dma.local [hbm:s7], s21  }
0xa0: {  	_ =	swait.ge [sflag:s23], s21  }
0xa1: {  	s6 =	ssub.s32 $0x0, s21;
	[sflag:s23] =	ssyncset.done $0x0  }
0xa2: {  	[sflag:s23] =	ssyncadd.s32 s6;
	_ =	sdelay $0x1  }
0xa3: {  	s24 =	simm.s32 $0x1B8B  }
0xa4: {  	_ =	swait.ge [sflag:s24], $0x1  }
0xa5: {  	[sflag:s24] =	ssyncset.done $0x0  }
0xa6: {  	s25 =	simm.s32 $0x1B8E;
	[sflag:s24] =	ssyncadd.s32 $0xFFFFFFFF  }
0xa7: {  	s26 =	simm.s32 $execute0_lowered;
	[smem:$0x3FD2] =	sst s25  }
0xa8: {  	s6 =	sshll.u32 s26, $0x1;
	_ =	strace $0x80000046;
	[dreg:$0x1] =	wrdreg $0xFFFFFFFF  }
0xa9: {  	s28 =	simm.s32 $_size_execute0_lowered;
	s5 =	sadd.s32 s5, s6;
	[dreg:$0x0] =	wrdreg $0x0  }
0xaa: {  	s6 =	sshll.u32 s28, $0x1;
	[dreg:$0x2] =	wrdreg s5  }
0xab: {  	[dreg:$0x3] =	wrdreg s6  }
0xac: {  	[dreg:$0x4] =	wrdreg $0xC0  }
0xad: {  	_ =	task [dreg:s9], $0x5FFFF  }
0xae: {  	[dreg:$0x1] =	wrdreg $0xFFFFFFFF  }
0xaf: {  	[dreg:$0x0] =	wrdreg $0x60  }
0xb0: {  	[dreg:$0x2] =	wrdreg s2  }
0xb1: {  	[dreg:$0x3] =	wrdreg s19  }
0xb2: {  	[dreg:$0x4] =	wrdreg s4  }
0xb3: {  	[dreg:$0x5] =	wrdreg $0x9  }
0xb4: {  	_ =	task.clear_ibuf [dreg:s9], $0x6FFFF;
	_ =	strace $0x90000046  }
0xb5: {  	s29 =	simm.s32 $0x9;
	_ =	strace $0x80000048  }
0xb6: {  	_ =	swait.ge [sflag:s29], $0x1  }
0xb7: {  	[sflag:s29] =	ssyncadd.s32 $0xFFFFFFFF  }
0xb8: {  	_ =	strace $0x90000048  }
0xb9: {  	_ =	sfence  }
0xba: {  	s30 =	sld [smem:$0x0];
	_ =	sdelay $0x2  }
0xbb: {  	s31 =	sshll.u32 s1, $0xD;
	s1 =	sshrl.u32 s1, $0x2  }
0xbc: {  	s3 =	sand.u32 $0x4000, s31;
	s1 =	sadd.s32 s1, s30  }
0xbd: {  	s0 =	sor.u32 s3, s0;
	s1 =	sshll.u32 s1, $0x11  }
0xbe: {  	s0 =	sor.u32 s1, s0  }
0xbf: {  	s0 =	sadd.s32 $0x8F2B, s0  }
0xc0: {  	[sflag:s0] =	ssyncadd.remote.s32 $0x1  }
0xc1: {  	_ =	sfence.sel $0xFFFF  }
0xc2: {  	[dreg:$0x0] =	wrdreg $0xFFFFFFFF;
	(pc) =	sbr.abs _section_cstart, $3  }
0xc3: {  	[dreg:$0x1] =	wrdreg $0xFFFFFFFF  }
0xc4: {  	_ =	task.clear_ibuf [dreg:s9], $0x2FFFF;
	_ =	strace $0x9FFFFFFF  }
0xc5: {  	(tm) =	ssettm $0x7FFFFFFF  }
tec
execute0_lowered:
.L_overlay_start_1:
0x0: {  	(tag) =	ssettag $0x1  }
0x1: {  	s0 =	rddreg [dreg:$0x0]  }
0x2: {  	s2 =	rddreg [dreg:$0x1]  }
0x3: {  	s3 =	rddreg [dreg:$0x2];
	s5 =	stileid.u32  }
0x4: {  	s1 =	srdreg.scid;
	s10 =	simm.s32 $0x8C00;
	s13 =	simm.s32 $0x9400  }
0x5: {  	s14 =	simm.s32 $0x9C00;
	s15 =	simm.s32 $0xA400;
	s18 =	simm.s32 $0xB400  }
0x6: {  	s19 =	simm.s32 $0xBC00;
	s20 =	simm.s32 $0x1;
	s21 =	simm.s32 $0xC400  }
0x7: {  	s22 =	simm.s32 $0x2;
	s23 =	simm.s32 $0x12400;
	s24 =	simm.s32 $0x3  }
0x8: {  	s4 =	sshll.u32 s5, $0x1;
	s1 =	sand.u32 $0x1, s1;
	s6 =	sshrl.u32 s5, $0x2  }
0x9: {  	s25 =	sand.u32 $0x6, s4;
	s4 =	simm.s32 $0x0;
	s5 =	smul.u32 $0x600000, s6  }
0xa: {  	s6 =	sshll.u32 s6, $0x4;
	s7 =	sor.u32 s1, s25;
	[smem:$0x7FF] =	sst s4  }
0xb: {  	s1 =	ssub.s32 $0x2, s1;
	s0 =	sadd.s32 s0, s6;
	s25 =	simm.s32 $0x4  }
0xc: {  	s8 =	smul.u32 $0xC0000, s7;
	_ =	strace $0x80000047;
	s9 =	sshrl.u32 s1, $0x1  }
0xd: {  	s26 =	sshll.u32 s7, $0x9;
	s7 =	sshll.u32 s7, $0xA;
	s1 =	ssub.s32 s1, s9  }
0xe: {  	s0 =	sadd.s32 s26, s0;
	s9 =	sadd.s32 $0x200, s2;
	s8 =	sadd.s32 s5, s8  }
0xf: {  	[dreg:$0x4] =	wrdreg s0;
	s31 =	smax.u32 s1, $0x1;
	s28 =	sshrl.u32 s8, $0x3  }
0x10: {  	s11 =	sor.u32 $0x40, s7;
	[dreg:$0x9] =	wrdreg s31;
	s29 =	sadd.s32 s3, s28  }
0x11: {  	s12 =	sor.u32 $0x60, s7;
	s6 =	sadd.s32 $0xC00, s29;
	[dreg:$0x5] =	wrdreg s29  }
0x12: {  	v2 =	vlaneseq.u32;
	s7 =	simm.s32 $0xAC00;
	s30 =	sadd.s32 $0x16800, s29;
	[dreg:$0x6] =	wrdreg s6  }
0x13: {  	vm0 =	vmmov $0xffff;
	v1 =	vshrl.u32 v2, $0x3;
	s1 =	simm.s32 $0x0;
	s0 =	sadd.s32 $0x17400, s29;
	[dreg:$0x7] =	wrdreg s30  }
0x14: {  	v0 =	vand.u32 $0x7, v2;
	v2 =	vor.u32 $0x8, v2;
	v1 =	vmul.u32 $0x8, v1;
	s8 =	sadd.s32 $0x100, s2;
	[dreg:$0x8] =	wrdreg s0;
	s6 =	simm.s32 $0x8400  }
.LBB2_1:
0x15: {  	[dreg:$0xa] =	wrdreg s1  }
0x16: {  	s0 =	rddreg [dreg:$0x4]  }
0x17: {  	s31 =	simm.s32 $0x80;
	s16 =	simm.s32 $0x200;
	s17 =	simm.s32 $0x5  }
0x18: {  	[tilespmem:s4], [sflag:$0x5] =	stream.strided.gather [hbm4b:s0+s31], $0x400, s16, s31, $0x38;
	[tilespmem:$0x18400] =	vst v63  }
0x19: {  	_ =	swait.ge [sflag:s17], $0x400  }
0x1a: {  	[sflag:s17] =	ssyncset.done $0x0  }
0x1b: {  	[sflag:s17] =	ssyncadd.s32 $0xFFFFFC00  }
0x1c: {  	v3 =	vld [tilespmem:$0x0];
	_ =	sdelay $0x4  }
0x1d: {  	v4 =	vshrl.u32 v3, $0x3  }
0x1e: {  	v4 =	vmul.u32 $0x30, v4  }
0x1f: {  	v3 =	vand.u32 $0x7, v3  }
0x20: {  	v3 =	vor.u32 v3, v4  }
0x21: {  	v4 =	vperm.xlane v3, v0;
	_ =	sdelay $0x1  }
0x22: {  	v4 =	vadd.s32 v1, v4;
	_ =	sdelay $0x3  }
0x23: {  	s26 =	simm.s32 $0x400;
	v3 =	vperm.xlane v3, v2  }
0x24: {  	[tilespmem:s26], [sflag:$0x1] =	stream.indirect_vreg.gather [hbm4b:s2+s4], $0x80, v4, vm0, $0xb8;
	[tilespmem:$0x18400] =	vst v63  }
0x25: {  	s29 =	simm.s32 $0xC00;
	v3 =	vadd.s32 v1, v3  }
0x26: {  	[tilespmem:s29], [sflag:$0x1] =	stream.indirect_vreg.gather [hbm4b:s8+s4], $0x80, v4, vm0, $0xb8;
	[tilespmem:$0x18400] =	vst v63  }
0x27: {  	s30 =	simm.s32 $0x1400  }
0x28: {  	[tilespmem:s30], [sflag:$0x1] =	stream.indirect_vreg.gather [hbm4b:s9+s4], $0x80, v4, vm0, $0xb8;
	[tilespmem:$0x18400] =	vst v63  }
0x29: {  	s31 =	simm.s32 $0x1C00  }
0x2a: {  	[tilespmem:s31], [sflag:$0x1] =	stream.indirect_vreg.gather [hbm4b:s2+s4], $0x80, v3, vm0, $0xb8;
	[tilespmem:$0x18400] =	vst v63  }
0x2b: {  	s1 =	simm.s32 $0x2400  }
0x2c: {  	[tilespmem:s1], [sflag:$0x1] =	stream.indirect_vreg.gather [hbm4b:s8+s4], $0x80, v3, vm0, $0xb8;
	[tilespmem:$0x18400] =	vst v63  }
0x2d: {  	s16 =	simm.s32 $0x2C00  }
0x2e: {  	[tilespmem:s16], [sflag:$0x1] =	stream.indirect_vreg.gather [hbm4b:s9+s4], $0x80, v3, vm0, $0xb8;
	[tilespmem:$0x18400] =	vst v63  }
0x2f: {  	v3 =	vld [tilespmem:$0x10];
	_ =	sdelay $0x4  }
0x30: {  	v4 =	vshrl.u32 v3, $0x3  }
0x31: {  	v4 =	vmul.u32 $0x30, v4  }
0x32: {  	v3 =	vand.u32 $0x7, v3  }
0x33: {  	v3 =	vor.u32 v3, v4  }
0x34: {  	v4 =	vperm.xlane v3, v0;
	_ =	sdelay $0x1  }
0x35: {  	v4 =	vadd.s32 v1, v4;
	_ =	sdelay $0x3  }
0x36: {  	s17 =	simm.s32 $0x3400;
	v3 =	vperm.xlane v3, v2  }
0x37: {  	[tilespmem:s17], [sflag:$0x1] =	stream.indirect_vreg.gather [hbm4b:s2+s4], $0x80, v4, vm0, $0xb8;
	[tilespmem:$0x18400] =	vst v63  }
0x38: {  	s26 =	simm.s32 $0x3C00;
	v3 =	vadd.s32 v1, v3  }
0x39: {  	[tilespmem:s26], [sflag:$0x1] =	stream.indirect_vreg.gather [hbm4b:s8+s4], $0x80, v4, vm0, $0xb8;
	[tilespmem:$0x18400] =	vst v63  }
0x3a: {  	s29 =	simm.s32 $0x4400  }
0x3b: {  	[tilespmem:s29], [sflag:$0x1] =	stream.indirect_vreg.gather [hbm4b:s9+s4], $0x80, v4, vm0, $0xb8;
	[tilespmem:$0x18400] =	vst v63  }
0x3c: {  	s30 =	simm.s32 $0x4C00  }
0x3d: {  	[tilespmem:s30], [sflag:$0x1] =	stream.indirect_vreg.gather [hbm4b:s2+s4], $0x80, v3, vm0, $0xb8;
	[tilespmem:$0x18400] =	vst v63  }
0x3e: {  	s31 =	simm.s32 $0x5400  }
0x3f: {  	[tilespmem:s31], [sflag:$0x1] =	stream.indirect_vreg.gather [hbm4b:s8+s4], $0x80, v3, vm0, $0xb8;
	[tilespmem:$0x18400] =	vst v63  }
0x40: {  	s1 =	simm.s32 $0x5C00  }
0x41: {  	[tilespmem:s1], [sflag:$0x1] =	stream.indirect_vreg.gather [hbm4b:s9+s4], $0x80, v3, vm0, $0xb8;
	[tilespmem:$0x18400] =	vst v63  }
0x42: {  	v3 =	vld [tilespmem:$0x20];
	_ =	sdelay $0x4  }
0x43: {  	v4 =	vshrl.u32 v3, $0x3  }
0x44: {  	v4 =	vmul.u32 $0x30, v4  }
0x45: {  	v3 =	vand.u32 $0x7, v3  }
0x46: {  	v3 =	vor.u32 v3, v4  }
0x47: {  	v4 =	vperm.xlane v3, v0;
	_ =	sdelay $0x1  }
0x48: {  	v4 =	vadd.s32 v1, v4;
	_ =	sdelay $0x3  }
0x49: {  	s16 =	simm.s32 $0x6400;
	v3 =	vperm.xlane v3, v2  }
0x4a: {  	[tilespmem:s16], [sflag:$0x2] =	stream.indirect_vreg.gather [hbm4b:s2+s4], $0x80, v4, vm0, $0xb8;
	[tilespmem:$0x18400] =	vst v63  }
0x4b: {  	s17 =	simm.s32 $0x6C00;
	v3 =	vadd.s32 v1, v3  }
0x4c: {  	[tilespmem:s17], [sflag:$0x2] =	stream.indirect_vreg.gather [hbm4b:s8+s4], $0x80, v4, vm0, $0xb8;
	[tilespmem:$0x18400] =	vst v63  }
0x4d: {  	s26 =	simm.s32 $0x7400  }
0x4e: {  	[tilespmem:s26], [sflag:$0x2] =	stream.indirect_vreg.gather [hbm4b:s9+s4], $0x80, v4, vm0, $0xb8;
	[tilespmem:$0x18400] =	vst v63  }
0x4f: {  	s29 =	simm.s32 $0x7C00  }
0x50: {  	[tilespmem:s29], [sflag:$0x2] =	stream.indirect_vreg.gather [hbm4b:s2+s4], $0x80, v3, vm0, $0xb8;
	[tilespmem:$0x18400] =	vst v63  }
0x51: {  	_ = 	snop  }
0x52: {  	[tilespmem:s6], [sflag:$0x2] =	stream.indirect_vreg.gather [hbm4b:s8+s4], $0x80, v3, vm0, $0xb8;
	[tilespmem:$0x18400] =	vst v63  }
0x53: {  	_ = 	snop  }
0x54: {  	[tilespmem:s10], [sflag:$0x2] =	stream.indirect_vreg.gather [hbm4b:s9+s4], $0x80, v3, vm0, $0xb8;
	[tilespmem:$0x18400] =	vst v63  }
0x55: {  	v3 =	vld [tilespmem:$0x30];
	_ =	sdelay $0x4  }
0x56: {  	v4 =	vshrl.u32 v3, $0x3  }
0x57: {  	v4 =	vmul.u32 $0x30, v4  }
0x58: {  	v3 =	vand.u32 $0x7, v3  }
0x59: {  	v3 =	vor.u32 v3, v4  }
0x5a: {  	v4 =	vperm.xlane v3, v0;
	_ =	sdelay $0x1  }
0x5b: {  	v4 =	vadd.s32 v1, v4;
	_ =	sdelay $0x3  }
0x5c: {  	v3 =	vperm.xlane v3, v2  }
0x5d: {  	[tilespmem:s13], [sflag:$0x2] =	stream.indirect_vreg.gather [hbm4b:s2+s4], $0x80, v4, vm0, $0xb8;
	[tilespmem:$0x18400] =	vst v63  }
0x5e: {  	v3 =	vadd.s32 v1, v3  }
0x5f: {  	[tilespmem:s14], [sflag:$0x2] =	stream.indirect_vreg.gather [hbm4b:s8+s4], $0x80, v4, vm0, $0xb8;
	[tilespmem:$0x18400] =	vst v63  }
0x60: {  	_ = 	snop  }
0x61: {  	[tilespmem:s15], [sflag:$0x2] =	stream.indirect_vreg.gather [hbm4b:s9+s4], $0x80, v4, vm0, $0xb8;
	[tilespmem:$0x18400] =	vst v63  }
0x62: {  	_ = 	snop  }
0x63: {  	[tilespmem:s7], [sflag:$0x2] =	stream.indirect_vreg.gather [hbm4b:s2+s4], $0x80, v3, vm0, $0xb8;
	[tilespmem:$0x18400] =	vst v63  }
0x64: {  	_ = 	snop  }
0x65: {  	[tilespmem:s18], [sflag:$0x2] =	stream.indirect_vreg.gather [hbm4b:s8+s4], $0x80, v3, vm0, $0xb8;
	[tilespmem:$0x18400] =	vst v63  }
0x66: {  	s30 =	simm.s32 $0x0  }
0x67: {  	[tilespmem:s19], [sflag:$0x2] =	stream.indirect_vreg.gather [hbm4b:s9+s4], $0x80, v3, vm0, $0xb8;
	[tilespmem:$0x18400] =	vst v63  }
0x68: {  	s0 =	smul.u32 $0x1800, s30;
	_ =	swait.ge [sflag:s20], $0x6000  }
0x69: {  	s31 =	sand.u32 $0x380, s4;
	[sflag:s20] =	ssyncset.done $0x0  }
0x6a: {  	s26 =	sor.u32 s31, s0;
	[sflag:s20] =	ssyncadd.s32 $0xFFFFA000  }
0x6b: {  	v3 =	vld [tilespmem:s26+$0x1870]  }
0x6c: {  	v4 =	vld [tilespmem:s26+$0x400]  }
0x6d: {  	v5 =	vld [tilespmem:s26+$0x410]  }
0x6e: {  	v6 =	vld [tilespmem:s26+$0x420]  }
0x6f: {  	v7 =	vld [tilespmem:s26+$0x430]  }
0x70: {  	v8 =	vld [tilespmem:s26+$0x440]  }
0x71: {  	v9 =	vld [tilespmem:s26+$0x450];
	v3 =	vmul.f32 $2.771281240e+01, v3  }
0x72: {  	v4 =	vmul.f32 $2.771281240e+01, v4  }
0x73: {  	v10 =	vld [tilespmem:s26+$0x460];
	[tilespmem:s26+$0xD870] =	vst v3;
	v3 =	vmul.f32 $2.771281240e+01, v5  }
0x74: {  	[tilespmem:s26+$0xC400] =	vst v4;
	v4 =	vld [tilespmem:s26+$0x470];
	v5 =	vmul.f32 $2.771281240e+01, v6  }
0x75: {  	v6 =	vmul.f32 $2.771281240e+01, v7;
	[tilespmem:s26+$0xC410] =	vst v3;
	v3 =	vld [tilespmem:s26+$0x800]  }
0x76: {  	v7 =	vmul.f32 $2.771281240e+01, v8;
	v8 =	vmul.f32 $2.771281240e+01, v9;
	[tilespmem:s26+$0xC420] =	vst v5;
	v5 =	vld [tilespmem:s26+$0x810]  }
0x77: {  	[tilespmem:s26+$0xC430] =	vst v6;
	v6 =	vld [tilespmem:s26+$0x820]  }
0x78: {  	v9 =	vmul.f32 $2.771281240e+01, v10;
	[tilespmem:s26+$0xC450] =	vst v8;
	v8 =	vld [tilespmem:s26+$0x840]  }
0x79: {  	[tilespmem:s26+$0xC440] =	vst v7;
	v7 =	vld [tilespmem:s26+$0x830];
	v4 =	vmul.f32 $2.771281240e+01, v4  }
0x7a: {  	[tilespmem:s26+$0xC460] =	vst v9;
	v9 =	vld [tilespmem:s26+$0x850];
	v3 =	vmul.f32 $2.771281240e+01, v3  }
0x7b: {  	[tilespmem:s26+$0xC470] =	vst v4;
	v4 =	vld [tilespmem:s26+$0x860];
	v5 =	vmul.f32 $2.771281240e+01, v5  }
0x7c: {  	v6 =	vmul.f32 $2.771281240e+01, v6;
	[tilespmem:s26+$0xC800] =	vst v3;
	v3 =	vld [tilespmem:s26+$0x870]  }
0x7d: {  	v8 =	vmul.f32 $2.771281240e+01, v8;
	[tilespmem:s26+$0xC810] =	vst v5;
	v5 =	vld [tilespmem:s26+$0xC00]  }
0x7e: {  	v7 =	vmul.f32 $2.771281240e+01, v7;
	[tilespmem:s26+$0xC820] =	vst v6;
	v6 =	vld [tilespmem:s26+$0xC10]  }
0x7f: {  	v9 =	vmul.f32 $2.771281240e+01, v9;
	[tilespmem:s26+$0xC840] =	vst v8;
	v8 =	vld [tilespmem:s26+$0xC30]  }
0x80: {  	[tilespmem:s26+$0xC830] =	vst v7;
	v7 =	vld [tilespmem:s26+$0xC20];
	v4 =	vmul.f32 $2.771281240e+01, v4  }
0x81: {  	[tilespmem:s26+$0xC850] =	vst v9;
	v9 =	vld [tilespmem:s26+$0xC40];
	v3 =	vmul.f32 $2.771281240e+01, v3  }
0x82: {  	[tilespmem:s26+$0xC860] =	vst v4;
	v4 =	vld [tilespmem:s26+$0xC50];
	v5 =	vmul.f32 $2.771281240e+01, v5  }
0x83: {  	v6 =	vmul.f32 $2.771281240e+01, v6;
	[tilespmem:s26+$0xC870] =	vst v3;
	v3 =	vld [tilespmem:s26+$0xC60]  }
0x84: {  	v8 =	vmul.f32 $2.771281240e+01, v8;
	[tilespmem:s26+$0xCC00] =	vst v5;
	v5 =	vld [tilespmem:s26+$0xC70]  }
0x85: {  	v7 =	vmul.f32 $2.771281240e+01, v7;
	[tilespmem:s26+$0xCC10] =	vst v6;
	v6 =	vld [tilespmem:s26+$0x1000]  }
0x86: {  	v9 =	vmul.f32 $2.771281240e+01, v9;
	[tilespmem:s26+$0xCC30] =	vst v8;
	v8 =	vld [tilespmem:s26+$0x1020]  }
0x87: {  	[tilespmem:s26+$0xCC20] =	vst v7;
	v7 =	vld [tilespmem:s26+$0x1010];
	v4 =	vmul.f32 $2.771281240e+01, v4  }
0x88: {  	[tilespmem:s26+$0xCC40] =	vst v9;
	v9 =	vld [tilespmem:s26+$0x1030];
	v3 =	vmul.f32 $2.771281240e+01, v3  }
0x89: {  	[tilespmem:s26+$0xCC50] =	vst v4;
	v4 =	vld [tilespmem:s26+$0x1040];
	v5 =	vmul.f32 $2.771281240e+01, v5  }
0x8a: {  	v6 =	vmul.f32 $2.771281240e+01, v6;
	[tilespmem:s26+$0xCC60] =	vst v3;
	v3 =	vld [tilespmem:s26+$0x1050]  }
0x8b: {  	v8 =	vmul.f32 $2.771281240e+01, v8;
	[tilespmem:s26+$0xCC70] =	vst v5;
	v5 =	vld [tilespmem:s26+$0x1060]  }
0x8c: {  	v7 =	vmul.f32 $2.771281240e+01, v7;
	[tilespmem:s26+$0xD000] =	vst v6;
	v6 =	vld [tilespmem:s26+$0x1070]  }
0x8d: {  	v9 =	vmul.f32 $2.771281240e+01, v9;
	[tilespmem:s26+$0xD020] =	vst v8;
	v8 =	vld [tilespmem:s26+$0x1410]  }
0x8e: {  	[tilespmem:s26+$0xD010] =	vst v7;
	v7 =	vld [tilespmem:s26+$0x1400];
	v4 =	vmul.f32 $2.771281240e+01, v4  }
0x8f: {  	[tilespmem:s26+$0xD030] =	vst v9;
	v9 =	vld [tilespmem:s26+$0x1420];
	v3 =	vmul.f32 $2.771281240e+01, v3  }
0x90: {  	[tilespmem:s26+$0xD040] =	vst v4;
	v4 =	vld [tilespmem:s26+$0x1430];
	v5 =	vmul.f32 $2.771281240e+01, v5  }
0x91: {  	v6 =	vmul.f32 $2.771281240e+01, v6;
	[tilespmem:s26+$0xD050] =	vst v3;
	v3 =	vld [tilespmem:s26+$0x1440]  }
0x92: {  	v10 =	vld [tilespmem:s26+$0x1450];
	v8 =	vmul.f32 $2.771281240e+01, v8;
	[tilespmem:s26+$0xD060] =	vst v5  }
0x93: {  	v5 =	vmul.f32 $2.771281240e+01, v7;
	[tilespmem:s26+$0xD070] =	vst v6;
	v6 =	vld [tilespmem:s26+$0x1460]  }
0x94: {  	v9 =	vmul.f32 $2.771281240e+01, v9;
	v7 =	vld [tilespmem:s26+$0x1470];
	[tilespmem:s26+$0xD410] =	vst v8  }
0x95: {  	[tilespmem:s26+$0xD400] =	vst v5;
	v5 =	vld [tilespmem:s26+$0x1800];
	v8 =	vmul.f32 $2.771281240e+01, v4  }
0x96: {  	[tilespmem:s26+$0xD420] =	vst v9;
	v4 =	vld [tilespmem:s26+$0x1810];
	v9 =	vmul.f32 $2.771281240e+01, v3  }
0x97: {  	[tilespmem:s26+$0xD430] =	vst v8;
	v3 =	vld [tilespmem:s26+$0x1820];
	v8 =	vmul.f32 $2.771281240e+01, v10  }
0x98: {  	s28 =	simm.s32 $0x2;
	s1 =	simm.s32 $0x0;
	s0 =	simm.s32 $0x0;
	[tilespmem:s26+$0xD440] =	vst v9;
	v9 =	vmul.f32 $2.771281240e+01, v6;
	v6 =	vld [tilespmem:s26+$0x1830]  }
.LBB2_2:
0x99: {  	p0 =	sne.s32 s28, $0x1F;
	s1 =	smul.u32 $0x1800, s1;
	[tilespmem:s26+$0xD450] =	vst v8;
	v7 =	vmul.f32 $2.771281240e+01, v7;
	v8 =	vld [tilespmem:s26+$0x1840];
	s0 =	sadd.s32 $0x80, s0  }
0x9a: {  	s16 =	sand.u32 $0x380, s0;
	[tilespmem:s26+$0xD460] =	vst v9;
	v5 =	vmul.f32 $2.771281240e+01, v5;
	v9 =	vld [tilespmem:s26+$0x1850]  }
0x9b: {  	s1 =	sor.u32 s16, s1;
	[tilespmem:s26+$0xD470] =	vst v7;
	v4 =	vmul.f32 $2.771281240e+01, v4;
	v7 =	vld [tilespmem:s26+$0x1860]  }
0x9c: {  	v10 =	vld [tilespmem:s1+$0x1870];
	[tilespmem:s26+$0xD800] =	vst v5;
	v3 =	vmul.f32 $2.771281240e+01, v3  }
0x9d: {  	v5 =	vld [tilespmem:s1+$0x400];
	[tilespmem:s26+$0xD810] =	vst v4;
	v4 =	vmul.f32 $2.771281240e+01, v6  }
0x9e: {  	v6 =	vld [tilespmem:s1+$0x410];
	[tilespmem:s26+$0xD820] =	vst v3;
	v3 =	vmul.f32 $2.771281240e+01, v8  }
0x9f: {  	v8 =	vld [tilespmem:s1+$0x420];
	[tilespmem:s26+$0xD830] =	vst v4;
	v4 =	vmul.f32 $2.771281240e+01, v9  }
0xa0: {  	v9 =	vld [tilespmem:s1+$0x430];
	[tilespmem:s26+$0xD840] =	vst v3;
	v3 =	vmul.f32 $2.771281240e+01, v7  }
0xa1: {  	v7 =	vld [tilespmem:s1+$0x440];
	v10 =	vmul.f32 $2.771281240e+01, v10;
	[tilespmem:s26+$0xD850] =	vst v4  }
0xa2: {  	v4 =	vmul.f32 $2.771281240e+01, v5;
	v5 =	vld [tilespmem:s1+$0x450];
	[tilespmem:s26+$0xD860] =	vst v3;
	s26 =	smov.u32 s1  }
0xa3: {  	v3 =	vmul.f32 $2.771281240e+01, v6;
	v6 =	vld [tilespmem:s26+$0x460];
	[tilespmem:s26+$0xD870] =	vst v10  }
0xa4: {  	[tilespmem:s26+$0xC400] =	vst v4;
	v4 =	vmul.f32 $2.771281240e+01, v8;
	v8 =	vld [tilespmem:s26+$0x470]  }
0xa5: {  	[tilespmem:s26+$0xC410] =	vst v3;
	v3 =	vmul.f32 $2.771281240e+01, v9;
	v9 =	vld [tilespmem:s26+$0x800]  }
0xa6: {  	[tilespmem:s26+$0xC420] =	vst v4;
	v4 =	vmul.f32 $2.771281240e+01, v7;
	v7 =	vld [tilespmem:s26+$0x810]  }
0xa7: {  	[tilespmem:s26+$0xC430] =	vst v3;
	v3 =	vmul.f32 $2.771281240e+01, v5;
	v5 =	vld [tilespmem:s26+$0x820]  }
0xa8: {  	[tilespmem:s26+$0xC440] =	vst v4;
	v4 =	vmul.f32 $2.771281240e+01, v6;
	v6 =	vld [tilespmem:s26+$0x830]  }
0xa9: {  	[tilespmem:s26+$0xC450] =	vst v3;
	v3 =	vmul.f32 $2.771281240e+01, v8;
	v8 =	vld [tilespmem:s26+$0x840]  }
0xaa: {  	[tilespmem:s26+$0xC460] =	vst v4;
	v4 =	vmul.f32 $2.771281240e+01, v9;
	v9 =	vld [tilespmem:s26+$0x850]  }
0xab: {  	[tilespmem:s26+$0xC470] =	vst v3;
	v3 =	vmul.f32 $2.771281240e+01, v7;
	v7 =	vld [tilespmem:s26+$0x860]  }
0xac: {  	[tilespmem:s26+$0xC800] =	vst v4;
	v4 =	vmul.f32 $2.771281240e+01, v5;
	v5 =	vld [tilespmem:s26+$0x870]  }
0xad: {  	[tilespmem:s26+$0xC810] =	vst v3;
	v3 =	vmul.f32 $2.771281240e+01, v6;
	v6 =	vld [tilespmem:s26+$0xC00]  }
0xae: {  	[tilespmem:s26+$0xC820] =	vst v4;
	v4 =	vmul.f32 $2.771281240e+01, v8;
	v8 =	vld [tilespmem:s26+$0xC10]  }
0xaf: {  	[tilespmem:s26+$0xC830] =	vst v3;
	v3 =	vmul.f32 $2.771281240e+01, v9;
	v9 =	vld [tilespmem:s26+$0xC20]  }
0xb0: {  	[tilespmem:s26+$0xC840] =	vst v4;
	v4 =	vmul.f32 $2.771281240e+01, v7;
	v7 =	vld [tilespmem:s26+$0xC30]  }
0xb1: {  	[tilespmem:s26+$0xC850] =	vst v3;
	v3 =	vmul.f32 $2.771281240e+01, v5;
	v5 =	vld [tilespmem:s26+$0xC40]  }
0xb2: {  	[tilespmem:s26+$0xC860] =	vst v4;
	v4 =	vmul.f32 $2.771281240e+01, v6;
	v6 =	vld [tilespmem:s26+$0xC50]  }
0xb3: {  	[tilespmem:s26+$0xC870] =	vst v3;
	v3 =	vmul.f32 $2.771281240e+01, v8;
	v8 =	vld [tilespmem:s26+$0xC60]  }
0xb4: {  	[tilespmem:s26+$0xCC00] =	vst v4;
	v4 =	vmul.f32 $2.771281240e+01, v9;
	v9 =	vld [tilespmem:s26+$0xC70]  }
0xb5: {  	[tilespmem:s26+$0xCC10] =	vst v3;
	v3 =	vmul.f32 $2.771281240e+01, v7;
	v7 =	vld [tilespmem:s26+$0x1000]  }
0xb6: {  	[tilespmem:s26+$0xCC20] =	vst v4;
	v4 =	vmul.f32 $2.771281240e+01, v5;
	v5 =	vld [tilespmem:s26+$0x1010]  }
0xb7: {  	[tilespmem:s26+$0xCC30] =	vst v3;
	v3 =	vmul.f32 $2.771281240e+01, v6;
	v6 =	vld [tilespmem:s26+$0x1020]  }
0xb8: {  	[tilespmem:s26+$0xCC40] =	vst v4;
	v4 =	vmul.f32 $2.771281240e+01, v8;
	v8 =	vld [tilespmem:s26+$0x1030]  }
0xb9: {  	[tilespmem:s26+$0xCC50] =	vst v3;
	v3 =	vmul.f32 $2.771281240e+01, v9;
	v9 =	vld [tilespmem:s26+$0x1040]  }
0xba: {  	[tilespmem:s26+$0xCC60] =	vst v4;
	v4 =	vmul.f32 $2.771281240e+01, v7;
	v7 =	vld [tilespmem:s26+$0x1050]  }
0xbb: {  	[tilespmem:s26+$0xCC70] =	vst v3;
	v3 =	vmul.f32 $2.771281240e+01, v5;
	v5 =	vld [tilespmem:s26+$0x1060]  }
0xbc: {  	[tilespmem:s26+$0xD000] =	vst v4;
	v4 =	vmul.f32 $2.771281240e+01, v6;
	v6 =	vld [tilespmem:s26+$0x1070]  }
0xbd: {  	[tilespmem:s26+$0xD010] =	vst v3;
	v3 =	vmul.f32 $2.771281240e+01, v8;
	v8 =	vld [tilespmem:s26+$0x1400]  }
0xbe: {  	[tilespmem:s26+$0xD020] =	vst v4;
	v4 =	vmul.f32 $2.771281240e+01, v9;
	v9 =	vld [tilespmem:s26+$0x1410]  }
0xbf: {  	[tilespmem:s26+$0xD030] =	vst v3;
	v3 =	vmul.f32 $2.771281240e+01, v7;
	v7 =	vld [tilespmem:s26+$0x1420]  }
0xc0: {  	[tilespmem:s26+$0xD040] =	vst v4;
	v4 =	vmul.f32 $2.771281240e+01, v5;
	v5 =	vld [tilespmem:s26+$0x1430]  }
0xc1: {  	[tilespmem:s26+$0xD050] =	vst v3;
	v3 =	vmul.f32 $2.771281240e+01, v6;
	v6 =	vld [tilespmem:s26+$0x1440]  }
0xc2: {  	[tilespmem:s26+$0xD060] =	vst v4;
	v4 =	vmul.f32 $2.771281240e+01, v8;
	v8 =	vld [tilespmem:s26+$0x1450]  }
0xc3: {  	[tilespmem:s26+$0xD070] =	vst v3;
	v3 =	vmul.f32 $2.771281240e+01, v9;
	v9 =	vld [tilespmem:s26+$0x1460]  }
.Ltmp0:
0xc4: {  	[tilespmem:s26+$0xD400] =	vst v4;
	v4 =	vmul.f32 $2.771281240e+01, v7;
	v7 =	vld [tilespmem:s26+$0x1470];
	(pc) =	sbr.rel @p0 .LBB2_2-.Ltmp0, $4  }
0xc5: {  	[tilespmem:s26+$0xD410] =	vst v3;
	v3 =	vmul.f32 $2.771281240e+01, v5;
	v5 =	vld [tilespmem:s26+$0x1800]  }
0xc6: {  	[tilespmem:s26+$0xD420] =	vst v4;
	v6 =	vmul.f32 $2.771281240e+01, v6;
	v4 =	vld [tilespmem:s26+$0x1810]  }
0xc7: {  	[tilespmem:s26+$0xD430] =	vst v3;
	v8 =	vmul.f32 $2.771281240e+01, v8;
	v3 =	vld [tilespmem:s26+$0x1820]  }
0xc8: {  	s1 =	sshrl.u32 s28, $0x3;
	s28 =	sadd.s32 $0x1, s28;
	[tilespmem:s26+$0xD440] =	vst v6;
	v9 =	vmul.f32 $2.771281240e+01, v9;
	v6 =	vld [tilespmem:s26+$0x1830]  }
0xc9: {  	[tilespmem:s26+$0xD450] =	vst v8;
	v8 =	vld [tilespmem:s26+$0x1840];
	v7 =	vmul.f32 $2.771281240e+01, v7;
	s1 =	smul.u32 $0x1800, s1;
	s0 =	sadd.s32 $0x80, s0  }
0xca: {  	[tilespmem:s26+$0xD460] =	vst v9;
	v9 =	vld [tilespmem:s26+$0x1850];
	s0 =	sand.u32 $0x380, s0;
	v5 =	vmul.f32 $2.771281240e+01, v5  }
0xcb: {  	[tilespmem:s26+$0xD470] =	vst v7;
	s0 =	sor.u32 s0, s1;
	v7 =	vld [tilespmem:s26+$0x1860];
	v4 =	vmul.f32 $2.771281240e+01, v4  }
0xcc: {  	v10 =	vld [tilespmem:s0+$0x1870];
	[tilespmem:s26+$0xD800] =	vst v5;
	v3 =	vmul.f32 $2.771281240e+01, v3  }
0xcd: {  	v5 =	vld [tilespmem:s0+$0x400];
	[tilespmem:s26+$0xD810] =	vst v4;
	v6 =	vmul.f32 $2.771281240e+01, v6  }
0xce: {  	v4 =	vld [tilespmem:s0+$0x410];
	[tilespmem:s26+$0xD820] =	vst v3;
	v8 =	vmul.f32 $2.771281240e+01, v8  }
0xcf: {  	v3 =	vld [tilespmem:s0+$0x420];
	[tilespmem:s26+$0xD830] =	vst v6;
	v9 =	vmul.f32 $2.771281240e+01, v9  }
0xd0: {  	v6 =	vld [tilespmem:s0+$0x430];
	[tilespmem:s26+$0xD840] =	vst v8;
	v7 =	vmul.f32 $2.771281240e+01, v7  }
0xd1: {  	v8 =	vld [tilespmem:s0+$0x440];
	[tilespmem:s26+$0xD850] =	vst v9;
	v9 =	vmul.f32 $2.771281240e+01, v10  }
0xd2: {  	v10 =	vld [tilespmem:s0+$0x450];
	v5 =	vmul.f32 $2.771281240e+01, v5;
	[tilespmem:s26+$0xD860] =	vst v7  }
0xd3: {  	v4 =	vmul.f32 $2.771281240e+01, v4;
	v7 =	vld [tilespmem:s0+$0x460];
	[tilespmem:s0+$0xD870] =	vst v9  }
0xd4: {  	[tilespmem:s0+$0xC400] =	vst v5;
	v3 =	vmul.f32 $2.771281240e+01, v3;
	v5 =	vld [tilespmem:s0+$0x470]  }
0xd5: {  	[tilespmem:s0+$0xC410] =	vst v4;
	v4 =	vmul.f32 $2.771281240e+01, v6;
	v6 =	vld [tilespmem:s0+$0x800]  }
0xd6: {  	[tilespmem:s0+$0xC420] =	vst v3;
	v3 =	vmul.f32 $2.771281240e+01, v8;
	v8 =	vld [tilespmem:s0+$0x810]  }
0xd7: {  	v9 =	vld [tilespmem:s0+$0x820];
	[tilespmem:s0+$0xC430] =	vst v4;
	v4 =	vmul.f32 $2.771281240e+01, v10  }
0xd8: {  	[tilespmem:s0+$0xC440] =	vst v3;
	v3 =	vmul.f32 $2.771281240e+01, v7;
	v7 =	vld [tilespmem:s0+$0x830]  }
0xd9: {  	[tilespmem:s0+$0xC450] =	vst v4;
	v4 =	vmul.f32 $2.771281240e+01, v5;
	v5 =	vld [tilespmem:s0+$0x840]  }
0xda: {  	[tilespmem:s0+$0xC460] =	vst v3;
	v3 =	vmul.f32 $2.771281240e+01, v6;
	v6 =	vld [tilespmem:s0+$0x850]  }
0xdb: {  	[tilespmem:s0+$0xC470] =	vst v4;
	v4 =	vmul.f32 $2.771281240e+01, v8;
	v8 =	vld [tilespmem:s0+$0x860]  }
0xdc: {  	[tilespmem:s0+$0xC800] =	vst v3;
	v3 =	vmul.f32 $2.771281240e+01, v9;
	v9 =	vld [tilespmem:s0+$0x870]  }
0xdd: {  	[tilespmem:s0+$0xC810] =	vst v4;
	v4 =	vmul.f32 $2.771281240e+01, v7;
	v7 =	vld [tilespmem:s0+$0xC00]  }
0xde: {  	[tilespmem:s0+$0xC820] =	vst v3;
	v3 =	vmul.f32 $2.771281240e+01, v5;
	v5 =	vld [tilespmem:s0+$0xC10]  }
0xdf: {  	[tilespmem:s0+$0xC830] =	vst v4;
	v4 =	vmul.f32 $2.771281240e+01, v6;
	v6 =	vld [tilespmem:s0+$0xC20]  }
0xe0: {  	[tilespmem:s0+$0xC840] =	vst v3;
	v3 =	vmul.f32 $2.771281240e+01, v8;
	v8 =	vld [tilespmem:s0+$0xC30]  }
0xe1: {  	[tilespmem:s0+$0xC850] =	vst v4;
	v4 =	vmul.f32 $2.771281240e+01, v9;
	v9 =	vld [tilespmem:s0+$0xC40]  }
0xe2: {  	[tilespmem:s0+$0xC860] =	vst v3;
	v3 =	vmul.f32 $2.771281240e+01, v7;
	v7 =	vld [tilespmem:s0+$0xC50]  }
0xe3: {  	[tilespmem:s0+$0xC870] =	vst v4;
	v4 =	vmul.f32 $2.771281240e+01, v5;
	v5 =	vld [tilespmem:s0+$0xC60]  }
0xe4: {  	[tilespmem:s0+$0xCC00] =	vst v3;
	v3 =	vmul.f32 $2.771281240e+01, v6;
	v6 =	vld [tilespmem:s0+$0xC70]  }
0xe5: {  	[tilespmem:s0+$0xCC10] =	vst v4;
	v4 =	vmul.f32 $2.771281240e+01, v8;
	v8 =	vld [tilespmem:s0+$0x1000]  }
0xe6: {  	[tilespmem:s0+$0xCC20] =	vst v3;
	v3 =	vmul.f32 $2.771281240e+01, v9;
	v9 =	vld [tilespmem:s0+$0x1010]  }
0xe7: {  	[tilespmem:s0+$0xCC30] =	vst v4;
	v4 =	vmul.f32 $2.771281240e+01, v7;
	v7 =	vld [tilespmem:s0+$0x1020]  }
0xe8: {  	[tilespmem:s0+$0xCC40] =	vst v3;
	v3 =	vmul.f32 $2.771281240e+01, v5;
	v5 =	vld [tilespmem:s0+$0x1030]  }
0xe9: {  	[tilespmem:s0+$0xCC50] =	vst v4;
	v4 =	vmul.f32 $2.771281240e+01, v6;
	v6 =	vld [tilespmem:s0+$0x1040]  }
0xea: {  	[tilespmem:s0+$0xCC60] =	vst v3;
	v3 =	vmul.f32 $2.771281240e+01, v8;
	v8 =	vld [tilespmem:s0+$0x1050]  }
0xeb: {  	[tilespmem:s0+$0xCC70] =	vst v4;
	v4 =	vmul.f32 $2.771281240e+01, v9;
	v9 =	vld [tilespmem:s0+$0x1060]  }
0xec: {  	[tilespmem:s0+$0xD000] =	vst v3;
	v3 =	vmul.f32 $2.771281240e+01, v7;
	v7 =	vld [tilespmem:s0+$0x1070]  }
0xed: {  	[tilespmem:s0+$0xD010] =	vst v4;
	v4 =	vmul.f32 $2.771281240e+01, v5;
	v5 =	vld [tilespmem:s0+$0x1400]  }
0xee: {  	[tilespmem:s0+$0xD020] =	vst v3;
	v3 =	vmul.f32 $2.771281240e+01, v6;
	v6 =	vld [tilespmem:s0+$0x1410]  }
0xef: {  	[tilespmem:s0+$0xD030] =	vst v4;
	v4 =	vmul.f32 $2.771281240e+01, v8;
	v8 =	vld [tilespmem:s0+$0x1420]  }
0xf0: {  	[tilespmem:s0+$0xD040] =	vst v3;
	v3 =	vmul.f32 $2.771281240e+01, v9;
	v9 =	vld [tilespmem:s0+$0x1430]  }
0xf1: {  	[tilespmem:s0+$0xD050] =	vst v4;
	v4 =	vmul.f32 $2.771281240e+01, v7;
	v7 =	vld [tilespmem:s0+$0x1440]  }
0xf2: {  	[tilespmem:s0+$0xD060] =	vst v3;
	v3 =	vmul.f32 $2.771281240e+01, v5;
	v5 =	vld [tilespmem:s0+$0x1450]  }
0xf3: {  	[tilespmem:s0+$0xD070] =	vst v4;
	v4 =	vmul.f32 $2.771281240e+01, v6;
	v6 =	vld [tilespmem:s0+$0x1460]  }
0xf4: {  	[tilespmem:s0+$0xD400] =	vst v3;
	v3 =	vmul.f32 $2.771281240e+01, v8;
	v8 =	vld [tilespmem:s0+$0x1470]  }
0xf5: {  	[tilespmem:s0+$0xD410] =	vst v4;
	v4 =	vmul.f32 $2.771281240e+01, v9;
	v9 =	vld [tilespmem:s0+$0x1800]  }
0xf6: {  	[tilespmem:s0+$0xD420] =	vst v3;
	v3 =	vmul.f32 $2.771281240e+01, v7;
	v7 =	vld [tilespmem:s0+$0x1810]  }
0xf7: {  	[tilespmem:s0+$0xD430] =	vst v4;
	v4 =	vmul.f32 $2.771281240e+01, v5;
	v5 =	vld [tilespmem:s0+$0x1820]  }
0xf8: {  	[tilespmem:s0+$0xD440] =	vst v3;
	v3 =	vmul.f32 $2.771281240e+01, v6;
	v6 =	vld [tilespmem:s0+$0x1830]  }
0xf9: {  	[tilespmem:s0+$0xD450] =	vst v4;
	v4 =	vmul.f32 $2.771281240e+01, v8;
	v8 =	vld [tilespmem:s0+$0x1840]  }
0xfa: {  	[tilespmem:s0+$0xD460] =	vst v3;
	v3 =	vmul.f32 $2.771281240e+01, v9;
	v9 =	vld [tilespmem:s0+$0x1850]  }
0xfb: {  	[tilespmem:s0+$0xD470] =	vst v4;
	v4 =	vmul.f32 $2.771281240e+01, v7;
	v7 =	vld [tilespmem:s0+$0x1860]  }
0xfc: {  	[tilespmem:s0+$0xD800] =	vst v3;
	v3 =	vmul.f32 $2.771281240e+01, v5  }
0xfd: {  	[tilespmem:s0+$0xD810] =	vst v4;
	v4 =	vmul.f32 $2.771281240e+01, v6  }
0xfe: {  	[tilespmem:s0+$0xD820] =	vst v3;
	v3 =	vmul.f32 $2.771281240e+01, v8  }
0xff: {  	[tilespmem:s0+$0xD830] =	vst v4;
	v4 =	vmul.f32 $2.771281240e+01, v9  }
0x100: {  	[tilespmem:s0+$0xD840] =	vst v3;
	v3 =	vmul.f32 $2.771281240e+01, v7  }
0x101: {  	[tilespmem:s0+$0xD850] =	vst v4  }
0x102: {  	s29 =	rddreg [dreg:$0x5];
	s26 =	simm.s32 $0x0;
	[tilespmem:s0+$0xD860] =	vst v3  }
0x103: {  	[hbm4b:s29+s26] =	stream.linear.scatter [tilespmem:s21], [sflag:$0x3], $0x6000, $0x38;
	[tilespmem:$0x18400] =	vst v63  }
0x104: {  	v3 =	vld [tilespmem:$0x40];
	_ =	sdelay $0x4  }
0x105: {  	v4 =	vshrl.u32 v3, $0x3  }
0x106: {  	v4 =	vmul.u32 $0x30, v4  }
0x107: {  	v3 =	vand.u32 $0x7, v3  }
0x108: {  	v3 =	vor.u32 v3, v4  }
0x109: {  	v4 =	vperm.xlane v3, v0;
	_ =	sdelay $0x1  }
0x10a: {  	v4 =	vadd.s32 v1, v4;
	_ =	sdelay $0x3  }
0x10b: {  	s30 =	simm.s32 $0x400;
	v3 =	vperm.xlane v3, v2  }
0x10c: {  	[tilespmem:s30], [sflag:$0x1] =	stream.indirect_vreg.gather [hbm4b:s2+s26], $0x80, v4, vm0, $0xb8;
	[tilespmem:$0x18400] =	vst v63  }
0x10d: {  	s31 =	simm.s32 $0xC00;
	v3 =	vadd.s32 v1, v3  }
0x10e: {  	[tilespmem:s31], [sflag:$0x1] =	stream.indirect_vreg.gather [hbm4b:s8+s26], $0x80, v4, vm0, $0xb8;
	[tilespmem:$0x18400] =	vst v63  }
0x10f: {  	s1 =	simm.s32 $0x1400  }
0x110: {  	[tilespmem:s1], [sflag:$0x1] =	stream.indirect_vreg.gather [hbm4b:s9+s26], $0x80, v4, vm0, $0xb8;
	[tilespmem:$0x18400] =	vst v63  }
0x111: {  	s16 =	simm.s32 $0x1C00  }
0x112: {  	[tilespmem:s16], [sflag:$0x1] =	stream.indirect_vreg.gather [hbm4b:s2+s26], $0x80, v3, vm0, $0xb8;
	[tilespmem:$0x18400] =	vst v63  }
0x113: {  	s17 =	simm.s32 $0x2400  }
0x114: {  	[tilespmem:s17], [sflag:$0x1] =	stream.indirect_vreg.gather [hbm4b:s8+s26], $0x80, v3, vm0, $0xb8;
	[tilespmem:$0x18400] =	vst v63  }
0x115: {  	s29 =	simm.s32 $0x2C00  }
0x116: {  	[tilespmem:s29], [sflag:$0x1] =	stream.indirect_vreg.gather [hbm4b:s9+s26], $0x80, v3, vm0, $0xb8;
	[tilespmem:$0x18400] =	vst v63  }
0x117: {  	v3 =	vld [tilespmem:$0x50];
	_ =	sdelay $0x4  }
0x118: {  	v4 =	vshrl.u32 v3, $0x3  }
0x119: {  	v4 =	vmul.u32 $0x30, v4  }
0x11a: {  	v3 =	vand.u32 $0x7, v3  }
0x11b: {  	v3 =	vor.u32 v3, v4  }
0x11c: {  	v4 =	vperm.xlane v3, v0;
	_ =	sdelay $0x1  }
0x11d: {  	v4 =	vadd.s32 v1, v4;
	_ =	sdelay $0x3  }
0x11e: {  	s30 =	simm.s32 $0x3400;
	v3 =	vperm.xlane v3, v2  }
0x11f: {  	[tilespmem:s30], [sflag:$0x1] =	stream.indirect_vreg.gather [hbm4b:s2+s26], $0x80, v4, vm0, $0xb8;
	[tilespmem:$0x18400] =	vst v63  }
0x120: {  	s31 =	simm.s32 $0x3C00;
	v3 =	vadd.s32 v1, v3  }
0x121: {  	[tilespmem:s31], [sflag:$0x1] =	stream.indirect_vreg.gather [hbm4b:s8+s26], $0x80, v4, vm0, $0xb8;
	[tilespmem:$0x18400] =	vst v63  }
0x122: {  	s1 =	simm.s32 $0x4400  }
0x123: {  	[tilespmem:s1], [sflag:$0x1] =	stream.indirect_vreg.gather [hbm4b:s9+s26], $0x80, v4, vm0, $0xb8;
	[tilespmem:$0x18400] =	vst v63  }
0x124: {  	s16 =	simm.s32 $0x4C00  }
0x125: {  	[tilespmem:s16], [sflag:$0x1] =	stream.indirect_vreg.gather [hbm4b:s2+s26], $0x80, v3, vm0, $0xb8;
	[tilespmem:$0x18400] =	vst v63  }
0x126: {  	s17 =	simm.s32 $0x5400  }
0x127: {  	[tilespmem:s17], [sflag:$0x1] =	stream.indirect_vreg.gather [hbm4b:s8+s26], $0x80, v3, vm0, $0xb8;
	[tilespmem:$0x18400] =	vst v63  }
0x128: {  	s29 =	simm.s32 $0x5C00;
	s30 =	simm.s32 $0x0  }
0x129: {  	[tilespmem:s29], [sflag:$0x1] =	stream.indirect_vreg.gather [hbm4b:s9+s26], $0x80, v3, vm0, $0xb8;
	[tilespmem:$0x18400] =	vst v63  }
0x12a: {  	s0 =	smul.u32 $0x1800, s30;
	_ =	swait.ge [sflag:s22], $0x6000  }
0x12b: {  	s31 =	sand.u32 $0x380, s26;
	[sflag:s22] =	ssyncset.done $0x0  }
0x12c: {  	s28 =	sor.u32 s31, s0;
	[sflag:s22] =	ssyncadd.s32 $0xFFFFA000  }
0x12d: {  	v3 =	vld [tilespmem:s28+$0x7870]  }
0x12e: {  	v4 =	vld [tilespmem:s28+$0x6400]  }
0x12f: {  	v5 =	vld [tilespmem:s28+$0x6410]  }
0x130: {  	v6 =	vld [tilespmem:s28+$0x6420]  }
0x131: {  	v7 =	vld [tilespmem:s28+$0x6430]  }
0x132: {  	v8 =	vld [tilespmem:s28+$0x6440]  }
0x133: {  	v9 =	vld [tilespmem:s28+$0x6450];
	v3 =	vmul.f32 $2.771281240e+01, v3  }
0x134: {  	v4 =	vmul.f32 $2.771281240e+01, v4  }
0x135: {  	v10 =	vld [tilespmem:s28+$0x6460];
	[tilespmem:s28+$0x13870] =	vst v3;
	v3 =	vmul.f32 $2.771281240e+01, v5  }
0x136: {  	[tilespmem:s28+$0x12400] =	vst v4;
	v4 =	vld [tilespmem:s28+$0x6470];
	v5 =	vmul.f32 $2.771281240e+01, v6  }
0x137: {  	v6 =	vmul.f32 $2.771281240e+01, v7;
	[tilespmem:s28+$0x12410] =	vst v3;
	v3 =	vld [tilespmem:s28+$0x6800]  }
0x138: {  	v7 =	vmul.f32 $2.771281240e+01, v8;
	v8 =	vmul.f32 $2.771281240e+01, v9;
	[tilespmem:s28+$0x12420] =	vst v5;
	v5 =	vld [tilespmem:s28+$0x6810]  }
0x139: {  	[tilespmem:s28+$0x12430] =	vst v6;
	v6 =	vld [tilespmem:s28+$0x6820]  }
0x13a: {  	v9 =	vmul.f32 $2.771281240e+01, v10;
	[tilespmem:s28+$0x12450] =	vst v8;
	v8 =	vld [tilespmem:s28+$0x6840]  }
0x13b: {  	[tilespmem:s28+$0x12440] =	vst v7;
	v7 =	vld [tilespmem:s28+$0x6830];
	v4 =	vmul.f32 $2.771281240e+01, v4  }
0x13c: {  	[tilespmem:s28+$0x12460] =	vst v9;
	v9 =	vld [tilespmem:s28+$0x6850];
	v3 =	vmul.f32 $2.771281240e+01, v3  }
0x13d: {  	[tilespmem:s28+$0x12470] =	vst v4;
	v4 =	vld [tilespmem:s28+$0x6860];
	v5 =	vmul.f32 $2.771281240e+01, v5  }
0x13e: {  	v6 =	vmul.f32 $2.771281240e+01, v6;
	[tilespmem:s28+$0x12800] =	vst v3;
	v3 =	vld [tilespmem:s28+$0x6870]  }
0x13f: {  	v8 =	vmul.f32 $2.771281240e+01, v8;
	[tilespmem:s28+$0x12810] =	vst v5;
	v5 =	vld [tilespmem:s28+$0x6C00]  }
0x140: {  	v7 =	vmul.f32 $2.771281240e+01, v7;
	[tilespmem:s28+$0x12820] =	vst v6;
	v6 =	vld [tilespmem:s28+$0x6C10]  }
0x141: {  	v9 =	vmul.f32 $2.771281240e+01, v9;
	[tilespmem:s28+$0x12840] =	vst v8;
	v8 =	vld [tilespmem:s28+$0x6C30]  }
0x142: {  	[tilespmem:s28+$0x12830] =	vst v7;
	v7 =	vld [tilespmem:s28+$0x6C20];
	v4 =	vmul.f32 $2.771281240e+01, v4  }
0x143: {  	[tilespmem:s28+$0x12850] =	vst v9;
	v9 =	vld [tilespmem:s28+$0x6C40];
	v3 =	vmul.f32 $2.771281240e+01, v3  }
0x144: {  	[tilespmem:s28+$0x12860] =	vst v4;
	v4 =	vld [tilespmem:s28+$0x6C50];
	v5 =	vmul.f32 $2.771281240e+01, v5  }
0x145: {  	v6 =	vmul.f32 $2.771281240e+01, v6;
	[tilespmem:s28+$0x12870] =	vst v3;
	v3 =	vld [tilespmem:s28+$0x6C60]  }
0x146: {  	v8 =	vmul.f32 $2.771281240e+01, v8;
	[tilespmem:s28+$0x12C00] =	vst v5;
	v5 =	vld [tilespmem:s28+$0x6C70]  }
0x147: {  	v7 =	vmul.f32 $2.771281240e+01, v7;
	[tilespmem:s28+$0x12C10] =	vst v6;
	v6 =	vld [tilespmem:s28+$0x7000]  }
0x148: {  	v9 =	vmul.f32 $2.771281240e+01, v9;
	[tilespmem:s28+$0x12C30] =	vst v8;
	v8 =	vld [tilespmem:s28+$0x7020]  }
0x149: {  	[tilespmem:s28+$0x12C20] =	vst v7;
	v7 =	vld [tilespmem:s28+$0x7010];
	v4 =	vmul.f32 $2.771281240e+01, v4  }
0x14a: {  	[tilespmem:s28+$0x12C40] =	vst v9;
	v9 =	vld [tilespmem:s28+$0x7030];
	v3 =	vmul.f32 $2.771281240e+01, v3  }
0x14b: {  	[tilespmem:s28+$0x12C50] =	vst v4;
	v4 =	vld [tilespmem:s28+$0x7040];
	v5 =	vmul.f32 $2.771281240e+01, v5  }
0x14c: {  	v6 =	vmul.f32 $2.771281240e+01, v6;
	[tilespmem:s28+$0x12C60] =	vst v3;
	v3 =	vld [tilespmem:s28+$0x7050]  }
0x14d: {  	v8 =	vmul.f32 $2.771281240e+01, v8;
	[tilespmem:s28+$0x12C70] =	vst v5;
	v5 =	vld [tilespmem:s28+$0x7060]  }
0x14e: {  	v7 =	vmul.f32 $2.771281240e+01, v7;
	[tilespmem:s28+$0x13000] =	vst v6;
	v6 =	vld [tilespmem:s28+$0x7070]  }
0x14f: {  	v9 =	vmul.f32 $2.771281240e+01, v9;
	[tilespmem:s28+$0x13020] =	vst v8;
	v8 =	vld [tilespmem:s28+$0x7410]  }
0x150: {  	[tilespmem:s28+$0x13010] =	vst v7;
	v7 =	vld [tilespmem:s28+$0x7400];
	v4 =	vmul.f32 $2.771281240e+01, v4  }
0x151: {  	[tilespmem:s28+$0x13030] =	vst v9;
	v9 =	vld [tilespmem:s28+$0x7420];
	v3 =	vmul.f32 $2.771281240e+01, v3  }
0x152: {  	[tilespmem:s28+$0x13040] =	vst v4;
	v4 =	vld [tilespmem:s28+$0x7430];
	v5 =	vmul.f32 $2.771281240e+01, v5  }
0x153: {  	v6 =	vmul.f32 $2.771281240e+01, v6;
	[tilespmem:s28+$0x13050] =	vst v3;
	v3 =	vld [tilespmem:s28+$0x7440]  }
0x154: {  	v10 =	vld [tilespmem:s28+$0x7450];
	v8 =	vmul.f32 $2.771281240e+01, v8;
	[tilespmem:s28+$0x13060] =	vst v5  }
0x155: {  	v5 =	vmul.f32 $2.771281240e+01, v7;
	[tilespmem:s28+$0x13070] =	vst v6;
	v6 =	vld [tilespmem:s28+$0x7460]  }
0x156: {  	v9 =	vmul.f32 $2.771281240e+01, v9;
	v7 =	vld [tilespmem:s28+$0x7470];
	[tilespmem:s28+$0x13410] =	vst v8  }
0x157: {  	[tilespmem:s28+$0x13400] =	vst v5;
	v5 =	vld [tilespmem:s28+$0x7800];
	v8 =	vmul.f32 $2.771281240e+01, v4  }
0x158: {  	[tilespmem:s28+$0x13420] =	vst v9;
	v4 =	vld [tilespmem:s28+$0x7810];
	v9 =	vmul.f32 $2.771281240e+01, v3  }
0x159: {  	[tilespmem:s28+$0x13430] =	vst v8;
	v3 =	vld [tilespmem:s28+$0x7820];
	v8 =	vmul.f32 $2.771281240e+01, v10  }
0x15a: {  	s0 =	simm.s32 $0x2;
	s1 =	simm.s32 $0x0;
	[tilespmem:s28+$0x13440] =	vst v9;
	v9 =	vmul.f32 $2.771281240e+01, v6;
	v6 =	vld [tilespmem:s28+$0x7830]  }
.LBB2_4:
0x15b: {  	p0 =	sne.s32 s0, $0x1F;
	s1 =	smul.u32 $0x1800, s1;
	[tilespmem:s28+$0x13450] =	vst v8;
	v7 =	vmul.f32 $2.771281240e+01, v7;
	v8 =	vld [tilespmem:s28+$0x7840];
	s26 =	sadd.s32 $0x80, s26  }
0x15c: {  	s16 =	sand.u32 $0x380, s26;
	[tilespmem:s28+$0x13460] =	vst v9;
	v5 =	vmul.f32 $2.771281240e+01, v5;
	v9 =	vld [tilespmem:s28+$0x7850]  }
0x15d: {  	s1 =	sor.u32 s16, s1;
	[tilespmem:s28+$0x13470] =	vst v7;
	v4 =	vmul.f32 $2.771281240e+01, v4;
	v7 =	vld [tilespmem:s28+$0x7860]  }
0x15e: {  	v10 =	vld [tilespmem:s1+$0x7870];
	[tilespmem:s28+$0x13800] =	vst v5;
	v3 =	vmul.f32 $2.771281240e+01, v3  }
0x15f: {  	v5 =	vld [tilespmem:s1+$0x6400];
	[tilespmem:s28+$0x13810] =	vst v4;
	v4 =	vmul.f32 $2.771281240e+01, v6  }
0x160: {  	v6 =	vld [tilespmem:s1+$0x6410];
	[tilespmem:s28+$0x13820] =	vst v3;
	v3 =	vmul.f32 $2.771281240e+01, v8  }
0x161: {  	v8 =	vld [tilespmem:s1+$0x6420];
	[tilespmem:s28+$0x13830] =	vst v4;
	v4 =	vmul.f32 $2.771281240e+01, v9  }
0x162: {  	v9 =	vld [tilespmem:s1+$0x6430];
	[tilespmem:s28+$0x13840] =	vst v3;
	v3 =	vmul.f32 $2.771281240e+01, v7  }
0x163: {  	v7 =	vld [tilespmem:s1+$0x6440];
	v10 =	vmul.f32 $2.771281240e+01, v10;
	[tilespmem:s28+$0x13850] =	vst v4  }
0x164: {  	v4 =	vmul.f32 $2.771281240e+01, v5;
	v5 =	vld [tilespmem:s1+$0x6450];
	[tilespmem:s28+$0x13860] =	vst v3;
	s28 =	smov.u32 s1  }
0x165: {  	v3 =	vmul.f32 $2.771281240e+01, v6;
	v6 =	vld [tilespmem:s28+$0x6460];
	[tilespmem:s28+$0x13870] =	vst v10  }
0x166: {  	[tilespmem:s28+$0x12400] =	vst v4;
	v4 =	vmul.f32 $2.771281240e+01, v8;
	v8 =	vld [tilespmem:s28+$0x6470]  }
0x167: {  	[tilespmem:s28+$0x12410] =	vst v3;
	v3 =	vmul.f32 $2.771281240e+01, v9;
	v9 =	vld [tilespmem:s28+$0x6800]  }
0x168: {  	[tilespmem:s28+$0x12420] =	vst v4;
	v4 =	vmul.f32 $2.771281240e+01, v7;
	v7 =	vld [tilespmem:s28+$0x6810]  }
0x169: {  	[tilespmem:s28+$0x12430] =	vst v3;
	v3 =	vmul.f32 $2.771281240e+01, v5;
	v5 =	vld [tilespmem:s28+$0x6820]  }
0x16a: {  	[tilespmem:s28+$0x12440] =	vst v4;
	v4 =	vmul.f32 $2.771281240e+01, v6;
	v6 =	vld [tilespmem:s28+$0x6830]  }
0x16b: {  	[tilespmem:s28+$0x12450] =	vst v3;
	v3 =	vmul.f32 $2.771281240e+01, v8;
	v8 =	vld [tilespmem:s28+$0x6840]  }
0x16c: {  	[tilespmem:s28+$0x12460] =	vst v4;
	v4 =	vmul.f32 $2.771281240e+01, v9;
	v9 =	vld [tilespmem:s28+$0x6850]  }
0x16d: {  	[tilespmem:s28+$0x12470] =	vst v3;
	v3 =	vmul.f32 $2.771281240e+01, v7;
	v7 =	vld [tilespmem:s28+$0x6860]  }
0x16e: {  	[tilespmem:s28+$0x12800] =	vst v4;
	v4 =	vmul.f32 $2.771281240e+01, v5;
	v5 =	vld [tilespmem:s28+$0x6870]  }
0x16f: {  	[tilespmem:s28+$0x12810] =	vst v3;
	v3 =	vmul.f32 $2.771281240e+01, v6;
	v6 =	vld [tilespmem:s28+$0x6C00]  }
0x170: {  	[tilespmem:s28+$0x12820] =	vst v4;
	v4 =	vmul.f32 $2.771281240e+01, v8;
	v8 =	vld [tilespmem:s28+$0x6C10]  }
0x171: {  	[tilespmem:s28+$0x12830] =	vst v3;
	v3 =	vmul.f32 $2.771281240e+01, v9;
	v9 =	vld [tilespmem:s28+$0x6C20]  }
0x172: {  	[tilespmem:s28+$0x12840] =	vst v4;
	v4 =	vmul.f32 $2.771281240e+01, v7;
	v7 =	vld [tilespmem:s28+$0x6C30]  }
0x173: {  	[tilespmem:s28+$0x12850] =	vst v3;
	v3 =	vmul.f32 $2.771281240e+01, v5;
	v5 =	vld [tilespmem:s28+$0x6C40]  }
0x174: {  	[tilespmem:s28+$0x12860] =	vst v4;
	v4 =	vmul.f32 $2.771281240e+01, v6;
	v6 =	vld [tilespmem:s28+$0x6C50]  }
0x175: {  	[tilespmem:s28+$0x12870] =	vst v3;
	v3 =	vmul.f32 $2.771281240e+01, v8;
	v8 =	vld [tilespmem:s28+$0x6C60]  }
0x176: {  	[tilespmem:s28+$0x12C00] =	vst v4;
	v4 =	vmul.f32 $2.771281240e+01, v9;
	v9 =	vld [tilespmem:s28+$0x6C70]  }
0x177: {  	[tilespmem:s28+$0x12C10] =	vst v3;
	v3 =	vmul.f32 $2.771281240e+01, v7;
	v7 =	vld [tilespmem:s28+$0x7000]  }
0x178: {  	[tilespmem:s28+$0x12C20] =	vst v4;
	v4 =	vmul.f32 $2.771281240e+01, v5;
	v5 =	vld [tilespmem:s28+$0x7010]  }
0x179: {  	[tilespmem:s28+$0x12C30] =	vst v3;
	v3 =	vmul.f32 $2.771281240e+01, v6;
	v6 =	vld [tilespmem:s28+$0x7020]  }
0x17a: {  	[tilespmem:s28+$0x12C40] =	vst v4;
	v4 =	vmul.f32 $2.771281240e+01, v8;
	v8 =	vld [tilespmem:s28+$0x7030]  }
0x17b: {  	[tilespmem:s28+$0x12C50] =	vst v3;
	v3 =	vmul.f32 $2.771281240e+01, v9;
	v9 =	vld [tilespmem:s28+$0x7040]  }
0x17c: {  	[tilespmem:s28+$0x12C60] =	vst v4;
	v4 =	vmul.f32 $2.771281240e+01, v7;
	v7 =	vld [tilespmem:s28+$0x7050]  }
0x17d: {  	[tilespmem:s28+$0x12C70] =	vst v3;
	v3 =	vmul.f32 $2.771281240e+01, v5;
	v5 =	vld [tilespmem:s28+$0x7060]  }
0x17e: {  	[tilespmem:s28+$0x13000] =	vst v4;
	v4 =	vmul.f32 $2.771281240e+01, v6;
	v6 =	vld [tilespmem:s28+$0x7070]  }
0x17f: {  	[tilespmem:s28+$0x13010] =	vst v3;
	v3 =	vmul.f32 $2.771281240e+01, v8;
	v8 =	vld [tilespmem:s28+$0x7400]  }
0x180: {  	[tilespmem:s28+$0x13020] =	vst v4;
	v4 =	vmul.f32 $2.771281240e+01, v9;
	v9 =	vld [tilespmem:s28+$0x7410]  }
0x181: {  	[tilespmem:s28+$0x13030] =	vst v3;
	v3 =	vmul.f32 $2.771281240e+01, v7;
	v7 =	vld [tilespmem:s28+$0x7420]  }
0x182: {  	[tilespmem:s28+$0x13040] =	vst v4;
	v4 =	vmul.f32 $2.771281240e+01, v5;
	v5 =	vld [tilespmem:s28+$0x7430]  }
0x183: {  	[tilespmem:s28+$0x13050] =	vst v3;
	v3 =	vmul.f32 $2.771281240e+01, v6;
	v6 =	vld [tilespmem:s28+$0x7440]  }
0x184: {  	[tilespmem:s28+$0x13060] =	vst v4;
	v4 =	vmul.f32 $2.771281240e+01, v8;
	v8 =	vld [tilespmem:s28+$0x7450]  }
0x185: {  	[tilespmem:s28+$0x13070] =	vst v3;
	v3 =	vmul.f32 $2.771281240e+01, v9;
	v9 =	vld [tilespmem:s28+$0x7460]  }
.Ltmp1:
0x186: {  	[tilespmem:s28+$0x13400] =	vst v4;
	v4 =	vmul.f32 $2.771281240e+01, v7;
	v7 =	vld [tilespmem:s28+$0x7470];
	(pc) =	sbr.rel @p0 .LBB2_4-.Ltmp1, $4  }
0x187: {  	[tilespmem:s28+$0x13410] =	vst v3;
	v3 =	vmul.f32 $2.771281240e+01, v5;
	v5 =	vld [tilespmem:s28+$0x7800]  }
0x188: {  	[tilespmem:s28+$0x13420] =	vst v4;
	v6 =	vmul.f32 $2.771281240e+01, v6;
	v4 =	vld [tilespmem:s28+$0x7810]  }
0x189: {  	[tilespmem:s28+$0x13430] =	vst v3;
	v8 =	vmul.f32 $2.771281240e+01, v8;
	v3 =	vld [tilespmem:s28+$0x7820]  }
0x18a: {  	s1 =	sshrl.u32 s0, $0x3;
	s0 =	sadd.s32 $0x1, s0;
	[tilespmem:s28+$0x13440] =	vst v6;
	v9 =	vmul.f32 $2.771281240e+01, v9;
	v6 =	vld [tilespmem:s28+$0x7830]  }
0x18b: {  	[tilespmem:s28+$0x13450] =	vst v8;
	v47 =	vld [tilespmem:s28+$0x7840];
	v7 =	vmul.f32 $2.771281240e+01, v7;
	s0 =	smul.u32 $0x1800, s1;
	s31 =	sadd.s32 $0x80, s26  }
0x18c: {  	v48 =	vld [tilespmem:s28+$0x7850];
	[tilespmem:s28+$0x13460] =	vst v9;
	s1 =	sand.u32 $0x380, s31;
	v5 =	vmul.f32 $2.771281240e+01, v5  }
0x18d: {  	v49 =	vld [tilespmem:s28+$0x7860];
	[tilespmem:s28+$0x13470] =	vst v7;
	s0 =	sor.u32 s1, s0;
	v4 =	vmul.f32 $2.771281240e+01, v4  }
0x18e: {  	v10 =	vld [tilespmem:s0+$0x7870];
	[tilespmem:s28+$0x13800] =	vst v5;
	v3 =	vmul.f32 $2.771281240e+01, v3  }
0x18f: {  	v5 =	vld [tilespmem:s0+$0x6400];
	[tilespmem:s28+$0x13810] =	vst v4;
	v6 =	vmul.f32 $2.771281240e+01, v6  }
0x190: {  	v4 =	vld [tilespmem:s0+$0x6410];
	[tilespmem:s28+$0x13820] =	vst v3;
	v8 =	vmul.f32 $2.771281240e+01, v47  }
0x191: {  	v9 =	vmul.f32 $2.771281240e+01, v48;
	v3 =	vld [tilespmem:s0+$0x6420];
	[tilespmem:s28+$0x13830] =	vst v6  }
0x192: {  	v7 =	vmul.f32 $2.771281240e+01, v49;
	v6 =	vld [tilespmem:s0+$0x6430];
	[tilespmem:s28+$0x13840] =	vst v8  }
0x193: {  	v8 =	vld [tilespmem:s0+$0x6440];
	[tilespmem:s28+$0x13850] =	vst v9;
	v50 =	vmul.f32 $2.771281240e+01, v10  }
0x194: {  	v51 =	vld [tilespmem:s0+$0x6450];
	v5 =	vmul.f32 $2.771281240e+01, v5;
	[tilespmem:s28+$0x13860] =	vst v7  }
0x195: {  	v4 =	vmul.f32 $2.771281240e+01, v4;
	v7 =	vld [tilespmem:s0+$0x6460];
	[tilespmem:s0+$0x13870] =	vst v50  }
0x196: {  	v52 =	vld [tilespmem:s0+$0x6470];
	[tilespmem:s0+$0x12400] =	vst v5;
	v3 =	vmul.f32 $2.771281240e+01, v3  }
0x197: {  	v54 =	vld [tilespmem:s0+$0x6800];
	[tilespmem:s0+$0x12410] =	vst v4;
	v53 =	vmul.f32 $2.771281240e+01, v6  }
0x198: {  	v55 =	vld [tilespmem:s0+$0x6810];
	[tilespmem:s0+$0x12420] =	vst v3;
	v3 =	vmul.f32 $2.771281240e+01, v8  }
0x199: {  	v57 =	vld [tilespmem:s0+$0x6820];
	[tilespmem:s0+$0x12430] =	vst v53;
	v56 =	vmul.f32 $2.771281240e+01, v51  }
0x19a: {  	v58 =	vld [tilespmem:s0+$0x6830];
	[tilespmem:s0+$0x12440] =	vst v3;
	v3 =	vmul.f32 $2.771281240e+01, v7  }
0x19b: {  	v60 =	vld [tilespmem:s0+$0x6840];
	v59 =	vmul.f32 $2.771281240e+01, v52;
	[tilespmem:s0+$0x12450] =	vst v56  }
0x19c: {  	v61 =	vld [tilespmem:s0+$0x6850];
	[tilespmem:s0+$0x12460] =	vst v3;
	v3 =	vmul.f32 $2.771281240e+01, v54  }
0x19d: {  	v63 =	vld [tilespmem:s0+$0x6860];
	v62 =	vmul.f32 $2.771281240e+01, v55;
	[tilespmem:s0+$0x12470] =	vst v59  }
0x19e: {  	v12 =	vld [tilespmem:s0+$0x6870];
	[tilespmem:s0+$0x12800] =	vst v3;
	v3 =	vmul.f32 $2.771281240e+01, v57  }
0x19f: {  	v14 =	vld [tilespmem:s0+$0x6C00];
	v13 =	vmul.f32 $2.771281240e+01, v58;
	[tilespmem:s0+$0x12810] =	vst v62  }
0x1a0: {  	v15 =	vld [tilespmem:s0+$0x6C10];
	[tilespmem:s0+$0x12820] =	vst v3;
	v3 =	vmul.f32 $2.771281240e+01, v60  }
0x1a1: {  	v17 =	vld [tilespmem:s0+$0x6C20];
	v16 =	vmul.f32 $2.771281240e+01, v61;
	[tilespmem:s0+$0x12830] =	vst v13  }
0x1a2: {  	v18 =	vld [tilespmem:s0+$0x6C30];
	[tilespmem:s0+$0x12840] =	vst v3;
	v3 =	vmul.f32 $2.771281240e+01, v63  }
0x1a3: {  	v20 =	vld [tilespmem:s0+$0x6C40];
	v19 =	vmul.f32 $2.771281240e+01, v12;
	[tilespmem:s0+$0x12850] =	vst v16  }
0x1a4: {  	v21 =	vld [tilespmem:s0+$0x6C50];
	[tilespmem:s0+$0x12860] =	vst v3;
	v3 =	vmul.f32 $2.771281240e+01, v14  }
0x1a5: {  	v23 =	vld [tilespmem:s0+$0x6C60];
	v22 =	vmul.f32 $2.771281240e+01, v15;
	[tilespmem:s0+$0x12870] =	vst v19  }
0x1a6: {  	v24 =	vld [tilespmem:s0+$0x6C70];
	[tilespmem:s0+$0x12C00] =	vst v3;
	v3 =	vmul.f32 $2.771281240e+01, v17  }
0x1a7: {  	v26 =	vld [tilespmem:s0+$0x7000];
	v25 =	vmul.f32 $2.771281240e+01, v18;
	[tilespmem:s0+$0x12C10] =	vst v22  }
0x1a8: {  	v27 =	vld [tilespmem:s0+$0x7010];
	[tilespmem:s0+$0x12C20] =	vst v3;
	v3 =	vmul.f32 $2.771281240e+01, v20  }
0x1a9: {  	v29 =	vld [tilespmem:s0+$0x7020];
	v28 =	vmul.f32 $2.771281240e+01, v21;
	[tilespmem:s0+$0x12C30] =	vst v25  }
0x1aa: {  	v30 =	vld [tilespmem:s0+$0x7030];
	[tilespmem:s0+$0x12C40] =	vst v3;
	v3 =	vmul.f32 $2.771281240e+01, v23  }
0x1ab: {  	v32 =	vld [tilespmem:s0+$0x7040];
	v31 =	vmul.f32 $2.771281240e+01, v24;
	[tilespmem:s0+$0x12C50] =	vst v28  }
0x1ac: {  	v33 =	vld [tilespmem:s0+$0x7050];
	[tilespmem:s0+$0x12C60] =	vst v3;
	v3 =	vmul.f32 $2.771281240e+01, v26  }
0x1ad: {  	v35 =	vld [tilespmem:s0+$0x7060];
	v34 =	vmul.f32 $2.771281240e+01, v27;
	[tilespmem:s0+$0x12C70] =	vst v31  }
0x1ae: {  	v36 =	vld [tilespmem:s0+$0x7070];
	[tilespmem:s0+$0x13000] =	vst v3;
	v3 =	vmul.f32 $2.771281240e+01, v29  }
0x1af: {  	v38 =	vld [tilespmem:s0+$0x7400];
	v37 =	vmul.f32 $2.771281240e+01, v30;
	[tilespmem:s0+$0x13010] =	vst v34  }
0x1b0: {  	v39 =	vld [tilespmem:s0+$0x7410];
	[tilespmem:s0+$0x13020] =	vst v3;
	v3 =	vmul.f32 $2.771281240e+01, v32  }
0x1b1: {  	v41 =	vld [tilespmem:s0+$0x7420];
	v40 =	vmul.f32 $2.771281240e+01, v33;
	[tilespmem:s0+$0x13030] =	vst v37  }
0x1b2: {  	v42 =	vld [tilespmem:s0+$0x7430];
	[tilespmem:s0+$0x13040] =	vst v3;
	v3 =	vmul.f32 $2.771281240e+01, v35  }
0x1b3: {  	v44 =	vld [tilespmem:s0+$0x7440];
	v43 =	vmul.f32 $2.771281240e+01, v36;
	[tilespmem:s0+$0x13050] =	vst v40  }
0x1b4: {  	v45 =	vld [tilespmem:s0+$0x7450];
	[tilespmem:s0+$0x13060] =	vst v3;
	v3 =	vmul.f32 $2.771281240e+01, v38  }
0x1b5: {  	v47 =	vld [tilespmem:s0+$0x7460];
	v46 =	vmul.f32 $2.771281240e+01, v39;
	[tilespmem:s0+$0x13070] =	vst v43  }
0x1b6: {  	v48 =	vld [tilespmem:s0+$0x7470];
	[tilespmem:s0+$0x13400] =	vst v3;
	v3 =	vmul.f32 $2.771281240e+01, v41  }
0x1b7: {  	v50 =	vld [tilespmem:s0+$0x7800];
	v49 =	vmul.f32 $2.771281240e+01, v42;
	[tilespmem:s0+$0x13410] =	vst v46  }
0x1b8: {  	v51 =	vld [tilespmem:s0+$0x7810];
	[tilespmem:s0+$0x13420] =	vst v3;
	v3 =	vmul.f32 $2.771281240e+01, v44  }
0x1b9: {  	v53 =	vld [tilespmem:s0+$0x7820];
	v52 =	vmul.f32 $2.771281240e+01, v45;
	[tilespmem:s0+$0x13430] =	vst v49  }
0x1ba: {  	v54 =	vld [tilespmem:s0+$0x7830];
	[tilespmem:s0+$0x13440] =	vst v3;
	v3 =	vmul.f32 $2.771281240e+01, v47  }
0x1bb: {  	v55 =	vmul.f32 $2.771281240e+01, v48;
	v56 =	vld [tilespmem:s0+$0x7840];
	[tilespmem:s0+$0x13450] =	vst v52  }
0x1bc: {  	v57 =	vld [tilespmem:s0+$0x7850];
	[tilespmem:s0+$0x13460] =	vst v3;
	v3 =	vmul.f32 $2.771281240e+01, v50  }
0x1bd: {  	[tilespmem:s0+$0x13470] =	vst v55;
	v59 =	vld [tilespmem:s0+$0x7860];
	v58 =	vmul.f32 $2.771281240e+01, v51  }
0x1be: {  	[tilespmem:s0+$0x13800] =	vst v3;
	v3 =	vmul.f32 $2.771281240e+01, v53  }
0x1bf: {  	[tilespmem:s0+$0x13810] =	vst v58;
	v60 =	vmul.f32 $2.771281240e+01, v54  }
0x1c0: {  	[tilespmem:s0+$0x13820] =	vst v3;
	v3 =	vmul.f32 $2.771281240e+01, v56  }
0x1c1: {  	[tilespmem:s0+$0x13830] =	vst v60;
	v61 =	vmul.f32 $2.771281240e+01, v57  }
0x1c2: {  	[tilespmem:s0+$0x13840] =	vst v3;
	v3 =	vmul.f32 $2.771281240e+01, v59  }
0x1c3: {  	[tilespmem:s0+$0x13850] =	vst v61  }
0x1c4: {  	s26 =	simm.s32 $0x0;
	s16 =	rddreg [dreg:$0x6];
	[tilespmem:s0+$0x13860] =	vst v3  }
0x1c5: {  	[hbm4b:s16+s26] =	stream.linear.scatter [tilespmem:s23], [sflag:$0x4], $0x6000, $0x38;
	[tilespmem:$0x18400] =	vst v63  }
0x1c6: {  	v3 =	vld [tilespmem:$0x60];
	_ =	sdelay $0x4  }
0x1c7: {  	v62 =	vshrl.u32 v3, $0x3  }
0x1c8: {  	v4 =	vmul.u32 $0x30, v62  }
0x1c9: {  	v3 =	vand.u32 $0x7, v3  }
0x1ca: {  	v3 =	vor.u32 v3, v4  }
0x1cb: {  	v4 =	vperm.xlane v3, v0;
	_ =	sdelay $0x1  }
0x1cc: {  	v4 =	vadd.s32 v1, v4;
	_ =	sdelay $0x3  }
0x1cd: {  	s17 =	simm.s32 $0x6400;
	v3 =	vperm.xlane v3, v2  }
0x1ce: {  	[tilespmem:s17], [sflag:$0x2] =	stream.indirect_vreg.gather [hbm4b:s2+s26], $0x80, v4, vm0, $0xb8;
	[tilespmem:$0x18400] =	vst v63  }
0x1cf: {  	s29 =	simm.s32 $0x6C00;
	v3 =	vadd.s32 v1, v3  }
0x1d0: {  	[tilespmem:s29], [sflag:$0x2] =	stream.indirect_vreg.gather [hbm4b:s8+s26], $0x80, v4, vm0, $0xb8;
	[tilespmem:$0x18400] =	vst v63  }
0x1d1: {  	s30 =	simm.s32 $0x7400  }
0x1d2: {  	[tilespmem:s30], [sflag:$0x2] =	stream.indirect_vreg.gather [hbm4b:s9+s26], $0x80, v4, vm0, $0xb8;
	[tilespmem:$0x18400] =	vst v63  }
0x1d3: {  	s31 =	simm.s32 $0x7C00  }
0x1d4: {  	[tilespmem:s31], [sflag:$0x2] =	stream.indirect_vreg.gather [hbm4b:s2+s26], $0x80, v3, vm0, $0xb8;
	[tilespmem:$0x18400] =	vst v63  }
0x1d5: {  	_ = 	snop  }
0x1d6: {  	[tilespmem:s6], [sflag:$0x2] =	stream.indirect_vreg.gather [hbm4b:s8+s26], $0x80, v3, vm0, $0xb8;
	[tilespmem:$0x18400] =	vst v63  }
0x1d7: {  	_ = 	snop  }
0x1d8: {  	[tilespmem:s10], [sflag:$0x2] =	stream.indirect_vreg.gather [hbm4b:s9+s26], $0x80, v3, vm0, $0xb8;
	[tilespmem:$0x18400] =	vst v63  }
0x1d9: {  	v3 =	vld [tilespmem:$0x70];
	_ =	sdelay $0x4  }
0x1da: {  	v63 =	vshrl.u32 v3, $0x3  }
0x1db: {  	v4 =	vmul.u32 $0x30, v63  }
0x1dc: {  	v3 =	vand.u32 $0x7, v3  }
0x1dd: {  	v3 =	vor.u32 v3, v4  }
0x1de: {  	v4 =	vperm.xlane v3, v0;
	_ =	sdelay $0x1  }
0x1df: {  	v4 =	vadd.s32 v1, v4;
	_ =	sdelay $0x3  }
0x1e0: {  	v3 =	vperm.xlane v3, v2  }
0x1e1: {  	[tilespmem:s13], [sflag:$0x2] =	stream.indirect_vreg.gather [hbm4b:s2+s26], $0x80, v4, vm0, $0xb8;
	[tilespmem:$0x18400] =	vst v63  }
0x1e2: {  	v3 =	vadd.s32 v1, v3  }
0x1e3: {  	[tilespmem:s14], [sflag:$0x2] =	stream.indirect_vreg.gather [hbm4b:s8+s26], $0x80, v4, vm0, $0xb8;
	[tilespmem:$0x18400] =	vst v63  }
0x1e4: {  	_ = 	snop  }
0x1e5: {  	[tilespmem:s15], [sflag:$0x2] =	stream.indirect_vreg.gather [hbm4b:s9+s26], $0x80, v4, vm0, $0xb8;
	[tilespmem:$0x18400] =	vst v63  }
0x1e6: {  	_ = 	snop  }
0x1e7: {  	[tilespmem:s7], [sflag:$0x2] =	stream.indirect_vreg.gather [hbm4b:s2+s26], $0x80, v3, vm0, $0xb8;
	[tilespmem:$0x18400] =	vst v63  }
0x1e8: {  	_ = 	snop  }
0x1e9: {  	[tilespmem:s18], [sflag:$0x2] =	stream.indirect_vreg.gather [hbm4b:s8+s26], $0x80, v3, vm0, $0xb8;
	[tilespmem:$0x18400] =	vst v63  }
0x1ea: {  	s28 =	simm.s32 $0x0  }
0x1eb: {  	[tilespmem:s19], [sflag:$0x2] =	stream.indirect_vreg.gather [hbm4b:s9+s26], $0x80, v3, vm0, $0xb8;
	[tilespmem:$0x18400] =	vst v63  }
.LBB2_6:
0x1ec: {  	_ =	swait.ge [sflag:s20], $0x6000  }
0x1ed: {  	[sflag:s20] =	ssyncset.done $0x0  }
0x1ee: {  	s0 =	simm.s32 $0x0;
	[sflag:s20] =	ssyncadd.s32 $0xFFFFA000  }
0x1ef: {  	s0 =	smul.u32 $0x1800, s0;
	_ =	swait.ge [sflag:s24], $0x6000  }
0x1f0: {  	s1 =	sand.u32 $0x380, s26;
	[sflag:s24] =	ssyncset.done $0x0  }
0x1f1: {  	s29 =	sor.u32 s1, s0;
	[sflag:s24] =	ssyncadd.s32 $0xFFFFA000  }
0x1f2: {  	v3 =	vld [tilespmem:s29+$0x1870]  }
0x1f3: {  	v4 =	vld [tilespmem:s29+$0x400]  }
0x1f4: {  	v5 =	vld [tilespmem:s29+$0x410]  }
0x1f5: {  	v6 =	vld [tilespmem:s29+$0x420]  }
0x1f6: {  	v7 =	vld [tilespmem:s29+$0x430]  }
0x1f7: {  	v8 =	vld [tilespmem:s29+$0x440]  }
0x1f8: {  	v9 =	vld [tilespmem:s29+$0x450];
	v3 =	vmul.f32 $2.771281240e+01, v3  }
0x1f9: {  	v4 =	vmul.f32 $2.771281240e+01, v4  }
0x1fa: {  	v10 =	vld [tilespmem:s29+$0x460];
	[tilespmem:s29+$0xD870] =	vst v3;
	v3 =	vmul.f32 $2.771281240e+01, v5  }
0x1fb: {  	[tilespmem:s29+$0xC400] =	vst v4;
	v4 =	vld [tilespmem:s29+$0x470];
	v5 =	vmul.f32 $2.771281240e+01, v6  }
0x1fc: {  	v6 =	vmul.f32 $2.771281240e+01, v7;
	[tilespmem:s29+$0xC410] =	vst v3;
	v3 =	vld [tilespmem:s29+$0x800]  }
0x1fd: {  	v7 =	vmul.f32 $2.771281240e+01, v8;
	v8 =	vmul.f32 $2.771281240e+01, v9;
	[tilespmem:s29+$0xC420] =	vst v5;
	v5 =	vld [tilespmem:s29+$0x810]  }
0x1fe: {  	[tilespmem:s29+$0xC430] =	vst v6;
	v6 =	vld [tilespmem:s29+$0x820]  }
0x1ff: {  	v9 =	vmul.f32 $2.771281240e+01, v10;
	[tilespmem:s29+$0xC450] =	vst v8;
	v8 =	vld [tilespmem:s29+$0x840]  }
0x200: {  	[tilespmem:s29+$0xC440] =	vst v7;
	v7 =	vld [tilespmem:s29+$0x830];
	v4 =	vmul.f32 $2.771281240e+01, v4  }
0x201: {  	[tilespmem:s29+$0xC460] =	vst v9;
	v9 =	vld [tilespmem:s29+$0x850];
	v3 =	vmul.f32 $2.771281240e+01, v3  }
0x202: {  	[tilespmem:s29+$0xC470] =	vst v4;
	v4 =	vld [tilespmem:s29+$0x860];
	v5 =	vmul.f32 $2.771281240e+01, v5  }
0x203: {  	v6 =	vmul.f32 $2.771281240e+01, v6;
	[tilespmem:s29+$0xC800] =	vst v3;
	v3 =	vld [tilespmem:s29+$0x870]  }
0x204: {  	v8 =	vmul.f32 $2.771281240e+01, v8;
	[tilespmem:s29+$0xC810] =	vst v5;
	v5 =	vld [tilespmem:s29+$0xC00]  }
0x205: {  	v7 =	vmul.f32 $2.771281240e+01, v7;
	[tilespmem:s29+$0xC820] =	vst v6;
	v6 =	vld [tilespmem:s29+$0xC10]  }
0x206: {  	v9 =	vmul.f32 $2.771281240e+01, v9;
	[tilespmem:s29+$0xC840] =	vst v8;
	v8 =	vld [tilespmem:s29+$0xC30]  }
0x207: {  	[tilespmem:s29+$0xC830] =	vst v7;
	v7 =	vld [tilespmem:s29+$0xC20];
	v4 =	vmul.f32 $2.771281240e+01, v4  }
0x208: {  	[tilespmem:s29+$0xC850] =	vst v9;
	v9 =	vld [tilespmem:s29+$0xC40];
	v3 =	vmul.f32 $2.771281240e+01, v3  }
0x209: {  	[tilespmem:s29+$0xC860] =	vst v4;
	v4 =	vld [tilespmem:s29+$0xC50];
	v5 =	vmul.f32 $2.771281240e+01, v5  }
0x20a: {  	v6 =	vmul.f32 $2.771281240e+01, v6;
	[tilespmem:s29+$0xC870] =	vst v3;
	v3 =	vld [tilespmem:s29+$0xC60]  }
0x20b: {  	v8 =	vmul.f32 $2.771281240e+01, v8;
	[tilespmem:s29+$0xCC00] =	vst v5;
	v5 =	vld [tilespmem:s29+$0xC70]  }
0x20c: {  	v7 =	vmul.f32 $2.771281240e+01, v7;
	[tilespmem:s29+$0xCC10] =	vst v6;
	v6 =	vld [tilespmem:s29+$0x1000]  }
0x20d: {  	v9 =	vmul.f32 $2.771281240e+01, v9;
	[tilespmem:s29+$0xCC30] =	vst v8;
	v8 =	vld [tilespmem:s29+$0x1020]  }
0x20e: {  	[tilespmem:s29+$0xCC20] =	vst v7;
	v7 =	vld [tilespmem:s29+$0x1010];
	v4 =	vmul.f32 $2.771281240e+01, v4  }
0x20f: {  	[tilespmem:s29+$0xCC40] =	vst v9;
	v9 =	vld [tilespmem:s29+$0x1030];
	v3 =	vmul.f32 $2.771281240e+01, v3  }
0x210: {  	[tilespmem:s29+$0xCC50] =	vst v4;
	v4 =	vld [tilespmem:s29+$0x1040];
	v5 =	vmul.f32 $2.771281240e+01, v5  }
0x211: {  	v6 =	vmul.f32 $2.771281240e+01, v6;
	[tilespmem:s29+$0xCC60] =	vst v3;
	v3 =	vld [tilespmem:s29+$0x1050]  }
0x212: {  	v8 =	vmul.f32 $2.771281240e+01, v8;
	[tilespmem:s29+$0xCC70] =	vst v5;
	v5 =	vld [tilespmem:s29+$0x1060]  }
0x213: {  	v7 =	vmul.f32 $2.771281240e+01, v7;
	[tilespmem:s29+$0xD000] =	vst v6;
	v6 =	vld [tilespmem:s29+$0x1070]  }
0x214: {  	v9 =	vmul.f32 $2.771281240e+01, v9;
	[tilespmem:s29+$0xD020] =	vst v8;
	v8 =	vld [tilespmem:s29+$0x1410]  }
0x215: {  	[tilespmem:s29+$0xD010] =	vst v7;
	v7 =	vld [tilespmem:s29+$0x1400];
	v4 =	vmul.f32 $2.771281240e+01, v4  }
0x216: {  	[tilespmem:s29+$0xD030] =	vst v9;
	v9 =	vld [tilespmem:s29+$0x1420];
	v3 =	vmul.f32 $2.771281240e+01, v3  }
0x217: {  	[tilespmem:s29+$0xD040] =	vst v4;
	v4 =	vld [tilespmem:s29+$0x1430];
	v5 =	vmul.f32 $2.771281240e+01, v5  }
0x218: {  	v6 =	vmul.f32 $2.771281240e+01, v6;
	[tilespmem:s29+$0xD050] =	vst v3;
	v3 =	vld [tilespmem:s29+$0x1440]  }
0x219: {  	v10 =	vld [tilespmem:s29+$0x1450];
	v8 =	vmul.f32 $2.771281240e+01, v8;
	[tilespmem:s29+$0xD060] =	vst v5  }
0x21a: {  	v5 =	vmul.f32 $2.771281240e+01, v7;
	[tilespmem:s29+$0xD070] =	vst v6;
	v6 =	vld [tilespmem:s29+$0x1460]  }
0x21b: {  	v9 =	vmul.f32 $2.771281240e+01, v9;
	v7 =	vld [tilespmem:s29+$0x1470];
	[tilespmem:s29+$0xD410] =	vst v8  }
0x21c: {  	[tilespmem:s29+$0xD400] =	vst v5;
	v5 =	vld [tilespmem:s29+$0x1800];
	v8 =	vmul.f32 $2.771281240e+01, v4  }
0x21d: {  	[tilespmem:s29+$0xD420] =	vst v9;
	v4 =	vld [tilespmem:s29+$0x1810];
	v9 =	vmul.f32 $2.771281240e+01, v3  }
0x21e: {  	[tilespmem:s29+$0xD430] =	vst v8;
	v3 =	vld [tilespmem:s29+$0x1820];
	v8 =	vmul.f32 $2.771281240e+01, v10  }
0x21f: {  	s30 =	simm.s32 $0x2;
	s1 =	simm.s32 $0x0;
	s0 =	simm.s32 $0x0;
	[tilespmem:s29+$0xD440] =	vst v9;
	v9 =	vmul.f32 $2.771281240e+01, v6;
	v6 =	vld [tilespmem:s29+$0x1830]  }
.LBB2_7:
0x220: {  	p0 =	sne.s32 s30, $0x1F;
	s1 =	smul.u32 $0x1800, s1;
	[tilespmem:s29+$0xD450] =	vst v8;
	v7 =	vmul.f32 $2.771281240e+01, v7;
	v8 =	vld [tilespmem:s29+$0x1840];
	s0 =	sadd.s32 $0x80, s0  }
0x221: {  	s16 =	sand.u32 $0x380, s0;
	[tilespmem:s29+$0xD460] =	vst v9;
	v5 =	vmul.f32 $2.771281240e+01, v5;
	v9 =	vld [tilespmem:s29+$0x1850]  }
0x222: {  	s1 =	sor.u32 s16, s1;
	[tilespmem:s29+$0xD470] =	vst v7;
	v4 =	vmul.f32 $2.771281240e+01, v4;
	v7 =	vld [tilespmem:s29+$0x1860]  }
0x223: {  	v10 =	vld [tilespmem:s1+$0x1870];
	[tilespmem:s29+$0xD800] =	vst v5;
	v3 =	vmul.f32 $2.771281240e+01, v3  }
0x224: {  	v5 =	vld [tilespmem:s1+$0x400];
	[tilespmem:s29+$0xD810] =	vst v4;
	v4 =	vmul.f32 $2.771281240e+01, v6  }
0x225: {  	v6 =	vld [tilespmem:s1+$0x410];
	[tilespmem:s29+$0xD820] =	vst v3;
	v3 =	vmul.f32 $2.771281240e+01, v8  }
0x226: {  	v8 =	vld [tilespmem:s1+$0x420];
	[tilespmem:s29+$0xD830] =	vst v4;
	v4 =	vmul.f32 $2.771281240e+01, v9  }
0x227: {  	v9 =	vld [tilespmem:s1+$0x430];
	[tilespmem:s29+$0xD840] =	vst v3;
	v3 =	vmul.f32 $2.771281240e+01, v7  }
0x228: {  	v7 =	vld [tilespmem:s1+$0x440];
	v10 =	vmul.f32 $2.771281240e+01, v10;
	[tilespmem:s29+$0xD850] =	vst v4  }
0x229: {  	v4 =	vmul.f32 $2.771281240e+01, v5;
	v5 =	vld [tilespmem:s1+$0x450];
	[tilespmem:s29+$0xD860] =	vst v3;
	s29 =	smov.u32 s1  }
0x22a: {  	v3 =	vmul.f32 $2.771281240e+01, v6;
	v6 =	vld [tilespmem:s29+$0x460];
	[tilespmem:s29+$0xD870] =	vst v10  }
0x22b: {  	[tilespmem:s29+$0xC400] =	vst v4;
	v4 =	vmul.f32 $2.771281240e+01, v8;
	v8 =	vld [tilespmem:s29+$0x470]  }
0x22c: {  	[tilespmem:s29+$0xC410] =	vst v3;
	v3 =	vmul.f32 $2.771281240e+01, v9;
	v9 =	vld [tilespmem:s29+$0x800]  }
0x22d: {  	[tilespmem:s29+$0xC420] =	vst v4;
	v4 =	vmul.f32 $2.771281240e+01, v7;
	v7 =	vld [tilespmem:s29+$0x810]  }
0x22e: {  	[tilespmem:s29+$0xC430] =	vst v3;
	v3 =	vmul.f32 $2.771281240e+01, v5;
	v5 =	vld [tilespmem:s29+$0x820]  }
0x22f: {  	[tilespmem:s29+$0xC440] =	vst v4;
	v4 =	vmul.f32 $2.771281240e+01, v6;
	v6 =	vld [tilespmem:s29+$0x830]  }
0x230: {  	[tilespmem:s29+$0xC450] =	vst v3;
	v3 =	vmul.f32 $2.771281240e+01, v8;
	v8 =	vld [tilespmem:s29+$0x840]  }
0x231: {  	[tilespmem:s29+$0xC460] =	vst v4;
	v4 =	vmul.f32 $2.771281240e+01, v9;
	v9 =	vld [tilespmem:s29+$0x850]  }
0x232: {  	[tilespmem:s29+$0xC470] =	vst v3;
	v3 =	vmul.f32 $2.771281240e+01, v7;
	v7 =	vld [tilespmem:s29+$0x860]  }
0x233: {  	[tilespmem:s29+$0xC800] =	vst v4;
	v4 =	vmul.f32 $2.771281240e+01, v5;
	v5 =	vld [tilespmem:s29+$0x870]  }
0x234: {  	[tilespmem:s29+$0xC810] =	vst v3;
	v3 =	vmul.f32 $2.771281240e+01, v6;
	v6 =	vld [tilespmem:s29+$0xC00]  }
0x235: {  	[tilespmem:s29+$0xC820] =	vst v4;
	v4 =	vmul.f32 $2.771281240e+01, v8;
	v8 =	vld [tilespmem:s29+$0xC10]  }
0x236: {  	[tilespmem:s29+$0xC830] =	vst v3;
	v3 =	vmul.f32 $2.771281240e+01, v9;
	v9 =	vld [tilespmem:s29+$0xC20]  }
0x237: {  	[tilespmem:s29+$0xC840] =	vst v4;
	v4 =	vmul.f32 $2.771281240e+01, v7;
	v7 =	vld [tilespmem:s29+$0xC30]  }
0x238: {  	[tilespmem:s29+$0xC850] =	vst v3;
	v3 =	vmul.f32 $2.771281240e+01, v5;
	v5 =	vld [tilespmem:s29+$0xC40]  }
0x239: {  	[tilespmem:s29+$0xC860] =	vst v4;
	v4 =	vmul.f32 $2.771281240e+01, v6;
	v6 =	vld [tilespmem:s29+$0xC50]  }
0x23a: {  	[tilespmem:s29+$0xC870] =	vst v3;
	v3 =	vmul.f32 $2.771281240e+01, v8;
	v8 =	vld [tilespmem:s29+$0xC60]  }
0x23b: {  	[tilespmem:s29+$0xCC00] =	vst v4;
	v4 =	vmul.f32 $2.771281240e+01, v9;
	v9 =	vld [tilespmem:s29+$0xC70]  }
0x23c: {  	[tilespmem:s29+$0xCC10] =	vst v3;
	v3 =	vmul.f32 $2.771281240e+01, v7;
	v7 =	vld [tilespmem:s29+$0x1000]  }
0x23d: {  	[tilespmem:s29+$0xCC20] =	vst v4;
	v4 =	vmul.f32 $2.771281240e+01, v5;
	v5 =	vld [tilespmem:s29+$0x1010]  }
0x23e: {  	[tilespmem:s29+$0xCC30] =	vst v3;
	v3 =	vmul.f32 $2.771281240e+01, v6;
	v6 =	vld [tilespmem:s29+$0x1020]  }
0x23f: {  	[tilespmem:s29+$0xCC40] =	vst v4;
	v4 =	vmul.f32 $2.771281240e+01, v8;
	v8 =	vld [tilespmem:s29+$0x1030]  }
0x240: {  	[tilespmem:s29+$0xCC50] =	vst v3;
	v3 =	vmul.f32 $2.771281240e+01, v9;
	v9 =	vld [tilespmem:s29+$0x1040]  }
0x241: {  	[tilespmem:s29+$0xCC60] =	vst v4;
	v4 =	vmul.f32 $2.771281240e+01, v7;
	v7 =	vld [tilespmem:s29+$0x1050]  }
0x242: {  	[tilespmem:s29+$0xCC70] =	vst v3;
	v3 =	vmul.f32 $2.771281240e+01, v5;
	v5 =	vld [tilespmem:s29+$0x1060]  }
0x243: {  	[tilespmem:s29+$0xD000] =	vst v4;
	v4 =	vmul.f32 $2.771281240e+01, v6;
	v6 =	vld [tilespmem:s29+$0x1070]  }
0x244: {  	[tilespmem:s29+$0xD010] =	vst v3;
	v3 =	vmul.f32 $2.771281240e+01, v8;
	v8 =	vld [tilespmem:s29+$0x1400]  }
0x245: {  	[tilespmem:s29+$0xD020] =	vst v4;
	v4 =	vmul.f32 $2.771281240e+01, v9;
	v9 =	vld [tilespmem:s29+$0x1410]  }
0x246: {  	[tilespmem:s29+$0xD030] =	vst v3;
	v3 =	vmul.f32 $2.771281240e+01, v7;
	v7 =	vld [tilespmem:s29+$0x1420]  }
0x247: {  	[tilespmem:s29+$0xD040] =	vst v4;
	v4 =	vmul.f32 $2.771281240e+01, v5;
	v5 =	vld [tilespmem:s29+$0x1430]  }
0x248: {  	[tilespmem:s29+$0xD050] =	vst v3;
	v3 =	vmul.f32 $2.771281240e+01, v6;
	v6 =	vld [tilespmem:s29+$0x1440]  }
0x249: {  	[tilespmem:s29+$0xD060] =	vst v4;
	v4 =	vmul.f32 $2.771281240e+01, v8;
	v8 =	vld [tilespmem:s29+$0x1450]  }
0x24a: {  	[tilespmem:s29+$0xD070] =	vst v3;
	v3 =	vmul.f32 $2.771281240e+01, v9;
	v9 =	vld [tilespmem:s29+$0x1460]  }
.Ltmp2:
0x24b: {  	[tilespmem:s29+$0xD400] =	vst v4;
	v4 =	vmul.f32 $2.771281240e+01, v7;
	v7 =	vld [tilespmem:s29+$0x1470];
	(pc) =	sbr.rel @p0 .LBB2_7-.Ltmp2, $4  }
0x24c: {  	[tilespmem:s29+$0xD410] =	vst v3;
	v3 =	vmul.f32 $2.771281240e+01, v5;
	v5 =	vld [tilespmem:s29+$0x1800]  }
0x24d: {  	[tilespmem:s29+$0xD420] =	vst v4;
	v6 =	vmul.f32 $2.771281240e+01, v6;
	v4 =	vld [tilespmem:s29+$0x1810]  }
0x24e: {  	[tilespmem:s29+$0xD430] =	vst v3;
	v8 =	vmul.f32 $2.771281240e+01, v8;
	v3 =	vld [tilespmem:s29+$0x1820]  }
0x24f: {  	s1 =	sshrl.u32 s30, $0x3;
	s30 =	sadd.s32 $0x1, s30;
	[tilespmem:s29+$0xD440] =	vst v6;
	v9 =	vmul.f32 $2.771281240e+01, v9;
	v6 =	vld [tilespmem:s29+$0x1830]  }
0x250: {  	[tilespmem:s29+$0xD450] =	vst v8;
	v8 =	vld [tilespmem:s29+$0x1840];
	v7 =	vmul.f32 $2.771281240e+01, v7;
	s1 =	smul.u32 $0x1800, s1;
	s0 =	sadd.s32 $0x80, s0  }
0x251: {  	[tilespmem:s29+$0xD460] =	vst v9;
	v9 =	vld [tilespmem:s29+$0x1850];
	s0 =	sand.u32 $0x380, s0;
	v5 =	vmul.f32 $2.771281240e+01, v5  }
0x252: {  	[tilespmem:s29+$0xD470] =	vst v7;
	s0 =	sor.u32 s0, s1;
	v7 =	vld [tilespmem:s29+$0x1860];
	v4 =	vmul.f32 $2.771281240e+01, v4  }
0x253: {  	v10 =	vld [tilespmem:s0+$0x1870];
	[tilespmem:s29+$0xD800] =	vst v5;
	v3 =	vmul.f32 $2.771281240e+01, v3  }
0x254: {  	v5 =	vld [tilespmem:s0+$0x400];
	[tilespmem:s29+$0xD810] =	vst v4;
	v6 =	vmul.f32 $2.771281240e+01, v6  }
0x255: {  	v4 =	vld [tilespmem:s0+$0x410];
	[tilespmem:s29+$0xD820] =	vst v3;
	v8 =	vmul.f32 $2.771281240e+01, v8  }
0x256: {  	v3 =	vld [tilespmem:s0+$0x420];
	[tilespmem:s29+$0xD830] =	vst v6;
	v9 =	vmul.f32 $2.771281240e+01, v9  }
0x257: {  	v6 =	vld [tilespmem:s0+$0x430];
	[tilespmem:s29+$0xD840] =	vst v8;
	v7 =	vmul.f32 $2.771281240e+01, v7  }
0x258: {  	v8 =	vld [tilespmem:s0+$0x440];
	[tilespmem:s29+$0xD850] =	vst v9;
	v9 =	vmul.f32 $2.771281240e+01, v10  }
0x259: {  	v10 =	vld [tilespmem:s0+$0x450];
	v5 =	vmul.f32 $2.771281240e+01, v5;
	[tilespmem:s29+$0xD860] =	vst v7  }
0x25a: {  	v4 =	vmul.f32 $2.771281240e+01, v4;
	v7 =	vld [tilespmem:s0+$0x460];
	[tilespmem:s0+$0xD870] =	vst v9  }
0x25b: {  	[tilespmem:s0+$0xC400] =	vst v5;
	v3 =	vmul.f32 $2.771281240e+01, v3;
	v5 =	vld [tilespmem:s0+$0x470]  }
0x25c: {  	[tilespmem:s0+$0xC410] =	vst v4;
	v4 =	vmul.f32 $2.771281240e+01, v6;
	v6 =	vld [tilespmem:s0+$0x800]  }
0x25d: {  	[tilespmem:s0+$0xC420] =	vst v3;
	v3 =	vmul.f32 $2.771281240e+01, v8;
	v8 =	vld [tilespmem:s0+$0x810]  }
0x25e: {  	v9 =	vld [tilespmem:s0+$0x820];
	[tilespmem:s0+$0xC430] =	vst v4;
	v4 =	vmul.f32 $2.771281240e+01, v10  }
0x25f: {  	[tilespmem:s0+$0xC440] =	vst v3;
	v3 =	vmul.f32 $2.771281240e+01, v7;
	v7 =	vld [tilespmem:s0+$0x830]  }
0x260: {  	[tilespmem:s0+$0xC450] =	vst v4;
	v4 =	vmul.f32 $2.771281240e+01, v5;
	v5 =	vld [tilespmem:s0+$0x840]  }
0x261: {  	[tilespmem:s0+$0xC460] =	vst v3;
	v3 =	vmul.f32 $2.771281240e+01, v6;
	v6 =	vld [tilespmem:s0+$0x850]  }
0x262: {  	[tilespmem:s0+$0xC470] =	vst v4;
	v4 =	vmul.f32 $2.771281240e+01, v8;
	v8 =	vld [tilespmem:s0+$0x860]  }
0x263: {  	[tilespmem:s0+$0xC800] =	vst v3;
	v3 =	vmul.f32 $2.771281240e+01, v9;
	v9 =	vld [tilespmem:s0+$0x870]  }
0x264: {  	[tilespmem:s0+$0xC810] =	vst v4;
	v4 =	vmul.f32 $2.771281240e+01, v7;
	v7 =	vld [tilespmem:s0+$0xC00]  }
0x265: {  	[tilespmem:s0+$0xC820] =	vst v3;
	v3 =	vmul.f32 $2.771281240e+01, v5;
	v5 =	vld [tilespmem:s0+$0xC10]  }
0x266: {  	[tilespmem:s0+$0xC830] =	vst v4;
	v4 =	vmul.f32 $2.771281240e+01, v6;
	v6 =	vld [tilespmem:s0+$0xC20]  }
0x267: {  	[tilespmem:s0+$0xC840] =	vst v3;
	v3 =	vmul.f32 $2.771281240e+01, v8;
	v8 =	vld [tilespmem:s0+$0xC30]  }
0x268: {  	[tilespmem:s0+$0xC850] =	vst v4;
	v4 =	vmul.f32 $2.771281240e+01, v9;
	v9 =	vld [tilespmem:s0+$0xC40]  }
0x269: {  	[tilespmem:s0+$0xC860] =	vst v3;
	v3 =	vmul.f32 $2.771281240e+01, v7;
	v7 =	vld [tilespmem:s0+$0xC50]  }
0x26a: {  	[tilespmem:s0+$0xC870] =	vst v4;
	v4 =	vmul.f32 $2.771281240e+01, v5;
	v5 =	vld [tilespmem:s0+$0xC60]  }
0x26b: {  	[tilespmem:s0+$0xCC00] =	vst v3;
	v3 =	vmul.f32 $2.771281240e+01, v6;
	v6 =	vld [tilespmem:s0+$0xC70]  }
0x26c: {  	[tilespmem:s0+$0xCC10] =	vst v4;
	v4 =	vmul.f32 $2.771281240e+01, v8;
	v8 =	vld [tilespmem:s0+$0x1000]  }
0x26d: {  	[tilespmem:s0+$0xCC20] =	vst v3;
	v3 =	vmul.f32 $2.771281240e+01, v9;
	v9 =	vld [tilespmem:s0+$0x1010]  }
0x26e: {  	[tilespmem:s0+$0xCC30] =	vst v4;
	v4 =	vmul.f32 $2.771281240e+01, v7;
	v7 =	vld [tilespmem:s0+$0x1020]  }
0x26f: {  	[tilespmem:s0+$0xCC40] =	vst v3;
	v3 =	vmul.f32 $2.771281240e+01, v5;
	v5 =	vld [tilespmem:s0+$0x1030]  }
0x270: {  	[tilespmem:s0+$0xCC50] =	vst v4;
	v4 =	vmul.f32 $2.771281240e+01, v6;
	v6 =	vld [tilespmem:s0+$0x1040]  }
0x271: {  	[tilespmem:s0+$0xCC60] =	vst v3;
	v3 =	vmul.f32 $2.771281240e+01, v8;
	v8 =	vld [tilespmem:s0+$0x1050]  }
0x272: {  	[tilespmem:s0+$0xCC70] =	vst v4;
	v4 =	vmul.f32 $2.771281240e+01, v9;
	v9 =	vld [tilespmem:s0+$0x1060]  }
0x273: {  	[tilespmem:s0+$0xD000] =	vst v3;
	v3 =	vmul.f32 $2.771281240e+01, v7;
	v7 =	vld [tilespmem:s0+$0x1070]  }
0x274: {  	[tilespmem:s0+$0xD010] =	vst v4;
	v4 =	vmul.f32 $2.771281240e+01, v5;
	v5 =	vld [tilespmem:s0+$0x1400]  }
0x275: {  	[tilespmem:s0+$0xD020] =	vst v3;
	v3 =	vmul.f32 $2.771281240e+01, v6;
	v6 =	vld [tilespmem:s0+$0x1410]  }
0x276: {  	[tilespmem:s0+$0xD030] =	vst v4;
	v4 =	vmul.f32 $2.771281240e+01, v8;
	v8 =	vld [tilespmem:s0+$0x1420]  }
0x277: {  	[tilespmem:s0+$0xD040] =	vst v3;
	v3 =	vmul.f32 $2.771281240e+01, v9;
	v9 =	vld [tilespmem:s0+$0x1430]  }
0x278: {  	[tilespmem:s0+$0xD050] =	vst v4;
	v4 =	vmul.f32 $2.771281240e+01, v7;
	v7 =	vld [tilespmem:s0+$0x1440]  }
0x279: {  	[tilespmem:s0+$0xD060] =	vst v3;
	v3 =	vmul.f32 $2.771281240e+01, v5;
	v5 =	vld [tilespmem:s0+$0x1450]  }
0x27a: {  	[tilespmem:s0+$0xD070] =	vst v4;
	v4 =	vmul.f32 $2.771281240e+01, v6;
	v6 =	vld [tilespmem:s0+$0x1460]  }
0x27b: {  	[tilespmem:s0+$0xD400] =	vst v3;
	v3 =	vmul.f32 $2.771281240e+01, v8;
	v8 =	vld [tilespmem:s0+$0x1470]  }
0x27c: {  	[tilespmem:s0+$0xD410] =	vst v4;
	v4 =	vmul.f32 $2.771281240e+01, v9;
	v9 =	vld [tilespmem:s0+$0x1800]  }
0x27d: {  	[tilespmem:s0+$0xD420] =	vst v3;
	v3 =	vmul.f32 $2.771281240e+01, v7;
	v7 =	vld [tilespmem:s0+$0x1810]  }
0x27e: {  	[tilespmem:s0+$0xD430] =	vst v4;
	v4 =	vmul.f32 $2.771281240e+01, v5;
	v5 =	vld [tilespmem:s0+$0x1820]  }
0x27f: {  	[tilespmem:s0+$0xD440] =	vst v3;
	v3 =	vmul.f32 $2.771281240e+01, v6;
	v6 =	vld [tilespmem:s0+$0x1830]  }
0x280: {  	[tilespmem:s0+$0xD450] =	vst v4;
	v4 =	vmul.f32 $2.771281240e+01, v8;
	v8 =	vld [tilespmem:s0+$0x1840]  }
0x281: {  	[tilespmem:s0+$0xD460] =	vst v3;
	v3 =	vmul.f32 $2.771281240e+01, v9;
	v9 =	vld [tilespmem:s0+$0x1850]  }
0x282: {  	s30 =	sshll.u32 s28, $0x6;
	[tilespmem:s0+$0xD470] =	vst v4;
	v4 =	vmul.f32 $2.771281240e+01, v7;
	v7 =	vld [tilespmem:s0+$0x1860]  }
0x283: {  	s17 =	sadd.s32 s30, s11;
	[tilespmem:s0+$0xD800] =	vst v3;
	v3 =	vmul.f32 $2.771281240e+01, v5  }
0x284: {  	s1 =	sshrl.u32 s17, $0x3;
	[tilespmem:s0+$0xD810] =	vst v4;
	v4 =	vmul.f32 $2.771281240e+01, v6  }
0x285: {  	s1 =	smul.u32 $0x1800, s1;
	[tilespmem:s0+$0xD820] =	vst v3;
	v3 =	vmul.f32 $2.771281240e+01, v8  }
0x286: {  	[tilespmem:s0+$0xD830] =	vst v4;
	v4 =	vmul.f32 $2.771281240e+01, v9  }
0x287: {  	s1 =	sadd.s32 s5, s1;
	[tilespmem:s0+$0xD840] =	vst v3;
	v3 =	vmul.f32 $2.771281240e+01, v7  }
0x288: {  	s1 =	sshrl.u32 s1, $0x3;
	[tilespmem:s0+$0xD850] =	vst v4  }
0x289: {  	s31 =	simm.s32 $0x0;
	s1 =	sadd.s32 s3, s1;
	s29 =	sand.u32 $0x3FFFFFC0, s30;
	[tilespmem:s0+$0xD860] =	vst v3  }
0x28a: {  	[hbm4b:s1+s31] =	stream.linear.scatter [tilespmem:s21], [sflag:$0x3], $0x6000, $0x38;
	[tilespmem:$0x18400] =	vst v63  }
0x28b: {  	v3 =	vld [tilespmem:s29+$0x80];
	_ =	sdelay $0x4  }
0x28c: {  	v4 =	vshrl.u32 v3, $0x3  }
0x28d: {  	v4 =	vmul.u32 $0x30, v4  }
0x28e: {  	v3 =	vand.u32 $0x7, v3  }
0x28f: {  	v3 =	vor.u32 v3, v4  }
0x290: {  	v4 =	vperm.xlane v3, v0;
	_ =	sdelay $0x1  }
0x291: {  	v4 =	vadd.s32 v1, v4;
	_ =	sdelay $0x3  }
0x292: {  	s16 =	simm.s32 $0x400;
	v3 =	vperm.xlane v3, v2  }
0x293: {  	[tilespmem:s16], [sflag:$0x1] =	stream.indirect_vreg.gather [hbm4b:s2+s31], $0x80, v4, vm0, $0xb8;
	[tilespmem:$0x18400] =	vst v63  }
0x294: {  	s17 =	simm.s32 $0xC00;
	v3 =	vadd.s32 v1, v3  }
0x295: {  	[tilespmem:s17], [sflag:$0x1] =	stream.indirect_vreg.gather [hbm4b:s8+s31], $0x80, v4, vm0, $0xb8;
	[tilespmem:$0x18400] =	vst v63  }
0x296: {  	s1 =	simm.s32 $0x1400  }
0x297: {  	[tilespmem:s1], [sflag:$0x1] =	stream.indirect_vreg.gather [hbm4b:s9+s31], $0x80, v4, vm0, $0xb8;
	[tilespmem:$0x18400] =	vst v63  }
0x298: {  	s16 =	simm.s32 $0x1C00  }
0x299: {  	[tilespmem:s16], [sflag:$0x1] =	stream.indirect_vreg.gather [hbm4b:s2+s31], $0x80, v3, vm0, $0xb8;
	[tilespmem:$0x18400] =	vst v63  }
0x29a: {  	s17 =	simm.s32 $0x2400  }
0x29b: {  	[tilespmem:s17], [sflag:$0x1] =	stream.indirect_vreg.gather [hbm4b:s8+s31], $0x80, v3, vm0, $0xb8;
	[tilespmem:$0x18400] =	vst v63  }
0x29c: {  	s1 =	simm.s32 $0x2C00  }
0x29d: {  	[tilespmem:s1], [sflag:$0x1] =	stream.indirect_vreg.gather [hbm4b:s9+s31], $0x80, v3, vm0, $0xb8;
	[tilespmem:$0x18400] =	vst v63  }
0x29e: {  	v3 =	vld [tilespmem:s29+$0x90];
	_ =	sdelay $0x4  }
0x29f: {  	v4 =	vshrl.u32 v3, $0x3  }
0x2a0: {  	v4 =	vmul.u32 $0x30, v4  }
0x2a1: {  	v3 =	vand.u32 $0x7, v3  }
0x2a2: {  	v3 =	vor.u32 v3, v4  }
0x2a3: {  	v4 =	vperm.xlane v3, v0;
	_ =	sdelay $0x1  }
0x2a4: {  	v4 =	vadd.s32 v1, v4;
	_ =	sdelay $0x3  }
0x2a5: {  	s16 =	simm.s32 $0x3400;
	v3 =	vperm.xlane v3, v2  }
0x2a6: {  	[tilespmem:s16], [sflag:$0x1] =	stream.indirect_vreg.gather [hbm4b:s2+s31], $0x80, v4, vm0, $0xb8;
	[tilespmem:$0x18400] =	vst v63  }
0x2a7: {  	s17 =	simm.s32 $0x3C00;
	v3 =	vadd.s32 v1, v3  }
0x2a8: {  	[tilespmem:s17], [sflag:$0x1] =	stream.indirect_vreg.gather [hbm4b:s8+s31], $0x80, v4, vm0, $0xb8;
	[tilespmem:$0x18400] =	vst v63  }
0x2a9: {  	s1 =	simm.s32 $0x4400  }
0x2aa: {  	[tilespmem:s1], [sflag:$0x1] =	stream.indirect_vreg.gather [hbm4b:s9+s31], $0x80, v4, vm0, $0xb8;
	[tilespmem:$0x18400] =	vst v63  }
0x2ab: {  	s16 =	simm.s32 $0x4C00  }
0x2ac: {  	[tilespmem:s16], [sflag:$0x1] =	stream.indirect_vreg.gather [hbm4b:s2+s31], $0x80, v3, vm0, $0xb8;
	[tilespmem:$0x18400] =	vst v63  }
0x2ad: {  	s17 =	simm.s32 $0x5400  }
0x2ae: {  	[tilespmem:s17], [sflag:$0x1] =	stream.indirect_vreg.gather [hbm4b:s8+s31], $0x80, v3, vm0, $0xb8;
	[tilespmem:$0x18400] =	vst v63  }
0x2af: {  	s1 =	simm.s32 $0x5C00  }
0x2b0: {  	[tilespmem:s1], [sflag:$0x1] =	stream.indirect_vreg.gather [hbm4b:s9+s31], $0x80, v3, vm0, $0xb8;
	[tilespmem:$0x18400] =	vst v63  }
0x2b1: {  	_ =	swait.ge [sflag:s22], $0x6000  }
0x2b2: {  	[sflag:s22] =	ssyncset.done $0x0  }
0x2b3: {  	s16 =	simm.s32 $0x0;
	[sflag:s22] =	ssyncadd.s32 $0xFFFFA000  }
0x2b4: {  	s0 =	smul.u32 $0x1800, s16;
	_ =	swait.ge [sflag:s25], $0x6000  }
0x2b5: {  	s17 =	sand.u32 $0x380, s31;
	[sflag:s25] =	ssyncset.done $0x0  }
0x2b6: {  	s0 =	sor.u32 s17, s0;
	[sflag:s25] =	ssyncadd.s32 $0xFFFFA000  }
0x2b7: {  	v3 =	vld [tilespmem:s0+$0x7870]  }
0x2b8: {  	v4 =	vld [tilespmem:s0+$0x6400]  }
0x2b9: {  	v5 =	vld [tilespmem:s0+$0x6410]  }
0x2ba: {  	v6 =	vld [tilespmem:s0+$0x6420]  }
0x2bb: {  	v7 =	vld [tilespmem:s0+$0x6430]  }
0x2bc: {  	v8 =	vld [tilespmem:s0+$0x6440]  }
0x2bd: {  	v9 =	vld [tilespmem:s0+$0x6450];
	v3 =	vmul.f32 $2.771281240e+01, v3  }
0x2be: {  	v4 =	vmul.f32 $2.771281240e+01, v4  }
0x2bf: {  	v10 =	vld [tilespmem:s0+$0x6460];
	[tilespmem:s0+$0x13870] =	vst v3;
	v3 =	vmul.f32 $2.771281240e+01, v5  }
0x2c0: {  	[tilespmem:s0+$0x12400] =	vst v4;
	v4 =	vld [tilespmem:s0+$0x6470];
	v5 =	vmul.f32 $2.771281240e+01, v6  }
0x2c1: {  	v6 =	vmul.f32 $2.771281240e+01, v7;
	[tilespmem:s0+$0x12410] =	vst v3;
	v3 =	vld [tilespmem:s0+$0x6800]  }
0x2c2: {  	v7 =	vmul.f32 $2.771281240e+01, v8;
	v8 =	vmul.f32 $2.771281240e+01, v9;
	[tilespmem:s0+$0x12420] =	vst v5;
	v5 =	vld [tilespmem:s0+$0x6810]  }
0x2c3: {  	[tilespmem:s0+$0x12430] =	vst v6;
	v6 =	vld [tilespmem:s0+$0x6820]  }
0x2c4: {  	v9 =	vmul.f32 $2.771281240e+01, v10;
	[tilespmem:s0+$0x12450] =	vst v8;
	v8 =	vld [tilespmem:s0+$0x6840]  }
0x2c5: {  	[tilespmem:s0+$0x12440] =	vst v7;
	v7 =	vld [tilespmem:s0+$0x6830];
	v4 =	vmul.f32 $2.771281240e+01, v4  }
0x2c6: {  	[tilespmem:s0+$0x12460] =	vst v9;
	v9 =	vld [tilespmem:s0+$0x6850];
	v3 =	vmul.f32 $2.771281240e+01, v3  }
0x2c7: {  	[tilespmem:s0+$0x12470] =	vst v4;
	v4 =	vld [tilespmem:s0+$0x6860];
	v5 =	vmul.f32 $2.771281240e+01, v5  }
0x2c8: {  	v6 =	vmul.f32 $2.771281240e+01, v6;
	[tilespmem:s0+$0x12800] =	vst v3;
	v3 =	vld [tilespmem:s0+$0x6870]  }
0x2c9: {  	v8 =	vmul.f32 $2.771281240e+01, v8;
	[tilespmem:s0+$0x12810] =	vst v5;
	v5 =	vld [tilespmem:s0+$0x6C00]  }
0x2ca: {  	v7 =	vmul.f32 $2.771281240e+01, v7;
	[tilespmem:s0+$0x12820] =	vst v6;
	v6 =	vld [tilespmem:s0+$0x6C10]  }
0x2cb: {  	v9 =	vmul.f32 $2.771281240e+01, v9;
	[tilespmem:s0+$0x12840] =	vst v8;
	v8 =	vld [tilespmem:s0+$0x6C30]  }
0x2cc: {  	[tilespmem:s0+$0x12830] =	vst v7;
	v7 =	vld [tilespmem:s0+$0x6C20];
	v4 =	vmul.f32 $2.771281240e+01, v4  }
0x2cd: {  	[tilespmem:s0+$0x12850] =	vst v9;
	v9 =	vld [tilespmem:s0+$0x6C40];
	v3 =	vmul.f32 $2.771281240e+01, v3  }
0x2ce: {  	[tilespmem:s0+$0x12860] =	vst v4;
	v4 =	vld [tilespmem:s0+$0x6C50];
	v5 =	vmul.f32 $2.771281240e+01, v5  }
0x2cf: {  	v6 =	vmul.f32 $2.771281240e+01, v6;
	[tilespmem:s0+$0x12870] =	vst v3;
	v3 =	vld [tilespmem:s0+$0x6C60]  }
0x2d0: {  	v8 =	vmul.f32 $2.771281240e+01, v8;
	[tilespmem:s0+$0x12C00] =	vst v5;
	v5 =	vld [tilespmem:s0+$0x6C70]  }
0x2d1: {  	v7 =	vmul.f32 $2.771281240e+01, v7;
	[tilespmem:s0+$0x12C10] =	vst v6;
	v6 =	vld [tilespmem:s0+$0x7000]  }
0x2d2: {  	v9 =	vmul.f32 $2.771281240e+01, v9;
	[tilespmem:s0+$0x12C30] =	vst v8;
	v8 =	vld [tilespmem:s0+$0x7020]  }
0x2d3: {  	[tilespmem:s0+$0x12C20] =	vst v7;
	v7 =	vld [tilespmem:s0+$0x7010];
	v4 =	vmul.f32 $2.771281240e+01, v4  }
0x2d4: {  	[tilespmem:s0+$0x12C40] =	vst v9;
	v9 =	vld [tilespmem:s0+$0x7030];
	v3 =	vmul.f32 $2.771281240e+01, v3  }
0x2d5: {  	[tilespmem:s0+$0x12C50] =	vst v4;
	v4 =	vld [tilespmem:s0+$0x7040];
	v5 =	vmul.f32 $2.771281240e+01, v5  }
0x2d6: {  	v6 =	vmul.f32 $2.771281240e+01, v6;
	[tilespmem:s0+$0x12C60] =	vst v3;
	v3 =	vld [tilespmem:s0+$0x7050]  }
0x2d7: {  	v8 =	vmul.f32 $2.771281240e+01, v8;
	[tilespmem:s0+$0x12C70] =	vst v5;
	v5 =	vld [tilespmem:s0+$0x7060]  }
0x2d8: {  	v7 =	vmul.f32 $2.771281240e+01, v7;
	[tilespmem:s0+$0x13000] =	vst v6;
	v6 =	vld [tilespmem:s0+$0x7070]  }
0x2d9: {  	v9 =	vmul.f32 $2.771281240e+01, v9;
	[tilespmem:s0+$0x13020] =	vst v8;
	v8 =	vld [tilespmem:s0+$0x7410]  }
0x2da: {  	[tilespmem:s0+$0x13010] =	vst v7;
	v7 =	vld [tilespmem:s0+$0x7400];
	v4 =	vmul.f32 $2.771281240e+01, v4  }
0x2db: {  	[tilespmem:s0+$0x13030] =	vst v9;
	v9 =	vld [tilespmem:s0+$0x7420];
	v3 =	vmul.f32 $2.771281240e+01, v3  }
0x2dc: {  	[tilespmem:s0+$0x13040] =	vst v4;
	v4 =	vld [tilespmem:s0+$0x7430];
	v5 =	vmul.f32 $2.771281240e+01, v5  }
0x2dd: {  	v6 =	vmul.f32 $2.771281240e+01, v6;
	[tilespmem:s0+$0x13050] =	vst v3;
	v3 =	vld [tilespmem:s0+$0x7440]  }
0x2de: {  	v10 =	vld [tilespmem:s0+$0x7450];
	v8 =	vmul.f32 $2.771281240e+01, v8;
	[tilespmem:s0+$0x13060] =	vst v5  }
0x2df: {  	v5 =	vmul.f32 $2.771281240e+01, v7;
	[tilespmem:s0+$0x13070] =	vst v6;
	v6 =	vld [tilespmem:s0+$0x7460]  }
0x2e0: {  	v9 =	vmul.f32 $2.771281240e+01, v9;
	v7 =	vld [tilespmem:s0+$0x7470];
	[tilespmem:s0+$0x13410] =	vst v8  }
0x2e1: {  	[tilespmem:s0+$0x13400] =	vst v5;
	v5 =	vld [tilespmem:s0+$0x7800];
	v8 =	vmul.f32 $2.771281240e+01, v4  }
0x2e2: {  	[tilespmem:s0+$0x13420] =	vst v9;
	v4 =	vld [tilespmem:s0+$0x7810];
	v9 =	vmul.f32 $2.771281240e+01, v3  }
0x2e3: {  	[tilespmem:s0+$0x13430] =	vst v8;
	v3 =	vld [tilespmem:s0+$0x7820];
	v8 =	vmul.f32 $2.771281240e+01, v10  }
0x2e4: {  	s16 =	simm.s32 $0x0;
	s1 =	simm.s32 $0x2;
	[tilespmem:s0+$0x13440] =	vst v9;
	v9 =	vmul.f32 $2.771281240e+01, v6;
	v6 =	vld [tilespmem:s0+$0x7830]  }
.LBB2_9:
0x2e5: {  	p0 =	sne.s32 s1, $0x1F;
	s16 =	smul.u32 $0x1800, s16;
	[tilespmem:s0+$0x13450] =	vst v8;
	v7 =	vmul.f32 $2.771281240e+01, v7;
	v8 =	vld [tilespmem:s0+$0x7840];
	s31 =	sadd.s32 $0x80, s31  }
0x2e6: {  	s17 =	sand.u32 $0x380, s31;
	[tilespmem:s0+$0x13460] =	vst v9;
	v5 =	vmul.f32 $2.771281240e+01, v5;
	v9 =	vld [tilespmem:s0+$0x7850]  }
0x2e7: {  	s16 =	sor.u32 s17, s16;
	[tilespmem:s0+$0x13470] =	vst v7;
	v4 =	vmul.f32 $2.771281240e+01, v4;
	v7 =	vld [tilespmem:s0+$0x7860]  }
0x2e8: {  	v10 =	vld [tilespmem:s16+$0x7870];
	[tilespmem:s0+$0x13800] =	vst v5;
	v3 =	vmul.f32 $2.771281240e+01, v3  }
0x2e9: {  	v5 =	vld [tilespmem:s16+$0x6400];
	[tilespmem:s0+$0x13810] =	vst v4;
	v4 =	vmul.f32 $2.771281240e+01, v6  }
0x2ea: {  	v6 =	vld [tilespmem:s16+$0x6410];
	[tilespmem:s0+$0x13820] =	vst v3;
	v3 =	vmul.f32 $2.771281240e+01, v8  }
0x2eb: {  	v8 =	vld [tilespmem:s16+$0x6420];
	[tilespmem:s0+$0x13830] =	vst v4;
	v4 =	vmul.f32 $2.771281240e+01, v9  }
0x2ec: {  	v9 =	vld [tilespmem:s16+$0x6430];
	[tilespmem:s0+$0x13840] =	vst v3;
	v3 =	vmul.f32 $2.771281240e+01, v7  }
0x2ed: {  	v7 =	vld [tilespmem:s16+$0x6440];
	v10 =	vmul.f32 $2.771281240e+01, v10;
	[tilespmem:s0+$0x13850] =	vst v4  }
0x2ee: {  	v4 =	vmul.f32 $2.771281240e+01, v5;
	v5 =	vld [tilespmem:s16+$0x6450];
	[tilespmem:s0+$0x13860] =	vst v3;
	s0 =	smov.u32 s16  }
0x2ef: {  	v3 =	vmul.f32 $2.771281240e+01, v6;
	v6 =	vld [tilespmem:s0+$0x6460];
	[tilespmem:s0+$0x13870] =	vst v10  }
0x2f0: {  	[tilespmem:s0+$0x12400] =	vst v4;
	v4 =	vmul.f32 $2.771281240e+01, v8;
	v8 =	vld [tilespmem:s0+$0x6470]  }
0x2f1: {  	[tilespmem:s0+$0x12410] =	vst v3;
	v3 =	vmul.f32 $2.771281240e+01, v9;
	v9 =	vld [tilespmem:s0+$0x6800]  }
0x2f2: {  	[tilespmem:s0+$0x12420] =	vst v4;
	v4 =	vmul.f32 $2.771281240e+01, v7;
	v7 =	vld [tilespmem:s0+$0x6810]  }
0x2f3: {  	[tilespmem:s0+$0x12430] =	vst v3;
	v3 =	vmul.f32 $2.771281240e+01, v5;
	v5 =	vld [tilespmem:s0+$0x6820]  }
0x2f4: {  	[tilespmem:s0+$0x12440] =	vst v4;
	v4 =	vmul.f32 $2.771281240e+01, v6;
	v6 =	vld [tilespmem:s0+$0x6830]  }
0x2f5: {  	[tilespmem:s0+$0x12450] =	vst v3;
	v3 =	vmul.f32 $2.771281240e+01, v8;
	v8 =	vld [tilespmem:s0+$0x6840]  }
0x2f6: {  	[tilespmem:s0+$0x12460] =	vst v4;
	v4 =	vmul.f32 $2.771281240e+01, v9;
	v9 =	vld [tilespmem:s0+$0x6850]  }
0x2f7: {  	[tilespmem:s0+$0x12470] =	vst v3;
	v3 =	vmul.f32 $2.771281240e+01, v7;
	v7 =	vld [tilespmem:s0+$0x6860]  }
0x2f8: {  	[tilespmem:s0+$0x12800] =	vst v4;
	v4 =	vmul.f32 $2.771281240e+01, v5;
	v5 =	vld [tilespmem:s0+$0x6870]  }
0x2f9: {  	[tilespmem:s0+$0x12810] =	vst v3;
	v3 =	vmul.f32 $2.771281240e+01, v6;
	v6 =	vld [tilespmem:s0+$0x6C00]  }
0x2fa: {  	[tilespmem:s0+$0x12820] =	vst v4;
	v4 =	vmul.f32 $2.771281240e+01, v8;
	v8 =	vld [tilespmem:s0+$0x6C10]  }
0x2fb: {  	[tilespmem:s0+$0x12830] =	vst v3;
	v3 =	vmul.f32 $2.771281240e+01, v9;
	v9 =	vld [tilespmem:s0+$0x6C20]  }
0x2fc: {  	[tilespmem:s0+$0x12840] =	vst v4;
	v4 =	vmul.f32 $2.771281240e+01, v7;
	v7 =	vld [tilespmem:s0+$0x6C30]  }
0x2fd: {  	[tilespmem:s0+$0x12850] =	vst v3;
	v3 =	vmul.f32 $2.771281240e+01, v5;
	v5 =	vld [tilespmem:s0+$0x6C40]  }
0x2fe: {  	[tilespmem:s0+$0x12860] =	vst v4;
	v4 =	vmul.f32 $2.771281240e+01, v6;
	v6 =	vld [tilespmem:s0+$0x6C50]  }
0x2ff: {  	[tilespmem:s0+$0x12870] =	vst v3;
	v3 =	vmul.f32 $2.771281240e+01, v8;
	v8 =	vld [tilespmem:s0+$0x6C60]  }
0x300: {  	[tilespmem:s0+$0x12C00] =	vst v4;
	v4 =	vmul.f32 $2.771281240e+01, v9;
	v9 =	vld [tilespmem:s0+$0x6C70]  }
0x301: {  	[tilespmem:s0+$0x12C10] =	vst v3;
	v3 =	vmul.f32 $2.771281240e+01, v7;
	v7 =	vld [tilespmem:s0+$0x7000]  }
0x302: {  	[tilespmem:s0+$0x12C20] =	vst v4;
	v4 =	vmul.f32 $2.771281240e+01, v5;
	v5 =	vld [tilespmem:s0+$0x7010]  }
0x303: {  	[tilespmem:s0+$0x12C30] =	vst v3;
	v3 =	vmul.f32 $2.771281240e+01, v6;
	v6 =	vld [tilespmem:s0+$0x7020]  }
0x304: {  	[tilespmem:s0+$0x12C40] =	vst v4;
	v4 =	vmul.f32 $2.771281240e+01, v8;
	v8 =	vld [tilespmem:s0+$0x7030]  }
0x305: {  	[tilespmem:s0+$0x12C50] =	vst v3;
	v3 =	vmul.f32 $2.771281240e+01, v9;
	v9 =	vld [tilespmem:s0+$0x7040]  }
0x306: {  	[tilespmem:s0+$0x12C60] =	vst v4;
	v4 =	vmul.f32 $2.771281240e+01, v7;
	v7 =	vld [tilespmem:s0+$0x7050]  }
0x307: {  	[tilespmem:s0+$0x12C70] =	vst v3;
	v3 =	vmul.f32 $2.771281240e+01, v5;
	v5 =	vld [tilespmem:s0+$0x7060]  }
0x308: {  	[tilespmem:s0+$0x13000] =	vst v4;
	v4 =	vmul.f32 $2.771281240e+01, v6;
	v6 =	vld [tilespmem:s0+$0x7070]  }
0x309: {  	[tilespmem:s0+$0x13010] =	vst v3;
	v3 =	vmul.f32 $2.771281240e+01, v8;
	v8 =	vld [tilespmem:s0+$0x7400]  }
0x30a: {  	[tilespmem:s0+$0x13020] =	vst v4;
	v4 =	vmul.f32 $2.771281240e+01, v9;
	v9 =	vld [tilespmem:s0+$0x7410]  }
0x30b: {  	[tilespmem:s0+$0x13030] =	vst v3;
	v3 =	vmul.f32 $2.771281240e+01, v7;
	v7 =	vld [tilespmem:s0+$0x7420]  }
0x30c: {  	[tilespmem:s0+$0x13040] =	vst v4;
	v4 =	vmul.f32 $2.771281240e+01, v5;
	v5 =	vld [tilespmem:s0+$0x7430]  }
0x30d: {  	[tilespmem:s0+$0x13050] =	vst v3;
	v3 =	vmul.f32 $2.771281240e+01, v6;
	v6 =	vld [tilespmem:s0+$0x7440]  }
0x30e: {  	[tilespmem:s0+$0x13060] =	vst v4;
	v4 =	vmul.f32 $2.771281240e+01, v8;
	v8 =	vld [tilespmem:s0+$0x7450]  }
0x30f: {  	[tilespmem:s0+$0x13070] =	vst v3;
	v3 =	vmul.f32 $2.771281240e+01, v9;
	v9 =	vld [tilespmem:s0+$0x7460]  }
.Ltmp3:
0x310: {  	[tilespmem:s0+$0x13400] =	vst v4;
	v4 =	vmul.f32 $2.771281240e+01, v7;
	v7 =	vld [tilespmem:s0+$0x7470];
	(pc) =	sbr.rel @p0 .LBB2_9-.Ltmp3, $4  }
0x311: {  	[tilespmem:s0+$0x13410] =	vst v3;
	v3 =	vmul.f32 $2.771281240e+01, v5;
	v5 =	vld [tilespmem:s0+$0x7800]  }
0x312: {  	[tilespmem:s0+$0x13420] =	vst v4;
	v6 =	vmul.f32 $2.771281240e+01, v6;
	v4 =	vld [tilespmem:s0+$0x7810]  }
0x313: {  	[tilespmem:s0+$0x13430] =	vst v3;
	v8 =	vmul.f32 $2.771281240e+01, v8;
	v3 =	vld [tilespmem:s0+$0x7820]  }
0x314: {  	s16 =	sshrl.u32 s1, $0x3;
	s1 =	sadd.s32 $0x1, s1;
	[tilespmem:s0+$0x13440] =	vst v6;
	v9 =	vmul.f32 $2.771281240e+01, v9;
	v6 =	vld [tilespmem:s0+$0x7830]  }
0x315: {  	[tilespmem:s0+$0x13450] =	vst v8;
	v47 =	vld [tilespmem:s0+$0x7840];
	v7 =	vmul.f32 $2.771281240e+01, v7;
	s1 =	smul.u32 $0x1800, s16;
	s17 =	sadd.s32 $0x80, s31  }
0x316: {  	v48 =	vld [tilespmem:s0+$0x7850];
	[tilespmem:s0+$0x13460] =	vst v9;
	s16 =	sand.u32 $0x380, s17;
	v5 =	vmul.f32 $2.771281240e+01, v5  }
0x317: {  	v49 =	vld [tilespmem:s0+$0x7860];
	[tilespmem:s0+$0x13470] =	vst v7;
	s1 =	sor.u32 s16, s1;
	v4 =	vmul.f32 $2.771281240e+01, v4  }
0x318: {  	v10 =	vld [tilespmem:s1+$0x7870];
	[tilespmem:s0+$0x13800] =	vst v5;
	v3 =	vmul.f32 $2.771281240e+01, v3  }
0x319: {  	v5 =	vld [tilespmem:s1+$0x6400];
	[tilespmem:s0+$0x13810] =	vst v4;
	v6 =	vmul.f32 $2.771281240e+01, v6  }
0x31a: {  	v4 =	vld [tilespmem:s1+$0x6410];
	[tilespmem:s0+$0x13820] =	vst v3;
	v8 =	vmul.f32 $2.771281240e+01, v47  }
0x31b: {  	v9 =	vmul.f32 $2.771281240e+01, v48;
	v3 =	vld [tilespmem:s1+$0x6420];
	[tilespmem:s0+$0x13830] =	vst v6  }
0x31c: {  	v7 =	vmul.f32 $2.771281240e+01, v49;
	v6 =	vld [tilespmem:s1+$0x6430];
	[tilespmem:s0+$0x13840] =	vst v8  }
0x31d: {  	v8 =	vld [tilespmem:s1+$0x6440];
	[tilespmem:s0+$0x13850] =	vst v9;
	v50 =	vmul.f32 $2.771281240e+01, v10  }
0x31e: {  	v51 =	vld [tilespmem:s1+$0x6450];
	v5 =	vmul.f32 $2.771281240e+01, v5;
	[tilespmem:s0+$0x13860] =	vst v7  }
0x31f: {  	v4 =	vmul.f32 $2.771281240e+01, v4;
	v7 =	vld [tilespmem:s1+$0x6460];
	[tilespmem:s1+$0x13870] =	vst v50  }
0x320: {  	v52 =	vld [tilespmem:s1+$0x6470];
	[tilespmem:s1+$0x12400] =	vst v5;
	v3 =	vmul.f32 $2.771281240e+01, v3  }
0x321: {  	v54 =	vld [tilespmem:s1+$0x6800];
	[tilespmem:s1+$0x12410] =	vst v4;
	v53 =	vmul.f32 $2.771281240e+01, v6  }
0x322: {  	v55 =	vld [tilespmem:s1+$0x6810];
	[tilespmem:s1+$0x12420] =	vst v3;
	v3 =	vmul.f32 $2.771281240e+01, v8  }
0x323: {  	v57 =	vld [tilespmem:s1+$0x6820];
	[tilespmem:s1+$0x12430] =	vst v53;
	v56 =	vmul.f32 $2.771281240e+01, v51  }
0x324: {  	v58 =	vld [tilespmem:s1+$0x6830];
	[tilespmem:s1+$0x12440] =	vst v3;
	v3 =	vmul.f32 $2.771281240e+01, v7  }
0x325: {  	v60 =	vld [tilespmem:s1+$0x6840];
	v59 =	vmul.f32 $2.771281240e+01, v52;
	[tilespmem:s1+$0x12450] =	vst v56  }
0x326: {  	v61 =	vld [tilespmem:s1+$0x6850];
	[tilespmem:s1+$0x12460] =	vst v3;
	v3 =	vmul.f32 $2.771281240e+01, v54  }
0x327: {  	v63 =	vld [tilespmem:s1+$0x6860];
	v62 =	vmul.f32 $2.771281240e+01, v55;
	[tilespmem:s1+$0x12470] =	vst v59  }
0x328: {  	v12 =	vld [tilespmem:s1+$0x6870];
	[tilespmem:s1+$0x12800] =	vst v3;
	v3 =	vmul.f32 $2.771281240e+01, v57  }
0x329: {  	v14 =	vld [tilespmem:s1+$0x6C00];
	v13 =	vmul.f32 $2.771281240e+01, v58;
	[tilespmem:s1+$0x12810] =	vst v62  }
0x32a: {  	v15 =	vld [tilespmem:s1+$0x6C10];
	[tilespmem:s1+$0x12820] =	vst v3;
	v3 =	vmul.f32 $2.771281240e+01, v60  }
0x32b: {  	v17 =	vld [tilespmem:s1+$0x6C20];
	v16 =	vmul.f32 $2.771281240e+01, v61;
	[tilespmem:s1+$0x12830] =	vst v13  }
0x32c: {  	v18 =	vld [tilespmem:s1+$0x6C30];
	[tilespmem:s1+$0x12840] =	vst v3;
	v3 =	vmul.f32 $2.771281240e+01, v63  }
0x32d: {  	v20 =	vld [tilespmem:s1+$0x6C40];
	v19 =	vmul.f32 $2.771281240e+01, v12;
	[tilespmem:s1+$0x12850] =	vst v16  }
0x32e: {  	v21 =	vld [tilespmem:s1+$0x6C50];
	[tilespmem:s1+$0x12860] =	vst v3;
	v3 =	vmul.f32 $2.771281240e+01, v14  }
0x32f: {  	v23 =	vld [tilespmem:s1+$0x6C60];
	v22 =	vmul.f32 $2.771281240e+01, v15;
	[tilespmem:s1+$0x12870] =	vst v19  }
0x330: {  	v24 =	vld [tilespmem:s1+$0x6C70];
	[tilespmem:s1+$0x12C00] =	vst v3;
	v3 =	vmul.f32 $2.771281240e+01, v17  }
0x331: {  	v26 =	vld [tilespmem:s1+$0x7000];
	v25 =	vmul.f32 $2.771281240e+01, v18;
	[tilespmem:s1+$0x12C10] =	vst v22  }
0x332: {  	v27 =	vld [tilespmem:s1+$0x7010];
	[tilespmem:s1+$0x12C20] =	vst v3;
	v3 =	vmul.f32 $2.771281240e+01, v20  }
0x333: {  	v29 =	vld [tilespmem:s1+$0x7020];
	v28 =	vmul.f32 $2.771281240e+01, v21;
	[tilespmem:s1+$0x12C30] =	vst v25  }
0x334: {  	v30 =	vld [tilespmem:s1+$0x7030];
	[tilespmem:s1+$0x12C40] =	vst v3;
	v3 =	vmul.f32 $2.771281240e+01, v23  }
0x335: {  	v32 =	vld [tilespmem:s1+$0x7040];
	v31 =	vmul.f32 $2.771281240e+01, v24;
	[tilespmem:s1+$0x12C50] =	vst v28  }
0x336: {  	v33 =	vld [tilespmem:s1+$0x7050];
	[tilespmem:s1+$0x12C60] =	vst v3;
	v3 =	vmul.f32 $2.771281240e+01, v26  }
0x337: {  	v35 =	vld [tilespmem:s1+$0x7060];
	v34 =	vmul.f32 $2.771281240e+01, v27;
	[tilespmem:s1+$0x12C70] =	vst v31  }
0x338: {  	v36 =	vld [tilespmem:s1+$0x7070];
	[tilespmem:s1+$0x13000] =	vst v3;
	v3 =	vmul.f32 $2.771281240e+01, v29  }
0x339: {  	v38 =	vld [tilespmem:s1+$0x7400];
	v37 =	vmul.f32 $2.771281240e+01, v30;
	[tilespmem:s1+$0x13010] =	vst v34  }
0x33a: {  	v39 =	vld [tilespmem:s1+$0x7410];
	[tilespmem:s1+$0x13020] =	vst v3;
	v3 =	vmul.f32 $2.771281240e+01, v32  }
0x33b: {  	v41 =	vld [tilespmem:s1+$0x7420];
	v40 =	vmul.f32 $2.771281240e+01, v33;
	[tilespmem:s1+$0x13030] =	vst v37  }
0x33c: {  	v42 =	vld [tilespmem:s1+$0x7430];
	[tilespmem:s1+$0x13040] =	vst v3;
	v3 =	vmul.f32 $2.771281240e+01, v35  }
0x33d: {  	v44 =	vld [tilespmem:s1+$0x7440];
	v43 =	vmul.f32 $2.771281240e+01, v36;
	[tilespmem:s1+$0x13050] =	vst v40  }
0x33e: {  	v45 =	vld [tilespmem:s1+$0x7450];
	[tilespmem:s1+$0x13060] =	vst v3;
	v3 =	vmul.f32 $2.771281240e+01, v38  }
0x33f: {  	v47 =	vld [tilespmem:s1+$0x7460];
	v46 =	vmul.f32 $2.771281240e+01, v39;
	[tilespmem:s1+$0x13070] =	vst v43  }
0x340: {  	v48 =	vld [tilespmem:s1+$0x7470];
	[tilespmem:s1+$0x13400] =	vst v3;
	v3 =	vmul.f32 $2.771281240e+01, v41  }
0x341: {  	v50 =	vld [tilespmem:s1+$0x7800];
	v49 =	vmul.f32 $2.771281240e+01, v42;
	[tilespmem:s1+$0x13410] =	vst v46  }
0x342: {  	v51 =	vld [tilespmem:s1+$0x7810];
	[tilespmem:s1+$0x13420] =	vst v3;
	v3 =	vmul.f32 $2.771281240e+01, v44  }
0x343: {  	v53 =	vld [tilespmem:s1+$0x7820];
	v52 =	vmul.f32 $2.771281240e+01, v45;
	[tilespmem:s1+$0x13430] =	vst v49  }
0x344: {  	v54 =	vld [tilespmem:s1+$0x7830];
	[tilespmem:s1+$0x13440] =	vst v3;
	v3 =	vmul.f32 $2.771281240e+01, v47  }
0x345: {  	v55 =	vmul.f32 $2.771281240e+01, v48;
	v56 =	vld [tilespmem:s1+$0x7840];
	[tilespmem:s1+$0x13450] =	vst v52  }
0x346: {  	v57 =	vld [tilespmem:s1+$0x7850];
	[tilespmem:s1+$0x13460] =	vst v3;
	v3 =	vmul.f32 $2.771281240e+01, v50  }
0x347: {  	[tilespmem:s1+$0x13470] =	vst v55;
	v59 =	vld [tilespmem:s1+$0x7860];
	v58 =	vmul.f32 $2.771281240e+01, v51  }
0x348: {  	s31 =	sadd.s32 s30, s12;
	[tilespmem:s1+$0x13800] =	vst v3;
	v3 =	vmul.f32 $2.771281240e+01, v53  }
0x349: {  	s0 =	sshrl.u32 s31, $0x3;
	[tilespmem:s1+$0x13810] =	vst v58;
	v60 =	vmul.f32 $2.771281240e+01, v54  }
0x34a: {  	s0 =	smul.u32 $0x1800, s0;
	[tilespmem:s1+$0x13820] =	vst v3;
	v3 =	vmul.f32 $2.771281240e+01, v56  }
0x34b: {  	[tilespmem:s1+$0x13830] =	vst v60;
	v61 =	vmul.f32 $2.771281240e+01, v57  }
0x34c: {  	s0 =	sadd.s32 s5, s0;
	[tilespmem:s1+$0x13840] =	vst v3;
	v3 =	vmul.f32 $2.771281240e+01, v59  }
0x34d: {  	s0 =	sshrl.u32 s0, $0x3;
	[tilespmem:s1+$0x13850] =	vst v61  }
0x34e: {  	s0 =	sadd.s32 s3, s0;
	[tilespmem:s1+$0x13860] =	vst v3  }
0x34f: {  	[hbm4b:s0+s4] =	stream.linear.scatter [tilespmem:s23], [sflag:$0x4], $0x6000, $0x38;
	[tilespmem:$0x18400] =	vst v63  }
0x350: {  	v3 =	vld [tilespmem:s29+$0xA0];
	_ =	sdelay $0x4  }
0x351: {  	v62 =	vshrl.u32 v3, $0x3  }
0x352: {  	v4 =	vmul.u32 $0x30, v62  }
0x353: {  	v3 =	vand.u32 $0x7, v3  }
0x354: {  	v3 =	vor.u32 v3, v4  }
0x355: {  	v4 =	vperm.xlane v3, v0;
	_ =	sdelay $0x1  }
0x356: {  	v4 =	vadd.s32 v1, v4;
	_ =	sdelay $0x3  }
0x357: {  	s16 =	simm.s32 $0x6400;
	v3 =	vperm.xlane v3, v2  }
0x358: {  	[tilespmem:s16], [sflag:$0x2] =	stream.indirect_vreg.gather [hbm4b:s2+s4], $0x80, v4, vm0, $0xb8;
	[tilespmem:$0x18400] =	vst v63  }
0x359: {  	s17 =	simm.s32 $0x6C00;
	v3 =	vadd.s32 v1, v3  }
0x35a: {  	[tilespmem:s17], [sflag:$0x2] =	stream.indirect_vreg.gather [hbm4b:s8+s4], $0x80, v4, vm0, $0xb8;
	[tilespmem:$0x18400] =	vst v63  }
0x35b: {  	s30 =	simm.s32 $0x7400  }
0x35c: {  	[tilespmem:s30], [sflag:$0x2] =	stream.indirect_vreg.gather [hbm4b:s9+s4], $0x80, v4, vm0, $0xb8;
	[tilespmem:$0x18400] =	vst v63  }
0x35d: {  	s31 =	simm.s32 $0x7C00  }
0x35e: {  	[tilespmem:s31], [sflag:$0x2] =	stream.indirect_vreg.gather [hbm4b:s2+s4], $0x80, v3, vm0, $0xb8;
	[tilespmem:$0x18400] =	vst v63  }
0x35f: {  	_ = 	snop  }
0x360: {  	[tilespmem:s6], [sflag:$0x2] =	stream.indirect_vreg.gather [hbm4b:s8+s4], $0x80, v3, vm0, $0xb8;
	[tilespmem:$0x18400] =	vst v63  }
0x361: {  	_ = 	snop  }
0x362: {  	[tilespmem:s10], [sflag:$0x2] =	stream.indirect_vreg.gather [hbm4b:s9+s4], $0x80, v3, vm0, $0xb8;
	[tilespmem:$0x18400] =	vst v63  }
0x363: {  	v3 =	vld [tilespmem:s29+$0xB0];
	_ =	sdelay $0x4  }
0x364: {  	v63 =	vshrl.u32 v3, $0x3  }
0x365: {  	v4 =	vmul.u32 $0x30, v63  }
0x366: {  	v3 =	vand.u32 $0x7, v3  }
0x367: {  	v3 =	vor.u32 v3, v4  }
0x368: {  	v4 =	vperm.xlane v3, v0;
	_ =	sdelay $0x1  }
0x369: {  	v4 =	vadd.s32 v1, v4;
	_ =	sdelay $0x3  }
0x36a: {  	v3 =	vperm.xlane v3, v2  }
0x36b: {  	[tilespmem:s13], [sflag:$0x2] =	stream.indirect_vreg.gather [hbm4b:s2+s4], $0x80, v4, vm0, $0xb8;
	[tilespmem:$0x18400] =	vst v63  }
0x36c: {  	v3 =	vadd.s32 v1, v3  }
0x36d: {  	[tilespmem:s14], [sflag:$0x2] =	stream.indirect_vreg.gather [hbm4b:s8+s4], $0x80, v4, vm0, $0xb8;
	[tilespmem:$0x18400] =	vst v63  }
0x36e: {  	s28 =	sadd.s32 $0x1, s28  }
0x36f: {  	[tilespmem:s15], [sflag:$0x2] =	stream.indirect_vreg.gather [hbm4b:s9+s4], $0x80, v4, vm0, $0xb8;
	[tilespmem:$0x18400] =	vst v63  }
0x370: {  	p0 =	sne.s32 s28, $0xE  }
0x371: {  	[tilespmem:s7], [sflag:$0x2] =	stream.indirect_vreg.gather [hbm4b:s2+s4], $0x80, v3, vm0, $0xb8;
	[tilespmem:$0x18400] =	vst v63  }
.Ltmp4:
0x372: {  	_ = 	snop;
	(pc) =	sbr.rel @p0 .LBB2_6-.Ltmp4, $4  }
0x373: {  	_ = 	snop  }
0x374: {  	[tilespmem:s18], [sflag:$0x2] =	stream.indirect_vreg.gather [hbm4b:s8+s4], $0x80, v3, vm0, $0xb8;
	[tilespmem:$0x18400] =	vst v63  }
0x375: {  	_ = 	snop  }
0x376: {  	[tilespmem:s19], [sflag:$0x2] =	stream.indirect_vreg.gather [hbm4b:s9+s4], $0x80, v3, vm0, $0xb8;
	[tilespmem:$0x18400] =	vst v63  }
0x377: {  	_ =	swait.ge [sflag:s20], $0x6000  }
0x378: {  	[sflag:s20] =	ssyncset.done $0x0  }
0x379: {  	s0 =	simm.s32 $0x0;
	[sflag:s20] =	ssyncadd.s32 $0xFFFFA000  }
0x37a: {  	s26 =	simm.s32 $0x0;
	s0 =	smul.u32 $0x1800, s0;
	_ =	swait.ge [sflag:s24], $0x6000  }
0x37b: {  	s1 =	sand.u32 $0x380, s26;
	[sflag:s24] =	ssyncset.done $0x0  }
0x37c: {  	s0 =	sor.u32 s1, s0;
	[sflag:s24] =	ssyncadd.s32 $0xFFFFA000  }
0x37d: {  	v3 =	vld [tilespmem:s0+$0x1870]  }
0x37e: {  	v4 =	vld [tilespmem:s0+$0x400]  }
0x37f: {  	v5 =	vld [tilespmem:s0+$0x410]  }
0x380: {  	v6 =	vld [tilespmem:s0+$0x420]  }
0x381: {  	v7 =	vld [tilespmem:s0+$0x430]  }
0x382: {  	v8 =	vld [tilespmem:s0+$0x440]  }
0x383: {  	v9 =	vld [tilespmem:s0+$0x450];
	v3 =	vmul.f32 $2.771281240e+01, v3  }
0x384: {  	v4 =	vmul.f32 $2.771281240e+01, v4  }
0x385: {  	v10 =	vld [tilespmem:s0+$0x460];
	[tilespmem:s0+$0xD870] =	vst v3;
	v3 =	vmul.f32 $2.771281240e+01, v5  }
0x386: {  	[tilespmem:s0+$0xC400] =	vst v4;
	v4 =	vld [tilespmem:s0+$0x470];
	v5 =	vmul.f32 $2.771281240e+01, v6  }
0x387: {  	v6 =	vmul.f32 $2.771281240e+01, v7;
	[tilespmem:s0+$0xC410] =	vst v3;
	v3 =	vld [tilespmem:s0+$0x800]  }
0x388: {  	v7 =	vmul.f32 $2.771281240e+01, v8;
	v8 =	vmul.f32 $2.771281240e+01, v9;
	[tilespmem:s0+$0xC420] =	vst v5;
	v5 =	vld [tilespmem:s0+$0x810]  }
0x389: {  	[tilespmem:s0+$0xC430] =	vst v6;
	v6 =	vld [tilespmem:s0+$0x820]  }
0x38a: {  	v9 =	vmul.f32 $2.771281240e+01, v10;
	[tilespmem:s0+$0xC450] =	vst v8;
	v8 =	vld [tilespmem:s0+$0x840]  }
0x38b: {  	[tilespmem:s0+$0xC440] =	vst v7;
	v7 =	vld [tilespmem:s0+$0x830];
	v4 =	vmul.f32 $2.771281240e+01, v4  }
0x38c: {  	[tilespmem:s0+$0xC460] =	vst v9;
	v9 =	vld [tilespmem:s0+$0x850];
	v3 =	vmul.f32 $2.771281240e+01, v3  }
0x38d: {  	[tilespmem:s0+$0xC470] =	vst v4;
	v4 =	vld [tilespmem:s0+$0x860];
	v5 =	vmul.f32 $2.771281240e+01, v5  }
0x38e: {  	v6 =	vmul.f32 $2.771281240e+01, v6;
	[tilespmem:s0+$0xC800] =	vst v3;
	v3 =	vld [tilespmem:s0+$0x870]  }
0x38f: {  	v8 =	vmul.f32 $2.771281240e+01, v8;
	[tilespmem:s0+$0xC810] =	vst v5;
	v5 =	vld [tilespmem:s0+$0xC00]  }
0x390: {  	v7 =	vmul.f32 $2.771281240e+01, v7;
	[tilespmem:s0+$0xC820] =	vst v6;
	v6 =	vld [tilespmem:s0+$0xC10]  }
0x391: {  	v9 =	vmul.f32 $2.771281240e+01, v9;
	[tilespmem:s0+$0xC840] =	vst v8;
	v8 =	vld [tilespmem:s0+$0xC30]  }
0x392: {  	[tilespmem:s0+$0xC830] =	vst v7;
	v7 =	vld [tilespmem:s0+$0xC20];
	v4 =	vmul.f32 $2.771281240e+01, v4  }
0x393: {  	[tilespmem:s0+$0xC850] =	vst v9;
	v9 =	vld [tilespmem:s0+$0xC40];
	v3 =	vmul.f32 $2.771281240e+01, v3  }
0x394: {  	[tilespmem:s0+$0xC860] =	vst v4;
	v4 =	vld [tilespmem:s0+$0xC50];
	v5 =	vmul.f32 $2.771281240e+01, v5  }
0x395: {  	v6 =	vmul.f32 $2.771281240e+01, v6;
	[tilespmem:s0+$0xC870] =	vst v3;
	v3 =	vld [tilespmem:s0+$0xC60]  }
0x396: {  	v8 =	vmul.f32 $2.771281240e+01, v8;
	[tilespmem:s0+$0xCC00] =	vst v5;
	v5 =	vld [tilespmem:s0+$0xC70]  }
0x397: {  	v7 =	vmul.f32 $2.771281240e+01, v7;
	[tilespmem:s0+$0xCC10] =	vst v6;
	v6 =	vld [tilespmem:s0+$0x1000]  }
0x398: {  	v9 =	vmul.f32 $2.771281240e+01, v9;
	[tilespmem:s0+$0xCC30] =	vst v8;
	v8 =	vld [tilespmem:s0+$0x1020]  }
0x399: {  	[tilespmem:s0+$0xCC20] =	vst v7;
	v7 =	vld [tilespmem:s0+$0x1010];
	v4 =	vmul.f32 $2.771281240e+01, v4  }
0x39a: {  	[tilespmem:s0+$0xCC40] =	vst v9;
	v9 =	vld [tilespmem:s0+$0x1030];
	v3 =	vmul.f32 $2.771281240e+01, v3  }
0x39b: {  	[tilespmem:s0+$0xCC50] =	vst v4;
	v4 =	vld [tilespmem:s0+$0x1040];
	v5 =	vmul.f32 $2.771281240e+01, v5  }
0x39c: {  	v6 =	vmul.f32 $2.771281240e+01, v6;
	[tilespmem:s0+$0xCC60] =	vst v3;
	v3 =	vld [tilespmem:s0+$0x1050]  }
0x39d: {  	v8 =	vmul.f32 $2.771281240e+01, v8;
	[tilespmem:s0+$0xCC70] =	vst v5;
	v5 =	vld [tilespmem:s0+$0x1060]  }
0x39e: {  	v7 =	vmul.f32 $2.771281240e+01, v7;
	[tilespmem:s0+$0xD000] =	vst v6;
	v6 =	vld [tilespmem:s0+$0x1070]  }
0x39f: {  	v9 =	vmul.f32 $2.771281240e+01, v9;
	[tilespmem:s0+$0xD020] =	vst v8;
	v8 =	vld [tilespmem:s0+$0x1410]  }
0x3a0: {  	[tilespmem:s0+$0xD010] =	vst v7;
	v7 =	vld [tilespmem:s0+$0x1400];
	v4 =	vmul.f32 $2.771281240e+01, v4  }
0x3a1: {  	[tilespmem:s0+$0xD030] =	vst v9;
	v9 =	vld [tilespmem:s0+$0x1420];
	v3 =	vmul.f32 $2.771281240e+01, v3  }
0x3a2: {  	[tilespmem:s0+$0xD040] =	vst v4;
	v4 =	vld [tilespmem:s0+$0x1430];
	v5 =	vmul.f32 $2.771281240e+01, v5  }
0x3a3: {  	v6 =	vmul.f32 $2.771281240e+01, v6;
	[tilespmem:s0+$0xD050] =	vst v3;
	v3 =	vld [tilespmem:s0+$0x1440]  }
0x3a4: {  	v10 =	vld [tilespmem:s0+$0x1450];
	v8 =	vmul.f32 $2.771281240e+01, v8;
	[tilespmem:s0+$0xD060] =	vst v5  }
0x3a5: {  	v5 =	vmul.f32 $2.771281240e+01, v7;
	[tilespmem:s0+$0xD070] =	vst v6;
	v6 =	vld [tilespmem:s0+$0x1460]  }
0x3a6: {  	v9 =	vmul.f32 $2.771281240e+01, v9;
	v7 =	vld [tilespmem:s0+$0x1470];
	[tilespmem:s0+$0xD410] =	vst v8  }
0x3a7: {  	[tilespmem:s0+$0xD400] =	vst v5;
	v5 =	vld [tilespmem:s0+$0x1800];
	v8 =	vmul.f32 $2.771281240e+01, v4  }
0x3a8: {  	[tilespmem:s0+$0xD420] =	vst v9;
	v4 =	vld [tilespmem:s0+$0x1810];
	v9 =	vmul.f32 $2.771281240e+01, v3  }
0x3a9: {  	[tilespmem:s0+$0xD430] =	vst v8;
	v3 =	vld [tilespmem:s0+$0x1820];
	v8 =	vmul.f32 $2.771281240e+01, v10  }
0x3aa: {  	s16 =	simm.s32 $0x0;
	s1 =	simm.s32 $0x2;
	[tilespmem:s0+$0xD440] =	vst v9;
	v9 =	vmul.f32 $2.771281240e+01, v6;
	v6 =	vld [tilespmem:s0+$0x1830]  }
.LBB2_12:
0x3ab: {  	p0 =	sne.s32 s1, $0x1F;
	s16 =	smul.u32 $0x1800, s16;
	[tilespmem:s0+$0xD450] =	vst v8;
	v7 =	vmul.f32 $2.771281240e+01, v7;
	v8 =	vld [tilespmem:s0+$0x1840];
	s26 =	sadd.s32 $0x80, s26  }
0x3ac: {  	s17 =	sand.u32 $0x380, s26;
	[tilespmem:s0+$0xD460] =	vst v9;
	v5 =	vmul.f32 $2.771281240e+01, v5;
	v9 =	vld [tilespmem:s0+$0x1850]  }
0x3ad: {  	s16 =	sor.u32 s17, s16;
	[tilespmem:s0+$0xD470] =	vst v7;
	v4 =	vmul.f32 $2.771281240e+01, v4;
	v7 =	vld [tilespmem:s0+$0x1860]  }
0x3ae: {  	v10 =	vld [tilespmem:s16+$0x1870];
	[tilespmem:s0+$0xD800] =	vst v5;
	v3 =	vmul.f32 $2.771281240e+01, v3  }
0x3af: {  	v5 =	vld [tilespmem:s16+$0x400];
	[tilespmem:s0+$0xD810] =	vst v4;
	v4 =	vmul.f32 $2.771281240e+01, v6  }
0x3b0: {  	v6 =	vld [tilespmem:s16+$0x410];
	[tilespmem:s0+$0xD820] =	vst v3;
	v3 =	vmul.f32 $2.771281240e+01, v8  }
0x3b1: {  	v8 =	vld [tilespmem:s16+$0x420];
	[tilespmem:s0+$0xD830] =	vst v4;
	v4 =	vmul.f32 $2.771281240e+01, v9  }
0x3b2: {  	v9 =	vld [tilespmem:s16+$0x430];
	[tilespmem:s0+$0xD840] =	vst v3;
	v3 =	vmul.f32 $2.771281240e+01, v7  }
0x3b3: {  	v7 =	vld [tilespmem:s16+$0x440];
	v10 =	vmul.f32 $2.771281240e+01, v10;
	[tilespmem:s0+$0xD850] =	vst v4  }
0x3b4: {  	v4 =	vmul.f32 $2.771281240e+01, v5;
	v5 =	vld [tilespmem:s16+$0x450];
	[tilespmem:s0+$0xD860] =	vst v3;
	s0 =	smov.u32 s16  }
0x3b5: {  	v3 =	vmul.f32 $2.771281240e+01, v6;
	v6 =	vld [tilespmem:s0+$0x460];
	[tilespmem:s0+$0xD870] =	vst v10  }
0x3b6: {  	[tilespmem:s0+$0xC400] =	vst v4;
	v4 =	vmul.f32 $2.771281240e+01, v8;
	v8 =	vld [tilespmem:s0+$0x470]  }
0x3b7: {  	[tilespmem:s0+$0xC410] =	vst v3;
	v3 =	vmul.f32 $2.771281240e+01, v9;
	v9 =	vld [tilespmem:s0+$0x800]  }
0x3b8: {  	[tilespmem:s0+$0xC420] =	vst v4;
	v4 =	vmul.f32 $2.771281240e+01, v7;
	v7 =	vld [tilespmem:s0+$0x810]  }
0x3b9: {  	[tilespmem:s0+$0xC430] =	vst v3;
	v3 =	vmul.f32 $2.771281240e+01, v5;
	v5 =	vld [tilespmem:s0+$0x820]  }
0x3ba: {  	[tilespmem:s0+$0xC440] =	vst v4;
	v4 =	vmul.f32 $2.771281240e+01, v6;
	v6 =	vld [tilespmem:s0+$0x830]  }
0x3bb: {  	[tilespmem:s0+$0xC450] =	vst v3;
	v3 =	vmul.f32 $2.771281240e+01, v8;
	v8 =	vld [tilespmem:s0+$0x840]  }
0x3bc: {  	[tilespmem:s0+$0xC460] =	vst v4;
	v4 =	vmul.f32 $2.771281240e+01, v9;
	v9 =	vld [tilespmem:s0+$0x850]  }
0x3bd: {  	[tilespmem:s0+$0xC470] =	vst v3;
	v3 =	vmul.f32 $2.771281240e+01, v7;
	v7 =	vld [tilespmem:s0+$0x860]  }
0x3be: {  	[tilespmem:s0+$0xC800] =	vst v4;
	v4 =	vmul.f32 $2.771281240e+01, v5;
	v5 =	vld [tilespmem:s0+$0x870]  }
0x3bf: {  	[tilespmem:s0+$0xC810] =	vst v3;
	v3 =	vmul.f32 $2.771281240e+01, v6;
	v6 =	vld [tilespmem:s0+$0xC00]  }
0x3c0: {  	[tilespmem:s0+$0xC820] =	vst v4;
	v4 =	vmul.f32 $2.771281240e+01, v8;
	v8 =	vld [tilespmem:s0+$0xC10]  }
0x3c1: {  	[tilespmem:s0+$0xC830] =	vst v3;
	v3 =	vmul.f32 $2.771281240e+01, v9;
	v9 =	vld [tilespmem:s0+$0xC20]  }
0x3c2: {  	[tilespmem:s0+$0xC840] =	vst v4;
	v4 =	vmul.f32 $2.771281240e+01, v7;
	v7 =	vld [tilespmem:s0+$0xC30]  }
0x3c3: {  	[tilespmem:s0+$0xC850] =	vst v3;
	v3 =	vmul.f32 $2.771281240e+01, v5;
	v5 =	vld [tilespmem:s0+$0xC40]  }
0x3c4: {  	[tilespmem:s0+$0xC860] =	vst v4;
	v4 =	vmul.f32 $2.771281240e+01, v6;
	v6 =	vld [tilespmem:s0+$0xC50]  }
0x3c5: {  	[tilespmem:s0+$0xC870] =	vst v3;
	v3 =	vmul.f32 $2.771281240e+01, v8;
	v8 =	vld [tilespmem:s0+$0xC60]  }
0x3c6: {  	[tilespmem:s0+$0xCC00] =	vst v4;
	v4 =	vmul.f32 $2.771281240e+01, v9;
	v9 =	vld [tilespmem:s0+$0xC70]  }
0x3c7: {  	[tilespmem:s0+$0xCC10] =	vst v3;
	v3 =	vmul.f32 $2.771281240e+01, v7;
	v7 =	vld [tilespmem:s0+$0x1000]  }
0x3c8: {  	[tilespmem:s0+$0xCC20] =	vst v4;
	v4 =	vmul.f32 $2.771281240e+01, v5;
	v5 =	vld [tilespmem:s0+$0x1010]  }
0x3c9: {  	[tilespmem:s0+$0xCC30] =	vst v3;
	v3 =	vmul.f32 $2.771281240e+01, v6;
	v6 =	vld [tilespmem:s0+$0x1020]  }
0x3ca: {  	[tilespmem:s0+$0xCC40] =	vst v4;
	v4 =	vmul.f32 $2.771281240e+01, v8;
	v8 =	vld [tilespmem:s0+$0x1030]  }
0x3cb: {  	[tilespmem:s0+$0xCC50] =	vst v3;
	v3 =	vmul.f32 $2.771281240e+01, v9;
	v9 =	vld [tilespmem:s0+$0x1040]  }
0x3cc: {  	[tilespmem:s0+$0xCC60] =	vst v4;
	v4 =	vmul.f32 $2.771281240e+01, v7;
	v7 =	vld [tilespmem:s0+$0x1050]  }
0x3cd: {  	[tilespmem:s0+$0xCC70] =	vst v3;
	v3 =	vmul.f32 $2.771281240e+01, v5;
	v5 =	vld [tilespmem:s0+$0x1060]  }
0x3ce: {  	[tilespmem:s0+$0xD000] =	vst v4;
	v4 =	vmul.f32 $2.771281240e+01, v6;
	v6 =	vld [tilespmem:s0+$0x1070]  }
0x3cf: {  	[tilespmem:s0+$0xD010] =	vst v3;
	v3 =	vmul.f32 $2.771281240e+01, v8;
	v8 =	vld [tilespmem:s0+$0x1400]  }
0x3d0: {  	[tilespmem:s0+$0xD020] =	vst v4;
	v4 =	vmul.f32 $2.771281240e+01, v9;
	v9 =	vld [tilespmem:s0+$0x1410]  }
0x3d1: {  	[tilespmem:s0+$0xD030] =	vst v3;
	v3 =	vmul.f32 $2.771281240e+01, v7;
	v7 =	vld [tilespmem:s0+$0x1420]  }
0x3d2: {  	[tilespmem:s0+$0xD040] =	vst v4;
	v4 =	vmul.f32 $2.771281240e+01, v5;
	v5 =	vld [tilespmem:s0+$0x1430]  }
0x3d3: {  	[tilespmem:s0+$0xD050] =	vst v3;
	v3 =	vmul.f32 $2.771281240e+01, v6;
	v6 =	vld [tilespmem:s0+$0x1440]  }
0x3d4: {  	[tilespmem:s0+$0xD060] =	vst v4;
	v4 =	vmul.f32 $2.771281240e+01, v8;
	v8 =	vld [tilespmem:s0+$0x1450]  }
0x3d5: {  	[tilespmem:s0+$0xD070] =	vst v3;
	v3 =	vmul.f32 $2.771281240e+01, v9;
	v9 =	vld [tilespmem:s0+$0x1460]  }
.Ltmp5:
0x3d6: {  	[tilespmem:s0+$0xD400] =	vst v4;
	v4 =	vmul.f32 $2.771281240e+01, v7;
	v7 =	vld [tilespmem:s0+$0x1470];
	(pc) =	sbr.rel @p0 .LBB2_12-.Ltmp5, $4  }
0x3d7: {  	[tilespmem:s0+$0xD410] =	vst v3;
	v3 =	vmul.f32 $2.771281240e+01, v5;
	v5 =	vld [tilespmem:s0+$0x1800]  }
0x3d8: {  	[tilespmem:s0+$0xD420] =	vst v4;
	v6 =	vmul.f32 $2.771281240e+01, v6;
	v4 =	vld [tilespmem:s0+$0x1810]  }
0x3d9: {  	[tilespmem:s0+$0xD430] =	vst v3;
	v8 =	vmul.f32 $2.771281240e+01, v8;
	v3 =	vld [tilespmem:s0+$0x1820]  }
0x3da: {  	s16 =	sshrl.u32 s1, $0x3;
	s1 =	sadd.s32 $0x1, s1;
	[tilespmem:s0+$0xD440] =	vst v6;
	v9 =	vmul.f32 $2.771281240e+01, v9;
	v6 =	vld [tilespmem:s0+$0x1830]  }
0x3db: {  	[tilespmem:s0+$0xD450] =	vst v8;
	v8 =	vld [tilespmem:s0+$0x1840];
	v7 =	vmul.f32 $2.771281240e+01, v7;
	s1 =	smul.u32 $0x1800, s16;
	s28 =	sadd.s32 $0x80, s26  }
0x3dc: {  	[tilespmem:s0+$0xD460] =	vst v9;
	v9 =	vld [tilespmem:s0+$0x1850];
	s16 =	sand.u32 $0x380, s28;
	v5 =	vmul.f32 $2.771281240e+01, v5  }
0x3dd: {  	[tilespmem:s0+$0xD470] =	vst v7;
	s1 =	sor.u32 s16, s1;
	v7 =	vld [tilespmem:s0+$0x1860];
	v4 =	vmul.f32 $2.771281240e+01, v4  }
0x3de: {  	v10 =	vld [tilespmem:s1+$0x1870];
	[tilespmem:s0+$0xD800] =	vst v5;
	v3 =	vmul.f32 $2.771281240e+01, v3  }
0x3df: {  	v5 =	vld [tilespmem:s1+$0x400];
	[tilespmem:s0+$0xD810] =	vst v4;
	v6 =	vmul.f32 $2.771281240e+01, v6  }
0x3e0: {  	v4 =	vld [tilespmem:s1+$0x410];
	[tilespmem:s0+$0xD820] =	vst v3;
	v8 =	vmul.f32 $2.771281240e+01, v8  }
0x3e1: {  	v3 =	vld [tilespmem:s1+$0x420];
	[tilespmem:s0+$0xD830] =	vst v6;
	v9 =	vmul.f32 $2.771281240e+01, v9  }
0x3e2: {  	v6 =	vld [tilespmem:s1+$0x430];
	[tilespmem:s0+$0xD840] =	vst v8;
	v7 =	vmul.f32 $2.771281240e+01, v7  }
0x3e3: {  	v8 =	vld [tilespmem:s1+$0x440];
	[tilespmem:s0+$0xD850] =	vst v9;
	v9 =	vmul.f32 $2.771281240e+01, v10  }
0x3e4: {  	v10 =	vld [tilespmem:s1+$0x450];
	v5 =	vmul.f32 $2.771281240e+01, v5;
	[tilespmem:s0+$0xD860] =	vst v7  }
0x3e5: {  	v4 =	vmul.f32 $2.771281240e+01, v4;
	v7 =	vld [tilespmem:s1+$0x460];
	[tilespmem:s1+$0xD870] =	vst v9  }
0x3e6: {  	[tilespmem:s1+$0xC400] =	vst v5;
	v3 =	vmul.f32 $2.771281240e+01, v3;
	v5 =	vld [tilespmem:s1+$0x470]  }
0x3e7: {  	[tilespmem:s1+$0xC410] =	vst v4;
	v4 =	vmul.f32 $2.771281240e+01, v6;
	v6 =	vld [tilespmem:s1+$0x800]  }
0x3e8: {  	[tilespmem:s1+$0xC420] =	vst v3;
	v3 =	vmul.f32 $2.771281240e+01, v8;
	v8 =	vld [tilespmem:s1+$0x810]  }
0x3e9: {  	v9 =	vld [tilespmem:s1+$0x820];
	[tilespmem:s1+$0xC430] =	vst v4;
	v4 =	vmul.f32 $2.771281240e+01, v10  }
0x3ea: {  	[tilespmem:s1+$0xC440] =	vst v3;
	v3 =	vmul.f32 $2.771281240e+01, v7;
	v7 =	vld [tilespmem:s1+$0x830]  }
0x3eb: {  	[tilespmem:s1+$0xC450] =	vst v4;
	v4 =	vmul.f32 $2.771281240e+01, v5;
	v5 =	vld [tilespmem:s1+$0x840]  }
0x3ec: {  	[tilespmem:s1+$0xC460] =	vst v3;
	v3 =	vmul.f32 $2.771281240e+01, v6;
	v6 =	vld [tilespmem:s1+$0x850]  }
0x3ed: {  	[tilespmem:s1+$0xC470] =	vst v4;
	v4 =	vmul.f32 $2.771281240e+01, v8;
	v8 =	vld [tilespmem:s1+$0x860]  }
0x3ee: {  	[tilespmem:s1+$0xC800] =	vst v3;
	v3 =	vmul.f32 $2.771281240e+01, v9;
	v9 =	vld [tilespmem:s1+$0x870]  }
0x3ef: {  	[tilespmem:s1+$0xC810] =	vst v4;
	v4 =	vmul.f32 $2.771281240e+01, v7;
	v7 =	vld [tilespmem:s1+$0xC00]  }
0x3f0: {  	[tilespmem:s1+$0xC820] =	vst v3;
	v3 =	vmul.f32 $2.771281240e+01, v5;
	v5 =	vld [tilespmem:s1+$0xC10]  }
0x3f1: {  	[tilespmem:s1+$0xC830] =	vst v4;
	v4 =	vmul.f32 $2.771281240e+01, v6;
	v6 =	vld [tilespmem:s1+$0xC20]  }
0x3f2: {  	[tilespmem:s1+$0xC840] =	vst v3;
	v3 =	vmul.f32 $2.771281240e+01, v8;
	v8 =	vld [tilespmem:s1+$0xC30]  }
0x3f3: {  	[tilespmem:s1+$0xC850] =	vst v4;
	v4 =	vmul.f32 $2.771281240e+01, v9;
	v9 =	vld [tilespmem:s1+$0xC40]  }
0x3f4: {  	[tilespmem:s1+$0xC860] =	vst v3;
	v3 =	vmul.f32 $2.771281240e+01, v7;
	v7 =	vld [tilespmem:s1+$0xC50]  }
0x3f5: {  	[tilespmem:s1+$0xC870] =	vst v4;
	v4 =	vmul.f32 $2.771281240e+01, v5;
	v5 =	vld [tilespmem:s1+$0xC60]  }
0x3f6: {  	[tilespmem:s1+$0xCC00] =	vst v3;
	v3 =	vmul.f32 $2.771281240e+01, v6;
	v6 =	vld [tilespmem:s1+$0xC70]  }
0x3f7: {  	[tilespmem:s1+$0xCC10] =	vst v4;
	v4 =	vmul.f32 $2.771281240e+01, v8;
	v8 =	vld [tilespmem:s1+$0x1000]  }
0x3f8: {  	[tilespmem:s1+$0xCC20] =	vst v3;
	v3 =	vmul.f32 $2.771281240e+01, v9;
	v9 =	vld [tilespmem:s1+$0x1010]  }
0x3f9: {  	[tilespmem:s1+$0xCC30] =	vst v4;
	v4 =	vmul.f32 $2.771281240e+01, v7;
	v7 =	vld [tilespmem:s1+$0x1020]  }
0x3fa: {  	[tilespmem:s1+$0xCC40] =	vst v3;
	v3 =	vmul.f32 $2.771281240e+01, v5;
	v5 =	vld [tilespmem:s1+$0x1030]  }
0x3fb: {  	[tilespmem:s1+$0xCC50] =	vst v4;
	v4 =	vmul.f32 $2.771281240e+01, v6;
	v6 =	vld [tilespmem:s1+$0x1040]  }
0x3fc: {  	[tilespmem:s1+$0xCC60] =	vst v3;
	v3 =	vmul.f32 $2.771281240e+01, v8;
	v8 =	vld [tilespmem:s1+$0x1050]  }
0x3fd: {  	[tilespmem:s1+$0xCC70] =	vst v4;
	v4 =	vmul.f32 $2.771281240e+01, v9;
	v9 =	vld [tilespmem:s1+$0x1060]  }
0x3fe: {  	[tilespmem:s1+$0xD000] =	vst v3;
	v3 =	vmul.f32 $2.771281240e+01, v7;
	v7 =	vld [tilespmem:s1+$0x1070]  }
0x3ff: {  	[tilespmem:s1+$0xD010] =	vst v4;
	v4 =	vmul.f32 $2.771281240e+01, v5;
	v5 =	vld [tilespmem:s1+$0x1400]  }
0x400: {  	[tilespmem:s1+$0xD020] =	vst v3;
	v3 =	vmul.f32 $2.771281240e+01, v6;
	v6 =	vld [tilespmem:s1+$0x1410]  }
0x401: {  	[tilespmem:s1+$0xD030] =	vst v4;
	v4 =	vmul.f32 $2.771281240e+01, v8;
	v8 =	vld [tilespmem:s1+$0x1420]  }
0x402: {  	[tilespmem:s1+$0xD040] =	vst v3;
	v3 =	vmul.f32 $2.771281240e+01, v9;
	v9 =	vld [tilespmem:s1+$0x1430]  }
0x403: {  	[tilespmem:s1+$0xD050] =	vst v4;
	v4 =	vmul.f32 $2.771281240e+01, v7;
	v7 =	vld [tilespmem:s1+$0x1440]  }
0x404: {  	[tilespmem:s1+$0xD060] =	vst v3;
	v3 =	vmul.f32 $2.771281240e+01, v5;
	v5 =	vld [tilespmem:s1+$0x1450]  }
0x405: {  	[tilespmem:s1+$0xD070] =	vst v4;
	v4 =	vmul.f32 $2.771281240e+01, v6;
	v6 =	vld [tilespmem:s1+$0x1460]  }
0x406: {  	[tilespmem:s1+$0xD400] =	vst v3;
	v3 =	vmul.f32 $2.771281240e+01, v8;
	v8 =	vld [tilespmem:s1+$0x1470]  }
0x407: {  	[tilespmem:s1+$0xD410] =	vst v4;
	v4 =	vmul.f32 $2.771281240e+01, v9;
	v9 =	vld [tilespmem:s1+$0x1800]  }
0x408: {  	[tilespmem:s1+$0xD420] =	vst v3;
	v3 =	vmul.f32 $2.771281240e+01, v7;
	v7 =	vld [tilespmem:s1+$0x1810]  }
0x409: {  	[tilespmem:s1+$0xD430] =	vst v4;
	v4 =	vmul.f32 $2.771281240e+01, v5;
	v5 =	vld [tilespmem:s1+$0x1820]  }
0x40a: {  	[tilespmem:s1+$0xD440] =	vst v3;
	v3 =	vmul.f32 $2.771281240e+01, v6;
	v6 =	vld [tilespmem:s1+$0x1830]  }
0x40b: {  	[tilespmem:s1+$0xD450] =	vst v4;
	v4 =	vmul.f32 $2.771281240e+01, v8;
	v8 =	vld [tilespmem:s1+$0x1840]  }
0x40c: {  	[tilespmem:s1+$0xD460] =	vst v3;
	v3 =	vmul.f32 $2.771281240e+01, v9;
	v9 =	vld [tilespmem:s1+$0x1850]  }
0x40d: {  	[tilespmem:s1+$0xD470] =	vst v4;
	v4 =	vmul.f32 $2.771281240e+01, v7;
	v7 =	vld [tilespmem:s1+$0x1860]  }
0x40e: {  	[tilespmem:s1+$0xD800] =	vst v3;
	v3 =	vmul.f32 $2.771281240e+01, v5  }
0x40f: {  	[tilespmem:s1+$0xD810] =	vst v4;
	v4 =	vmul.f32 $2.771281240e+01, v6  }
0x410: {  	[tilespmem:s1+$0xD820] =	vst v3;
	v3 =	vmul.f32 $2.771281240e+01, v8  }
0x411: {  	[tilespmem:s1+$0xD830] =	vst v4;
	v4 =	vmul.f32 $2.771281240e+01, v9  }
0x412: {  	[tilespmem:s1+$0xD840] =	vst v3;
	v3 =	vmul.f32 $2.771281240e+01, v7  }
0x413: {  	[tilespmem:s1+$0xD850] =	vst v4  }
0x414: {  	s26 =	simm.s32 $0x0;
	s29 =	rddreg [dreg:$0x7];
	[tilespmem:s1+$0xD860] =	vst v3  }
0x415: {  	[hbm4b:s29+s26] =	stream.linear.scatter [tilespmem:s21], [sflag:$0x3], $0x6000, $0x38;
	[tilespmem:$0x18400] =	vst v63  }
0x416: {  	_ =	swait.ge [sflag:s22], $0x6000  }
0x417: {  	[sflag:s22] =	ssyncset.done $0x0  }
0x418: {  	s30 =	simm.s32 $0x0;
	[sflag:s22] =	ssyncadd.s32 $0xFFFFA000  }
0x419: {  	s0 =	smul.u32 $0x1800, s30;
	_ =	swait.ge [sflag:s25], $0x6000  }
0x41a: {  	s31 =	sand.u32 $0x380, s26;
	[sflag:s25] =	ssyncset.done $0x0  }
0x41b: {  	s0 =	sor.u32 s31, s0;
	[sflag:s25] =	ssyncadd.s32 $0xFFFFA000  }
0x41c: {  	v3 =	vld [tilespmem:s0+$0x7870]  }
0x41d: {  	v4 =	vld [tilespmem:s0+$0x6400]  }
0x41e: {  	v5 =	vld [tilespmem:s0+$0x6410]  }
0x41f: {  	v6 =	vld [tilespmem:s0+$0x6420]  }
0x420: {  	v7 =	vld [tilespmem:s0+$0x6430]  }
0x421: {  	v8 =	vld [tilespmem:s0+$0x6440]  }
0x422: {  	v9 =	vld [tilespmem:s0+$0x6450];
	v3 =	vmul.f32 $2.771281240e+01, v3  }
0x423: {  	v4 =	vmul.f32 $2.771281240e+01, v4  }
0x424: {  	v10 =	vld [tilespmem:s0+$0x6460];
	[tilespmem:s0+$0x13870] =	vst v3;
	v3 =	vmul.f32 $2.771281240e+01, v5  }
0x425: {  	[tilespmem:s0+$0x12400] =	vst v4;
	v4 =	vld [tilespmem:s0+$0x6470];
	v5 =	vmul.f32 $2.771281240e+01, v6  }
0x426: {  	v6 =	vmul.f32 $2.771281240e+01, v7;
	[tilespmem:s0+$0x12410] =	vst v3;
	v3 =	vld [tilespmem:s0+$0x6800]  }
0x427: {  	v7 =	vmul.f32 $2.771281240e+01, v8;
	v8 =	vmul.f32 $2.771281240e+01, v9;
	[tilespmem:s0+$0x12420] =	vst v5;
	v5 =	vld [tilespmem:s0+$0x6810]  }
0x428: {  	[tilespmem:s0+$0x12430] =	vst v6;
	v6 =	vld [tilespmem:s0+$0x6820]  }
0x429: {  	v9 =	vmul.f32 $2.771281240e+01, v10;
	[tilespmem:s0+$0x12450] =	vst v8;
	v8 =	vld [tilespmem:s0+$0x6840]  }
0x42a: {  	[tilespmem:s0+$0x12440] =	vst v7;
	v7 =	vld [tilespmem:s0+$0x6830];
	v4 =	vmul.f32 $2.771281240e+01, v4  }
0x42b: {  	[tilespmem:s0+$0x12460] =	vst v9;
	v9 =	vld [tilespmem:s0+$0x6850];
	v3 =	vmul.f32 $2.771281240e+01, v3  }
0x42c: {  	[tilespmem:s0+$0x12470] =	vst v4;
	v4 =	vld [tilespmem:s0+$0x6860];
	v5 =	vmul.f32 $2.771281240e+01, v5  }
0x42d: {  	v6 =	vmul.f32 $2.771281240e+01, v6;
	[tilespmem:s0+$0x12800] =	vst v3;
	v3 =	vld [tilespmem:s0+$0x6870]  }
0x42e: {  	v8 =	vmul.f32 $2.771281240e+01, v8;
	[tilespmem:s0+$0x12810] =	vst v5;
	v5 =	vld [tilespmem:s0+$0x6C00]  }
0x42f: {  	v7 =	vmul.f32 $2.771281240e+01, v7;
	[tilespmem:s0+$0x12820] =	vst v6;
	v6 =	vld [tilespmem:s0+$0x6C10]  }
0x430: {  	v9 =	vmul.f32 $2.771281240e+01, v9;
	[tilespmem:s0+$0x12840] =	vst v8;
	v8 =	vld [tilespmem:s0+$0x6C30]  }
0x431: {  	[tilespmem:s0+$0x12830] =	vst v7;
	v7 =	vld [tilespmem:s0+$0x6C20];
	v4 =	vmul.f32 $2.771281240e+01, v4  }
0x432: {  	[tilespmem:s0+$0x12850] =	vst v9;
	v9 =	vld [tilespmem:s0+$0x6C40];
	v3 =	vmul.f32 $2.771281240e+01, v3  }
0x433: {  	[tilespmem:s0+$0x12860] =	vst v4;
	v4 =	vld [tilespmem:s0+$0x6C50];
	v5 =	vmul.f32 $2.771281240e+01, v5  }
0x434: {  	v6 =	vmul.f32 $2.771281240e+01, v6;
	[tilespmem:s0+$0x12870] =	vst v3;
	v3 =	vld [tilespmem:s0+$0x6C60]  }
0x435: {  	v8 =	vmul.f32 $2.771281240e+01, v8;
	[tilespmem:s0+$0x12C00] =	vst v5;
	v5 =	vld [tilespmem:s0+$0x6C70]  }
0x436: {  	v7 =	vmul.f32 $2.771281240e+01, v7;
	[tilespmem:s0+$0x12C10] =	vst v6;
	v6 =	vld [tilespmem:s0+$0x7000]  }
0x437: {  	v9 =	vmul.f32 $2.771281240e+01, v9;
	[tilespmem:s0+$0x12C30] =	vst v8;
	v8 =	vld [tilespmem:s0+$0x7020]  }
0x438: {  	[tilespmem:s0+$0x12C20] =	vst v7;
	v7 =	vld [tilespmem:s0+$0x7010];
	v4 =	vmul.f32 $2.771281240e+01, v4  }
0x439: {  	[tilespmem:s0+$0x12C40] =	vst v9;
	v9 =	vld [tilespmem:s0+$0x7030];
	v3 =	vmul.f32 $2.771281240e+01, v3  }
0x43a: {  	[tilespmem:s0+$0x12C50] =	vst v4;
	v4 =	vld [tilespmem:s0+$0x7040];
	v5 =	vmul.f32 $2.771281240e+01, v5  }
0x43b: {  	v6 =	vmul.f32 $2.771281240e+01, v6;
	[tilespmem:s0+$0x12C60] =	vst v3;
	v3 =	vld [tilespmem:s0+$0x7050]  }
0x43c: {  	v8 =	vmul.f32 $2.771281240e+01, v8;
	[tilespmem:s0+$0x12C70] =	vst v5;
	v5 =	vld [tilespmem:s0+$0x7060]  }
0x43d: {  	v7 =	vmul.f32 $2.771281240e+01, v7;
	[tilespmem:s0+$0x13000] =	vst v6;
	v6 =	vld [tilespmem:s0+$0x7070]  }
0x43e: {  	v9 =	vmul.f32 $2.771281240e+01, v9;
	[tilespmem:s0+$0x13020] =	vst v8;
	v8 =	vld [tilespmem:s0+$0x7410]  }
0x43f: {  	[tilespmem:s0+$0x13010] =	vst v7;
	v7 =	vld [tilespmem:s0+$0x7400];
	v4 =	vmul.f32 $2.771281240e+01, v4  }
0x440: {  	[tilespmem:s0+$0x13030] =	vst v9;
	v9 =	vld [tilespmem:s0+$0x7420];
	v3 =	vmul.f32 $2.771281240e+01, v3  }
0x441: {  	[tilespmem:s0+$0x13040] =	vst v4;
	v4 =	vld [tilespmem:s0+$0x7430];
	v5 =	vmul.f32 $2.771281240e+01, v5  }
0x442: {  	v6 =	vmul.f32 $2.771281240e+01, v6;
	[tilespmem:s0+$0x13050] =	vst v3;
	v3 =	vld [tilespmem:s0+$0x7440]  }
0x443: {  	v10 =	vld [tilespmem:s0+$0x7450];
	v8 =	vmul.f32 $2.771281240e+01, v8;
	[tilespmem:s0+$0x13060] =	vst v5  }
0x444: {  	v5 =	vmul.f32 $2.771281240e+01, v7;
	[tilespmem:s0+$0x13070] =	vst v6;
	v6 =	vld [tilespmem:s0+$0x7460]  }
0x445: {  	v9 =	vmul.f32 $2.771281240e+01, v9;
	v7 =	vld [tilespmem:s0+$0x7470];
	[tilespmem:s0+$0x13410] =	vst v8  }
0x446: {  	[tilespmem:s0+$0x13400] =	vst v5;
	v5 =	vld [tilespmem:s0+$0x7800];
	v8 =	vmul.f32 $2.771281240e+01, v4  }
0x447: {  	[tilespmem:s0+$0x13420] =	vst v9;
	v4 =	vld [tilespmem:s0+$0x7810];
	v9 =	vmul.f32 $2.771281240e+01, v3  }
0x448: {  	[tilespmem:s0+$0x13430] =	vst v8;
	v3 =	vld [tilespmem:s0+$0x7820];
	v8 =	vmul.f32 $2.771281240e+01, v10  }
0x449: {  	s16 =	simm.s32 $0x0;
	s1 =	simm.s32 $0x2;
	[tilespmem:s0+$0x13440] =	vst v9;
	v9 =	vmul.f32 $2.771281240e+01, v6;
	v6 =	vld [tilespmem:s0+$0x7830]  }
.LBB2_14:
0x44a: {  	p0 =	sne.s32 s1, $0x1F;
	s16 =	smul.u32 $0x1800, s16;
	[tilespmem:s0+$0x13450] =	vst v8;
	v7 =	vmul.f32 $2.771281240e+01, v7;
	v8 =	vld [tilespmem:s0+$0x7840];
	s26 =	sadd.s32 $0x80, s26  }
0x44b: {  	s17 =	sand.u32 $0x380, s26;
	[tilespmem:s0+$0x13460] =	vst v9;
	v5 =	vmul.f32 $2.771281240e+01, v5;
	v9 =	vld [tilespmem:s0+$0x7850]  }
0x44c: {  	s16 =	sor.u32 s17, s16;
	[tilespmem:s0+$0x13470] =	vst v7;
	v4 =	vmul.f32 $2.771281240e+01, v4;
	v7 =	vld [tilespmem:s0+$0x7860]  }
0x44d: {  	v10 =	vld [tilespmem:s16+$0x7870];
	[tilespmem:s0+$0x13800] =	vst v5;
	v3 =	vmul.f32 $2.771281240e+01, v3  }
0x44e: {  	v5 =	vld [tilespmem:s16+$0x6400];
	[tilespmem:s0+$0x13810] =	vst v4;
	v4 =	vmul.f32 $2.771281240e+01, v6  }
0x44f: {  	v6 =	vld [tilespmem:s16+$0x6410];
	[tilespmem:s0+$0x13820] =	vst v3;
	v3 =	vmul.f32 $2.771281240e+01, v8  }
0x450: {  	v8 =	vld [tilespmem:s16+$0x6420];
	[tilespmem:s0+$0x13830] =	vst v4;
	v4 =	vmul.f32 $2.771281240e+01, v9  }
0x451: {  	v9 =	vld [tilespmem:s16+$0x6430];
	[tilespmem:s0+$0x13840] =	vst v3;
	v3 =	vmul.f32 $2.771281240e+01, v7  }
0x452: {  	v7 =	vld [tilespmem:s16+$0x6440];
	v10 =	vmul.f32 $2.771281240e+01, v10;
	[tilespmem:s0+$0x13850] =	vst v4  }
0x453: {  	v4 =	vmul.f32 $2.771281240e+01, v5;
	v5 =	vld [tilespmem:s16+$0x6450];
	[tilespmem:s0+$0x13860] =	vst v3;
	s0 =	smov.u32 s16  }
0x454: {  	v3 =	vmul.f32 $2.771281240e+01, v6;
	v6 =	vld [tilespmem:s0+$0x6460];
	[tilespmem:s0+$0x13870] =	vst v10  }
0x455: {  	[tilespmem:s0+$0x12400] =	vst v4;
	v4 =	vmul.f32 $2.771281240e+01, v8;
	v8 =	vld [tilespmem:s0+$0x6470]  }
0x456: {  	[tilespmem:s0+$0x12410] =	vst v3;
	v3 =	vmul.f32 $2.771281240e+01, v9;
	v9 =	vld [tilespmem:s0+$0x6800]  }
0x457: {  	[tilespmem:s0+$0x12420] =	vst v4;
	v4 =	vmul.f32 $2.771281240e+01, v7;
	v7 =	vld [tilespmem:s0+$0x6810]  }
0x458: {  	[tilespmem:s0+$0x12430] =	vst v3;
	v3 =	vmul.f32 $2.771281240e+01, v5;
	v5 =	vld [tilespmem:s0+$0x6820]  }
0x459: {  	[tilespmem:s0+$0x12440] =	vst v4;
	v4 =	vmul.f32 $2.771281240e+01, v6;
	v6 =	vld [tilespmem:s0+$0x6830]  }
0x45a: {  	[tilespmem:s0+$0x12450] =	vst v3;
	v3 =	vmul.f32 $2.771281240e+01, v8;
	v8 =	vld [tilespmem:s0+$0x6840]  }
0x45b: {  	[tilespmem:s0+$0x12460] =	vst v4;
	v4 =	vmul.f32 $2.771281240e+01, v9;
	v9 =	vld [tilespmem:s0+$0x6850]  }
0x45c: {  	[tilespmem:s0+$0x12470] =	vst v3;
	v3 =	vmul.f32 $2.771281240e+01, v7;
	v7 =	vld [tilespmem:s0+$0x6860]  }
0x45d: {  	[tilespmem:s0+$0x12800] =	vst v4;
	v4 =	vmul.f32 $2.771281240e+01, v5;
	v5 =	vld [tilespmem:s0+$0x6870]  }
0x45e: {  	[tilespmem:s0+$0x12810] =	vst v3;
	v3 =	vmul.f32 $2.771281240e+01, v6;
	v6 =	vld [tilespmem:s0+$0x6C00]  }
0x45f: {  	[tilespmem:s0+$0x12820] =	vst v4;
	v4 =	vmul.f32 $2.771281240e+01, v8;
	v8 =	vld [tilespmem:s0+$0x6C10]  }
0x460: {  	[tilespmem:s0+$0x12830] =	vst v3;
	v3 =	vmul.f32 $2.771281240e+01, v9;
	v9 =	vld [tilespmem:s0+$0x6C20]  }
0x461: {  	[tilespmem:s0+$0x12840] =	vst v4;
	v4 =	vmul.f32 $2.771281240e+01, v7;
	v7 =	vld [tilespmem:s0+$0x6C30]  }
0x462: {  	[tilespmem:s0+$0x12850] =	vst v3;
	v3 =	vmul.f32 $2.771281240e+01, v5;
	v5 =	vld [tilespmem:s0+$0x6C40]  }
0x463: {  	[tilespmem:s0+$0x12860] =	vst v4;
	v4 =	vmul.f32 $2.771281240e+01, v6;
	v6 =	vld [tilespmem:s0+$0x6C50]  }
0x464: {  	[tilespmem:s0+$0x12870] =	vst v3;
	v3 =	vmul.f32 $2.771281240e+01, v8;
	v8 =	vld [tilespmem:s0+$0x6C60]  }
0x465: {  	[tilespmem:s0+$0x12C00] =	vst v4;
	v4 =	vmul.f32 $2.771281240e+01, v9;
	v9 =	vld [tilespmem:s0+$0x6C70]  }
0x466: {  	[tilespmem:s0+$0x12C10] =	vst v3;
	v3 =	vmul.f32 $2.771281240e+01, v7;
	v7 =	vld [tilespmem:s0+$0x7000]  }
0x467: {  	[tilespmem:s0+$0x12C20] =	vst v4;
	v4 =	vmul.f32 $2.771281240e+01, v5;
	v5 =	vld [tilespmem:s0+$0x7010]  }
0x468: {  	[tilespmem:s0+$0x12C30] =	vst v3;
	v3 =	vmul.f32 $2.771281240e+01, v6;
	v6 =	vld [tilespmem:s0+$0x7020]  }
0x469: {  	[tilespmem:s0+$0x12C40] =	vst v4;
	v4 =	vmul.f32 $2.771281240e+01, v8;
	v8 =	vld [tilespmem:s0+$0x7030]  }
0x46a: {  	[tilespmem:s0+$0x12C50] =	vst v3;
	v3 =	vmul.f32 $2.771281240e+01, v9;
	v9 =	vld [tilespmem:s0+$0x7040]  }
0x46b: {  	[tilespmem:s0+$0x12C60] =	vst v4;
	v4 =	vmul.f32 $2.771281240e+01, v7;
	v7 =	vld [tilespmem:s0+$0x7050]  }
0x46c: {  	[tilespmem:s0+$0x12C70] =	vst v3;
	v3 =	vmul.f32 $2.771281240e+01, v5;
	v5 =	vld [tilespmem:s0+$0x7060]  }
0x46d: {  	[tilespmem:s0+$0x13000] =	vst v4;
	v4 =	vmul.f32 $2.771281240e+01, v6;
	v6 =	vld [tilespmem:s0+$0x7070]  }
0x46e: {  	[tilespmem:s0+$0x13010] =	vst v3;
	v3 =	vmul.f32 $2.771281240e+01, v8;
	v8 =	vld [tilespmem:s0+$0x7400]  }
0x46f: {  	[tilespmem:s0+$0x13020] =	vst v4;
	v4 =	vmul.f32 $2.771281240e+01, v9;
	v9 =	vld [tilespmem:s0+$0x7410]  }
0x470: {  	[tilespmem:s0+$0x13030] =	vst v3;
	v3 =	vmul.f32 $2.771281240e+01, v7;
	v7 =	vld [tilespmem:s0+$0x7420]  }
0x471: {  	[tilespmem:s0+$0x13040] =	vst v4;
	v4 =	vmul.f32 $2.771281240e+01, v5;
	v5 =	vld [tilespmem:s0+$0x7430]  }
0x472: {  	[tilespmem:s0+$0x13050] =	vst v3;
	v3 =	vmul.f32 $2.771281240e+01, v6;
	v6 =	vld [tilespmem:s0+$0x7440]  }
0x473: {  	[tilespmem:s0+$0x13060] =	vst v4;
	v4 =	vmul.f32 $2.771281240e+01, v8;
	v8 =	vld [tilespmem:s0+$0x7450]  }
0x474: {  	[tilespmem:s0+$0x13070] =	vst v3;
	v3 =	vmul.f32 $2.771281240e+01, v9;
	v9 =	vld [tilespmem:s0+$0x7460]  }
.Ltmp6:
0x475: {  	[tilespmem:s0+$0x13400] =	vst v4;
	v4 =	vmul.f32 $2.771281240e+01, v7;
	v7 =	vld [tilespmem:s0+$0x7470];
	(pc) =	sbr.rel @p0 .LBB2_14-.Ltmp6, $4  }
0x476: {  	[tilespmem:s0+$0x13410] =	vst v3;
	v3 =	vmul.f32 $2.771281240e+01, v5;
	v5 =	vld [tilespmem:s0+$0x7800]  }
0x477: {  	[tilespmem:s0+$0x13420] =	vst v4;
	v6 =	vmul.f32 $2.771281240e+01, v6;
	v4 =	vld [tilespmem:s0+$0x7810]  }
0x478: {  	[tilespmem:s0+$0x13430] =	vst v3;
	v8 =	vmul.f32 $2.771281240e+01, v8;
	v3 =	vld [tilespmem:s0+$0x7820]  }
0x479: {  	s16 =	sshrl.u32 s1, $0x3;
	s1 =	sadd.s32 $0x1, s1;
	[tilespmem:s0+$0x13440] =	vst v6;
	v9 =	vmul.f32 $2.771281240e+01, v9;
	v6 =	vld [tilespmem:s0+$0x7830]  }
0x47a: {  	[tilespmem:s0+$0x13450] =	vst v8;
	v49 =	vld [tilespmem:s0+$0x7840];
	v7 =	vmul.f32 $2.771281240e+01, v7;
	s1 =	smul.u32 $0x1800, s16;
	s28 =	sadd.s32 $0x80, s26  }
0x47b: {  	v50 =	vld [tilespmem:s0+$0x7850];
	[tilespmem:s0+$0x13460] =	vst v9;
	s16 =	sand.u32 $0x380, s28;
	v5 =	vmul.f32 $2.771281240e+01, v5  }
0x47c: {  	v51 =	vld [tilespmem:s0+$0x7860];
	[tilespmem:s0+$0x13470] =	vst v7;
	s1 =	sor.u32 s16, s1;
	v4 =	vmul.f32 $2.771281240e+01, v4  }
0x47d: {  	v10 =	vld [tilespmem:s1+$0x7870];
	[tilespmem:s0+$0x13800] =	vst v5;
	v3 =	vmul.f32 $2.771281240e+01, v3  }
0x47e: {  	v5 =	vld [tilespmem:s1+$0x6400];
	[tilespmem:s0+$0x13810] =	vst v4;
	v6 =	vmul.f32 $2.771281240e+01, v6  }
0x47f: {  	v4 =	vld [tilespmem:s1+$0x6410];
	[tilespmem:s0+$0x13820] =	vst v3;
	v8 =	vmul.f32 $2.771281240e+01, v49  }
0x480: {  	v9 =	vmul.f32 $2.771281240e+01, v50;
	v3 =	vld [tilespmem:s1+$0x6420];
	[tilespmem:s0+$0x13830] =	vst v6  }
0x481: {  	v7 =	vmul.f32 $2.771281240e+01, v51;
	v6 =	vld [tilespmem:s1+$0x6430];
	[tilespmem:s0+$0x13840] =	vst v8  }
0x482: {  	v8 =	vld [tilespmem:s1+$0x6440];
	[tilespmem:s0+$0x13850] =	vst v9;
	v52 =	vmul.f32 $2.771281240e+01, v10  }
0x483: {  	v53 =	vld [tilespmem:s1+$0x6450];
	v5 =	vmul.f32 $2.771281240e+01, v5;
	[tilespmem:s0+$0x13860] =	vst v7  }
0x484: {  	v4 =	vmul.f32 $2.771281240e+01, v4;
	v7 =	vld [tilespmem:s1+$0x6460];
	[tilespmem:s1+$0x13870] =	vst v52  }
0x485: {  	v54 =	vld [tilespmem:s1+$0x6470];
	[tilespmem:s1+$0x12400] =	vst v5;
	v3 =	vmul.f32 $2.771281240e+01, v3  }
0x486: {  	v56 =	vld [tilespmem:s1+$0x6800];
	[tilespmem:s1+$0x12410] =	vst v4;
	v55 =	vmul.f32 $2.771281240e+01, v6  }
0x487: {  	v57 =	vld [tilespmem:s1+$0x6810];
	[tilespmem:s1+$0x12420] =	vst v3;
	v3 =	vmul.f32 $2.771281240e+01, v8  }
0x488: {  	v59 =	vld [tilespmem:s1+$0x6820];
	[tilespmem:s1+$0x12430] =	vst v55;
	v58 =	vmul.f32 $2.771281240e+01, v53  }
0x489: {  	v60 =	vld [tilespmem:s1+$0x6830];
	[tilespmem:s1+$0x12440] =	vst v3;
	v3 =	vmul.f32 $2.771281240e+01, v7  }
0x48a: {  	v62 =	vld [tilespmem:s1+$0x6840];
	v61 =	vmul.f32 $2.771281240e+01, v54;
	[tilespmem:s1+$0x12450] =	vst v58  }
0x48b: {  	v63 =	vld [tilespmem:s1+$0x6850];
	[tilespmem:s1+$0x12460] =	vst v3;
	v3 =	vmul.f32 $2.771281240e+01, v56  }
0x48c: {  	v13 =	vld [tilespmem:s1+$0x6860];
	v12 =	vmul.f32 $2.771281240e+01, v57;
	[tilespmem:s1+$0x12470] =	vst v61  }
0x48d: {  	v14 =	vld [tilespmem:s1+$0x6870];
	[tilespmem:s1+$0x12800] =	vst v3;
	v3 =	vmul.f32 $2.771281240e+01, v59  }
0x48e: {  	v16 =	vld [tilespmem:s1+$0x6C00];
	v15 =	vmul.f32 $2.771281240e+01, v60;
	[tilespmem:s1+$0x12810] =	vst v12  }
0x48f: {  	v17 =	vld [tilespmem:s1+$0x6C10];
	[tilespmem:s1+$0x12820] =	vst v3;
	v3 =	vmul.f32 $2.771281240e+01, v62  }
0x490: {  	v19 =	vld [tilespmem:s1+$0x6C20];
	v18 =	vmul.f32 $2.771281240e+01, v63;
	[tilespmem:s1+$0x12830] =	vst v15  }
0x491: {  	v20 =	vld [tilespmem:s1+$0x6C30];
	[tilespmem:s1+$0x12840] =	vst v3;
	v3 =	vmul.f32 $2.771281240e+01, v13  }
0x492: {  	v22 =	vld [tilespmem:s1+$0x6C40];
	v21 =	vmul.f32 $2.771281240e+01, v14;
	[tilespmem:s1+$0x12850] =	vst v18  }
0x493: {  	v23 =	vld [tilespmem:s1+$0x6C50];
	[tilespmem:s1+$0x12860] =	vst v3;
	v3 =	vmul.f32 $2.771281240e+01, v16  }
0x494: {  	v25 =	vld [tilespmem:s1+$0x6C60];
	v24 =	vmul.f32 $2.771281240e+01, v17;
	[tilespmem:s1+$0x12870] =	vst v21  }
0x495: {  	v26 =	vld [tilespmem:s1+$0x6C70];
	[tilespmem:s1+$0x12C00] =	vst v3;
	v3 =	vmul.f32 $2.771281240e+01, v19  }
0x496: {  	v28 =	vld [tilespmem:s1+$0x7000];
	v27 =	vmul.f32 $2.771281240e+01, v20;
	[tilespmem:s1+$0x12C10] =	vst v24  }
0x497: {  	v29 =	vld [tilespmem:s1+$0x7010];
	[tilespmem:s1+$0x12C20] =	vst v3;
	v3 =	vmul.f32 $2.771281240e+01, v22  }
0x498: {  	v31 =	vld [tilespmem:s1+$0x7020];
	v30 =	vmul.f32 $2.771281240e+01, v23;
	[tilespmem:s1+$0x12C30] =	vst v27  }
0x499: {  	v32 =	vld [tilespmem:s1+$0x7030];
	[tilespmem:s1+$0x12C40] =	vst v3;
	v3 =	vmul.f32 $2.771281240e+01, v25  }
0x49a: {  	v34 =	vld [tilespmem:s1+$0x7040];
	v33 =	vmul.f32 $2.771281240e+01, v26;
	[tilespmem:s1+$0x12C50] =	vst v30  }
0x49b: {  	v35 =	vld [tilespmem:s1+$0x7050];
	[tilespmem:s1+$0x12C60] =	vst v3;
	v3 =	vmul.f32 $2.771281240e+01, v28  }
0x49c: {  	v37 =	vld [tilespmem:s1+$0x7060];
	v36 =	vmul.f32 $2.771281240e+01, v29;
	[tilespmem:s1+$0x12C70] =	vst v33  }
0x49d: {  	v38 =	vld [tilespmem:s1+$0x7070];
	[tilespmem:s1+$0x13000] =	vst v3;
	v3 =	vmul.f32 $2.771281240e+01, v31  }
0x49e: {  	v40 =	vld [tilespmem:s1+$0x7400];
	v39 =	vmul.f32 $2.771281240e+01, v32;
	[tilespmem:s1+$0x13010] =	vst v36  }
0x49f: {  	v41 =	vld [tilespmem:s1+$0x7410];
	[tilespmem:s1+$0x13020] =	vst v3;
	v3 =	vmul.f32 $2.771281240e+01, v34  }
0x4a0: {  	v43 =	vld [tilespmem:s1+$0x7420];
	v42 =	vmul.f32 $2.771281240e+01, v35;
	[tilespmem:s1+$0x13030] =	vst v39  }
0x4a1: {  	v44 =	vld [tilespmem:s1+$0x7430];
	[tilespmem:s1+$0x13040] =	vst v3;
	v3 =	vmul.f32 $2.771281240e+01, v37  }
0x4a2: {  	v46 =	vld [tilespmem:s1+$0x7440];
	v45 =	vmul.f32 $2.771281240e+01, v38;
	[tilespmem:s1+$0x13050] =	vst v42  }
0x4a3: {  	v47 =	vld [tilespmem:s1+$0x7450];
	[tilespmem:s1+$0x13060] =	vst v3;
	v3 =	vmul.f32 $2.771281240e+01, v40  }
0x4a4: {  	v49 =	vld [tilespmem:s1+$0x7460];
	v48 =	vmul.f32 $2.771281240e+01, v41;
	[tilespmem:s1+$0x13070] =	vst v45  }
0x4a5: {  	v50 =	vld [tilespmem:s1+$0x7470];
	[tilespmem:s1+$0x13400] =	vst v3;
	v3 =	vmul.f32 $2.771281240e+01, v43  }
0x4a6: {  	v52 =	vld [tilespmem:s1+$0x7800];
	v51 =	vmul.f32 $2.771281240e+01, v44;
	[tilespmem:s1+$0x13410] =	vst v48  }
0x4a7: {  	v53 =	vld [tilespmem:s1+$0x7810];
	[tilespmem:s1+$0x13420] =	vst v3;
	v3 =	vmul.f32 $2.771281240e+01, v46  }
0x4a8: {  	v55 =	vld [tilespmem:s1+$0x7820];
	v54 =	vmul.f32 $2.771281240e+01, v47;
	[tilespmem:s1+$0x13430] =	vst v51  }
0x4a9: {  	v56 =	vld [tilespmem:s1+$0x7830];
	[tilespmem:s1+$0x13440] =	vst v3;
	v3 =	vmul.f32 $2.771281240e+01, v49  }
0x4aa: {  	v57 =	vmul.f32 $2.771281240e+01, v50;
	v58 =	vld [tilespmem:s1+$0x7840];
	[tilespmem:s1+$0x13450] =	vst v54  }
0x4ab: {  	v59 =	vld [tilespmem:s1+$0x7850];
	[tilespmem:s1+$0x13460] =	vst v3;
	v3 =	vmul.f32 $2.771281240e+01, v52  }
0x4ac: {  	[tilespmem:s1+$0x13470] =	vst v57;
	v61 =	vld [tilespmem:s1+$0x7860];
	v60 =	vmul.f32 $2.771281240e+01, v53  }
0x4ad: {  	[tilespmem:s1+$0x13800] =	vst v3;
	v3 =	vmul.f32 $2.771281240e+01, v55  }
0x4ae: {  	[tilespmem:s1+$0x13810] =	vst v60;
	v62 =	vmul.f32 $2.771281240e+01, v56  }
0x4af: {  	[tilespmem:s1+$0x13820] =	vst v3;
	v3 =	vmul.f32 $2.771281240e+01, v58  }
0x4b0: {  	[tilespmem:s1+$0x13830] =	vst v62;
	v63 =	vmul.f32 $2.771281240e+01, v59  }
0x4b1: {  	[tilespmem:s1+$0x13840] =	vst v3;
	v3 =	vmul.f32 $2.771281240e+01, v61  }
0x4b2: {  	[tilespmem:s1+$0x13850] =	vst v63  }
0x4b3: {  	s29 =	rddreg [dreg:$0x8];
	[tilespmem:s1+$0x13860] =	vst v3  }
0x4b4: {  	[hbm4b:s29+s4] =	stream.linear.scatter [tilespmem:s23], [sflag:$0x4], $0x6000, $0x38;
	[tilespmem:$0x18400] =	vst v63  }
0x4b5: {  	_ =	swait.ge [sflag:s24], $0x6000  }
0x4b6: {  	[sflag:s24] =	ssyncset.done $0x0  }
0x4b7: {  	[sflag:s24] =	ssyncadd.s32 $0xFFFFA000  }
0x4b8: {  	_ =	swait.ge [sflag:s25], $0x6000  }
0x4b9: {  	s30 =	rddreg [dreg:$0xa]  }
0x4ba: {  	s31 =	rddreg [dreg:$0x9];
	s1 =	sadd.s32 $0x1, s30  }
0x4bb: {  	p0 =	sne.s32 s1, s31  }
.Ltmp7:
0x4bc: {  	_ = 	snop;
	(pc) =	sbr.rel @p0 .LBB2_1-.Ltmp7, $3  }
0x4bd: {  	_ =	sdelay $0x1  }
0x4be: {  	[sflag:s25] =	ssyncset.done $0x0  }
0x4bf: {  	[sflag:s25] =	ssyncadd.s32 $0xFFFFA000  }
0x4c0: {  	_ =	sfence.sel $0x180000  }
0x4c1: {  	[bflag:$0x0] =	sbarrier.arrive $0xFFFF  }
0x4c2: {  	_ =	strace $0x90000047  }
0x4c3: {  	s0 =	stileid.u32;
	[bflag:$0x2] =	sbarrier.arrive $0xFFFF  }
0x4c4: {  	p0 =	sne.s32 s0, $0x0;
	s0 =	rddreg [dreg:$0x3]  }
0x4c5: {  	s0 =	sadd.s32 @!p0 $0x100000, s0  }
0x4c6: {  	[sflag:s0] =	ssyncadd.tile.s32 @!p0 $0x1;
	_ =	shalt  }
.Lfunc_end2:
_tile_overlayer_lowered:
.L_overlay_start_2:
0x4c7: {  	(tag) =	ssettag $0x2  }
0x4c8: {  	s0 =	rddreg [dreg:$0x0];
	s2 =	stileid.u32  }
0x4c9: {  	s1 =	rddreg [dreg:$0x1];
	p0 =	sne.s32 s2, $0x0  }
0x4ca: {  	s3 =	rddreg [dreg:$0x2];
	[bflag:$0x3] =	sbarrier.arrive $0xFFFF;
	s2 =	simm.s32 @!p0 $0x1C05  }
0x4cb: {  	[timem:s3], [sflag:s2] =	dma.local @!p0 [hbm:s0], s1  }
0x4cc: {  	s0 =	simm.s32 @!p0 $0x5  }
0x4cd: {  	_ =	swait.ge @!p0 [sflag:s0], s1  }
0x4ce: {  	s1 =	ssub.s32 @!p0 $0x0, s1;
	[sflag:s0] =	ssyncset.done @!p0 $0x0  }
0x4cf: {  	[sflag:s0] =	ssyncadd.s32 @!p0 s1  }
0x4d0: {  	[bflag:$0x3] =	sbarrier.arrive $0xFFFF  }
0x4d1: {  	_ =	shalt  }

</sc_bundles>
